<compile_context>
chip_gen: v7x
topology: tpu7x:2x2x1
jax: 0.10.2.dev20260603
libtpu: 0.0.44.dev20260713+nightly
codegen_flags: <defaults>
</compile_context>

<pallas_src>
import functools

import jax
import jax.numpy as jnp
from jax import lax
from jax.experimental import pallas as pl
from jax.experimental.pallas import tpu as pltpu
from jax.experimental.pallas import tpu_sc as plsc

N_NODES = 100000
B = 8192
DEG = 16
F = 190
FP = 256
E = 64
K = 8

NC = 2
NS = 16
NW = NC * NS
PER_W = B // NW
CHUNK = 8
NCHUNK = PER_W // CHUNK
NFC = 12


@functools.lru_cache(maxsize=None)
def _make_sc_stage():
    mesh = plsc.VectorSubcoreMesh(core_axis_name="c", subcore_axis_name="s")
    return pl.kernel(
        _sc_stage_body,
        mesh=mesh,
        compiler_params=pltpu.CompilerParams(needs_layout_passes=False),
        out_type=[
            jax.ShapeDtypeStruct((B, FP), jnp.float32),
            jax.ShapeDtypeStruct((B, FP), jnp.float32),
            jax.ShapeDtypeStruct((B, FP), jnp.float32),
            jax.ShapeDtypeStruct((B, FP), jnp.float32),
        ],
        scratch_types=[
            pltpu.VMEM((PER_W,), jnp.int32),
            pltpu.VMEM((PER_W * DEG,), jnp.int32),
            pltpu.VMEM((PER_W * DEG,), jnp.int32),
            pltpu.VMEM((PER_W * DEG,), jnp.int32),
            pltpu.VMEM((CHUNK * DEG, FP), jnp.float32),
            pltpu.VMEM((CHUNK * DEG, FP), jnp.float32),
            pltpu.VMEM((CHUNK * DEG, FP), jnp.float32),
            pltpu.VMEM((CHUNK, FP), jnp.float32),
            pltpu.VMEM((CHUNK, FP), jnp.float32),
            pltpu.VMEM((CHUNK, FP), jnp.float32),
            pltpu.VMEM((CHUNK, FP), jnp.float32),
            pltpu.SemaphoreType.DMA,
            pltpu.SemaphoreType.DMA,
            pltpu.SemaphoreType.DMA,
            pltpu.SemaphoreType.DMA,
        ],
    )


def _sc_stage_body(nodes_h, adj1_h, adj2_h, adj3_h, feat_h,
                   r1_h, r2_h, r3_h, cent_h,
                   nodes_v, adj1_v, adj2_v, adj3_v,
                   rows1_v, rows2_v, rows3_v, crows_v,
                   rf1_v, rf2_v, rf3_v,
                   sem0, sem1, sem2, sem3):
    wid = lax.axis_index("s") * NC + lax.axis_index("c")
    base = wid * PER_W

    pltpu.sync_copy(nodes_h.at[pl.ds(base, PER_W)], nodes_v)
    pltpu.sync_copy(adj1_h.at[pl.ds(base * DEG, PER_W * DEG)], adj1_v)
    pltpu.sync_copy(adj2_h.at[pl.ds(base * DEG, PER_W * DEG)], adj2_v)
    pltpu.sync_copy(adj3_h.at[pl.ds(base * DEG, PER_W * DEG)], adj3_v)

    d_iota = lax.iota(jnp.int32, 16)
    zero16 = jnp.zeros((16,), jnp.float32)
    one16 = jnp.ones((16,), jnp.float32)

    def bf16r(x):
        xi = plsc.bitcast(x, jnp.int32)
        xi = (xi + 0x7FFF + ((xi >> 16) & 1)) & jnp.int32(-65536)
        return plsc.bitcast(xi, jnp.float32)

    def chunk_body(c, carry):
        hc = pltpu.async_copy(
            feat_h.at[nodes_v.at[pl.ds(c * CHUNK, CHUNK)]], crows_v, sem0)
        h1 = pltpu.async_copy(
            feat_h.at[adj1_v.at[pl.ds(c * CHUNK * DEG, CHUNK * DEG)]],
            rows1_v, sem1)
        h2 = pltpu.async_copy(
            feat_h.at[adj2_v.at[pl.ds(c * CHUNK * DEG, CHUNK * DEG)]],
            rows2_v, sem2)
        h3 = pltpu.async_copy(
            feat_h.at[adj3_v.at[pl.ds(c * CHUNK * DEG, CHUNK * DEG)]],
            rows3_v, sem3)
        hc.wait()
        h1.wait()
        h2.wait()
        h3.wait()

        def center_body(i, carry2):
            cvecs = [bf16r(crows_v[i, pl.ds(k * 16, 16)])
                     for k in range(NFC)]

            for rows_v, rf_v in ((rows1_v, rf1_v), (rows2_v, rf2_v),
                                 (rows3_v, rf3_v)):
                def row_body(d, carry3, rows_v=rows_v, cvecs=cvecs):
                    dotv, nnv = carry3
                    rd = i * DEG + d
                    acc_d = zero16
                    acc_n = zero16
                    for k in range(NFC):
                        v = rows_v[rd, pl.ds(k * 16, 16)]
                        acc_d = acc_d + bf16r(v) * cvecs[k]
                        acc_n = acc_n + v * v
                    lane = d_iota == d
                    dotv = jnp.where(lane, jnp.sum(acc_d), dotv)
                    nnv = jnp.where(lane, jnp.sum(acc_n), nnv)
                    return (dotv, nnv)

                dotv, nnv = lax.fori_loop(
                    0, DEG, row_body, (zero16, one16))
                sim = dotv * jnp.abs(dotv) / nnv
                _, sv = plsc.sort_key_val(sim, d_iota, descending=True)

                accs = [zero16] * NFC
                for j in range(K):
                    rj = i * DEG + sv[j]
                    for k in range(NFC):
                        accs[k] = accs[k] + rows_v[rj, pl.ds(k * 16, 16)]
                for k in range(NFC):
                    rf_v[i, pl.ds(k * 16, 16)] = jnp.maximum(
                        accs[k] * (1.0 / K), 0.0)
            return carry2

        lax.fori_loop(0, CHUNK, center_body, 0)

        gb = base + c * CHUNK
        pltpu.sync_copy(crows_v, cent_h.at[pl.ds(gb, CHUNK)])
        pltpu.sync_copy(rf1_v, r1_h.at[pl.ds(gb, CHUNK)])
        pltpu.sync_copy(rf2_v, r2_h.at[pl.ds(gb, CHUNK)])
        pltpu.sync_copy(rf3_v, r3_h.at[pl.ds(gb, CHUNK)])
        return carry

    lax.fori_loop(0, NCHUNK, chunk_body, 0)


BLK = 1024
GRID = B // BLK


def _tc_body(cent_ref, r1_ref, r2_ref, r3_ref, w_ref, a_ref,
             out_ref, att_ref, acc_ref):
    pid = pl.program_id(0)

    @pl.when(pid == 0)
    def _():
        acc_ref[0] = 0.0
        acc_ref[1] = 0.0
        acc_ref[2] = 0.0

    bf = jnp.bfloat16
    w = w_ref[...].astype(bf)
    ch = jnp.dot(cent_ref[...].astype(bf), w,
                 preferred_element_type=jnp.float32)
    nh1 = jnp.dot(r1_ref[...].astype(bf), w,
                  preferred_element_type=jnp.float32)
    nh2 = jnp.dot(r2_ref[...].astype(bf), w,
                  preferred_element_type=jnp.float32)
    nh3 = jnp.dot(r3_ref[...].astype(bf), w,
                  preferred_element_type=jnp.float32)
    a1 = a_ref[0:E, :].astype(bf)
    a2 = a_ref[E:2 * E, :].astype(bf)
    eb = jnp.dot(ch.astype(bf), a1, preferred_element_type=jnp.float32)

    def leaky(x):
        return jnp.where(x >= 0, x, 0.2 * x)

    e1 = leaky(eb + jnp.dot(nh1.astype(bf), a2,
                            preferred_element_type=jnp.float32))
    e2 = leaky(eb + jnp.dot(nh2.astype(bf), a2,
                            preferred_element_type=jnp.float32))
    e3 = leaky(eb + jnp.dot(nh3.astype(bf), a2,
                            preferred_element_type=jnp.float32))
    m = jnp.maximum(jnp.maximum(e1, e2), e3)
    x1 = jnp.exp(e1 - m)
    x2 = jnp.exp(e2 - m)
    x3 = jnp.exp(e3 - m)
    s = x1 + x2 + x3
    at1 = x1 / s
    at2 = x2 / s
    at3 = x3 / s
    out_ref[...] = jnp.maximum(ch + at1 * nh1 + at2 * nh2 + at3 * nh3, 0.0)

    acc_ref[0] += jnp.sum(at1)
    acc_ref[1] += jnp.sum(at2)
    acc_ref[2] += jnp.sum(at3)

    @pl.when(pid == GRID - 1)
    def _():
        s0 = acc_ref[0]
        s1 = acc_ref[1]
        s2 = acc_ref[2]
        mm = jnp.maximum(s0, jnp.maximum(s1, s2))
        z0 = jnp.exp(s0 - mm)
        z1 = jnp.exp(s1 - mm)
        z2 = jnp.exp(s2 - mm)
        zs = z0 + z1 + z2
        li = lax.broadcasted_iota(jnp.int32, (1, 128), 1)
        att_ref[...] = jnp.where(
            li == 0, z0 / zs,
            jnp.where(li == 1, z1 / zs, jnp.where(li == 2, z2 / zs, 0.0)))


def _tc_stage(cents, r1, r2, r3, weight, a):
    return pl.pallas_call(
        _tc_body,
        grid=(GRID,),
        in_specs=[
            pl.BlockSpec((BLK, FP), lambda i: (i, 0)),
            pl.BlockSpec((BLK, FP), lambda i: (i, 0)),
            pl.BlockSpec((BLK, FP), lambda i: (i, 0)),
            pl.BlockSpec((BLK, FP), lambda i: (i, 0)),
            pl.BlockSpec((FP, E), lambda i: (0, 0)),
            pl.BlockSpec((2 * E, 1), lambda i: (0, 0)),
        ],
        out_specs=[
            pl.BlockSpec((BLK, E), lambda i: (i, 0)),
            pl.BlockSpec((1, 128), lambda i: (0, 0)),
        ],
        out_shape=[
            jax.ShapeDtypeStruct((B, E), jnp.float32),
            jax.ShapeDtypeStruct((1, 128), jnp.float32),
        ],
        scratch_shapes=[pltpu.SMEM((3,), jnp.float32)],
    )(cents, r1, r2, r3, weight, a)


def kernel(nodes, features, adj_r1, adj_r2, adj_r3, weight, a):
    fpad = jnp.pad(features, ((0, 0), (0, FP - F)))
    wpad = jnp.pad(weight, ((0, FP - F), (0, 0)))
    r1, r2, r3, cents = _make_sc_stage()(
        nodes, adj_r1.reshape(-1), adj_r2.reshape(-1), adj_r3.reshape(-1),
        fpad)
    combined, att_row = _tc_stage(cents, r1, r2, r3, wpad, a)
    return (combined, r1[:, :F], r2[:, :F], r3[:, :F], att_row[0, :3])

# --- scband reference (transcript-rebuilt; emitter-appended) ---
"""Pipeline reference for scband-inter-agg-20083267076374 (READ-ONLY COPY).

The authoritative reference and input builder live on the scoring server;
editing this copy changes nothing except your own understanding.
"""

import jax, jax.numpy as jnp
import numpy as np

N_NODES = 100000
BATCH = 8192
DEG = 16
FEAT = 190
EMBED = 64
K = 8  # math.ceil(DEG * 0.5), selection size per IntraAgg (deg > K+1 so top-K branch taken)


def setup_inputs(seed: int = 0) -> dict:
    key = jax.random.key(seed)
    k1, k2, k3, k4, k5, k6, k7 = jax.random.split(key, 7)
    features = jax.random.normal(k1, (N_NODES, FEAT), dtype=jnp.float32)
    nodes = jax.random.randint(k2, (BATCH,), 0, N_NODES)
    adj_r1 = jax.random.randint(k3, (BATCH, DEG), 0, N_NODES)
    adj_r2 = jax.random.randint(k4, (BATCH, DEG), 0, N_NODES)
    adj_r3 = jax.random.randint(k5, (BATCH, DEG), 0, N_NODES)
    # learned parameters (xavier-ish init)
    weight = jax.random.normal(k6, (FEAT, EMBED), dtype=jnp.float32) * float(np.sqrt(2.0 / (FEAT + EMBED)))
    a = jax.random.normal(k7, (2 * EMBED, 1), dtype=jnp.float32) * float(np.sqrt(2.0 / (2 * EMBED + 1)))
    return {"nodes": nodes, "features": features, "adj_r1": adj_r1, "adj_r2": adj_r2,
            "adj_r3": adj_r3, "weight": weight, "a": a}


def _intra_agg(features, nodes, adj):
    # filter_neighs_ada_threshold: cosine-similarity top-K neighbor selection
    center = jnp.take(features, nodes, axis=0)          # [B, F] gather
    neigh = jnp.take(features, adj, axis=0)             # [B, DEG, F] gather
    sim = jnp.einsum('bf,bdf->bd', center, neigh)
    center_norm = jnp.linalg.norm(center, axis=1, keepdims=True)
    neigh_norm = jnp.linalg.norm(neigh, axis=2)
    sim = sim / (center_norm * neigh_norm)
    _, top_idx = jax.lax.top_k(sim, K)                  # sorted descending, take top K
    sel = jnp.take_along_axis(adj, top_idx, axis=1)     # [B, K] selected neighbor ids
    sel_feats = jnp.take(features, sel, axis=0)         # [B, K, F] gather
    # mean aggregation over sampled neighbors (mask.mm(embed_matrix) with row-normalized mask)
    to_feats = jnp.mean(sel_feats, axis=1)
    return jax.nn.relu(to_feats)


def reference(nodes, features, adj_r1, adj_r2, adj_r3, weight, a):
    r1_feats = _intra_agg(features, nodes, adj_r1)
    r2_feats = _intra_agg(features, nodes, adj_r2)
    r3_feats = _intra_agg(features, nodes, adj_r3)
    neigh_feats = jnp.concatenate([r1_feats, r2_feats, r3_feats], axis=0)  # [3B, F]
    self_feats = jnp.take(features, nodes, axis=0)                          # [B, F]
    n = nodes.shape[0]
    # att_inter_agg
    center_h = self_feats @ weight                                          # [B, E]
    neigh_h = neigh_feats @ weight                                          # [3B, E]
    combined = jnp.concatenate([jnp.tile(center_h, (3, 1)), neigh_h], axis=1)  # [3B, 2E]
    e = jax.nn.leaky_relu(combined @ a, negative_slope=0.2)                 # [3B, 1]
    attention = jnp.concatenate([e[0:n, :], e[n:2 * n, :], e[2 * n:3 * n, :]], axis=1)  # [B, 3]
    ori_attention = jax.nn.softmax(attention, axis=1)
    # dropout is identity in eval mode (training=False)
    aggregated = jnp.zeros((n, EMBED), dtype=jnp.float32)
    for r in range(3):
        aggregated = aggregated + ori_attention[:, r:r + 1] * neigh_h[r * n:(r + 1) * n, :]
    combined_out = jax.nn.relu(center_h + aggregated)
    att = jax.nn.softmax(jnp.sum(ori_attention, axis=0), axis=0)
    return (combined_out, r1_feats, r2_feats, r3_feats, att)

if __name__ == "__main__":
    import jax
    _d = setup_inputs()
    print(jax.jit(kernel)(*tuple(_d.values())))

</pallas_src>

<mosaic_0001>
#map = affine_map<(d0, d1) -> (0)>
#map1 = affine_map<(d0, d1) -> (0, 0)>
module attributes {stable_mosaic.version = 14 : i64} {
  func.func @_sc_stage_body(%arg0: i32, %arg1: i32, %arg2: memref<8192xi32, #tpu.memory_space<hbm>>, %arg3: memref<131072xi32, #tpu.memory_space<hbm>>, %arg4: memref<131072xi32, #tpu.memory_space<hbm>>, %arg5: memref<131072xi32, #tpu.memory_space<hbm>>, %arg6: memref<100000x256xf32, #tpu.memory_space<hbm>>, %arg7: memref<8192x256xf32, #tpu.memory_space<hbm>>, %arg8: memref<8192x256xf32, #tpu.memory_space<hbm>>, %arg9: memref<8192x256xf32, #tpu.memory_space<hbm>>, %arg10: memref<8192x256xf32, #tpu.memory_space<hbm>>, %arg11: memref<256xi32, #tpu.memory_space<vmem>>, %arg12: memref<4096xi32, #tpu.memory_space<vmem>>, %arg13: memref<4096xi32, #tpu.memory_space<vmem>>, %arg14: memref<4096xi32, #tpu.memory_space<vmem>>, %arg15: memref<128x256xf32, #tpu.memory_space<vmem>>, %arg16: memref<128x256xf32, #tpu.memory_space<vmem>>, %arg17: memref<128x256xf32, #tpu.memory_space<vmem>>, %arg18: memref<8x256xf32, #tpu.memory_space<vmem>>, %arg19: memref<8x256xf32, #tpu.memory_space<vmem>>, %arg20: memref<8x256xf32, #tpu.memory_space<vmem>>, %arg21: memref<8x256xf32, #tpu.memory_space<vmem>>, %arg22: memref<!tpu.dma_semaphore, #tpu.memory_space<semaphore_mem>>, %arg23: memref<!tpu.dma_semaphore, #tpu.memory_space<semaphore_mem>>, %arg24: memref<!tpu.dma_semaphore, #tpu.memory_space<semaphore_mem>>, %arg25: memref<!tpu.dma_semaphore, #tpu.memory_space<semaphore_mem>>) attributes {dimension_semantics = [#tpu.dimension_semantics<core_parallel>, #tpu.dimension_semantics<subcore_parallel>], iteration_bounds = array<i64: 2, 16>, scalar_prefetch = 0 : i64, scratch_operands = 15 : i64, tpu.core_type = #tpu.core_type<sc_vector_subcore>, window_params = [{transform_indices = #map}, {transform_indices = #map}, {transform_indices = #map}, {transform_indices = #map}, {transform_indices = #map1}, {transform_indices = #map1}, {transform_indices = #map1}, {transform_indices = #map1}, {transform_indices = #map1}]} {
    %mul3A = arith.constant 2 : i32
    %mul3A_0 = arith.muli %arg1, %mul3A : i32
    %add3A = arith.addi %mul3A_0, %arg0 : i32
    %mul3A_1 = arith.constant 256 : i32
    %mul3A_2 = arith.muli %add3A, %mul3A_1 : i32
    "tpu.region"() ({
      %run_scoped3A = tpu.sem_alloc : memref<!tpu.dma_semaphore, #tpu.memory_space<semaphore_mem>>
      %dma_start3A = tpu.memref_slice %arg2[%mul3A_2] : memref<8192xi32, #tpu.memory_space<hbm>> -> memref<256xi32, #tpu.memory_space<hbm>>
      %dma_start3A_17 = tpu.memref_slice %arg2[%mul3A_2] : memref<8192xi32, #tpu.memory_space<hbm>> -> memref<256xi32, #tpu.memory_space<hbm>>
      tpu.enqueue_dma source(%dma_start3A_17 : memref<256xi32, #tpu.memory_space<hbm>>) target(%arg11 : memref<256xi32, #tpu.memory_space<vmem>>) target_semaphore(%run_scoped3A : memref<!tpu.dma_semaphore, #tpu.memory_space<semaphore_mem>>)
      %dma_wait3A = tpu.memref_slice %arg2[%mul3A_2] : memref<8192xi32, #tpu.memory_space<hbm>> -> memref<256xi32, #tpu.memory_space<hbm>>
      %dma_wait3A_18 = tpu.memref_slice %arg2[%mul3A_2] : memref<8192xi32, #tpu.memory_space<hbm>> -> memref<256xi32, #tpu.memory_space<hbm>>
      tpu.wait_dma2 semaphore(%run_scoped3A : memref<!tpu.dma_semaphore, #tpu.memory_space<semaphore_mem>>) src(%dma_wait3A_18 : memref<256xi32, #tpu.memory_space<hbm>>) dst(%arg11 : memref<256xi32, #tpu.memory_space<vmem>>)
      tpu.yield
    }) : () -> ()
    %mul3A_3 = arith.constant 16 : i32
    %mul3A_4 = arith.muli %mul3A_2, %mul3A_3 : i32
    "tpu.region"() ({
      %run_scoped3A = tpu.sem_alloc : memref<!tpu.dma_semaphore, #tpu.memory_space<semaphore_mem>>
      %dma_start3A = tpu.memref_slice %arg3[%mul3A_4] : memref<131072xi32, #tpu.memory_space<hbm>> -> memref<4096xi32, #tpu.memory_space<hbm>>
      %dma_start3A_17 = tpu.memref_slice %arg3[%mul3A_4] : memref<131072xi32, #tpu.memory_space<hbm>> -> memref<4096xi32, #tpu.memory_space<hbm>>
      tpu.enqueue_dma source(%dma_start3A_17 : memref<4096xi32, #tpu.memory_space<hbm>>) target(%arg12 : memref<4096xi32, #tpu.memory_space<vmem>>) target_semaphore(%run_scoped3A : memref<!tpu.dma_semaphore, #tpu.memory_space<semaphore_mem>>)
      %dma_wait3A = tpu.memref_slice %arg3[%mul3A_4] : memref<131072xi32, #tpu.memory_space<hbm>> -> memref<4096xi32, #tpu.memory_space<hbm>>
      %dma_wait3A_18 = tpu.memref_slice %arg3[%mul3A_4] : memref<131072xi32, #tpu.memory_space<hbm>> -> memref<4096xi32, #tpu.memory_space<hbm>>
      tpu.wait_dma2 semaphore(%run_scoped3A : memref<!tpu.dma_semaphore, #tpu.memory_space<semaphore_mem>>) src(%dma_wait3A_18 : memref<4096xi32, #tpu.memory_space<hbm>>) dst(%arg12 : memref<4096xi32, #tpu.memory_space<vmem>>)
      tpu.yield
    }) : () -> ()
    %mul3A_5 = arith.constant 16 : i32
    %mul3A_6 = arith.muli %mul3A_2, %mul3A_5 : i32
    "tpu.region"() ({
      %run_scoped3A = tpu.sem_alloc : memref<!tpu.dma_semaphore, #tpu.memory_space<semaphore_mem>>
      %dma_start3A = tpu.memref_slice %arg4[%mul3A_6] : memref<131072xi32, #tpu.memory_space<hbm>> -> memref<4096xi32, #tpu.memory_space<hbm>>
      %dma_start3A_17 = tpu.memref_slice %arg4[%mul3A_6] : memref<131072xi32, #tpu.memory_space<hbm>> -> memref<4096xi32, #tpu.memory_space<hbm>>
      tpu.enqueue_dma source(%dma_start3A_17 : memref<4096xi32, #tpu.memory_space<hbm>>) target(%arg13 : memref<4096xi32, #tpu.memory_space<vmem>>) target_semaphore(%run_scoped3A : memref<!tpu.dma_semaphore, #tpu.memory_space<semaphore_mem>>)
      %dma_wait3A = tpu.memref_slice %arg4[%mul3A_6] : memref<131072xi32, #tpu.memory_space<hbm>> -> memref<4096xi32, #tpu.memory_space<hbm>>
      %dma_wait3A_18 = tpu.memref_slice %arg4[%mul3A_6] : memref<131072xi32, #tpu.memory_space<hbm>> -> memref<4096xi32, #tpu.memory_space<hbm>>
      tpu.wait_dma2 semaphore(%run_scoped3A : memref<!tpu.dma_semaphore, #tpu.memory_space<semaphore_mem>>) src(%dma_wait3A_18 : memref<4096xi32, #tpu.memory_space<hbm>>) dst(%arg13 : memref<4096xi32, #tpu.memory_space<vmem>>)
      tpu.yield
    }) : () -> ()
    %mul3A_7 = arith.constant 16 : i32
    %mul3A_8 = arith.muli %mul3A_2, %mul3A_7 : i32
    "tpu.region"() ({
      %run_scoped3A = tpu.sem_alloc : memref<!tpu.dma_semaphore, #tpu.memory_space<semaphore_mem>>
      %dma_start3A = tpu.memref_slice %arg5[%mul3A_8] : memref<131072xi32, #tpu.memory_space<hbm>> -> memref<4096xi32, #tpu.memory_space<hbm>>
      %dma_start3A_17 = tpu.memref_slice %arg5[%mul3A_8] : memref<131072xi32, #tpu.memory_space<hbm>> -> memref<4096xi32, #tpu.memory_space<hbm>>
      tpu.enqueue_dma source(%dma_start3A_17 : memref<4096xi32, #tpu.memory_space<hbm>>) target(%arg14 : memref<4096xi32, #tpu.memory_space<vmem>>) target_semaphore(%run_scoped3A : memref<!tpu.dma_semaphore, #tpu.memory_space<semaphore_mem>>)
      %dma_wait3A = tpu.memref_slice %arg5[%mul3A_8] : memref<131072xi32, #tpu.memory_space<hbm>> -> memref<4096xi32, #tpu.memory_space<hbm>>
      %dma_wait3A_18 = tpu.memref_slice %arg5[%mul3A_8] : memref<131072xi32, #tpu.memory_space<hbm>> -> memref<4096xi32, #tpu.memory_space<hbm>>
      tpu.wait_dma2 semaphore(%run_scoped3A : memref<!tpu.dma_semaphore, #tpu.memory_space<semaphore_mem>>) src(%dma_wait3A_18 : memref<4096xi32, #tpu.memory_space<hbm>>) dst(%arg14 : memref<4096xi32, #tpu.memory_space<vmem>>)
      tpu.yield
    }) : () -> ()
    %iota3A = tpu.iota {dimensions = array<i32: 0>} : vector<16xi32>
    %broadcast_in_dim3A = arith.constant 0.000000e+00 : f32
    %broadcast_in_dim3A_9 = vector.broadcast %broadcast_in_dim3A : f32 to vector<16xf32>
    %broadcast_in_dim3A_10 = arith.constant 1.000000e+00 : f32
    %broadcast_in_dim3A_11 = vector.broadcast %broadcast_in_dim3A_10 : f32 to vector<16xf32>
    %scan3A = arith.constant 0 : i32
    %scan3A_12 = arith.constant 0 : i32
    %scan3A_13 = arith.constant 32 : i32
    %scan3A_14 = arith.addi %scan3A_12, %scan3A_13 : i32
    %scan3A_15 = arith.constant 1 : i32
    scf.for %scan3A_17 = %scan3A_12 to %scan3A_14 step %scan3A_15  : i32 {
      %mul3A_18 = arith.constant 8 : i32
      %mul3A_19 = arith.muli %scan3A_17, %mul3A_18 : i32
      %dma_start3A = tpu.memref_slice %arg11[%mul3A_19] : memref<256xi32, #tpu.memory_space<vmem>> -> memref<8xi32, #tpu.memory_space<vmem>>
      %dma_start3A_20 = arith.constant 0 : i32
      %dma_start3A_21 = arith.constant 0 : i32
      %dma_start3A_22 = tpu.memref_slice %arg6[%dma_start3A_20, %dma_start3A_21] : memref<100000x256xf32, #tpu.memory_space<hbm>> -> memref<100000x256xf32, #tpu.memory_space<hbm>>
      tpu.enqueue_indirect_dma source(%dma_start3A_22 : memref<100000x256xf32, #tpu.memory_space<hbm>>) target(%arg18 : memref<8x256xf32, #tpu.memory_space<vmem>>) offsets(%dma_start3A : memref<8xi32, #tpu.memory_space<vmem>>) semaphore(%arg22 : memref<!tpu.dma_semaphore, #tpu.memory_space<semaphore_mem>>)
      %mul3A_23 = arith.constant 8 : i32
      %mul3A_24 = arith.muli %scan3A_17, %mul3A_23 : i32
      %mul3A_25 = arith.constant 16 : i32
      %mul3A_26 = arith.muli %mul3A_24, %mul3A_25 : i32
      %dma_start3A_27 = tpu.memref_slice %arg12[%mul3A_26] : memref<4096xi32, #tpu.memory_space<vmem>> -> memref<128xi32, #tpu.memory_space<vmem>>
      %dma_start3A_28 = arith.constant 0 : i32
      %dma_start3A_29 = arith.constant 0 : i32
      %dma_start3A_30 = tpu.memref_slice %arg6[%dma_start3A_28, %dma_start3A_29] : memref<100000x256xf32, #tpu.memory_space<hbm>> -> memref<100000x256xf32, #tpu.memory_space<hbm>>
      tpu.enqueue_indirect_dma source(%dma_start3A_30 : memref<100000x256xf32, #tpu.memory_space<hbm>>) target(%arg15 : memref<128x256xf32, #tpu.memory_space<vmem>>) offsets(%dma_start3A_27 : memref<128xi32, #tpu.memory_space<vmem>>) semaphore(%arg23 : memref<!tpu.dma_semaphore, #tpu.memory_space<semaphore_mem>>)
      %mul3A_31 = arith.constant 8 : i32
      %mul3A_32 = arith.muli %scan3A_17, %mul3A_31 : i32
      %mul3A_33 = arith.constant 16 : i32
      %mul3A_34 = arith.muli %mul3A_32, %mul3A_33 : i32
      %dma_start3A_35 = tpu.memref_slice %arg13[%mul3A_34] : memref<4096xi32, #tpu.memory_space<vmem>> -> memref<128xi32, #tpu.memory_space<vmem>>
      %dma_start3A_36 = arith.constant 0 : i32
      %dma_start3A_37 = arith.constant 0 : i32
      %dma_start3A_38 = tpu.memref_slice %arg6[%dma_start3A_36, %dma_start3A_37] : memref<100000x256xf32, #tpu.memory_space<hbm>> -> memref<100000x256xf32, #tpu.memory_space<hbm>>
      tpu.enqueue_indirect_dma source(%dma_start3A_38 : memref<100000x256xf32, #tpu.memory_space<hbm>>) target(%arg16 : memref<128x256xf32, #tpu.memory_space<vmem>>) offsets(%dma_start3A_35 : memref<128xi32, #tpu.memory_space<vmem>>) semaphore(%arg24 : memref<!tpu.dma_semaphore, #tpu.memory_space<semaphore_mem>>)
      %mul3A_39 = arith.constant 8 : i32
      %mul3A_40 = arith.muli %scan3A_17, %mul3A_39 : i32
      %mul3A_41 = arith.constant 16 : i32
      %mul3A_42 = arith.muli %mul3A_40, %mul3A_41 : i32
      %dma_start3A_43 = tpu.memref_slice %arg14[%mul3A_42] : memref<4096xi32, #tpu.memory_space<vmem>> -> memref<128xi32, #tpu.memory_space<vmem>>
      %dma_start3A_44 = arith.constant 0 : i32
      %dma_start3A_45 = arith.constant 0 : i32
      %dma_start3A_46 = tpu.memref_slice %arg6[%dma_start3A_44, %dma_start3A_45] : memref<100000x256xf32, #tpu.memory_space<hbm>> -> memref<100000x256xf32, #tpu.memory_space<hbm>>
      tpu.enqueue_indirect_dma source(%dma_start3A_46 : memref<100000x256xf32, #tpu.memory_space<hbm>>) target(%arg17 : memref<128x256xf32, #tpu.memory_space<vmem>>) offsets(%dma_start3A_43 : memref<128xi32, #tpu.memory_space<vmem>>) semaphore(%arg25 : memref<!tpu.dma_semaphore, #tpu.memory_space<semaphore_mem>>)
      %dma_wait3A = tpu.memref_slice %arg11[%mul3A_19] : memref<256xi32, #tpu.memory_space<vmem>> -> memref<8xi32, #tpu.memory_space<vmem>>
      %dma_wait3A_47 = arith.constant 0 : i32
      %dma_wait3A_48 = arith.constant 0 : i32
      %dma_wait3A_49 = tpu.memref_slice %arg6[%dma_wait3A_47, %dma_wait3A_48] : memref<100000x256xf32, #tpu.memory_space<hbm>> -> memref<100000x256xf32, #tpu.memory_space<hbm>>
      tpu.wait_indirect_dma semaphore(%arg22 : memref<!tpu.dma_semaphore, #tpu.memory_space<semaphore_mem>>) src(%dma_wait3A_49 : memref<100000x256xf32, #tpu.memory_space<hbm>>) dst(%arg18 : memref<8x256xf32, #tpu.memory_space<vmem>>)
      %dma_wait3A_50 = tpu.memref_slice %arg12[%mul3A_26] : memref<4096xi32, #tpu.memory_space<vmem>> -> memref<128xi32, #tpu.memory_space<vmem>>
      %dma_wait3A_51 = arith.constant 0 : i32
      %dma_wait3A_52 = arith.constant 0 : i32
      %dma_wait3A_53 = tpu.memref_slice %arg6[%dma_wait3A_51, %dma_wait3A_52] : memref<100000x256xf32, #tpu.memory_space<hbm>> -> memref<100000x256xf32, #tpu.memory_space<hbm>>
      tpu.wait_indirect_dma semaphore(%arg23 : memref<!tpu.dma_semaphore, #tpu.memory_space<semaphore_mem>>) src(%dma_wait3A_53 : memref<100000x256xf32, #tpu.memory_space<hbm>>) dst(%arg15 : memref<128x256xf32, #tpu.memory_space<vmem>>)
      %dma_wait3A_54 = tpu.memref_slice %arg13[%mul3A_34] : memref<4096xi32, #tpu.memory_space<vmem>> -> memref<128xi32, #tpu.memory_space<vmem>>
      %dma_wait3A_55 = arith.constant 0 : i32
      %dma_wait3A_56 = arith.constant 0 : i32
      %dma_wait3A_57 = tpu.memref_slice %arg6[%dma_wait3A_55, %dma_wait3A_56] : memref<100000x256xf32, #tpu.memory_space<hbm>> -> memref<100000x256xf32, #tpu.memory_space<hbm>>
      tpu.wait_indirect_dma semaphore(%arg24 : memref<!tpu.dma_semaphore, #tpu.memory_space<semaphore_mem>>) src(%dma_wait3A_57 : memref<100000x256xf32, #tpu.memory_space<hbm>>) dst(%arg16 : memref<128x256xf32, #tpu.memory_space<vmem>>)
      %dma_wait3A_58 = tpu.memref_slice %arg14[%mul3A_42] : memref<4096xi32, #tpu.memory_space<vmem>> -> memref<128xi32, #tpu.memory_space<vmem>>
      %dma_wait3A_59 = arith.constant 0 : i32
      %dma_wait3A_60 = arith.constant 0 : i32
      %dma_wait3A_61 = tpu.memref_slice %arg6[%dma_wait3A_59, %dma_wait3A_60] : memref<100000x256xf32, #tpu.memory_space<hbm>> -> memref<100000x256xf32, #tpu.memory_space<hbm>>
      tpu.wait_indirect_dma semaphore(%arg25 : memref<!tpu.dma_semaphore, #tpu.memory_space<semaphore_mem>>) src(%dma_wait3A_61 : memref<100000x256xf32, #tpu.memory_space<hbm>>) dst(%arg17 : memref<128x256xf32, #tpu.memory_space<vmem>>)
      %scan3A_62 = arith.constant 0 : i32
      %scan3A_63 = arith.constant 0 : i32
      %scan3A_64 = arith.constant 8 : i32
      %scan3A_65 = arith.addi %scan3A_63, %scan3A_64 : i32
      %scan3A_66 = arith.constant 1 : i32
      scf.for %scan3A_71 = %scan3A_63 to %scan3A_65 step %scan3A_66  : i32 {
        %get3A = arith.index_cast %scan3A_71 : i32 to index
        %get3A_72 = arith.constant 0 : index
        %get3A_73 = tpu.vector_load %arg18[%get3A, %get3A_72] {strides = array<i32>} : memref<8x256xf32, #tpu.memory_space<vmem>>, vector<16xf32>,
        %bitcast3A = vector.bitcast %get3A_73 : vector<16xf32> to vector<16xi32>
        %add3A_74 = arith.constant 32767 : i32
        %add3A_75 = vector.broadcast %add3A_74 : i32 to vector<16xi32>
        %add3A_76 = arith.addi %bitcast3A, %add3A_75 : vector<16xi32>
        %shift_right_arithmetic3A = arith.constant 16 : i32
        %shift_right_arithmetic3A_77 = vector.broadcast %shift_right_arithmetic3A : i32 to vector<16xi32>
        %shift_right_arithmetic3A_78 = arith.shrsi %bitcast3A, %shift_right_arithmetic3A_77 : vector<16xi32>
        %and3A = arith.constant 1 : i32
        %and3A_79 = vector.broadcast %and3A : i32 to vector<16xi32>
        %and3A_80 = arith.andi %shift_right_arithmetic3A_78, %and3A_79 : vector<16xi32>
        %add3A_81 = arith.addi %add3A_76, %and3A_80 : vector<16xi32>
        %and3A_82 = arith.constant -65536 : i32
        %and3A_83 = vector.broadcast %and3A_82 : i32 to vector<16xi32>
        %and3A_84 = arith.andi %add3A_81, %and3A_83 : vector<16xi32>
        %bitcast3A_85 = vector.bitcast %and3A_84 : vector<16xi32> to vector<16xf32>
        %get3A_86 = arith.index_cast %scan3A_71 : i32 to index
        %get3A_87 = arith.constant 16 : index
        %get3A_88 = tpu.vector_load %arg18[%get3A_86, %get3A_87] {strides = array<i32>} : memref<8x256xf32, #tpu.memory_space<vmem>>, vector<16xf32>,
        %bitcast3A_89 = vector.bitcast %get3A_88 : vector<16xf32> to vector<16xi32>
        %add3A_90 = arith.constant 32767 : i32
        %add3A_91 = vector.broadcast %add3A_90 : i32 to vector<16xi32>
        %add3A_92 = arith.addi %bitcast3A_89, %add3A_91 : vector<16xi32>
        %shift_right_arithmetic3A_93 = arith.constant 16 : i32
        %shift_right_arithmetic3A_94 = vector.broadcast %shift_right_arithmetic3A_93 : i32 to vector<16xi32>
        %shift_right_arithmetic3A_95 = arith.shrsi %bitcast3A_89, %shift_right_arithmetic3A_94 : vector<16xi32>
        %and3A_96 = arith.constant 1 : i32
        %and3A_97 = vector.broadcast %and3A_96 : i32 to vector<16xi32>
        %and3A_98 = arith.andi %shift_right_arithmetic3A_95, %and3A_97 : vector<16xi32>
        %add3A_99 = arith.addi %add3A_92, %and3A_98 : vector<16xi32>
        %and3A_100 = arith.constant -65536 : i32
        %and3A_101 = vector.broadcast %and3A_100 : i32 to vector<16xi32>
        %and3A_102 = arith.andi %add3A_99, %and3A_101 : vector<16xi32>
        %bitcast3A_103 = vector.bitcast %and3A_102 : vector<16xi32> to vector<16xf32>
        %get3A_104 = arith.index_cast %scan3A_71 : i32 to index
        %get3A_105 = arith.constant 32 : index
        %get3A_106 = tpu.vector_load %arg18[%get3A_104, %get3A_105] {strides = array<i32>} : memref<8x256xf32, #tpu.memory_space<vmem>>, vector<16xf32>,
        %bitcast3A_107 = vector.bitcast %get3A_106 : vector<16xf32> to vector<16xi32>
        %add3A_108 = arith.constant 32767 : i32
        %add3A_109 = vector.broadcast %add3A_108 : i32 to vector<16xi32>
        %add3A_110 = arith.addi %bitcast3A_107, %add3A_109 : vector<16xi32>
        %shift_right_arithmetic3A_111 = arith.constant 16 : i32
        %shift_right_arithmetic3A_112 = vector.broadcast %shift_right_arithmetic3A_111 : i32 to vector<16xi32>
        %shift_right_arithmetic3A_113 = arith.shrsi %bitcast3A_107, %shift_right_arithmetic3A_112 : vector<16xi32>
        %and3A_114 = arith.constant 1 : i32
        %and3A_115 = vector.broadcast %and3A_114 : i32 to vector<16xi32>
        %and3A_116 = arith.andi %shift_right_arithmetic3A_113, %and3A_115 : vector<16xi32>
        %add3A_117 = arith.addi %add3A_110, %and3A_116 : vector<16xi32>
        %and3A_118 = arith.constant -65536 : i32
        %and3A_119 = vector.broadcast %and3A_118 : i32 to vector<16xi32>
        %and3A_120 = arith.andi %add3A_117, %and3A_119 : vector<16xi32>
        %bitcast3A_121 = vector.bitcast %and3A_120 : vector<16xi32> to vector<16xf32>
        %get3A_122 = arith.index_cast %scan3A_71 : i32 to index
        %get3A_123 = arith.constant 48 : index
        %get3A_124 = tpu.vector_load %arg18[%get3A_122, %get3A_123] {strides = array<i32>} : memref<8x256xf32, #tpu.memory_space<vmem>>, vector<16xf32>,
        %bitcast3A_125 = vector.bitcast %get3A_124 : vector<16xf32> to vector<16xi32>
        %add3A_126 = arith.constant 32767 : i32
        %add3A_127 = vector.broadcast %add3A_126 : i32 to vector<16xi32>
        %add3A_128 = arith.addi %bitcast3A_125, %add3A_127 : vector<16xi32>
        %shift_right_arithmetic3A_129 = arith.constant 16 : i32
        %shift_right_arithmetic3A_130 = vector.broadcast %shift_right_arithmetic3A_129 : i32 to vector<16xi32>
        %shift_right_arithmetic3A_131 = arith.shrsi %bitcast3A_125, %shift_right_arithmetic3A_130 : vector<16xi32>
        %and3A_132 = arith.constant 1 : i32
        %and3A_133 = vector.broadcast %and3A_132 : i32 to vector<16xi32>
        %and3A_134 = arith.andi %shift_right_arithmetic3A_131, %and3A_133 : vector<16xi32>
        %add3A_135 = arith.addi %add3A_128, %and3A_134 : vector<16xi32>
        %and3A_136 = arith.constant -65536 : i32
        %and3A_137 = vector.broadcast %and3A_136 : i32 to vector<16xi32>
        %and3A_138 = arith.andi %add3A_135, %and3A_137 : vector<16xi32>
        %bitcast3A_139 = vector.bitcast %and3A_138 : vector<16xi32> to vector<16xf32>
        %get3A_140 = arith.index_cast %scan3A_71 : i32 to index
        %get3A_141 = arith.constant 64 : index
        %get3A_142 = tpu.vector_load %arg18[%get3A_140, %get3A_141] {strides = array<i32>} : memref<8x256xf32, #tpu.memory_space<vmem>>, vector<16xf32>,
        %bitcast3A_143 = vector.bitcast %get3A_142 : vector<16xf32> to vector<16xi32>
        %add3A_144 = arith.constant 32767 : i32
        %add3A_145 = vector.broadcast %add3A_144 : i32 to vector<16xi32>
        %add3A_146 = arith.addi %bitcast3A_143, %add3A_145 : vector<16xi32>
        %shift_right_arithmetic3A_147 = arith.constant 16 : i32
        %shift_right_arithmetic3A_148 = vector.broadcast %shift_right_arithmetic3A_147 : i32 to vector<16xi32>
        %shift_right_arithmetic3A_149 = arith.shrsi %bitcast3A_143, %shift_right_arithmetic3A_148 : vector<16xi32>
        %and3A_150 = arith.constant 1 : i32
        %and3A_151 = vector.broadcast %and3A_150 : i32 to vector<16xi32>
        %and3A_152 = arith.andi %shift_right_arithmetic3A_149, %and3A_151 : vector<16xi32>
        %add3A_153 = arith.addi %add3A_146, %and3A_152 : vector<16xi32>
        %and3A_154 = arith.constant -65536 : i32
        %and3A_155 = vector.broadcast %and3A_154 : i32 to vector<16xi32>
        %and3A_156 = arith.andi %add3A_153, %and3A_155 : vector<16xi32>
        %bitcast3A_157 = vector.bitcast %and3A_156 : vector<16xi32> to vector<16xf32>
        %get3A_158 = arith.index_cast %scan3A_71 : i32 to index
        %get3A_159 = arith.constant 80 : index
        %get3A_160 = tpu.vector_load %arg18[%get3A_158, %get3A_159] {strides = array<i32>} : memref<8x256xf32, #tpu.memory_space<vmem>>, vector<16xf32>,
        %bitcast3A_161 = vector.bitcast %get3A_160 : vector<16xf32> to vector<16xi32>
        %add3A_162 = arith.constant 32767 : i32
        %add3A_163 = vector.broadcast %add3A_162 : i32 to vector<16xi32>
        %add3A_164 = arith.addi %bitcast3A_161, %add3A_163 : vector<16xi32>
        %shift_right_arithmetic3A_165 = arith.constant 16 : i32
        %shift_right_arithmetic3A_166 = vector.broadcast %shift_right_arithmetic3A_165 : i32 to vector<16xi32>
        %shift_right_arithmetic3A_167 = arith.shrsi %bitcast3A_161, %shift_right_arithmetic3A_166 : vector<16xi32>
        %and3A_168 = arith.constant 1 : i32
        %and3A_169 = vector.broadcast %and3A_168 : i32 to vector<16xi32>
        %and3A_170 = arith.andi %shift_right_arithmetic3A_167, %and3A_169 : vector<16xi32>
        %add3A_171 = arith.addi %add3A_164, %and3A_170 : vector<16xi32>
        %and3A_172 = arith.constant -65536 : i32
        %and3A_173 = vector.broadcast %and3A_172 : i32 to vector<16xi32>
        %and3A_174 = arith.andi %add3A_171, %and3A_173 : vector<16xi32>
        %bitcast3A_175 = vector.bitcast %and3A_174 : vector<16xi32> to vector<16xf32>
        %get3A_176 = arith.index_cast %scan3A_71 : i32 to index
        %get3A_177 = arith.constant 96 : index
        %get3A_178 = tpu.vector_load %arg18[%get3A_176, %get3A_177] {strides = array<i32>} : memref<8x256xf32, #tpu.memory_space<vmem>>, vector<16xf32>,
        %bitcast3A_179 = vector.bitcast %get3A_178 : vector<16xf32> to vector<16xi32>
        %add3A_180 = arith.constant 32767 : i32
        %add3A_181 = vector.broadcast %add3A_180 : i32 to vector<16xi32>
        %add3A_182 = arith.addi %bitcast3A_179, %add3A_181 : vector<16xi32>
        %shift_right_arithmetic3A_183 = arith.constant 16 : i32
        %shift_right_arithmetic3A_184 = vector.broadcast %shift_right_arithmetic3A_183 : i32 to vector<16xi32>
        %shift_right_arithmetic3A_185 = arith.shrsi %bitcast3A_179, %shift_right_arithmetic3A_184 : vector<16xi32>
        %and3A_186 = arith.constant 1 : i32
        %and3A_187 = vector.broadcast %and3A_186 : i32 to vector<16xi32>
        %and3A_188 = arith.andi %shift_right_arithmetic3A_185, %and3A_187 : vector<16xi32>
        %add3A_189 = arith.addi %add3A_182, %and3A_188 : vector<16xi32>
        %and3A_190 = arith.constant -65536 : i32
        %and3A_191 = vector.broadcast %and3A_190 : i32 to vector<16xi32>
        %and3A_192 = arith.andi %add3A_189, %and3A_191 : vector<16xi32>
        %bitcast3A_193 = vector.bitcast %and3A_192 : vector<16xi32> to vector<16xf32>
        %get3A_194 = arith.index_cast %scan3A_71 : i32 to index
        %get3A_195 = arith.constant 112 : index
        %get3A_196 = tpu.vector_load %arg18[%get3A_194, %get3A_195] {strides = array<i32>} : memref<8x256xf32, #tpu.memory_space<vmem>>, vector<16xf32>,
        %bitcast3A_197 = vector.bitcast %get3A_196 : vector<16xf32> to vector<16xi32>
        %add3A_198 = arith.constant 32767 : i32
        %add3A_199 = vector.broadcast %add3A_198 : i32 to vector<16xi32>
        %add3A_200 = arith.addi %bitcast3A_197, %add3A_199 : vector<16xi32>
        %shift_right_arithmetic3A_201 = arith.constant 16 : i32
        %shift_right_arithmetic3A_202 = vector.broadcast %shift_right_arithmetic3A_201 : i32 to vector<16xi32>
        %shift_right_arithmetic3A_203 = arith.shrsi %bitcast3A_197, %shift_right_arithmetic3A_202 : vector<16xi32>
        %and3A_204 = arith.constant 1 : i32
        %and3A_205 = vector.broadcast %and3A_204 : i32 to vector<16xi32>
        %and3A_206 = arith.andi %shift_right_arithmetic3A_203, %and3A_205 : vector<16xi32>
        %add3A_207 = arith.addi %add3A_200, %and3A_206 : vector<16xi32>
        %and3A_208 = arith.constant -65536 : i32
        %and3A_209 = vector.broadcast %and3A_208 : i32 to vector<16xi32>
        %and3A_210 = arith.andi %add3A_207, %and3A_209 : vector<16xi32>
        %bitcast3A_211 = vector.bitcast %and3A_210 : vector<16xi32> to vector<16xf32>
        %get3A_212 = arith.index_cast %scan3A_71 : i32 to index
        %get3A_213 = arith.constant 128 : index
        %get3A_214 = tpu.vector_load %arg18[%get3A_212, %get3A_213] {strides = array<i32>} : memref<8x256xf32, #tpu.memory_space<vmem>>, vector<16xf32>,
        %bitcast3A_215 = vector.bitcast %get3A_214 : vector<16xf32> to vector<16xi32>
        %add3A_216 = arith.constant 32767 : i32
        %add3A_217 = vector.broadcast %add3A_216 : i32 to vector<16xi32>
        %add3A_218 = arith.addi %bitcast3A_215, %add3A_217 : vector<16xi32>
        %shift_right_arithmetic3A_219 = arith.constant 16 : i32
        %shift_right_arithmetic3A_220 = vector.broadcast %shift_right_arithmetic3A_219 : i32 to vector<16xi32>
        %shift_right_arithmetic3A_221 = arith.shrsi %bitcast3A_215, %shift_right_arithmetic3A_220 : vector<16xi32>
        %and3A_222 = arith.constant 1 : i32
        %and3A_223 = vector.broadcast %and3A_222 : i32 to vector<16xi32>
        %and3A_224 = arith.andi %shift_right_arithmetic3A_221, %and3A_223 : vector<16xi32>
        %add3A_225 = arith.addi %add3A_218, %and3A_224 : vector<16xi32>
        %and3A_226 = arith.constant -65536 : i32
        %and3A_227 = vector.broadcast %and3A_226 : i32 to vector<16xi32>
        %and3A_228 = arith.andi %add3A_225, %and3A_227 : vector<16xi32>
        %bitcast3A_229 = vector.bitcast %and3A_228 : vector<16xi32> to vector<16xf32>
        %get3A_230 = arith.index_cast %scan3A_71 : i32 to index
        %get3A_231 = arith.constant 144 : index
        %get3A_232 = tpu.vector_load %arg18[%get3A_230, %get3A_231] {strides = array<i32>} : memref<8x256xf32, #tpu.memory_space<vmem>>, vector<16xf32>,
        %bitcast3A_233 = vector.bitcast %get3A_232 : vector<16xf32> to vector<16xi32>
        %add3A_234 = arith.constant 32767 : i32
        %add3A_235 = vector.broadcast %add3A_234 : i32 to vector<16xi32>
        %add3A_236 = arith.addi %bitcast3A_233, %add3A_235 : vector<16xi32>
        %shift_right_arithmetic3A_237 = arith.constant 16 : i32
        %shift_right_arithmetic3A_238 = vector.broadcast %shift_right_arithmetic3A_237 : i32 to vector<16xi32>
        %shift_right_arithmetic3A_239 = arith.shrsi %bitcast3A_233, %shift_right_arithmetic3A_238 : vector<16xi32>
        %and3A_240 = arith.constant 1 : i32
        %and3A_241 = vector.broadcast %and3A_240 : i32 to vector<16xi32>
        %and3A_242 = arith.andi %shift_right_arithmetic3A_239, %and3A_241 : vector<16xi32>
        %add3A_243 = arith.addi %add3A_236, %and3A_242 : vector<16xi32>
        %and3A_244 = arith.constant -65536 : i32
        %and3A_245 = vector.broadcast %and3A_244 : i32 to vector<16xi32>
        %and3A_246 = arith.andi %add3A_243, %and3A_245 : vector<16xi32>
        %bitcast3A_247 = vector.bitcast %and3A_246 : vector<16xi32> to vector<16xf32>
        %get3A_248 = arith.index_cast %scan3A_71 : i32 to index
        %get3A_249 = arith.constant 160 : index
        %get3A_250 = tpu.vector_load %arg18[%get3A_248, %get3A_249] {strides = array<i32>} : memref<8x256xf32, #tpu.memory_space<vmem>>, vector<16xf32>,
        %bitcast3A_251 = vector.bitcast %get3A_250 : vector<16xf32> to vector<16xi32>
        %add3A_252 = arith.constant 32767 : i32
        %add3A_253 = vector.broadcast %add3A_252 : i32 to vector<16xi32>
        %add3A_254 = arith.addi %bitcast3A_251, %add3A_253 : vector<16xi32>
        %shift_right_arithmetic3A_255 = arith.constant 16 : i32
        %shift_right_arithmetic3A_256 = vector.broadcast %shift_right_arithmetic3A_255 : i32 to vector<16xi32>
        %shift_right_arithmetic3A_257 = arith.shrsi %bitcast3A_251, %shift_right_arithmetic3A_256 : vector<16xi32>
        %and3A_258 = arith.constant 1 : i32
        %and3A_259 = vector.broadcast %and3A_258 : i32 to vector<16xi32>
        %and3A_260 = arith.andi %shift_right_arithmetic3A_257, %and3A_259 : vector<16xi32>
        %add3A_261 = arith.addi %add3A_254, %and3A_260 : vector<16xi32>
        %and3A_262 = arith.constant -65536 : i32
        %and3A_263 = vector.broadcast %and3A_262 : i32 to vector<16xi32>
        %and3A_264 = arith.andi %add3A_261, %and3A_263 : vector<16xi32>
        %bitcast3A_265 = vector.bitcast %and3A_264 : vector<16xi32> to vector<16xf32>
        %get3A_266 = arith.index_cast %scan3A_71 : i32 to index
        %get3A_267 = arith.constant 176 : index
        %get3A_268 = tpu.vector_load %arg18[%get3A_266, %get3A_267] {strides = array<i32>} : memref<8x256xf32, #tpu.memory_space<vmem>>, vector<16xf32>,
        %bitcast3A_269 = vector.bitcast %get3A_268 : vector<16xf32> to vector<16xi32>
        %add3A_270 = arith.constant 32767 : i32
        %add3A_271 = vector.broadcast %add3A_270 : i32 to vector<16xi32>
        %add3A_272 = arith.addi %bitcast3A_269, %add3A_271 : vector<16xi32>
        %shift_right_arithmetic3A_273 = arith.constant 16 : i32
        %shift_right_arithmetic3A_274 = vector.broadcast %shift_right_arithmetic3A_273 : i32 to vector<16xi32>
        %shift_right_arithmetic3A_275 = arith.shrsi %bitcast3A_269, %shift_right_arithmetic3A_274 : vector<16xi32>
        %and3A_276 = arith.constant 1 : i32
        %and3A_277 = vector.broadcast %and3A_276 : i32 to vector<16xi32>
        %and3A_278 = arith.andi %shift_right_arithmetic3A_275, %and3A_277 : vector<16xi32>
        %add3A_279 = arith.addi %add3A_272, %and3A_278 : vector<16xi32>
        %and3A_280 = arith.constant -65536 : i32
        %and3A_281 = vector.broadcast %and3A_280 : i32 to vector<16xi32>
        %and3A_282 = arith.andi %add3A_279, %and3A_281 : vector<16xi32>
        %bitcast3A_283 = vector.bitcast %and3A_282 : vector<16xi32> to vector<16xf32>
        %scan3A_284 = arith.constant 0 : i32
        %scan3A_285 = arith.constant 16 : i32
        %scan3A_286 = arith.addi %scan3A_284, %scan3A_285 : i32
        %scan3A_287 = arith.constant 1 : i32
        %scan3A_288:2 = scf.for %scan3A_1912 = %scan3A_284 to %scan3A_286 step %scan3A_287 iter_args(%scan3A_1913 = %broadcast_in_dim3A_9, %scan3A_1914 = %broadcast_in_dim3A_11) -> (vector<16xf32>, vector<16xf32>)  : i32 {
          %mul3A_1915 = arith.constant 16 : i32
          %mul3A_1916 = arith.muli %scan3A_71, %mul3A_1915 : i32
          %add3A_1917 = arith.addi %mul3A_1916, %scan3A_1912 : i32
          %get3A_1918 = arith.index_cast %add3A_1917 : i32 to index
          %get3A_1919 = arith.constant 0 : index
          %get3A_1920 = tpu.vector_load %arg15[%get3A_1918, %get3A_1919] {strides = array<i32>} : memref<128x256xf32, #tpu.memory_space<vmem>>, vector<16xf32>,
          %bitcast3A_1921 = vector.bitcast %get3A_1920 : vector<16xf32> to vector<16xi32>
          %add3A_1922 = arith.constant 32767 : i32
          %add3A_1923 = vector.broadcast %add3A_1922 : i32 to vector<16xi32>
          %add3A_1924 = arith.addi %bitcast3A_1921, %add3A_1923 : vector<16xi32>
          %shift_right_arithmetic3A_1925 = arith.constant 16 : i32
          %shift_right_arithmetic3A_1926 = vector.broadcast %shift_right_arithmetic3A_1925 : i32 to vector<16xi32>
          %shift_right_arithmetic3A_1927 = arith.shrsi %bitcast3A_1921, %shift_right_arithmetic3A_1926 : vector<16xi32>
          %and3A_1928 = arith.constant 1 : i32
          %and3A_1929 = vector.broadcast %and3A_1928 : i32 to vector<16xi32>
          %and3A_1930 = arith.andi %shift_right_arithmetic3A_1927, %and3A_1929 : vector<16xi32>
          %add3A_1931 = arith.addi %add3A_1924, %and3A_1930 : vector<16xi32>
          %and3A_1932 = arith.constant -65536 : i32
          %and3A_1933 = vector.broadcast %and3A_1932 : i32 to vector<16xi32>
          %and3A_1934 = arith.andi %add3A_1931, %and3A_1933 : vector<16xi32>
          %bitcast3A_1935 = vector.bitcast %and3A_1934 : vector<16xi32> to vector<16xf32>
          %mul3A_1936 = arith.mulf %bitcast3A_1935, %bitcast3A_85 : vector<16xf32>
          %add3A_1937 = arith.addf %broadcast_in_dim3A_9, %mul3A_1936 : vector<16xf32>
          %mul3A_1938 = arith.mulf %get3A_1920, %get3A_1920 : vector<16xf32>
          %add3A_1939 = arith.addf %broadcast_in_dim3A_9, %mul3A_1938 : vector<16xf32>
          %get3A_1940 = arith.index_cast %add3A_1917 : i32 to index
          %get3A_1941 = arith.constant 16 : index
          %get3A_1942 = tpu.vector_load %arg15[%get3A_1940, %get3A_1941] {strides = array<i32>} : memref<128x256xf32, #tpu.memory_space<vmem>>, vector<16xf32>,
          %bitcast3A_1943 = vector.bitcast %get3A_1942 : vector<16xf32> to vector<16xi32>
          %add3A_1944 = arith.constant 32767 : i32
          %add3A_1945 = vector.broadcast %add3A_1944 : i32 to vector<16xi32>
          %add3A_1946 = arith.addi %bitcast3A_1943, %add3A_1945 : vector<16xi32>
          %shift_right_arithmetic3A_1947 = arith.constant 16 : i32
          %shift_right_arithmetic3A_1948 = vector.broadcast %shift_right_arithmetic3A_1947 : i32 to vector<16xi32>
          %shift_right_arithmetic3A_1949 = arith.shrsi %bitcast3A_1943, %shift_right_arithmetic3A_1948 : vector<16xi32>
          %and3A_1950 = arith.constant 1 : i32
          %and3A_1951 = vector.broadcast %and3A_1950 : i32 to vector<16xi32>
          %and3A_1952 = arith.andi %shift_right_arithmetic3A_1949, %and3A_1951 : vector<16xi32>
          %add3A_1953 = arith.addi %add3A_1946, %and3A_1952 : vector<16xi32>
          %and3A_1954 = arith.constant -65536 : i32
          %and3A_1955 = vector.broadcast %and3A_1954 : i32 to vector<16xi32>
          %and3A_1956 = arith.andi %add3A_1953, %and3A_1955 : vector<16xi32>
          %bitcast3A_1957 = vector.bitcast %and3A_1956 : vector<16xi32> to vector<16xf32>
          %mul3A_1958 = arith.mulf %bitcast3A_1957, %bitcast3A_103 : vector<16xf32>
          %add3A_1959 = arith.addf %add3A_1937, %mul3A_1958 : vector<16xf32>
          %mul3A_1960 = arith.mulf %get3A_1942, %get3A_1942 : vector<16xf32>
          %add3A_1961 = arith.addf %add3A_1939, %mul3A_1960 : vector<16xf32>
          %get3A_1962 = arith.index_cast %add3A_1917 : i32 to index
          %get3A_1963 = arith.constant 32 : index
          %get3A_1964 = tpu.vector_load %arg15[%get3A_1962, %get3A_1963] {strides = array<i32>} : memref<128x256xf32, #tpu.memory_space<vmem>>, vector<16xf32>,
          %bitcast3A_1965 = vector.bitcast %get3A_1964 : vector<16xf32> to vector<16xi32>
          %add3A_1966 = arith.constant 32767 : i32
          %add3A_1967 = vector.broadcast %add3A_1966 : i32 to vector<16xi32>
          %add3A_1968 = arith.addi %bitcast3A_1965, %add3A_1967 : vector<16xi32>
          %shift_right_arithmetic3A_1969 = arith.constant 16 : i32
          %shift_right_arithmetic3A_1970 = vector.broadcast %shift_right_arithmetic3A_1969 : i32 to vector<16xi32>
          %shift_right_arithmetic3A_1971 = arith.shrsi %bitcast3A_1965, %shift_right_arithmetic3A_1970 : vector<16xi32>
          %and3A_1972 = arith.constant 1 : i32
          %and3A_1973 = vector.broadcast %and3A_1972 : i32 to vector<16xi32>
          %and3A_1974 = arith.andi %shift_right_arithmetic3A_1971, %and3A_1973 : vector<16xi32>
          %add3A_1975 = arith.addi %add3A_1968, %and3A_1974 : vector<16xi32>
          %and3A_1976 = arith.constant -65536 : i32
          %and3A_1977 = vector.broadcast %and3A_1976 : i32 to vector<16xi32>
          %and3A_1978 = arith.andi %add3A_1975, %and3A_1977 : vector<16xi32>
          %bitcast3A_1979 = vector.bitcast %and3A_1978 : vector<16xi32> to vector<16xf32>
          %mul3A_1980 = arith.mulf %bitcast3A_1979, %bitcast3A_121 : vector<16xf32>
          %add3A_1981 = arith.addf %add3A_1959, %mul3A_1980 : vector<16xf32>
          %mul3A_1982 = arith.mulf %get3A_1964, %get3A_1964 : vector<16xf32>
          %add3A_1983 = arith.addf %add3A_1961, %mul3A_1982 : vector<16xf32>
          %get3A_1984 = arith.index_cast %add3A_1917 : i32 to index
          %get3A_1985 = arith.constant 48 : index
          %get3A_1986 = tpu.vector_load %arg15[%get3A_1984, %get3A_1985] {strides = array<i32>} : memref<128x256xf32, #tpu.memory_space<vmem>>, vector<16xf32>,
          %bitcast3A_1987 = vector.bitcast %get3A_1986 : vector<16xf32> to vector<16xi32>
          %add3A_1988 = arith.constant 32767 : i32
          %add3A_1989 = vector.broadcast %add3A_1988 : i32 to vector<16xi32>
          %add3A_1990 = arith.addi %bitcast3A_1987, %add3A_1989 : vector<16xi32>
          %shift_right_arithmetic3A_1991 = arith.constant 16 : i32
          %shift_right_arithmetic3A_1992 = vector.broadcast %shift_right_arithmetic3A_1991 : i32 to vector<16xi32>
          %shift_right_arithmetic3A_1993 = arith.shrsi %bitcast3A_1987, %shift_right_arithmetic3A_1992 : vector<16xi32>
          %and3A_1994 = arith.constant 1 : i32
          %and3A_1995 = vector.broadcast %and3A_1994 : i32 to vector<16xi32>
          %and3A_1996 = arith.andi %shift_right_arithmetic3A_1993, %and3A_1995 : vector<16xi32>
          %add3A_1997 = arith.addi %add3A_1990, %and3A_1996 : vector<16xi32>
          %and3A_1998 = arith.constant -65536 : i32
          %and3A_1999 = vector.broadcast %and3A_1998 : i32 to vector<16xi32>
          %and3A_2000 = arith.andi %add3A_1997, %and3A_1999 : vector<16xi32>
          %bitcast3A_2001 = vector.bitcast %and3A_2000 : vector<16xi32> to vector<16xf32>
          %mul3A_2002 = arith.mulf %bitcast3A_2001, %bitcast3A_139 : vector<16xf32>
          %add3A_2003 = arith.addf %add3A_1981, %mul3A_2002 : vector<16xf32>
          %mul3A_2004 = arith.mulf %get3A_1986, %get3A_1986 : vector<16xf32>
          %add3A_2005 = arith.addf %add3A_1983, %mul3A_2004 : vector<16xf32>
          %get3A_2006 = arith.index_cast %add3A_1917 : i32 to index
          %get3A_2007 = arith.constant 64 : index
          %get3A_2008 = tpu.vector_load %arg15[%get3A_2006, %get3A_2007] {strides = array<i32>} : memref<128x256xf32, #tpu.memory_space<vmem>>, vector<16xf32>,
          %bitcast3A_2009 = vector.bitcast %get3A_2008 : vector<16xf32> to vector<16xi32>
          %add3A_2010 = arith.constant 32767 : i32
          %add3A_2011 = vector.broadcast %add3A_2010 : i32 to vector<16xi32>
          %add3A_2012 = arith.addi %bitcast3A_2009, %add3A_2011 : vector<16xi32>
          %shift_right_arithmetic3A_2013 = arith.constant 16 : i32
          %shift_right_arithmetic3A_2014 = vector.broadcast %shift_right_arithmetic3A_2013 : i32 to vector<16xi32>
          %shift_right_arithmetic3A_2015 = arith.shrsi %bitcast3A_2009, %shift_right_arithmetic3A_2014 : vector<16xi32>
          %and3A_2016 = arith.constant 1 : i32
          %and3A_2017 = vector.broadcast %and3A_2016 : i32 to vector<16xi32>
          %and3A_2018 = arith.andi %shift_right_arithmetic3A_2015, %and3A_2017 : vector<16xi32>
          %add3A_2019 = arith.addi %add3A_2012, %and3A_2018 : vector<16xi32>
          %and3A_2020 = arith.constant -65536 : i32
          %and3A_2021 = vector.broadcast %and3A_2020 : i32 to vector<16xi32>
          %and3A_2022 = arith.andi %add3A_2019, %and3A_2021 : vector<16xi32>
          %bitcast3A_2023 = vector.bitcast %and3A_2022 : vector<16xi32> to vector<16xf32>
          %mul3A_2024 = arith.mulf %bitcast3A_2023, %bitcast3A_157 : vector<16xf32>
          %add3A_2025 = arith.addf %add3A_2003, %mul3A_2024 : vector<16xf32>
          %mul3A_2026 = arith.mulf %get3A_2008, %get3A_2008 : vector<16xf32>
          %add3A_2027 = arith.addf %add3A_2005, %mul3A_2026 : vector<16xf32>
          %get3A_2028 = arith.index_cast %add3A_1917 : i32 to index
          %get3A_2029 = arith.constant 80 : index
          %get3A_2030 = tpu.vector_load %arg15[%get3A_2028, %get3A_2029] {strides = array<i32>} : memref<128x256xf32, #tpu.memory_space<vmem>>, vector<16xf32>,
          %bitcast3A_2031 = vector.bitcast %get3A_2030 : vector<16xf32> to vector<16xi32>
          %add3A_2032 = arith.constant 32767 : i32
          %add3A_2033 = vector.broadcast %add3A_2032 : i32 to vector<16xi32>
          %add3A_2034 = arith.addi %bitcast3A_2031, %add3A_2033 : vector<16xi32>
          %shift_right_arithmetic3A_2035 = arith.constant 16 : i32
          %shift_right_arithmetic3A_2036 = vector.broadcast %shift_right_arithmetic3A_2035 : i32 to vector<16xi32>
          %shift_right_arithmetic3A_2037 = arith.shrsi %bitcast3A_2031, %shift_right_arithmetic3A_2036 : vector<16xi32>
          %and3A_2038 = arith.constant 1 : i32
          %and3A_2039 = vector.broadcast %and3A_2038 : i32 to vector<16xi32>
          %and3A_2040 = arith.andi %shift_right_arithmetic3A_2037, %and3A_2039 : vector<16xi32>
          %add3A_2041 = arith.addi %add3A_2034, %and3A_2040 : vector<16xi32>
          %and3A_2042 = arith.constant -65536 : i32
          %and3A_2043 = vector.broadcast %and3A_2042 : i32 to vector<16xi32>
          %and3A_2044 = arith.andi %add3A_2041, %and3A_2043 : vector<16xi32>
          %bitcast3A_2045 = vector.bitcast %and3A_2044 : vector<16xi32> to vector<16xf32>
          %mul3A_2046 = arith.mulf %bitcast3A_2045, %bitcast3A_175 : vector<16xf32>
          %add3A_2047 = arith.addf %add3A_2025, %mul3A_2046 : vector<16xf32>
          %mul3A_2048 = arith.mulf %get3A_2030, %get3A_2030 : vector<16xf32>
          %add3A_2049 = arith.addf %add3A_2027, %mul3A_2048 : vector<16xf32>
          %get3A_2050 = arith.index_cast %add3A_1917 : i32 to index
          %get3A_2051 = arith.constant 96 : index
          %get3A_2052 = tpu.vector_load %arg15[%get3A_2050, %get3A_2051] {strides = array<i32>} : memref<128x256xf32, #tpu.memory_space<vmem>>, vector<16xf32>,
          %bitcast3A_2053 = vector.bitcast %get3A_2052 : vector<16xf32> to vector<16xi32>
          %add3A_2054 = arith.constant 32767 : i32
          %add3A_2055 = vector.broadcast %add3A_2054 : i32 to vector<16xi32>
          %add3A_2056 = arith.addi %bitcast3A_2053, %add3A_2055 : vector<16xi32>
          %shift_right_arithmetic3A_2057 = arith.constant 16 : i32
          %shift_right_arithmetic3A_2058 = vector.broadcast %shift_right_arithmetic3A_2057 : i32 to vector<16xi32>
          %shift_right_arithmetic3A_2059 = arith.shrsi %bitcast3A_2053, %shift_right_arithmetic3A_2058 : vector<16xi32>
          %and3A_2060 = arith.constant 1 : i32
          %and3A_2061 = vector.broadcast %and3A_2060 : i32 to vector<16xi32>
          %and3A_2062 = arith.andi %shift_right_arithmetic3A_2059, %and3A_2061 : vector<16xi32>
          %add3A_2063 = arith.addi %add3A_2056, %and3A_2062 : vector<16xi32>
          %and3A_2064 = arith.constant -65536 : i32
          %and3A_2065 = vector.broadcast %and3A_2064 : i32 to vector<16xi32>
          %and3A_2066 = arith.andi %add3A_2063, %and3A_2065 : vector<16xi32>
          %bitcast3A_2067 = vector.bitcast %and3A_2066 : vector<16xi32> to vector<16xf32>
          %mul3A_2068 = arith.mulf %bitcast3A_2067, %bitcast3A_193 : vector<16xf32>
          %add3A_2069 = arith.addf %add3A_2047, %mul3A_2068 : vector<16xf32>
          %mul3A_2070 = arith.mulf %get3A_2052, %get3A_2052 : vector<16xf32>
          %add3A_2071 = arith.addf %add3A_2049, %mul3A_2070 : vector<16xf32>
          %get3A_2072 = arith.index_cast %add3A_1917 : i32 to index
          %get3A_2073 = arith.constant 112 : index
          %get3A_2074 = tpu.vector_load %arg15[%get3A_2072, %get3A_2073] {strides = array<i32>} : memref<128x256xf32, #tpu.memory_space<vmem>>, vector<16xf32>,
          %bitcast3A_2075 = vector.bitcast %get3A_2074 : vector<16xf32> to vector<16xi32>
          %add3A_2076 = arith.constant 32767 : i32
          %add3A_2077 = vector.broadcast %add3A_2076 : i32 to vector<16xi32>
          %add3A_2078 = arith.addi %bitcast3A_2075, %add3A_2077 : vector<16xi32>
          %shift_right_arithmetic3A_2079 = arith.constant 16 : i32
          %shift_right_arithmetic3A_2080 = vector.broadcast %shift_right_arithmetic3A_2079 : i32 to vector<16xi32>
          %shift_right_arithmetic3A_2081 = arith.shrsi %bitcast3A_2075, %shift_right_arithmetic3A_2080 : vector<16xi32>
          %and3A_2082 = arith.constant 1 : i32
          %and3A_2083 = vector.broadcast %and3A_2082 : i32 to vector<16xi32>
          %and3A_2084 = arith.andi %shift_right_arithmetic3A_2081, %and3A_2083 : vector<16xi32>
          %add3A_2085 = arith.addi %add3A_2078, %and3A_2084 : vector<16xi32>
          %and3A_2086 = arith.constant -65536 : i32
          %and3A_2087 = vector.broadcast %and3A_2086 : i32 to vector<16xi32>
          %and3A_2088 = arith.andi %add3A_2085, %and3A_2087 : vector<16xi32>
          %bitcast3A_2089 = vector.bitcast %and3A_2088 : vector<16xi32> to vector<16xf32>
          %mul3A_2090 = arith.mulf %bitcast3A_2089, %bitcast3A_211 : vector<16xf32>
          %add3A_2091 = arith.addf %add3A_2069, %mul3A_2090 : vector<16xf32>
          %mul3A_2092 = arith.mulf %get3A_2074, %get3A_2074 : vector<16xf32>
          %add3A_2093 = arith.addf %add3A_2071, %mul3A_2092 : vector<16xf32>
          %get3A_2094 = arith.index_cast %add3A_1917 : i32 to index
          %get3A_2095 = arith.constant 128 : index
          %get3A_2096 = tpu.vector_load %arg15[%get3A_2094, %get3A_2095] {strides = array<i32>} : memref<128x256xf32, #tpu.memory_space<vmem>>, vector<16xf32>,
          %bitcast3A_2097 = vector.bitcast %get3A_2096 : vector<16xf32> to vector<16xi32>
          %add3A_2098 = arith.constant 32767 : i32
          %add3A_2099 = vector.broadcast %add3A_2098 : i32 to vector<16xi32>
          %add3A_2100 = arith.addi %bitcast3A_2097, %add3A_2099 : vector<16xi32>
          %shift_right_arithmetic3A_2101 = arith.constant 16 : i32
          %shift_right_arithmetic3A_2102 = vector.broadcast %shift_right_arithmetic3A_2101 : i32 to vector<16xi32>
          %shift_right_arithmetic3A_2103 = arith.shrsi %bitcast3A_2097, %shift_right_arithmetic3A_2102 : vector<16xi32>
          %and3A_2104 = arith.constant 1 : i32
          %and3A_2105 = vector.broadcast %and3A_2104 : i32 to vector<16xi32>
          %and3A_2106 = arith.andi %shift_right_arithmetic3A_2103, %and3A_2105 : vector<16xi32>
          %add3A_2107 = arith.addi %add3A_2100, %and3A_2106 : vector<16xi32>
          %and3A_2108 = arith.constant -65536 : i32
          %and3A_2109 = vector.broadcast %and3A_2108 : i32 to vector<16xi32>
          %and3A_2110 = arith.andi %add3A_2107, %and3A_2109 : vector<16xi32>
          %bitcast3A_2111 = vector.bitcast %and3A_2110 : vector<16xi32> to vector<16xf32>
          %mul3A_2112 = arith.mulf %bitcast3A_2111, %bitcast3A_229 : vector<16xf32>
          %add3A_2113 = arith.addf %add3A_2091, %mul3A_2112 : vector<16xf32>
          %mul3A_2114 = arith.mulf %get3A_2096, %get3A_2096 : vector<16xf32>
          %add3A_2115 = arith.addf %add3A_2093, %mul3A_2114 : vector<16xf32>
          %get3A_2116 = arith.index_cast %add3A_1917 : i32 to index
          %get3A_2117 = arith.constant 144 : index
          %get3A_2118 = tpu.vector_load %arg15[%get3A_2116, %get3A_2117] {strides = array<i32>} : memref<128x256xf32, #tpu.memory_space<vmem>>, vector<16xf32>,
          %bitcast3A_2119 = vector.bitcast %get3A_2118 : vector<16xf32> to vector<16xi32>
          %add3A_2120 = arith.constant 32767 : i32
          %add3A_2121 = vector.broadcast %add3A_2120 : i32 to vector<16xi32>
          %add3A_2122 = arith.addi %bitcast3A_2119, %add3A_2121 : vector<16xi32>
          %shift_right_arithmetic3A_2123 = arith.constant 16 : i32
          %shift_right_arithmetic3A_2124 = vector.broadcast %shift_right_arithmetic3A_2123 : i32 to vector<16xi32>
          %shift_right_arithmetic3A_2125 = arith.shrsi %bitcast3A_2119, %shift_right_arithmetic3A_2124 : vector<16xi32>
          %and3A_2126 = arith.constant 1 : i32
          %and3A_2127 = vector.broadcast %and3A_2126 : i32 to vector<16xi32>
          %and3A_2128 = arith.andi %shift_right_arithmetic3A_2125, %and3A_2127 : vector<16xi32>
          %add3A_2129 = arith.addi %add3A_2122, %and3A_2128 : vector<16xi32>
          %and3A_2130 = arith.constant -65536 : i32
          %and3A_2131 = vector.broadcast %and3A_2130 : i32 to vector<16xi32>
          %and3A_2132 = arith.andi %add3A_2129, %and3A_2131 : vector<16xi32>
          %bitcast3A_2133 = vector.bitcast %and3A_2132 : vector<16xi32> to vector<16xf32>
          %mul3A_2134 = arith.mulf %bitcast3A_2133, %bitcast3A_247 : vector<16xf32>
          %add3A_2135 = arith.addf %add3A_2113, %mul3A_2134 : vector<16xf32>
          %mul3A_2136 = arith.mulf %get3A_2118, %get3A_2118 : vector<16xf32>
          %add3A_2137 = arith.addf %add3A_2115, %mul3A_2136 : vector<16xf32>
          %get3A_2138 = arith.index_cast %add3A_1917 : i32 to index
          %get3A_2139 = arith.constant 160 : index
          %get3A_2140 = tpu.vector_load %arg15[%get3A_2138, %get3A_2139] {strides = array<i32>} : memref<128x256xf32, #tpu.memory_space<vmem>>, vector<16xf32>,
          %bitcast3A_2141 = vector.bitcast %get3A_2140 : vector<16xf32> to vector<16xi32>
          %add3A_2142 = arith.constant 32767 : i32
          %add3A_2143 = vector.broadcast %add3A_2142 : i32 to vector<16xi32>
          %add3A_2144 = arith.addi %bitcast3A_2141, %add3A_2143 : vector<16xi32>
          %shift_right_arithmetic3A_2145 = arith.constant 16 : i32
          %shift_right_arithmetic3A_2146 = vector.broadcast %shift_right_arithmetic3A_2145 : i32 to vector<16xi32>
          %shift_right_arithmetic3A_2147 = arith.shrsi %bitcast3A_2141, %shift_right_arithmetic3A_2146 : vector<16xi32>
          %and3A_2148 = arith.constant 1 : i32
          %and3A_2149 = vector.broadcast %and3A_2148 : i32 to vector<16xi32>
          %and3A_2150 = arith.andi %shift_right_arithmetic3A_2147, %and3A_2149 : vector<16xi32>
          %add3A_2151 = arith.addi %add3A_2144, %and3A_2150 : vector<16xi32>
          %and3A_2152 = arith.constant -65536 : i32
          %and3A_2153 = vector.broadcast %and3A_2152 : i32 to vector<16xi32>
          %and3A_2154 = arith.andi %add3A_2151, %and3A_2153 : vector<16xi32>
          %bitcast3A_2155 = vector.bitcast %and3A_2154 : vector<16xi32> to vector<16xf32>
          %mul3A_2156 = arith.mulf %bitcast3A_2155, %bitcast3A_265 : vector<16xf32>
          %add3A_2157 = arith.addf %add3A_2135, %mul3A_2156 : vector<16xf32>
          %mul3A_2158 = arith.mulf %get3A_2140, %get3A_2140 : vector<16xf32>
          %add3A_2159 = arith.addf %add3A_2137, %mul3A_2158 : vector<16xf32>
          %get3A_2160 = arith.index_cast %add3A_1917 : i32 to index
          %get3A_2161 = arith.constant 176 : index
          %get3A_2162 = tpu.vector_load %arg15[%get3A_2160, %get3A_2161] {strides = array<i32>} : memref<128x256xf32, #tpu.memory_space<vmem>>, vector<16xf32>,
          %bitcast3A_2163 = vector.bitcast %get3A_2162 : vector<16xf32> to vector<16xi32>
          %add3A_2164 = arith.constant 32767 : i32
          %add3A_2165 = vector.broadcast %add3A_2164 : i32 to vector<16xi32>
          %add3A_2166 = arith.addi %bitcast3A_2163, %add3A_2165 : vector<16xi32>
          %shift_right_arithmetic3A_2167 = arith.constant 16 : i32
          %shift_right_arithmetic3A_2168 = vector.broadcast %shift_right_arithmetic3A_2167 : i32 to vector<16xi32>
          %shift_right_arithmetic3A_2169 = arith.shrsi %bitcast3A_2163, %shift_right_arithmetic3A_2168 : vector<16xi32>
          %and3A_2170 = arith.constant 1 : i32
          %and3A_2171 = vector.broadcast %and3A_2170 : i32 to vector<16xi32>
          %and3A_2172 = arith.andi %shift_right_arithmetic3A_2169, %and3A_2171 : vector<16xi32>
          %add3A_2173 = arith.addi %add3A_2166, %and3A_2172 : vector<16xi32>
          %and3A_2174 = arith.constant -65536 : i32
          %and3A_2175 = vector.broadcast %and3A_2174 : i32 to vector<16xi32>
          %and3A_2176 = arith.andi %add3A_2173, %and3A_2175 : vector<16xi32>
          %bitcast3A_2177 = vector.bitcast %and3A_2176 : vector<16xi32> to vector<16xf32>
          %mul3A_2178 = arith.mulf %bitcast3A_2177, %bitcast3A_283 : vector<16xf32>
          %add3A_2179 = arith.addf %add3A_2157, %mul3A_2178 : vector<16xf32>
          %mul3A_2180 = arith.mulf %get3A_2162, %get3A_2162 : vector<16xf32>
          %add3A_2181 = arith.addf %add3A_2159, %mul3A_2180 : vector<16xf32>
          %eq3A = vector.broadcast %scan3A_1912 : i32 to vector<16xi32>
          %eq3A_2182 = arith.cmpi eq, %iota3A, %eq3A : vector<16xi32>
          %reduce_sum3A = arith.constant true
          %reduce_sum3A_2183 = vector.broadcast %reduce_sum3A : i1 to vector<16xi1>
          %reduce_sum3A_2184 = tpu.scan <sum>, %add3A_2179 masked %reduce_sum3A_2183 : vector<16xf32>, vector<16xi1> -> vector<16xf32>
          %reduce_sum3A_2185 = vector.extract %reduce_sum3A_2184[15] : f32 from vector<16xf32>
          %broadcast_in_dim3A_2186 = vector.broadcast %reduce_sum3A_2185 : f32 to vector<16xf32>
          %select_n3A = arith.select %eq3A_2182, %broadcast_in_dim3A_2186, %scan3A_1913 : vector<16xi1>, vector<16xf32>
          %reduce_sum3A_2187 = arith.constant true
          %reduce_sum3A_2188 = vector.broadcast %reduce_sum3A_2187 : i1 to vector<16xi1>
          %reduce_sum3A_2189 = tpu.scan <sum>, %add3A_2181 masked %reduce_sum3A_2188 : vector<16xf32>, vector<16xi1> -> vector<16xf32>
          %reduce_sum3A_2190 = vector.extract %reduce_sum3A_2189[15] : f32 from vector<16xf32>
          %broadcast_in_dim3A_2191 = vector.broadcast %reduce_sum3A_2190 : f32 to vector<16xf32>
          %select_n3A_2192 = arith.select %eq3A_2182, %broadcast_in_dim3A_2191, %scan3A_1914 : vector<16xi1>, vector<16xf32>
          scf.yield %select_n3A, %select_n3A_2192 : vector<16xf32>, vector<16xf32>
        }
        %scan3A_289 = arith.constant 16 : i32
        %abs3A = math.absf %scan3A_288#0 : vector<16xf32>
        %mul3A_290 = arith.mulf %scan3A_288#0, %abs3A : vector<16xf32>
        %div3A = arith.divf %mul3A_290, %scan3A_288#1 : vector<16xf32>
        %masked_sort3A = arith.constant dense<true> : vector<16xi1>
        %masked_sort3A_291, %masked_sort3A_292, %masked_sort3A_293 = tpu.sort %div3A, %iota3A masked %masked_sort3A {descending = true} : (vector<16xf32>, vector<16xi32>, vector<16xi1>) -> (vector<16xi1>, vector<16xf32>, vector<16xi32>)
        %mul3A_294 = arith.constant 16 : i32
        %mul3A_295 = arith.muli %scan3A_71, %mul3A_294 : i32
        %slice3A = vector.extract_strided_slice %masked_sort3A_293 {offsets = [0], sizes = [1], strides = [1]} : vector<16xi32> to vector<1xi32>
        %squeeze3A = vector.extract %slice3A[0] : i32 from vector<1xi32>
        %add3A_296 = arith.addi %mul3A_295, %squeeze3A : i32
        %get3A_297 = arith.index_cast %add3A_296 : i32 to index
        %get3A_298 = arith.constant 0 : index
        %get3A_299 = tpu.vector_load %arg15[%get3A_297, %get3A_298] {strides = array<i32>} : memref<128x256xf32, #tpu.memory_space<vmem>>, vector<16xf32>,
        %add3A_300 = arith.addf %broadcast_in_dim3A_9, %get3A_299 : vector<16xf32>
        %get3A_301 = arith.index_cast %add3A_296 : i32 to index
        %get3A_302 = arith.constant 16 : index
        %get3A_303 = tpu.vector_load %arg15[%get3A_301, %get3A_302] {strides = array<i32>} : memref<128x256xf32, #tpu.memory_space<vmem>>, vector<16xf32>,
        %add3A_304 = arith.addf %broadcast_in_dim3A_9, %get3A_303 : vector<16xf32>
        %get3A_305 = arith.index_cast %add3A_296 : i32 to index
        %get3A_306 = arith.constant 32 : index
        %get3A_307 = tpu.vector_load %arg15[%get3A_305, %get3A_306] {strides = array<i32>} : memref<128x256xf32, #tpu.memory_space<vmem>>, vector<16xf32>,
        %add3A_308 = arith.addf %broadcast_in_dim3A_9, %get3A_307 : vector<16xf32>
        %get3A_309 = arith.index_cast %add3A_296 : i32 to index
        %get3A_310 = arith.constant 48 : index
        %get3A_311 = tpu.vector_load %arg15[%get3A_309, %get3A_310] {strides = array<i32>} : memref<128x256xf32, #tpu.memory_space<vmem>>, vector<16xf32>,
        %add3A_312 = arith.addf %broadcast_in_dim3A_9, %get3A_311 : vector<16xf32>
        %get3A_313 = arith.index_cast %add3A_296 : i32 to index
        %get3A_314 = arith.constant 64 : index
        %get3A_315 = tpu.vector_load %arg15[%get3A_313, %get3A_314] {strides = array<i32>} : memref<128x256xf32, #tpu.memory_space<vmem>>, vector<16xf32>,
        %add3A_316 = arith.addf %broadcast_in_dim3A_9, %get3A_315 : vector<16xf32>
        %get3A_317 = arith.index_cast %add3A_296 : i32 to index
        %get3A_318 = arith.constant 80 : index
        %get3A_319 = tpu.vector_load %arg15[%get3A_317, %get3A_318] {strides = array<i32>} : memref<128x256xf32, #tpu.memory_space<vmem>>, vector<16xf32>,
        %add3A_320 = arith.addf %broadcast_in_dim3A_9, %get3A_319 : vector<16xf32>
        %get3A_321 = arith.index_cast %add3A_296 : i32 to index
        %get3A_322 = arith.constant 96 : index
        %get3A_323 = tpu.vector_load %arg15[%get3A_321, %get3A_322] {strides = array<i32>} : memref<128x256xf32, #tpu.memory_space<vmem>>, vector<16xf32>,
        %add3A_324 = arith.addf %broadcast_in_dim3A_9, %get3A_323 : vector<16xf32>
        %get3A_325 = arith.index_cast %add3A_296 : i32 to index
        %get3A_326 = arith.constant 112 : index
        %get3A_327 = tpu.vector_load %arg15[%get3A_325, %get3A_326] {strides = array<i32>} : memref<128x256xf32, #tpu.memory_space<vmem>>, vector<16xf32>,
        %add3A_328 = arith.addf %broadcast_in_dim3A_9, %get3A_327 : vector<16xf32>
        %get3A_329 = arith.index_cast %add3A_296 : i32 to index
        %get3A_330 = arith.constant 128 : index
        %get3A_331 = tpu.vector_load %arg15[%get3A_329, %get3A_330] {strides = array<i32>} : memref<128x256xf32, #tpu.memory_space<vmem>>, vector<16xf32>,
        %add3A_332 = arith.addf %broadcast_in_dim3A_9, %get3A_331 : vector<16xf32>
        %get3A_333 = arith.index_cast %add3A_296 : i32 to index
        %get3A_334 = arith.constant 144 : index
        %get3A_335 = tpu.vector_load %arg15[%get3A_333, %get3A_334] {strides = array<i32>} : memref<128x256xf32, #tpu.memory_space<vmem>>, vector<16xf32>,
        %add3A_336 = arith.addf %broadcast_in_dim3A_9, %get3A_335 : vector<16xf32>
        %get3A_337 = arith.index_cast %add3A_296 : i32 to index
        %get3A_338 = arith.constant 160 : index
        %get3A_339 = tpu.vector_load %arg15[%get3A_337, %get3A_338] {strides = array<i32>} : memref<128x256xf32, #tpu.memory_space<vmem>>, vector<16xf32>,
        %add3A_340 = arith.addf %broadcast_in_dim3A_9, %get3A_339 : vector<16xf32>
        %get3A_341 = arith.index_cast %add3A_296 : i32 to index
        %get3A_342 = arith.constant 176 : index
        %get3A_343 = tpu.vector_load %arg15[%get3A_341, %get3A_342] {strides = array<i32>} : memref<128x256xf32, #tpu.memory_space<vmem>>, vector<16xf32>,
        %add3A_344 = arith.addf %broadcast_in_dim3A_9, %get3A_343 : vector<16xf32>
        %mul3A_345 = arith.constant 16 : i32
        %mul3A_346 = arith.muli %scan3A_71, %mul3A_345 : i32
        %slice3A_347 = vector.extract_strided_slice %masked_sort3A_293 {offsets = [1], sizes = [1], strides = [1]} : vector<16xi32> to vector<1xi32>
        %squeeze3A_348 = vector.extract %slice3A_347[0] : i32 from vector<1xi32>
        %add3A_349 = arith.addi %mul3A_346, %squeeze3A_348 : i32
        %get3A_350 = arith.index_cast %add3A_349 : i32 to index
        %get3A_351 = arith.constant 0 : index
        %get3A_352 = tpu.vector_load %arg15[%get3A_350, %get3A_351] {strides = array<i32>} : memref<128x256xf32, #tpu.memory_space<vmem>>, vector<16xf32>,
        %add3A_353 = arith.addf %add3A_300, %get3A_352 : vector<16xf32>
        %get3A_354 = arith.index_cast %add3A_349 : i32 to index
        %get3A_355 = arith.constant 16 : index
        %get3A_356 = tpu.vector_load %arg15[%get3A_354, %get3A_355] {strides = array<i32>} : memref<128x256xf32, #tpu.memory_space<vmem>>, vector<16xf32>,
        %add3A_357 = arith.addf %add3A_304, %get3A_356 : vector<16xf32>
        %get3A_358 = arith.index_cast %add3A_349 : i32 to index
        %get3A_359 = arith.constant 32 : index
        %get3A_360 = tpu.vector_load %arg15[%get3A_358, %get3A_359] {strides = array<i32>} : memref<128x256xf32, #tpu.memory_space<vmem>>, vector<16xf32>,
        %add3A_361 = arith.addf %add3A_308, %get3A_360 : vector<16xf32>
        %get3A_362 = arith.index_cast %add3A_349 : i32 to index
        %get3A_363 = arith.constant 48 : index
        %get3A_364 = tpu.vector_load %arg15[%get3A_362, %get3A_363] {strides = array<i32>} : memref<128x256xf32, #tpu.memory_space<vmem>>, vector<16xf32>,
        %add3A_365 = arith.addf %add3A_312, %get3A_364 : vector<16xf32>
        %get3A_366 = arith.index_cast %add3A_349 : i32 to index
        %get3A_367 = arith.constant 64 : index
        %get3A_368 = tpu.vector_load %arg15[%get3A_366, %get3A_367] {strides = array<i32>} : memref<128x256xf32, #tpu.memory_space<vmem>>, vector<16xf32>,
        %add3A_369 = arith.addf %add3A_316, %get3A_368 : vector<16xf32>
        %get3A_370 = arith.index_cast %add3A_349 : i32 to index
        %get3A_371 = arith.constant 80 : index
        %get3A_372 = tpu.vector_load %arg15[%get3A_370, %get3A_371] {strides = array<i32>} : memref<128x256xf32, #tpu.memory_space<vmem>>, vector<16xf32>,
        %add3A_373 = arith.addf %add3A_320, %get3A_372 : vector<16xf32>
        %get3A_374 = arith.index_cast %add3A_349 : i32 to index
        %get3A_375 = arith.constant 96 : index
        %get3A_376 = tpu.vector_load %arg15[%get3A_374, %get3A_375] {strides = array<i32>} : memref<128x256xf32, #tpu.memory_space<vmem>>, vector<16xf32>,
        %add3A_377 = arith.addf %add3A_324, %get3A_376 : vector<16xf32>
        %get3A_378 = arith.index_cast %add3A_349 : i32 to index
        %get3A_379 = arith.constant 112 : index
        %get3A_380 = tpu.vector_load %arg15[%get3A_378, %get3A_379] {strides = array<i32>} : memref<128x256xf32, #tpu.memory_space<vmem>>, vector<16xf32>,
        %add3A_381 = arith.addf %add3A_328, %get3A_380 : vector<16xf32>
        %get3A_382 = arith.index_cast %add3A_349 : i32 to index
        %get3A_383 = arith.constant 128 : index
        %get3A_384 = tpu.vector_load %arg15[%get3A_382, %get3A_383] {strides = array<i32>} : memref<128x256xf32, #tpu.memory_space<vmem>>, vector<16xf32>,
        %add3A_385 = arith.addf %add3A_332, %get3A_384 : vector<16xf32>
        %get3A_386 = arith.index_cast %add3A_349 : i32 to index
        %get3A_387 = arith.constant 144 : index
        %get3A_388 = tpu.vector_load %arg15[%get3A_386, %get3A_387] {strides = array<i32>} : memref<128x256xf32, #tpu.memory_space<vmem>>, vector<16xf32>,
        %add3A_389 = arith.addf %add3A_336, %get3A_388 : vector<16xf32>
        %get3A_390 = arith.index_cast %add3A_349 : i32 to index
        %get3A_391 = arith.constant 160 : index
        %get3A_392 = tpu.vector_load %arg15[%get3A_390, %get3A_391] {strides = array<i32>} : memref<128x256xf32, #tpu.memory_space<vmem>>, vector<16xf32>,
        %add3A_393 = arith.addf %add3A_340, %get3A_392 : vector<16xf32>
        %get3A_394 = arith.index_cast %add3A_349 : i32 to index
        %get3A_395 = arith.constant 176 : index
        %get3A_396 = tpu.vector_load %arg15[%get3A_394, %get3A_395] {strides = array<i32>} : memref<128x256xf32, #tpu.memory_space<vmem>>, vector<16xf32>,
        %add3A_397 = arith.addf %add3A_344, %get3A_396 : vector<16xf32>
        %mul3A_398 = arith.constant 16 : i32
        %mul3A_399 = arith.muli %scan3A_71, %mul3A_398 : i32
        %slice3A_400 = vector.extract_strided_slice %masked_sort3A_293 {offsets = [2], sizes = [1], strides = [1]} : vector<16xi32> to vector<1xi32>
        %squeeze3A_401 = vector.extract %slice3A_400[0] : i32 from vector<1xi32>
        %add3A_402 = arith.addi %mul3A_399, %squeeze3A_401 : i32
        %get3A_403 = arith.index_cast %add3A_402 : i32 to index
        %get3A_404 = arith.constant 0 : index
        %get3A_405 = tpu.vector_load %arg15[%get3A_403, %get3A_404] {strides = array<i32>} : memref<128x256xf32, #tpu.memory_space<vmem>>, vector<16xf32>,
        %add3A_406 = arith.addf %add3A_353, %get3A_405 : vector<16xf32>
        %get3A_407 = arith.index_cast %add3A_402 : i32 to index
        %get3A_408 = arith.constant 16 : index
        %get3A_409 = tpu.vector_load %arg15[%get3A_407, %get3A_408] {strides = array<i32>} : memref<128x256xf32, #tpu.memory_space<vmem>>, vector<16xf32>,
        %add3A_410 = arith.addf %add3A_357, %get3A_409 : vector<16xf32>
        %get3A_411 = arith.index_cast %add3A_402 : i32 to index
        %get3A_412 = arith.constant 32 : index
        %get3A_413 = tpu.vector_load %arg15[%get3A_411, %get3A_412] {strides = array<i32>} : memref<128x256xf32, #tpu.memory_space<vmem>>, vector<16xf32>,
        %add3A_414 = arith.addf %add3A_361, %get3A_413 : vector<16xf32>
        %get3A_415 = arith.index_cast %add3A_402 : i32 to index
        %get3A_416 = arith.constant 48 : index
        %get3A_417 = tpu.vector_load %arg15[%get3A_415, %get3A_416] {strides = array<i32>} : memref<128x256xf32, #tpu.memory_space<vmem>>, vector<16xf32>,
        %add3A_418 = arith.addf %add3A_365, %get3A_417 : vector<16xf32>
        %get3A_419 = arith.index_cast %add3A_402 : i32 to index
        %get3A_420 = arith.constant 64 : index
        %get3A_421 = tpu.vector_load %arg15[%get3A_419, %get3A_420] {strides = array<i32>} : memref<128x256xf32, #tpu.memory_space<vmem>>, vector<16xf32>,
        %add3A_422 = arith.addf %add3A_369, %get3A_421 : vector<16xf32>
        %get3A_423 = arith.index_cast %add3A_402 : i32 to index
        %get3A_424 = arith.constant 80 : index
        %get3A_425 = tpu.vector_load %arg15[%get3A_423, %get3A_424] {strides = array<i32>} : memref<128x256xf32, #tpu.memory_space<vmem>>, vector<16xf32>,
        %add3A_426 = arith.addf %add3A_373, %get3A_425 : vector<16xf32>
        %get3A_427 = arith.index_cast %add3A_402 : i32 to index
        %get3A_428 = arith.constant 96 : index
        %get3A_429 = tpu.vector_load %arg15[%get3A_427, %get3A_428] {strides = array<i32>} : memref<128x256xf32, #tpu.memory_space<vmem>>, vector<16xf32>,
        %add3A_430 = arith.addf %add3A_377, %get3A_429 : vector<16xf32>
        %get3A_431 = arith.index_cast %add3A_402 : i32 to index
        %get3A_432 = arith.constant 112 : index
        %get3A_433 = tpu.vector_load %arg15[%get3A_431, %get3A_432] {strides = array<i32>} : memref<128x256xf32, #tpu.memory_space<vmem>>, vector<16xf32>,
        %add3A_434 = arith.addf %add3A_381, %get3A_433 : vector<16xf32>
        %get3A_435 = arith.index_cast %add3A_402 : i32 to index
        %get3A_436 = arith.constant 128 : index
        %get3A_437 = tpu.vector_load %arg15[%get3A_435, %get3A_436] {strides = array<i32>} : memref<128x256xf32, #tpu.memory_space<vmem>>, vector<16xf32>,
        %add3A_438 = arith.addf %add3A_385, %get3A_437 : vector<16xf32>
        %get3A_439 = arith.index_cast %add3A_402 : i32 to index
        %get3A_440 = arith.constant 144 : index
        %get3A_441 = tpu.vector_load %arg15[%get3A_439, %get3A_440] {strides = array<i32>} : memref<128x256xf32, #tpu.memory_space<vmem>>, vector<16xf32>,
        %add3A_442 = arith.addf %add3A_389, %get3A_441 : vector<16xf32>
        %get3A_443 = arith.index_cast %add3A_402 : i32 to index
        %get3A_444 = arith.constant 160 : index
        %get3A_445 = tpu.vector_load %arg15[%get3A_443, %get3A_444] {strides = array<i32>} : memref<128x256xf32, #tpu.memory_space<vmem>>, vector<16xf32>,
        %add3A_446 = arith.addf %add3A_393, %get3A_445 : vector<16xf32>
        %get3A_447 = arith.index_cast %add3A_402 : i32 to index
        %get3A_448 = arith.constant 176 : index
        %get3A_449 = tpu.vector_load %arg15[%get3A_447, %get3A_448] {strides = array<i32>} : memref<128x256xf32, #tpu.memory_space<vmem>>, vector<16xf32>,
        %add3A_450 = arith.addf %add3A_397, %get3A_449 : vector<16xf32>
        %mul3A_451 = arith.constant 16 : i32
        %mul3A_452 = arith.muli %scan3A_71, %mul3A_451 : i32
        %slice3A_453 = vector.extract_strided_slice %masked_sort3A_293 {offsets = [3], sizes = [1], strides = [1]} : vector<16xi32> to vector<1xi32>
        %squeeze3A_454 = vector.extract %slice3A_453[0] : i32 from vector<1xi32>
        %add3A_455 = arith.addi %mul3A_452, %squeeze3A_454 : i32
        %get3A_456 = arith.index_cast %add3A_455 : i32 to index
        %get3A_457 = arith.constant 0 : index
        %get3A_458 = tpu.vector_load %arg15[%get3A_456, %get3A_457] {strides = array<i32>} : memref<128x256xf32, #tpu.memory_space<vmem>>, vector<16xf32>,
        %add3A_459 = arith.addf %add3A_406, %get3A_458 : vector<16xf32>
        %get3A_460 = arith.index_cast %add3A_455 : i32 to index
        %get3A_461 = arith.constant 16 : index
        %get3A_462 = tpu.vector_load %arg15[%get3A_460, %get3A_461] {strides = array<i32>} : memref<128x256xf32, #tpu.memory_space<vmem>>, vector<16xf32>,
        %add3A_463 = arith.addf %add3A_410, %get3A_462 : vector<16xf32>
        %get3A_464 = arith.index_cast %add3A_455 : i32 to index
        %get3A_465 = arith.constant 32 : index
        %get3A_466 = tpu.vector_load %arg15[%get3A_464, %get3A_465] {strides = array<i32>} : memref<128x256xf32, #tpu.memory_space<vmem>>, vector<16xf32>,
        %add3A_467 = arith.addf %add3A_414, %get3A_466 : vector<16xf32>
        %get3A_468 = arith.index_cast %add3A_455 : i32 to index
        %get3A_469 = arith.constant 48 : index
        %get3A_470 = tpu.vector_load %arg15[%get3A_468, %get3A_469] {strides = array<i32>} : memref<128x256xf32, #tpu.memory_space<vmem>>, vector<16xf32>,
        %add3A_471 = arith.addf %add3A_418, %get3A_470 : vector<16xf32>
        %get3A_472 = arith.index_cast %add3A_455 : i32 to index
        %get3A_473 = arith.constant 64 : index
        %get3A_474 = tpu.vector_load %arg15[%get3A_472, %get3A_473] {strides = array<i32>} : memref<128x256xf32, #tpu.memory_space<vmem>>, vector<16xf32>,
        %add3A_475 = arith.addf %add3A_422, %get3A_474 : vector<16xf32>
        %get3A_476 = arith.index_cast %add3A_455 : i32 to index
        %get3A_477 = arith.constant 80 : index
        %get3A_478 = tpu.vector_load %arg15[%get3A_476, %get3A_477] {strides = array<i32>} : memref<128x256xf32, #tpu.memory_space<vmem>>, vector<16xf32>,
        %add3A_479 = arith.addf %add3A_426, %get3A_478 : vector<16xf32>
        %get3A_480 = arith.index_cast %add3A_455 : i32 to index
        %get3A_481 = arith.constant 96 : index
        %get3A_482 = tpu.vector_load %arg15[%get3A_480, %get3A_481] {strides = array<i32>} : memref<128x256xf32, #tpu.memory_space<vmem>>, vector<16xf32>,
        %add3A_483 = arith.addf %add3A_430, %get3A_482 : vector<16xf32>
        %get3A_484 = arith.index_cast %add3A_455 : i32 to index
        %get3A_485 = arith.constant 112 : index
        %get3A_486 = tpu.vector_load %arg15[%get3A_484, %get3A_485] {strides = array<i32>} : memref<128x256xf32, #tpu.memory_space<vmem>>, vector<16xf32>,
        %add3A_487 = arith.addf %add3A_434, %get3A_486 : vector<16xf32>
        %get3A_488 = arith.index_cast %add3A_455 : i32 to index
        %get3A_489 = arith.constant 128 : index
        %get3A_490 = tpu.vector_load %arg15[%get3A_488, %get3A_489] {strides = array<i32>} : memref<128x256xf32, #tpu.memory_space<vmem>>, vector<16xf32>,
        %add3A_491 = arith.addf %add3A_438, %get3A_490 : vector<16xf32>
        %get3A_492 = arith.index_cast %add3A_455 : i32 to index
        %get3A_493 = arith.constant 144 : index
        %get3A_494 = tpu.vector_load %arg15[%get3A_492, %get3A_493] {strides = array<i32>} : memref<128x256xf32, #tpu.memory_space<vmem>>, vector<16xf32>,
        %add3A_495 = arith.addf %add3A_442, %get3A_494 : vector<16xf32>
        %get3A_496 = arith.index_cast %add3A_455 : i32 to index
        %get3A_497 = arith.constant 160 : index
        %get3A_498 = tpu.vector_load %arg15[%get3A_496, %get3A_497] {strides = array<i32>} : memref<128x256xf32, #tpu.memory_space<vmem>>, vector<16xf32>,
        %add3A_499 = arith.addf %add3A_446, %get3A_498 : vector<16xf32>
        %get3A_500 = arith.index_cast %add3A_455 : i32 to index
        %get3A_501 = arith.constant 176 : index
        %get3A_502 = tpu.vector_load %arg15[%get3A_500, %get3A_501] {strides = array<i32>} : memref<128x256xf32, #tpu.memory_space<vmem>>, vector<16xf32>,
        %add3A_503 = arith.addf %add3A_450, %get3A_502 : vector<16xf32>
        %mul3A_504 = arith.constant 16 : i32
        %mul3A_505 = arith.muli %scan3A_71, %mul3A_504 : i32
        %slice3A_506 = vector.extract_strided_slice %masked_sort3A_293 {offsets = [4], sizes = [1], strides = [1]} : vector<16xi32> to vector<1xi32>
        %squeeze3A_507 = vector.extract %slice3A_506[0] : i32 from vector<1xi32>
        %add3A_508 = arith.addi %mul3A_505, %squeeze3A_507 : i32
        %get3A_509 = arith.index_cast %add3A_508 : i32 to index
        %get3A_510 = arith.constant 0 : index
        %get3A_511 = tpu.vector_load %arg15[%get3A_509, %get3A_510] {strides = array<i32>} : memref<128x256xf32, #tpu.memory_space<vmem>>, vector<16xf32>,
        %add3A_512 = arith.addf %add3A_459, %get3A_511 : vector<16xf32>
        %get3A_513 = arith.index_cast %add3A_508 : i32 to index
        %get3A_514 = arith.constant 16 : index
        %get3A_515 = tpu.vector_load %arg15[%get3A_513, %get3A_514] {strides = array<i32>} : memref<128x256xf32, #tpu.memory_space<vmem>>, vector<16xf32>,
        %add3A_516 = arith.addf %add3A_463, %get3A_515 : vector<16xf32>
        %get3A_517 = arith.index_cast %add3A_508 : i32 to index
        %get3A_518 = arith.constant 32 : index
        %get3A_519 = tpu.vector_load %arg15[%get3A_517, %get3A_518] {strides = array<i32>} : memref<128x256xf32, #tpu.memory_space<vmem>>, vector<16xf32>,
        %add3A_520 = arith.addf %add3A_467, %get3A_519 : vector<16xf32>
        %get3A_521 = arith.index_cast %add3A_508 : i32 to index
        %get3A_522 = arith.constant 48 : index
        %get3A_523 = tpu.vector_load %arg15[%get3A_521, %get3A_522] {strides = array<i32>} : memref<128x256xf32, #tpu.memory_space<vmem>>, vector<16xf32>,
        %add3A_524 = arith.addf %add3A_471, %get3A_523 : vector<16xf32>
        %get3A_525 = arith.index_cast %add3A_508 : i32 to index
        %get3A_526 = arith.constant 64 : index
        %get3A_527 = tpu.vector_load %arg15[%get3A_525, %get3A_526] {strides = array<i32>} : memref<128x256xf32, #tpu.memory_space<vmem>>, vector<16xf32>,
        %add3A_528 = arith.addf %add3A_475, %get3A_527 : vector<16xf32>
        %get3A_529 = arith.index_cast %add3A_508 : i32 to index
        %get3A_530 = arith.constant 80 : index
        %get3A_531 = tpu.vector_load %arg15[%get3A_529, %get3A_530] {strides = array<i32>} : memref<128x256xf32, #tpu.memory_space<vmem>>, vector<16xf32>,
        %add3A_532 = arith.addf %add3A_479, %get3A_531 : vector<16xf32>
        %get3A_533 = arith.index_cast %add3A_508 : i32 to index
        %get3A_534 = arith.constant 96 : index
        %get3A_535 = tpu.vector_load %arg15[%get3A_533, %get3A_534] {strides = array<i32>} : memref<128x256xf32, #tpu.memory_space<vmem>>, vector<16xf32>,
        %add3A_536 = arith.addf %add3A_483, %get3A_535 : vector<16xf32>
        %get3A_537 = arith.index_cast %add3A_508 : i32 to index
        %get3A_538 = arith.constant 112 : index
        %get3A_539 = tpu.vector_load %arg15[%get3A_537, %get3A_538] {strides = array<i32>} : memref<128x256xf32, #tpu.memory_space<vmem>>, vector<16xf32>,
        %add3A_540 = arith.addf %add3A_487, %get3A_539 : vector<16xf32>
        %get3A_541 = arith.index_cast %add3A_508 : i32 to index
        %get3A_542 = arith.constant 128 : index
        %get3A_543 = tpu.vector_load %arg15[%get3A_541, %get3A_542] {strides = array<i32>} : memref<128x256xf32, #tpu.memory_space<vmem>>, vector<16xf32>,
        %add3A_544 = arith.addf %add3A_491, %get3A_543 : vector<16xf32>
        %get3A_545 = arith.index_cast %add3A_508 : i32 to index
        %get3A_546 = arith.constant 144 : index
        %get3A_547 = tpu.vector_load %arg15[%get3A_545, %get3A_546] {strides = array<i32>} : memref<128x256xf32, #tpu.memory_space<vmem>>, vector<16xf32>,
        %add3A_548 = arith.addf %add3A_495, %get3A_547 : vector<16xf32>
        %get3A_549 = arith.index_cast %add3A_508 : i32 to index
        %get3A_550 = arith.constant 160 : index
        %get3A_551 = tpu.vector_load %arg15[%get3A_549, %get3A_550] {strides = array<i32>} : memref<128x256xf32, #tpu.memory_space<vmem>>, vector<16xf32>,
        %add3A_552 = arith.addf %add3A_499, %get3A_551 : vector<16xf32>
        %get3A_553 = arith.index_cast %add3A_508 : i32 to index
        %get3A_554 = arith.constant 176 : index
        %get3A_555 = tpu.vector_load %arg15[%get3A_553, %get3A_554] {strides = array<i32>} : memref<128x256xf32, #tpu.memory_space<vmem>>, vector<16xf32>,
        %add3A_556 = arith.addf %add3A_503, %get3A_555 : vector<16xf32>
        %mul3A_557 = arith.constant 16 : i32
        %mul3A_558 = arith.muli %scan3A_71, %mul3A_557 : i32
        %slice3A_559 = vector.extract_strided_slice %masked_sort3A_293 {offsets = [5], sizes = [1], strides = [1]} : vector<16xi32> to vector<1xi32>
        %squeeze3A_560 = vector.extract %slice3A_559[0] : i32 from vector<1xi32>
        %add3A_561 = arith.addi %mul3A_558, %squeeze3A_560 : i32
        %get3A_562 = arith.index_cast %add3A_561 : i32 to index
        %get3A_563 = arith.constant 0 : index
        %get3A_564 = tpu.vector_load %arg15[%get3A_562, %get3A_563] {strides = array<i32>} : memref<128x256xf32, #tpu.memory_space<vmem>>, vector<16xf32>,
        %add3A_565 = arith.addf %add3A_512, %get3A_564 : vector<16xf32>
        %get3A_566 = arith.index_cast %add3A_561 : i32 to index
        %get3A_567 = arith.constant 16 : index
        %get3A_568 = tpu.vector_load %arg15[%get3A_566, %get3A_567] {strides = array<i32>} : memref<128x256xf32, #tpu.memory_space<vmem>>, vector<16xf32>,
        %add3A_569 = arith.addf %add3A_516, %get3A_568 : vector<16xf32>
        %get3A_570 = arith.index_cast %add3A_561 : i32 to index
        %get3A_571 = arith.constant 32 : index
        %get3A_572 = tpu.vector_load %arg15[%get3A_570, %get3A_571] {strides = array<i32>} : memref<128x256xf32, #tpu.memory_space<vmem>>, vector<16xf32>,
        %add3A_573 = arith.addf %add3A_520, %get3A_572 : vector<16xf32>
        %get3A_574 = arith.index_cast %add3A_561 : i32 to index
        %get3A_575 = arith.constant 48 : index
        %get3A_576 = tpu.vector_load %arg15[%get3A_574, %get3A_575] {strides = array<i32>} : memref<128x256xf32, #tpu.memory_space<vmem>>, vector<16xf32>,
        %add3A_577 = arith.addf %add3A_524, %get3A_576 : vector<16xf32>
        %get3A_578 = arith.index_cast %add3A_561 : i32 to index
        %get3A_579 = arith.constant 64 : index
        %get3A_580 = tpu.vector_load %arg15[%get3A_578, %get3A_579] {strides = array<i32>} : memref<128x256xf32, #tpu.memory_space<vmem>>, vector<16xf32>,
        %add3A_581 = arith.addf %add3A_528, %get3A_580 : vector<16xf32>
        %get3A_582 = arith.index_cast %add3A_561 : i32 to index
        %get3A_583 = arith.constant 80 : index
        %get3A_584 = tpu.vector_load %arg15[%get3A_582, %get3A_583] {strides = array<i32>} : memref<128x256xf32, #tpu.memory_space<vmem>>, vector<16xf32>,
        %add3A_585 = arith.addf %add3A_532, %get3A_584 : vector<16xf32>
        %get3A_586 = arith.index_cast %add3A_561 : i32 to index
        %get3A_587 = arith.constant 96 : index
        %get3A_588 = tpu.vector_load %arg15[%get3A_586, %get3A_587] {strides = array<i32>} : memref<128x256xf32, #tpu.memory_space<vmem>>, vector<16xf32>,
        %add3A_589 = arith.addf %add3A_536, %get3A_588 : vector<16xf32>
        %get3A_590 = arith.index_cast %add3A_561 : i32 to index
        %get3A_591 = arith.constant 112 : index
        %get3A_592 = tpu.vector_load %arg15[%get3A_590, %get3A_591] {strides = array<i32>} : memref<128x256xf32, #tpu.memory_space<vmem>>, vector<16xf32>,
        %add3A_593 = arith.addf %add3A_540, %get3A_592 : vector<16xf32>
        %get3A_594 = arith.index_cast %add3A_561 : i32 to index
        %get3A_595 = arith.constant 128 : index
        %get3A_596 = tpu.vector_load %arg15[%get3A_594, %get3A_595] {strides = array<i32>} : memref<128x256xf32, #tpu.memory_space<vmem>>, vector<16xf32>,
        %add3A_597 = arith.addf %add3A_544, %get3A_596 : vector<16xf32>
        %get3A_598 = arith.index_cast %add3A_561 : i32 to index
        %get3A_599 = arith.constant 144 : index
        %get3A_600 = tpu.vector_load %arg15[%get3A_598, %get3A_599] {strides = array<i32>} : memref<128x256xf32, #tpu.memory_space<vmem>>, vector<16xf32>,
        %add3A_601 = arith.addf %add3A_548, %get3A_600 : vector<16xf32>
        %get3A_602 = arith.index_cast %add3A_561 : i32 to index
        %get3A_603 = arith.constant 160 : index
        %get3A_604 = tpu.vector_load %arg15[%get3A_602, %get3A_603] {strides = array<i32>} : memref<128x256xf32, #tpu.memory_space<vmem>>, vector<16xf32>,
        %add3A_605 = arith.addf %add3A_552, %get3A_604 : vector<16xf32>
        %get3A_606 = arith.index_cast %add3A_561 : i32 to index
        %get3A_607 = arith.constant 176 : index
        %get3A_608 = tpu.vector_load %arg15[%get3A_606, %get3A_607] {strides = array<i32>} : memref<128x256xf32, #tpu.memory_space<vmem>>, vector<16xf32>,
        %add3A_609 = arith.addf %add3A_556, %get3A_608 : vector<16xf32>
        %mul3A_610 = arith.constant 16 : i32
        %mul3A_611 = arith.muli %scan3A_71, %mul3A_610 : i32
        %slice3A_612 = vector.extract_strided_slice %masked_sort3A_293 {offsets = [6], sizes = [1], strides = [1]} : vector<16xi32> to vector<1xi32>
        %squeeze3A_613 = vector.extract %slice3A_612[0] : i32 from vector<1xi32>
        %add3A_614 = arith.addi %mul3A_611, %squeeze3A_613 : i32
        %get3A_615 = arith.index_cast %add3A_614 : i32 to index
        %get3A_616 = arith.constant 0 : index
        %get3A_617 = tpu.vector_load %arg15[%get3A_615, %get3A_616] {strides = array<i32>} : memref<128x256xf32, #tpu.memory_space<vmem>>, vector<16xf32>,
        %add3A_618 = arith.addf %add3A_565, %get3A_617 : vector<16xf32>
        %get3A_619 = arith.index_cast %add3A_614 : i32 to index
        %get3A_620 = arith.constant 16 : index
        %get3A_621 = tpu.vector_load %arg15[%get3A_619, %get3A_620] {strides = array<i32>} : memref<128x256xf32, #tpu.memory_space<vmem>>, vector<16xf32>,
        %add3A_622 = arith.addf %add3A_569, %get3A_621 : vector<16xf32>
        %get3A_623 = arith.index_cast %add3A_614 : i32 to index
        %get3A_624 = arith.constant 32 : index
        %get3A_625 = tpu.vector_load %arg15[%get3A_623, %get3A_624] {strides = array<i32>} : memref<128x256xf32, #tpu.memory_space<vmem>>, vector<16xf32>,
        %add3A_626 = arith.addf %add3A_573, %get3A_625 : vector<16xf32>
        %get3A_627 = arith.index_cast %add3A_614 : i32 to index
        %get3A_628 = arith.constant 48 : index
        %get3A_629 = tpu.vector_load %arg15[%get3A_627, %get3A_628] {strides = array<i32>} : memref<128x256xf32, #tpu.memory_space<vmem>>, vector<16xf32>,
        %add3A_630 = arith.addf %add3A_577, %get3A_629 : vector<16xf32>
        %get3A_631 = arith.index_cast %add3A_614 : i32 to index
        %get3A_632 = arith.constant 64 : index
        %get3A_633 = tpu.vector_load %arg15[%get3A_631, %get3A_632] {strides = array<i32>} : memref<128x256xf32, #tpu.memory_space<vmem>>, vector<16xf32>,
        %add3A_634 = arith.addf %add3A_581, %get3A_633 : vector<16xf32>
        %get3A_635 = arith.index_cast %add3A_614 : i32 to index
        %get3A_636 = arith.constant 80 : index
        %get3A_637 = tpu.vector_load %arg15[%get3A_635, %get3A_636] {strides = array<i32>} : memref<128x256xf32, #tpu.memory_space<vmem>>, vector<16xf32>,
        %add3A_638 = arith.addf %add3A_585, %get3A_637 : vector<16xf32>
        %get3A_639 = arith.index_cast %add3A_614 : i32 to index
        %get3A_640 = arith.constant 96 : index
        %get3A_641 = tpu.vector_load %arg15[%get3A_639, %get3A_640] {strides = array<i32>} : memref<128x256xf32, #tpu.memory_space<vmem>>, vector<16xf32>,
        %add3A_642 = arith.addf %add3A_589, %get3A_641 : vector<16xf32>
        %get3A_643 = arith.index_cast %add3A_614 : i32 to index
        %get3A_644 = arith.constant 112 : index
        %get3A_645 = tpu.vector_load %arg15[%get3A_643, %get3A_644] {strides = array<i32>} : memref<128x256xf32, #tpu.memory_space<vmem>>, vector<16xf32>,
        %add3A_646 = arith.addf %add3A_593, %get3A_645 : vector<16xf32>
        %get3A_647 = arith.index_cast %add3A_614 : i32 to index
        %get3A_648 = arith.constant 128 : index
        %get3A_649 = tpu.vector_load %arg15[%get3A_647, %get3A_648] {strides = array<i32>} : memref<128x256xf32, #tpu.memory_space<vmem>>, vector<16xf32>,
        %add3A_650 = arith.addf %add3A_597, %get3A_649 : vector<16xf32>
        %get3A_651 = arith.index_cast %add3A_614 : i32 to index
        %get3A_652 = arith.constant 144 : index
        %get3A_653 = tpu.vector_load %arg15[%get3A_651, %get3A_652] {strides = array<i32>} : memref<128x256xf32, #tpu.memory_space<vmem>>, vector<16xf32>,
        %add3A_654 = arith.addf %add3A_601, %get3A_653 : vector<16xf32>
        %get3A_655 = arith.index_cast %add3A_614 : i32 to index
        %get3A_656 = arith.constant 160 : index
        %get3A_657 = tpu.vector_load %arg15[%get3A_655, %get3A_656] {strides = array<i32>} : memref<128x256xf32, #tpu.memory_space<vmem>>, vector<16xf32>,
        %add3A_658 = arith.addf %add3A_605, %get3A_657 : vector<16xf32>
        %get3A_659 = arith.index_cast %add3A_614 : i32 to index
        %get3A_660 = arith.constant 176 : index
        %get3A_661 = tpu.vector_load %arg15[%get3A_659, %get3A_660] {strides = array<i32>} : memref<128x256xf32, #tpu.memory_space<vmem>>, vector<16xf32>,
        %add3A_662 = arith.addf %add3A_609, %get3A_661 : vector<16xf32>
        %mul3A_663 = arith.constant 16 : i32
        %mul3A_664 = arith.muli %scan3A_71, %mul3A_663 : i32
        %slice3A_665 = vector.extract_strided_slice %masked_sort3A_293 {offsets = [7], sizes = [1], strides = [1]} : vector<16xi32> to vector<1xi32>
        %squeeze3A_666 = vector.extract %slice3A_665[0] : i32 from vector<1xi32>
        %add3A_667 = arith.addi %mul3A_664, %squeeze3A_666 : i32
        %get3A_668 = arith.index_cast %add3A_667 : i32 to index
        %get3A_669 = arith.constant 0 : index
        %get3A_670 = tpu.vector_load %arg15[%get3A_668, %get3A_669] {strides = array<i32>} : memref<128x256xf32, #tpu.memory_space<vmem>>, vector<16xf32>,
        %add3A_671 = arith.addf %add3A_618, %get3A_670 : vector<16xf32>
        %get3A_672 = arith.index_cast %add3A_667 : i32 to index
        %get3A_673 = arith.constant 16 : index
        %get3A_674 = tpu.vector_load %arg15[%get3A_672, %get3A_673] {strides = array<i32>} : memref<128x256xf32, #tpu.memory_space<vmem>>, vector<16xf32>,
        %add3A_675 = arith.addf %add3A_622, %get3A_674 : vector<16xf32>
        %get3A_676 = arith.index_cast %add3A_667 : i32 to index
        %get3A_677 = arith.constant 32 : index
        %get3A_678 = tpu.vector_load %arg15[%get3A_676, %get3A_677] {strides = array<i32>} : memref<128x256xf32, #tpu.memory_space<vmem>>, vector<16xf32>,
        %add3A_679 = arith.addf %add3A_626, %get3A_678 : vector<16xf32>
        %get3A_680 = arith.index_cast %add3A_667 : i32 to index
        %get3A_681 = arith.constant 48 : index
        %get3A_682 = tpu.vector_load %arg15[%get3A_680, %get3A_681] {strides = array<i32>} : memref<128x256xf32, #tpu.memory_space<vmem>>, vector<16xf32>,
        %add3A_683 = arith.addf %add3A_630, %get3A_682 : vector<16xf32>
        %get3A_684 = arith.index_cast %add3A_667 : i32 to index
        %get3A_685 = arith.constant 64 : index
        %get3A_686 = tpu.vector_load %arg15[%get3A_684, %get3A_685] {strides = array<i32>} : memref<128x256xf32, #tpu.memory_space<vmem>>, vector<16xf32>,
        %add3A_687 = arith.addf %add3A_634, %get3A_686 : vector<16xf32>
        %get3A_688 = arith.index_cast %add3A_667 : i32 to index
        %get3A_689 = arith.constant 80 : index
        %get3A_690 = tpu.vector_load %arg15[%get3A_688, %get3A_689] {strides = array<i32>} : memref<128x256xf32, #tpu.memory_space<vmem>>, vector<16xf32>,
        %add3A_691 = arith.addf %add3A_638, %get3A_690 : vector<16xf32>
        %get3A_692 = arith.index_cast %add3A_667 : i32 to index
        %get3A_693 = arith.constant 96 : index
        %get3A_694 = tpu.vector_load %arg15[%get3A_692, %get3A_693] {strides = array<i32>} : memref<128x256xf32, #tpu.memory_space<vmem>>, vector<16xf32>,
        %add3A_695 = arith.addf %add3A_642, %get3A_694 : vector<16xf32>
        %get3A_696 = arith.index_cast %add3A_667 : i32 to index
        %get3A_697 = arith.constant 112 : index
        %get3A_698 = tpu.vector_load %arg15[%get3A_696, %get3A_697] {strides = array<i32>} : memref<128x256xf32, #tpu.memory_space<vmem>>, vector<16xf32>,
        %add3A_699 = arith.addf %add3A_646, %get3A_698 : vector<16xf32>
        %get3A_700 = arith.index_cast %add3A_667 : i32 to index
        %get3A_701 = arith.constant 128 : index
        %get3A_702 = tpu.vector_load %arg15[%get3A_700, %get3A_701] {strides = array<i32>} : memref<128x256xf32, #tpu.memory_space<vmem>>, vector<16xf32>,
        %add3A_703 = arith.addf %add3A_650, %get3A_702 : vector<16xf32>
        %get3A_704 = arith.index_cast %add3A_667 : i32 to index
        %get3A_705 = arith.constant 144 : index
        %get3A_706 = tpu.vector_load %arg15[%get3A_704, %get3A_705] {strides = array<i32>} : memref<128x256xf32, #tpu.memory_space<vmem>>, vector<16xf32>,
        %add3A_707 = arith.addf %add3A_654, %get3A_706 : vector<16xf32>
        %get3A_708 = arith.index_cast %add3A_667 : i32 to index
        %get3A_709 = arith.constant 160 : index
        %get3A_710 = tpu.vector_load %arg15[%get3A_708, %get3A_709] {strides = array<i32>} : memref<128x256xf32, #tpu.memory_space<vmem>>, vector<16xf32>,
        %add3A_711 = arith.addf %add3A_658, %get3A_710 : vector<16xf32>
        %get3A_712 = arith.index_cast %add3A_667 : i32 to index
        %get3A_713 = arith.constant 176 : index
        %get3A_714 = tpu.vector_load %arg15[%get3A_712, %get3A_713] {strides = array<i32>} : memref<128x256xf32, #tpu.memory_space<vmem>>, vector<16xf32>,
        %add3A_715 = arith.addf %add3A_662, %get3A_714 : vector<16xf32>
        %mul3A_716 = arith.constant 1.250000e-01 : f32
        %mul3A_717 = vector.broadcast %mul3A_716 : f32 to vector<16xf32>
        %mul3A_718 = arith.mulf %add3A_671, %mul3A_717 : vector<16xf32>
        %max3A = arith.constant 0.000000e+00 : f32
        %max3A_719 = vector.broadcast %max3A : f32 to vector<16xf32>
        %max3A_720 = arith.maximumf %mul3A_718, %max3A_719 : vector<16xf32>
        %swap3A = arith.index_cast %scan3A_71 : i32 to index
        %swap3A_721 = arith.constant 0 : index
        %swap3A_722 = tpu.vector_load %arg19[%swap3A, %swap3A_721] {strides = array<i32>} : memref<8x256xf32, #tpu.memory_space<vmem>>, vector<16xf32>,
        tpu.vector_store %arg19[%swap3A, %swap3A_721], %max3A_720 {strides = array<i32>} : memref<8x256xf32, #tpu.memory_space<vmem>>, vector<16xf32>,
        %mul3A_723 = arith.constant 1.250000e-01 : f32
        %mul3A_724 = vector.broadcast %mul3A_723 : f32 to vector<16xf32>
        %mul3A_725 = arith.mulf %add3A_675, %mul3A_724 : vector<16xf32>
        %max3A_726 = arith.constant 0.000000e+00 : f32
        %max3A_727 = vector.broadcast %max3A_726 : f32 to vector<16xf32>
        %max3A_728 = arith.maximumf %mul3A_725, %max3A_727 : vector<16xf32>
        %swap3A_729 = arith.index_cast %scan3A_71 : i32 to index
        %swap3A_730 = arith.constant 16 : index
        %swap3A_731 = tpu.vector_load %arg19[%swap3A_729, %swap3A_730] {strides = array<i32>} : memref<8x256xf32, #tpu.memory_space<vmem>>, vector<16xf32>,
        tpu.vector_store %arg19[%swap3A_729, %swap3A_730], %max3A_728 {strides = array<i32>} : memref<8x256xf32, #tpu.memory_space<vmem>>, vector<16xf32>,
        %mul3A_732 = arith.constant 1.250000e-01 : f32
        %mul3A_733 = vector.broadcast %mul3A_732 : f32 to vector<16xf32>
        %mul3A_734 = arith.mulf %add3A_679, %mul3A_733 : vector<16xf32>
        %max3A_735 = arith.constant 0.000000e+00 : f32
        %max3A_736 = vector.broadcast %max3A_735 : f32 to vector<16xf32>
        %max3A_737 = arith.maximumf %mul3A_734, %max3A_736 : vector<16xf32>
        %swap3A_738 = arith.index_cast %scan3A_71 : i32 to index
        %swap3A_739 = arith.constant 32 : index
        %swap3A_740 = tpu.vector_load %arg19[%swap3A_738, %swap3A_739] {strides = array<i32>} : memref<8x256xf32, #tpu.memory_space<vmem>>, vector<16xf32>,
        tpu.vector_store %arg19[%swap3A_738, %swap3A_739], %max3A_737 {strides = array<i32>} : memref<8x256xf32, #tpu.memory_space<vmem>>, vector<16xf32>,
        %mul3A_741 = arith.constant 1.250000e-01 : f32
        %mul3A_742 = vector.broadcast %mul3A_741 : f32 to vector<16xf32>
        %mul3A_743 = arith.mulf %add3A_683, %mul3A_742 : vector<16xf32>
        %max3A_744 = arith.constant 0.000000e+00 : f32
        %max3A_745 = vector.broadcast %max3A_744 : f32 to vector<16xf32>
        %max3A_746 = arith.maximumf %mul3A_743, %max3A_745 : vector<16xf32>
        %swap3A_747 = arith.index_cast %scan3A_71 : i32 to index
        %swap3A_748 = arith.constant 48 : index
        %swap3A_749 = tpu.vector_load %arg19[%swap3A_747, %swap3A_748] {strides = array<i32>} : memref<8x256xf32, #tpu.memory_space<vmem>>, vector<16xf32>,
        tpu.vector_store %arg19[%swap3A_747, %swap3A_748], %max3A_746 {strides = array<i32>} : memref<8x256xf32, #tpu.memory_space<vmem>>, vector<16xf32>,
        %mul3A_750 = arith.constant 1.250000e-01 : f32
        %mul3A_751 = vector.broadcast %mul3A_750 : f32 to vector<16xf32>
        %mul3A_752 = arith.mulf %add3A_687, %mul3A_751 : vector<16xf32>
        %max3A_753 = arith.constant 0.000000e+00 : f32
        %max3A_754 = vector.broadcast %max3A_753 : f32 to vector<16xf32>
        %max3A_755 = arith.maximumf %mul3A_752, %max3A_754 : vector<16xf32>
        %swap3A_756 = arith.index_cast %scan3A_71 : i32 to index
        %swap3A_757 = arith.constant 64 : index
        %swap3A_758 = tpu.vector_load %arg19[%swap3A_756, %swap3A_757] {strides = array<i32>} : memref<8x256xf32, #tpu.memory_space<vmem>>, vector<16xf32>,
        tpu.vector_store %arg19[%swap3A_756, %swap3A_757], %max3A_755 {strides = array<i32>} : memref<8x256xf32, #tpu.memory_space<vmem>>, vector<16xf32>,
        %mul3A_759 = arith.constant 1.250000e-01 : f32
        %mul3A_760 = vector.broadcast %mul3A_759 : f32 to vector<16xf32>
        %mul3A_761 = arith.mulf %add3A_691, %mul3A_760 : vector<16xf32>
        %max3A_762 = arith.constant 0.000000e+00 : f32
        %max3A_763 = vector.broadcast %max3A_762 : f32 to vector<16xf32>
        %max3A_764 = arith.maximumf %mul3A_761, %max3A_763 : vector<16xf32>
        %swap3A_765 = arith.index_cast %scan3A_71 : i32 to index
        %swap3A_766 = arith.constant 80 : index
        %swap3A_767 = tpu.vector_load %arg19[%swap3A_765, %swap3A_766] {strides = array<i32>} : memref<8x256xf32, #tpu.memory_space<vmem>>, vector<16xf32>,
        tpu.vector_store %arg19[%swap3A_765, %swap3A_766], %max3A_764 {strides = array<i32>} : memref<8x256xf32, #tpu.memory_space<vmem>>, vector<16xf32>,
        %mul3A_768 = arith.constant 1.250000e-01 : f32
        %mul3A_769 = vector.broadcast %mul3A_768 : f32 to vector<16xf32>
        %mul3A_770 = arith.mulf %add3A_695, %mul3A_769 : vector<16xf32>
        %max3A_771 = arith.constant 0.000000e+00 : f32
        %max3A_772 = vector.broadcast %max3A_771 : f32 to vector<16xf32>
        %max3A_773 = arith.maximumf %mul3A_770, %max3A_772 : vector<16xf32>
        %swap3A_774 = arith.index_cast %scan3A_71 : i32 to index
        %swap3A_775 = arith.constant 96 : index
        %swap3A_776 = tpu.vector_load %arg19[%swap3A_774, %swap3A_775] {strides = array<i32>} : memref<8x256xf32, #tpu.memory_space<vmem>>, vector<16xf32>,
        tpu.vector_store %arg19[%swap3A_774, %swap3A_775], %max3A_773 {strides = array<i32>} : memref<8x256xf32, #tpu.memory_space<vmem>>, vector<16xf32>,
        %mul3A_777 = arith.constant 1.250000e-01 : f32
        %mul3A_778 = vector.broadcast %mul3A_777 : f32 to vector<16xf32>
        %mul3A_779 = arith.mulf %add3A_699, %mul3A_778 : vector<16xf32>
        %max3A_780 = arith.constant 0.000000e+00 : f32
        %max3A_781 = vector.broadcast %max3A_780 : f32 to vector<16xf32>
        %max3A_782 = arith.maximumf %mul3A_779, %max3A_781 : vector<16xf32>
        %swap3A_783 = arith.index_cast %scan3A_71 : i32 to index
        %swap3A_784 = arith.constant 112 : index
        %swap3A_785 = tpu.vector_load %arg19[%swap3A_783, %swap3A_784] {strides = array<i32>} : memref<8x256xf32, #tpu.memory_space<vmem>>, vector<16xf32>,
        tpu.vector_store %arg19[%swap3A_783, %swap3A_784], %max3A_782 {strides = array<i32>} : memref<8x256xf32, #tpu.memory_space<vmem>>, vector<16xf32>,
        %mul3A_786 = arith.constant 1.250000e-01 : f32
        %mul3A_787 = vector.broadcast %mul3A_786 : f32 to vector<16xf32>
        %mul3A_788 = arith.mulf %add3A_703, %mul3A_787 : vector<16xf32>
        %max3A_789 = arith.constant 0.000000e+00 : f32
        %max3A_790 = vector.broadcast %max3A_789 : f32 to vector<16xf32>
        %max3A_791 = arith.maximumf %mul3A_788, %max3A_790 : vector<16xf32>
        %swap3A_792 = arith.index_cast %scan3A_71 : i32 to index
        %swap3A_793 = arith.constant 128 : index
        %swap3A_794 = tpu.vector_load %arg19[%swap3A_792, %swap3A_793] {strides = array<i32>} : memref<8x256xf32, #tpu.memory_space<vmem>>, vector<16xf32>,
        tpu.vector_store %arg19[%swap3A_792, %swap3A_793], %max3A_791 {strides = array<i32>} : memref<8x256xf32, #tpu.memory_space<vmem>>, vector<16xf32>,
        %mul3A_795 = arith.constant 1.250000e-01 : f32
        %mul3A_796 = vector.broadcast %mul3A_795 : f32 to vector<16xf32>
        %mul3A_797 = arith.mulf %add3A_707, %mul3A_796 : vector<16xf32>
        %max3A_798 = arith.constant 0.000000e+00 : f32
        %max3A_799 = vector.broadcast %max3A_798 : f32 to vector<16xf32>
        %max3A_800 = arith.maximumf %mul3A_797, %max3A_799 : vector<16xf32>
        %swap3A_801 = arith.index_cast %scan3A_71 : i32 to index
        %swap3A_802 = arith.constant 144 : index
        %swap3A_803 = tpu.vector_load %arg19[%swap3A_801, %swap3A_802] {strides = array<i32>} : memref<8x256xf32, #tpu.memory_space<vmem>>, vector<16xf32>,
        tpu.vector_store %arg19[%swap3A_801, %swap3A_802], %max3A_800 {strides = array<i32>} : memref<8x256xf32, #tpu.memory_space<vmem>>, vector<16xf32>,
        %mul3A_804 = arith.constant 1.250000e-01 : f32
        %mul3A_805 = vector.broadcast %mul3A_804 : f32 to vector<16xf32>
        %mul3A_806 = arith.mulf %add3A_711, %mul3A_805 : vector<16xf32>
        %max3A_807 = arith.constant 0.000000e+00 : f32
        %max3A_808 = vector.broadcast %max3A_807 : f32 to vector<16xf32>
        %max3A_809 = arith.maximumf %mul3A_806, %max3A_808 : vector<16xf32>
        %swap3A_810 = arith.index_cast %scan3A_71 : i32 to index
        %swap3A_811 = arith.constant 160 : index
        %swap3A_812 = tpu.vector_load %arg19[%swap3A_810, %swap3A_811] {strides = array<i32>} : memref<8x256xf32, #tpu.memory_space<vmem>>, vector<16xf32>,
        tpu.vector_store %arg19[%swap3A_810, %swap3A_811], %max3A_809 {strides = array<i32>} : memref<8x256xf32, #tpu.memory_space<vmem>>, vector<16xf32>,
        %mul3A_813 = arith.constant 1.250000e-01 : f32
        %mul3A_814 = vector.broadcast %mul3A_813 : f32 to vector<16xf32>
        %mul3A_815 = arith.mulf %add3A_715, %mul3A_814 : vector<16xf32>
        %max3A_816 = arith.constant 0.000000e+00 : f32
        %max3A_817 = vector.broadcast %max3A_816 : f32 to vector<16xf32>
        %max3A_818 = arith.maximumf %mul3A_815, %max3A_817 : vector<16xf32>
        %swap3A_819 = arith.index_cast %scan3A_71 : i32 to index
        %swap3A_820 = arith.constant 176 : index
        %swap3A_821 = tpu.vector_load %arg19[%swap3A_819, %swap3A_820] {strides = array<i32>} : memref<8x256xf32, #tpu.memory_space<vmem>>, vector<16xf32>,
        tpu.vector_store %arg19[%swap3A_819, %swap3A_820], %max3A_818 {strides = array<i32>} : memref<8x256xf32, #tpu.memory_space<vmem>>, vector<16xf32>,
        %scan3A_822 = arith.constant 0 : i32
        %scan3A_823 = arith.constant 16 : i32
        %scan3A_824 = arith.addi %scan3A_822, %scan3A_823 : i32
        %scan3A_825 = arith.constant 1 : i32
        %scan3A_826:2 = scf.for %scan3A_1912 = %scan3A_822 to %scan3A_824 step %scan3A_825 iter_args(%scan3A_1913 = %broadcast_in_dim3A_9, %scan3A_1914 = %broadcast_in_dim3A_11) -> (vector<16xf32>, vector<16xf32>)  : i32 {
          %mul3A_1915 = arith.constant 16 : i32
          %mul3A_1916 = arith.muli %scan3A_71, %mul3A_1915 : i32
          %add3A_1917 = arith.addi %mul3A_1916, %scan3A_1912 : i32
          %get3A_1918 = arith.index_cast %add3A_1917 : i32 to index
          %get3A_1919 = arith.constant 0 : index
          %get3A_1920 = tpu.vector_load %arg16[%get3A_1918, %get3A_1919] {strides = array<i32>} : memref<128x256xf32, #tpu.memory_space<vmem>>, vector<16xf32>,
          %bitcast3A_1921 = vector.bitcast %get3A_1920 : vector<16xf32> to vector<16xi32>
          %add3A_1922 = arith.constant 32767 : i32
          %add3A_1923 = vector.broadcast %add3A_1922 : i32 to vector<16xi32>
          %add3A_1924 = arith.addi %bitcast3A_1921, %add3A_1923 : vector<16xi32>
          %shift_right_arithmetic3A_1925 = arith.constant 16 : i32
          %shift_right_arithmetic3A_1926 = vector.broadcast %shift_right_arithmetic3A_1925 : i32 to vector<16xi32>
          %shift_right_arithmetic3A_1927 = arith.shrsi %bitcast3A_1921, %shift_right_arithmetic3A_1926 : vector<16xi32>
          %and3A_1928 = arith.constant 1 : i32
          %and3A_1929 = vector.broadcast %and3A_1928 : i32 to vector<16xi32>
          %and3A_1930 = arith.andi %shift_right_arithmetic3A_1927, %and3A_1929 : vector<16xi32>
          %add3A_1931 = arith.addi %add3A_1924, %and3A_1930 : vector<16xi32>
          %and3A_1932 = arith.constant -65536 : i32
          %and3A_1933 = vector.broadcast %and3A_1932 : i32 to vector<16xi32>
          %and3A_1934 = arith.andi %add3A_1931, %and3A_1933 : vector<16xi32>
          %bitcast3A_1935 = vector.bitcast %and3A_1934 : vector<16xi32> to vector<16xf32>
          %mul3A_1936 = arith.mulf %bitcast3A_1935, %bitcast3A_85 : vector<16xf32>
          %add3A_1937 = arith.addf %broadcast_in_dim3A_9, %mul3A_1936 : vector<16xf32>
          %mul3A_1938 = arith.mulf %get3A_1920, %get3A_1920 : vector<16xf32>
          %add3A_1939 = arith.addf %broadcast_in_dim3A_9, %mul3A_1938 : vector<16xf32>
          %get3A_1940 = arith.index_cast %add3A_1917 : i32 to index
          %get3A_1941 = arith.constant 16 : index
          %get3A_1942 = tpu.vector_load %arg16[%get3A_1940, %get3A_1941] {strides = array<i32>} : memref<128x256xf32, #tpu.memory_space<vmem>>, vector<16xf32>,
          %bitcast3A_1943 = vector.bitcast %get3A_1942 : vector<16xf32> to vector<16xi32>
          %add3A_1944 = arith.constant 32767 : i32
          %add3A_1945 = vector.broadcast %add3A_1944 : i32 to vector<16xi32>
          %add3A_1946 = arith.addi %bitcast3A_1943, %add3A_1945 : vector<16xi32>
          %shift_right_arithmetic3A_1947 = arith.constant 16 : i32
          %shift_right_arithmetic3A_1948 = vector.broadcast %shift_right_arithmetic3A_1947 : i32 to vector<16xi32>
          %shift_right_arithmetic3A_1949 = arith.shrsi %bitcast3A_1943, %shift_right_arithmetic3A_1948 : vector<16xi32>
          %and3A_1950 = arith.constant 1 : i32
          %and3A_1951 = vector.broadcast %and3A_1950 : i32 to vector<16xi32>
          %and3A_1952 = arith.andi %shift_right_arithmetic3A_1949, %and3A_1951 : vector<16xi32>
          %add3A_1953 = arith.addi %add3A_1946, %and3A_1952 : vector<16xi32>
          %and3A_1954 = arith.constant -65536 : i32
          %and3A_1955 = vector.broadcast %and3A_1954 : i32 to vector<16xi32>
          %and3A_1956 = arith.andi %add3A_1953, %and3A_1955 : vector<16xi32>
          %bitcast3A_1957 = vector.bitcast %and3A_1956 : vector<16xi32> to vector<16xf32>
          %mul3A_1958 = arith.mulf %bitcast3A_1957, %bitcast3A_103 : vector<16xf32>
          %add3A_1959 = arith.addf %add3A_1937, %mul3A_1958 : vector<16xf32>
          %mul3A_1960 = arith.mulf %get3A_1942, %get3A_1942 : vector<16xf32>
          %add3A_1961 = arith.addf %add3A_1939, %mul3A_1960 : vector<16xf32>
          %get3A_1962 = arith.index_cast %add3A_1917 : i32 to index
          %get3A_1963 = arith.constant 32 : index
          %get3A_1964 = tpu.vector_load %arg16[%get3A_1962, %get3A_1963] {strides = array<i32>} : memref<128x256xf32, #tpu.memory_space<vmem>>, vector<16xf32>,
          %bitcast3A_1965 = vector.bitcast %get3A_1964 : vector<16xf32> to vector<16xi32>
          %add3A_1966 = arith.constant 32767 : i32
          %add3A_1967 = vector.broadcast %add3A_1966 : i32 to vector<16xi32>
          %add3A_1968 = arith.addi %bitcast3A_1965, %add3A_1967 : vector<16xi32>
          %shift_right_arithmetic3A_1969 = arith.constant 16 : i32
          %shift_right_arithmetic3A_1970 = vector.broadcast %shift_right_arithmetic3A_1969 : i32 to vector<16xi32>
          %shift_right_arithmetic3A_1971 = arith.shrsi %bitcast3A_1965, %shift_right_arithmetic3A_1970 : vector<16xi32>
          %and3A_1972 = arith.constant 1 : i32
          %and3A_1973 = vector.broadcast %and3A_1972 : i32 to vector<16xi32>
          %and3A_1974 = arith.andi %shift_right_arithmetic3A_1971, %and3A_1973 : vector<16xi32>
          %add3A_1975 = arith.addi %add3A_1968, %and3A_1974 : vector<16xi32>
          %and3A_1976 = arith.constant -65536 : i32
          %and3A_1977 = vector.broadcast %and3A_1976 : i32 to vector<16xi32>
          %and3A_1978 = arith.andi %add3A_1975, %and3A_1977 : vector<16xi32>
          %bitcast3A_1979 = vector.bitcast %and3A_1978 : vector<16xi32> to vector<16xf32>
          %mul3A_1980 = arith.mulf %bitcast3A_1979, %bitcast3A_121 : vector<16xf32>
          %add3A_1981 = arith.addf %add3A_1959, %mul3A_1980 : vector<16xf32>
          %mul3A_1982 = arith.mulf %get3A_1964, %get3A_1964 : vector<16xf32>
          %add3A_1983 = arith.addf %add3A_1961, %mul3A_1982 : vector<16xf32>
          %get3A_1984 = arith.index_cast %add3A_1917 : i32 to index
          %get3A_1985 = arith.constant 48 : index
          %get3A_1986 = tpu.vector_load %arg16[%get3A_1984, %get3A_1985] {strides = array<i32>} : memref<128x256xf32, #tpu.memory_space<vmem>>, vector<16xf32>,
          %bitcast3A_1987 = vector.bitcast %get3A_1986 : vector<16xf32> to vector<16xi32>
          %add3A_1988 = arith.constant 32767 : i32
          %add3A_1989 = vector.broadcast %add3A_1988 : i32 to vector<16xi32>
          %add3A_1990 = arith.addi %bitcast3A_1987, %add3A_1989 : vector<16xi32>
          %shift_right_arithmetic3A_1991 = arith.constant 16 : i32
          %shift_right_arithmetic3A_1992 = vector.broadcast %shift_right_arithmetic3A_1991 : i32 to vector<16xi32>
          %shift_right_arithmetic3A_1993 = arith.shrsi %bitcast3A_1987, %shift_right_arithmetic3A_1992 : vector<16xi32>
          %and3A_1994 = arith.constant 1 : i32
          %and3A_1995 = vector.broadcast %and3A_1994 : i32 to vector<16xi32>
          %and3A_1996 = arith.andi %shift_right_arithmetic3A_1993, %and3A_1995 : vector<16xi32>
          %add3A_1997 = arith.addi %add3A_1990, %and3A_1996 : vector<16xi32>
          %and3A_1998 = arith.constant -65536 : i32
          %and3A_1999 = vector.broadcast %and3A_1998 : i32 to vector<16xi32>
          %and3A_2000 = arith.andi %add3A_1997, %and3A_1999 : vector<16xi32>
          %bitcast3A_2001 = vector.bitcast %and3A_2000 : vector<16xi32> to vector<16xf32>
          %mul3A_2002 = arith.mulf %bitcast3A_2001, %bitcast3A_139 : vector<16xf32>
          %add3A_2003 = arith.addf %add3A_1981, %mul3A_2002 : vector<16xf32>
          %mul3A_2004 = arith.mulf %get3A_1986, %get3A_1986 : vector<16xf32>
          %add3A_2005 = arith.addf %add3A_1983, %mul3A_2004 : vector<16xf32>
          %get3A_2006 = arith.index_cast %add3A_1917 : i32 to index
          %get3A_2007 = arith.constant 64 : index
          %get3A_2008 = tpu.vector_load %arg16[%get3A_2006, %get3A_2007] {strides = array<i32>} : memref<128x256xf32, #tpu.memory_space<vmem>>, vector<16xf32>,
          %bitcast3A_2009 = vector.bitcast %get3A_2008 : vector<16xf32> to vector<16xi32>
          %add3A_2010 = arith.constant 32767 : i32
          %add3A_2011 = vector.broadcast %add3A_2010 : i32 to vector<16xi32>
          %add3A_2012 = arith.addi %bitcast3A_2009, %add3A_2011 : vector<16xi32>
          %shift_right_arithmetic3A_2013 = arith.constant 16 : i32
          %shift_right_arithmetic3A_2014 = vector.broadcast %shift_right_arithmetic3A_2013 : i32 to vector<16xi32>
          %shift_right_arithmetic3A_2015 = arith.shrsi %bitcast3A_2009, %shift_right_arithmetic3A_2014 : vector<16xi32>
          %and3A_2016 = arith.constant 1 : i32
          %and3A_2017 = vector.broadcast %and3A_2016 : i32 to vector<16xi32>
          %and3A_2018 = arith.andi %shift_right_arithmetic3A_2015, %and3A_2017 : vector<16xi32>
          %add3A_2019 = arith.addi %add3A_2012, %and3A_2018 : vector<16xi32>
          %and3A_2020 = arith.constant -65536 : i32
          %and3A_2021 = vector.broadcast %and3A_2020 : i32 to vector<16xi32>
          %and3A_2022 = arith.andi %add3A_2019, %and3A_2021 : vector<16xi32>
          %bitcast3A_2023 = vector.bitcast %and3A_2022 : vector<16xi32> to vector<16xf32>
          %mul3A_2024 = arith.mulf %bitcast3A_2023, %bitcast3A_157 : vector<16xf32>
          %add3A_2025 = arith.addf %add3A_2003, %mul3A_2024 : vector<16xf32>
          %mul3A_2026 = arith.mulf %get3A_2008, %get3A_2008 : vector<16xf32>
          %add3A_2027 = arith.addf %add3A_2005, %mul3A_2026 : vector<16xf32>
          %get3A_2028 = arith.index_cast %add3A_1917 : i32 to index
          %get3A_2029 = arith.constant 80 : index
          %get3A_2030 = tpu.vector_load %arg16[%get3A_2028, %get3A_2029] {strides = array<i32>} : memref<128x256xf32, #tpu.memory_space<vmem>>, vector<16xf32>,
          %bitcast3A_2031 = vector.bitcast %get3A_2030 : vector<16xf32> to vector<16xi32>
          %add3A_2032 = arith.constant 32767 : i32
          %add3A_2033 = vector.broadcast %add3A_2032 : i32 to vector<16xi32>
          %add3A_2034 = arith.addi %bitcast3A_2031, %add3A_2033 : vector<16xi32>
          %shift_right_arithmetic3A_2035 = arith.constant 16 : i32
          %shift_right_arithmetic3A_2036 = vector.broadcast %shift_right_arithmetic3A_2035 : i32 to vector<16xi32>
          %shift_right_arithmetic3A_2037 = arith.shrsi %bitcast3A_2031, %shift_right_arithmetic3A_2036 : vector<16xi32>
          %and3A_2038 = arith.constant 1 : i32
          %and3A_2039 = vector.broadcast %and3A_2038 : i32 to vector<16xi32>
          %and3A_2040 = arith.andi %shift_right_arithmetic3A_2037, %and3A_2039 : vector<16xi32>
          %add3A_2041 = arith.addi %add3A_2034, %and3A_2040 : vector<16xi32>
          %and3A_2042 = arith.constant -65536 : i32
          %and3A_2043 = vector.broadcast %and3A_2042 : i32 to vector<16xi32>
          %and3A_2044 = arith.andi %add3A_2041, %and3A_2043 : vector<16xi32>
          %bitcast3A_2045 = vector.bitcast %and3A_2044 : vector<16xi32> to vector<16xf32>
          %mul3A_2046 = arith.mulf %bitcast3A_2045, %bitcast3A_175 : vector<16xf32>
          %add3A_2047 = arith.addf %add3A_2025, %mul3A_2046 : vector<16xf32>
          %mul3A_2048 = arith.mulf %get3A_2030, %get3A_2030 : vector<16xf32>
          %add3A_2049 = arith.addf %add3A_2027, %mul3A_2048 : vector<16xf32>
          %get3A_2050 = arith.index_cast %add3A_1917 : i32 to index
          %get3A_2051 = arith.constant 96 : index
          %get3A_2052 = tpu.vector_load %arg16[%get3A_2050, %get3A_2051] {strides = array<i32>} : memref<128x256xf32, #tpu.memory_space<vmem>>, vector<16xf32>,
          %bitcast3A_2053 = vector.bitcast %get3A_2052 : vector<16xf32> to vector<16xi32>
          %add3A_2054 = arith.constant 32767 : i32
          %add3A_2055 = vector.broadcast %add3A_2054 : i32 to vector<16xi32>
          %add3A_2056 = arith.addi %bitcast3A_2053, %add3A_2055 : vector<16xi32>
          %shift_right_arithmetic3A_2057 = arith.constant 16 : i32
          %shift_right_arithmetic3A_2058 = vector.broadcast %shift_right_arithmetic3A_2057 : i32 to vector<16xi32>
          %shift_right_arithmetic3A_2059 = arith.shrsi %bitcast3A_2053, %shift_right_arithmetic3A_2058 : vector<16xi32>
          %and3A_2060 = arith.constant 1 : i32
          %and3A_2061 = vector.broadcast %and3A_2060 : i32 to vector<16xi32>
          %and3A_2062 = arith.andi %shift_right_arithmetic3A_2059, %and3A_2061 : vector<16xi32>
          %add3A_2063 = arith.addi %add3A_2056, %and3A_2062 : vector<16xi32>
          %and3A_2064 = arith.constant -65536 : i32
          %and3A_2065 = vector.broadcast %and3A_2064 : i32 to vector<16xi32>
          %and3A_2066 = arith.andi %add3A_2063, %and3A_2065 : vector<16xi32>
          %bitcast3A_2067 = vector.bitcast %and3A_2066 : vector<16xi32> to vector<16xf32>
          %mul3A_2068 = arith.mulf %bitcast3A_2067, %bitcast3A_193 : vector<16xf32>
          %add3A_2069 = arith.addf %add3A_2047, %mul3A_2068 : vector<16xf32>
          %mul3A_2070 = arith.mulf %get3A_2052, %get3A_2052 : vector<16xf32>
          %add3A_2071 = arith.addf %add3A_2049, %mul3A_2070 : vector<16xf32>
          %get3A_2072 = arith.index_cast %add3A_1917 : i32 to index
          %get3A_2073 = arith.constant 112 : index
          %get3A_2074 = tpu.vector_load %arg16[%get3A_2072, %get3A_2073] {strides = array<i32>} : memref<128x256xf32, #tpu.memory_space<vmem>>, vector<16xf32>,
          %bitcast3A_2075 = vector.bitcast %get3A_2074 : vector<16xf32> to vector<16xi32>
          %add3A_2076 = arith.constant 32767 : i32
          %add3A_2077 = vector.broadcast %add3A_2076 : i32 to vector<16xi32>
          %add3A_2078 = arith.addi %bitcast3A_2075, %add3A_2077 : vector<16xi32>
          %shift_right_arithmetic3A_2079 = arith.constant 16 : i32
          %shift_right_arithmetic3A_2080 = vector.broadcast %shift_right_arithmetic3A_2079 : i32 to vector<16xi32>
          %shift_right_arithmetic3A_2081 = arith.shrsi %bitcast3A_2075, %shift_right_arithmetic3A_2080 : vector<16xi32>
          %and3A_2082 = arith.constant 1 : i32
          %and3A_2083 = vector.broadcast %and3A_2082 : i32 to vector<16xi32>
          %and3A_2084 = arith.andi %shift_right_arithmetic3A_2081, %and3A_2083 : vector<16xi32>
          %add3A_2085 = arith.addi %add3A_2078, %and3A_2084 : vector<16xi32>
          %and3A_2086 = arith.constant -65536 : i32
          %and3A_2087 = vector.broadcast %and3A_2086 : i32 to vector<16xi32>
          %and3A_2088 = arith.andi %add3A_2085, %and3A_2087 : vector<16xi32>
          %bitcast3A_2089 = vector.bitcast %and3A_2088 : vector<16xi32> to vector<16xf32>
          %mul3A_2090 = arith.mulf %bitcast3A_2089, %bitcast3A_211 : vector<16xf32>
          %add3A_2091 = arith.addf %add3A_2069, %mul3A_2090 : vector<16xf32>
          %mul3A_2092 = arith.mulf %get3A_2074, %get3A_2074 : vector<16xf32>
          %add3A_2093 = arith.addf %add3A_2071, %mul3A_2092 : vector<16xf32>
          %get3A_2094 = arith.index_cast %add3A_1917 : i32 to index
          %get3A_2095 = arith.constant 128 : index
          %get3A_2096 = tpu.vector_load %arg16[%get3A_2094, %get3A_2095] {strides = array<i32>} : memref<128x256xf32, #tpu.memory_space<vmem>>, vector<16xf32>,
          %bitcast3A_2097 = vector.bitcast %get3A_2096 : vector<16xf32> to vector<16xi32>
          %add3A_2098 = arith.constant 32767 : i32
          %add3A_2099 = vector.broadcast %add3A_2098 : i32 to vector<16xi32>
          %add3A_2100 = arith.addi %bitcast3A_2097, %add3A_2099 : vector<16xi32>
          %shift_right_arithmetic3A_2101 = arith.constant 16 : i32
          %shift_right_arithmetic3A_2102 = vector.broadcast %shift_right_arithmetic3A_2101 : i32 to vector<16xi32>
          %shift_right_arithmetic3A_2103 = arith.shrsi %bitcast3A_2097, %shift_right_arithmetic3A_2102 : vector<16xi32>
          %and3A_2104 = arith.constant 1 : i32
          %and3A_2105 = vector.broadcast %and3A_2104 : i32 to vector<16xi32>
          %and3A_2106 = arith.andi %shift_right_arithmetic3A_2103, %and3A_2105 : vector<16xi32>
          %add3A_2107 = arith.addi %add3A_2100, %and3A_2106 : vector<16xi32>
          %and3A_2108 = arith.constant -65536 : i32
          %and3A_2109 = vector.broadcast %and3A_2108 : i32 to vector<16xi32>
          %and3A_2110 = arith.andi %add3A_2107, %and3A_2109 : vector<16xi32>
          %bitcast3A_2111 = vector.bitcast %and3A_2110 : vector<16xi32> to vector<16xf32>
          %mul3A_2112 = arith.mulf %bitcast3A_2111, %bitcast3A_229 : vector<16xf32>
          %add3A_2113 = arith.addf %add3A_2091, %mul3A_2112 : vector<16xf32>
          %mul3A_2114 = arith.mulf %get3A_2096, %get3A_2096 : vector<16xf32>
          %add3A_2115 = arith.addf %add3A_2093, %mul3A_2114 : vector<16xf32>
          %get3A_2116 = arith.index_cast %add3A_1917 : i32 to index
          %get3A_2117 = arith.constant 144 : index
          %get3A_2118 = tpu.vector_load %arg16[%get3A_2116, %get3A_2117] {strides = array<i32>} : memref<128x256xf32, #tpu.memory_space<vmem>>, vector<16xf32>,
          %bitcast3A_2119 = vector.bitcast %get3A_2118 : vector<16xf32> to vector<16xi32>
          %add3A_2120 = arith.constant 32767 : i32
          %add3A_2121 = vector.broadcast %add3A_2120 : i32 to vector<16xi32>
          %add3A_2122 = arith.addi %bitcast3A_2119, %add3A_2121 : vector<16xi32>
          %shift_right_arithmetic3A_2123 = arith.constant 16 : i32
          %shift_right_arithmetic3A_2124 = vector.broadcast %shift_right_arithmetic3A_2123 : i32 to vector<16xi32>
          %shift_right_arithmetic3A_2125 = arith.shrsi %bitcast3A_2119, %shift_right_arithmetic3A_2124 : vector<16xi32>
          %and3A_2126 = arith.constant 1 : i32
          %and3A_2127 = vector.broadcast %and3A_2126 : i32 to vector<16xi32>
          %and3A_2128 = arith.andi %shift_right_arithmetic3A_2125, %and3A_2127 : vector<16xi32>
          %add3A_2129 = arith.addi %add3A_2122, %and3A_2128 : vector<16xi32>
          %and3A_2130 = arith.constant -65536 : i32
          %and3A_2131 = vector.broadcast %and3A_2130 : i32 to vector<16xi32>
          %and3A_2132 = arith.andi %add3A_2129, %and3A_2131 : vector<16xi32>
          %bitcast3A_2133 = vector.bitcast %and3A_2132 : vector<16xi32> to vector<16xf32>
          %mul3A_2134 = arith.mulf %bitcast3A_2133, %bitcast3A_247 : vector<16xf32>
          %add3A_2135 = arith.addf %add3A_2113, %mul3A_2134 : vector<16xf32>
          %mul3A_2136 = arith.mulf %get3A_2118, %get3A_2118 : vector<16xf32>
          %add3A_2137 = arith.addf %add3A_2115, %mul3A_2136 : vector<16xf32>
          %get3A_2138 = arith.index_cast %add3A_1917 : i32 to index
          %get3A_2139 = arith.constant 160 : index
          %get3A_2140 = tpu.vector_load %arg16[%get3A_2138, %get3A_2139] {strides = array<i32>} : memref<128x256xf32, #tpu.memory_space<vmem>>, vector<16xf32>,
          %bitcast3A_2141 = vector.bitcast %get3A_2140 : vector<16xf32> to vector<16xi32>
          %add3A_2142 = arith.constant 32767 : i32
          %add3A_2143 = vector.broadcast %add3A_2142 : i32 to vector<16xi32>
          %add3A_2144 = arith.addi %bitcast3A_2141, %add3A_2143 : vector<16xi32>
          %shift_right_arithmetic3A_2145 = arith.constant 16 : i32
          %shift_right_arithmetic3A_2146 = vector.broadcast %shift_right_arithmetic3A_2145 : i32 to vector<16xi32>
          %shift_right_arithmetic3A_2147 = arith.shrsi %bitcast3A_2141, %shift_right_arithmetic3A_2146 : vector<16xi32>
          %and3A_2148 = arith.constant 1 : i32
          %and3A_2149 = vector.broadcast %and3A_2148 : i32 to vector<16xi32>
          %and3A_2150 = arith.andi %shift_right_arithmetic3A_2147, %and3A_2149 : vector<16xi32>
          %add3A_2151 = arith.addi %add3A_2144, %and3A_2150 : vector<16xi32>
          %and3A_2152 = arith.constant -65536 : i32
          %and3A_2153 = vector.broadcast %and3A_2152 : i32 to vector<16xi32>
          %and3A_2154 = arith.andi %add3A_2151, %and3A_2153 : vector<16xi32>
          %bitcast3A_2155 = vector.bitcast %and3A_2154 : vector<16xi32> to vector<16xf32>
          %mul3A_2156 = arith.mulf %bitcast3A_2155, %bitcast3A_265 : vector<16xf32>
          %add3A_2157 = arith.addf %add3A_2135, %mul3A_2156 : vector<16xf32>
          %mul3A_2158 = arith.mulf %get3A_2140, %get3A_2140 : vector<16xf32>
          %add3A_2159 = arith.addf %add3A_2137, %mul3A_2158 : vector<16xf32>
          %get3A_2160 = arith.index_cast %add3A_1917 : i32 to index
          %get3A_2161 = arith.constant 176 : index
          %get3A_2162 = tpu.vector_load %arg16[%get3A_2160, %get3A_2161] {strides = array<i32>} : memref<128x256xf32, #tpu.memory_space<vmem>>, vector<16xf32>,
          %bitcast3A_2163 = vector.bitcast %get3A_2162 : vector<16xf32> to vector<16xi32>
          %add3A_2164 = arith.constant 32767 : i32
          %add3A_2165 = vector.broadcast %add3A_2164 : i32 to vector<16xi32>
          %add3A_2166 = arith.addi %bitcast3A_2163, %add3A_2165 : vector<16xi32>
          %shift_right_arithmetic3A_2167 = arith.constant 16 : i32
          %shift_right_arithmetic3A_2168 = vector.broadcast %shift_right_arithmetic3A_2167 : i32 to vector<16xi32>
          %shift_right_arithmetic3A_2169 = arith.shrsi %bitcast3A_2163, %shift_right_arithmetic3A_2168 : vector<16xi32>
          %and3A_2170 = arith.constant 1 : i32
          %and3A_2171 = vector.broadcast %and3A_2170 : i32 to vector<16xi32>
          %and3A_2172 = arith.andi %shift_right_arithmetic3A_2169, %and3A_2171 : vector<16xi32>
          %add3A_2173 = arith.addi %add3A_2166, %and3A_2172 : vector<16xi32>
          %and3A_2174 = arith.constant -65536 : i32
          %and3A_2175 = vector.broadcast %and3A_2174 : i32 to vector<16xi32>
          %and3A_2176 = arith.andi %add3A_2173, %and3A_2175 : vector<16xi32>
          %bitcast3A_2177 = vector.bitcast %and3A_2176 : vector<16xi32> to vector<16xf32>
          %mul3A_2178 = arith.mulf %bitcast3A_2177, %bitcast3A_283 : vector<16xf32>
          %add3A_2179 = arith.addf %add3A_2157, %mul3A_2178 : vector<16xf32>
          %mul3A_2180 = arith.mulf %get3A_2162, %get3A_2162 : vector<16xf32>
          %add3A_2181 = arith.addf %add3A_2159, %mul3A_2180 : vector<16xf32>
          %eq3A = vector.broadcast %scan3A_1912 : i32 to vector<16xi32>
          %eq3A_2182 = arith.cmpi eq, %iota3A, %eq3A : vector<16xi32>
          %reduce_sum3A = arith.constant true
          %reduce_sum3A_2183 = vector.broadcast %reduce_sum3A : i1 to vector<16xi1>
          %reduce_sum3A_2184 = tpu.scan <sum>, %add3A_2179 masked %reduce_sum3A_2183 : vector<16xf32>, vector<16xi1> -> vector<16xf32>
          %reduce_sum3A_2185 = vector.extract %reduce_sum3A_2184[15] : f32 from vector<16xf32>
          %broadcast_in_dim3A_2186 = vector.broadcast %reduce_sum3A_2185 : f32 to vector<16xf32>
          %select_n3A = arith.select %eq3A_2182, %broadcast_in_dim3A_2186, %scan3A_1913 : vector<16xi1>, vector<16xf32>
          %reduce_sum3A_2187 = arith.constant true
          %reduce_sum3A_2188 = vector.broadcast %reduce_sum3A_2187 : i1 to vector<16xi1>
          %reduce_sum3A_2189 = tpu.scan <sum>, %add3A_2181 masked %reduce_sum3A_2188 : vector<16xf32>, vector<16xi1> -> vector<16xf32>
          %reduce_sum3A_2190 = vector.extract %reduce_sum3A_2189[15] : f32 from vector<16xf32>
          %broadcast_in_dim3A_2191 = vector.broadcast %reduce_sum3A_2190 : f32 to vector<16xf32>
          %select_n3A_2192 = arith.select %eq3A_2182, %broadcast_in_dim3A_2191, %scan3A_1914 : vector<16xi1>, vector<16xf32>
          scf.yield %select_n3A, %select_n3A_2192 : vector<16xf32>, vector<16xf32>
        }
        %scan3A_827 = arith.constant 16 : i32
        %abs3A_828 = math.absf %scan3A_826#0 : vector<16xf32>
        %mul3A_829 = arith.mulf %scan3A_826#0, %abs3A_828 : vector<16xf32>
        %div3A_830 = arith.divf %mul3A_829, %scan3A_826#1 : vector<16xf32>
        %masked_sort3A_831 = arith.constant dense<true> : vector<16xi1>
        %masked_sort3A_832, %masked_sort3A_833, %masked_sort3A_834 = tpu.sort %div3A_830, %iota3A masked %masked_sort3A_831 {descending = true} : (vector<16xf32>, vector<16xi32>, vector<16xi1>) -> (vector<16xi1>, vector<16xf32>, vector<16xi32>)
        %mul3A_835 = arith.constant 16 : i32
        %mul3A_836 = arith.muli %scan3A_71, %mul3A_835 : i32
        %slice3A_837 = vector.extract_strided_slice %masked_sort3A_834 {offsets = [0], sizes = [1], strides = [1]} : vector<16xi32> to vector<1xi32>
        %squeeze3A_838 = vector.extract %slice3A_837[0] : i32 from vector<1xi32>
        %add3A_839 = arith.addi %mul3A_836, %squeeze3A_838 : i32
        %get3A_840 = arith.index_cast %add3A_839 : i32 to index
        %get3A_841 = arith.constant 0 : index
        %get3A_842 = tpu.vector_load %arg16[%get3A_840, %get3A_841] {strides = array<i32>} : memref<128x256xf32, #tpu.memory_space<vmem>>, vector<16xf32>,
        %add3A_843 = arith.addf %broadcast_in_dim3A_9, %get3A_842 : vector<16xf32>
        %get3A_844 = arith.index_cast %add3A_839 : i32 to index
        %get3A_845 = arith.constant 16 : index
        %get3A_846 = tpu.vector_load %arg16[%get3A_844, %get3A_845] {strides = array<i32>} : memref<128x256xf32, #tpu.memory_space<vmem>>, vector<16xf32>,
        %add3A_847 = arith.addf %broadcast_in_dim3A_9, %get3A_846 : vector<16xf32>
        %get3A_848 = arith.index_cast %add3A_839 : i32 to index
        %get3A_849 = arith.constant 32 : index
        %get3A_850 = tpu.vector_load %arg16[%get3A_848, %get3A_849] {strides = array<i32>} : memref<128x256xf32, #tpu.memory_space<vmem>>, vector<16xf32>,
        %add3A_851 = arith.addf %broadcast_in_dim3A_9, %get3A_850 : vector<16xf32>
        %get3A_852 = arith.index_cast %add3A_839 : i32 to index
        %get3A_853 = arith.constant 48 : index
        %get3A_854 = tpu.vector_load %arg16[%get3A_852, %get3A_853] {strides = array<i32>} : memref<128x256xf32, #tpu.memory_space<vmem>>, vector<16xf32>,
        %add3A_855 = arith.addf %broadcast_in_dim3A_9, %get3A_854 : vector<16xf32>
        %get3A_856 = arith.index_cast %add3A_839 : i32 to index
        %get3A_857 = arith.constant 64 : index
        %get3A_858 = tpu.vector_load %arg16[%get3A_856, %get3A_857] {strides = array<i32>} : memref<128x256xf32, #tpu.memory_space<vmem>>, vector<16xf32>,
        %add3A_859 = arith.addf %broadcast_in_dim3A_9, %get3A_858 : vector<16xf32>
        %get3A_860 = arith.index_cast %add3A_839 : i32 to index
        %get3A_861 = arith.constant 80 : index
        %get3A_862 = tpu.vector_load %arg16[%get3A_860, %get3A_861] {strides = array<i32>} : memref<128x256xf32, #tpu.memory_space<vmem>>, vector<16xf32>,
        %add3A_863 = arith.addf %broadcast_in_dim3A_9, %get3A_862 : vector<16xf32>
        %get3A_864 = arith.index_cast %add3A_839 : i32 to index
        %get3A_865 = arith.constant 96 : index
        %get3A_866 = tpu.vector_load %arg16[%get3A_864, %get3A_865] {strides = array<i32>} : memref<128x256xf32, #tpu.memory_space<vmem>>, vector<16xf32>,
        %add3A_867 = arith.addf %broadcast_in_dim3A_9, %get3A_866 : vector<16xf32>
        %get3A_868 = arith.index_cast %add3A_839 : i32 to index
        %get3A_869 = arith.constant 112 : index
        %get3A_870 = tpu.vector_load %arg16[%get3A_868, %get3A_869] {strides = array<i32>} : memref<128x256xf32, #tpu.memory_space<vmem>>, vector<16xf32>,
        %add3A_871 = arith.addf %broadcast_in_dim3A_9, %get3A_870 : vector<16xf32>
        %get3A_872 = arith.index_cast %add3A_839 : i32 to index
        %get3A_873 = arith.constant 128 : index
        %get3A_874 = tpu.vector_load %arg16[%get3A_872, %get3A_873] {strides = array<i32>} : memref<128x256xf32, #tpu.memory_space<vmem>>, vector<16xf32>,
        %add3A_875 = arith.addf %broadcast_in_dim3A_9, %get3A_874 : vector<16xf32>
        %get3A_876 = arith.index_cast %add3A_839 : i32 to index
        %get3A_877 = arith.constant 144 : index
        %get3A_878 = tpu.vector_load %arg16[%get3A_876, %get3A_877] {strides = array<i32>} : memref<128x256xf32, #tpu.memory_space<vmem>>, vector<16xf32>,
        %add3A_879 = arith.addf %broadcast_in_dim3A_9, %get3A_878 : vector<16xf32>
        %get3A_880 = arith.index_cast %add3A_839 : i32 to index
        %get3A_881 = arith.constant 160 : index
        %get3A_882 = tpu.vector_load %arg16[%get3A_880, %get3A_881] {strides = array<i32>} : memref<128x256xf32, #tpu.memory_space<vmem>>, vector<16xf32>,
        %add3A_883 = arith.addf %broadcast_in_dim3A_9, %get3A_882 : vector<16xf32>
        %get3A_884 = arith.index_cast %add3A_839 : i32 to index
        %get3A_885 = arith.constant 176 : index
        %get3A_886 = tpu.vector_load %arg16[%get3A_884, %get3A_885] {strides = array<i32>} : memref<128x256xf32, #tpu.memory_space<vmem>>, vector<16xf32>,
        %add3A_887 = arith.addf %broadcast_in_dim3A_9, %get3A_886 : vector<16xf32>
        %mul3A_888 = arith.constant 16 : i32
        %mul3A_889 = arith.muli %scan3A_71, %mul3A_888 : i32
        %slice3A_890 = vector.extract_strided_slice %masked_sort3A_834 {offsets = [1], sizes = [1], strides = [1]} : vector<16xi32> to vector<1xi32>
        %squeeze3A_891 = vector.extract %slice3A_890[0] : i32 from vector<1xi32>
        %add3A_892 = arith.addi %mul3A_889, %squeeze3A_891 : i32
        %get3A_893 = arith.index_cast %add3A_892 : i32 to index
        %get3A_894 = arith.constant 0 : index
        %get3A_895 = tpu.vector_load %arg16[%get3A_893, %get3A_894] {strides = array<i32>} : memref<128x256xf32, #tpu.memory_space<vmem>>, vector<16xf32>,
        %add3A_896 = arith.addf %add3A_843, %get3A_895 : vector<16xf32>
        %get3A_897 = arith.index_cast %add3A_892 : i32 to index
        %get3A_898 = arith.constant 16 : index
        %get3A_899 = tpu.vector_load %arg16[%get3A_897, %get3A_898] {strides = array<i32>} : memref<128x256xf32, #tpu.memory_space<vmem>>, vector<16xf32>,
        %add3A_900 = arith.addf %add3A_847, %get3A_899 : vector<16xf32>
        %get3A_901 = arith.index_cast %add3A_892 : i32 to index
        %get3A_902 = arith.constant 32 : index
        %get3A_903 = tpu.vector_load %arg16[%get3A_901, %get3A_902] {strides = array<i32>} : memref<128x256xf32, #tpu.memory_space<vmem>>, vector<16xf32>,
        %add3A_904 = arith.addf %add3A_851, %get3A_903 : vector<16xf32>
        %get3A_905 = arith.index_cast %add3A_892 : i32 to index
        %get3A_906 = arith.constant 48 : index
        %get3A_907 = tpu.vector_load %arg16[%get3A_905, %get3A_906] {strides = array<i32>} : memref<128x256xf32, #tpu.memory_space<vmem>>, vector<16xf32>,
        %add3A_908 = arith.addf %add3A_855, %get3A_907 : vector<16xf32>
        %get3A_909 = arith.index_cast %add3A_892 : i32 to index
        %get3A_910 = arith.constant 64 : index
        %get3A_911 = tpu.vector_load %arg16[%get3A_909, %get3A_910] {strides = array<i32>} : memref<128x256xf32, #tpu.memory_space<vmem>>, vector<16xf32>,
        %add3A_912 = arith.addf %add3A_859, %get3A_911 : vector<16xf32>
        %get3A_913 = arith.index_cast %add3A_892 : i32 to index
        %get3A_914 = arith.constant 80 : index
        %get3A_915 = tpu.vector_load %arg16[%get3A_913, %get3A_914] {strides = array<i32>} : memref<128x256xf32, #tpu.memory_space<vmem>>, vector<16xf32>,
        %add3A_916 = arith.addf %add3A_863, %get3A_915 : vector<16xf32>
        %get3A_917 = arith.index_cast %add3A_892 : i32 to index
        %get3A_918 = arith.constant 96 : index
        %get3A_919 = tpu.vector_load %arg16[%get3A_917, %get3A_918] {strides = array<i32>} : memref<128x256xf32, #tpu.memory_space<vmem>>, vector<16xf32>,
        %add3A_920 = arith.addf %add3A_867, %get3A_919 : vector<16xf32>
        %get3A_921 = arith.index_cast %add3A_892 : i32 to index
        %get3A_922 = arith.constant 112 : index
        %get3A_923 = tpu.vector_load %arg16[%get3A_921, %get3A_922] {strides = array<i32>} : memref<128x256xf32, #tpu.memory_space<vmem>>, vector<16xf32>,
        %add3A_924 = arith.addf %add3A_871, %get3A_923 : vector<16xf32>
        %get3A_925 = arith.index_cast %add3A_892 : i32 to index
        %get3A_926 = arith.constant 128 : index
        %get3A_927 = tpu.vector_load %arg16[%get3A_925, %get3A_926] {strides = array<i32>} : memref<128x256xf32, #tpu.memory_space<vmem>>, vector<16xf32>,
        %add3A_928 = arith.addf %add3A_875, %get3A_927 : vector<16xf32>
        %get3A_929 = arith.index_cast %add3A_892 : i32 to index
        %get3A_930 = arith.constant 144 : index
        %get3A_931 = tpu.vector_load %arg16[%get3A_929, %get3A_930] {strides = array<i32>} : memref<128x256xf32, #tpu.memory_space<vmem>>, vector<16xf32>,
        %add3A_932 = arith.addf %add3A_879, %get3A_931 : vector<16xf32>
        %get3A_933 = arith.index_cast %add3A_892 : i32 to index
        %get3A_934 = arith.constant 160 : index
        %get3A_935 = tpu.vector_load %arg16[%get3A_933, %get3A_934] {strides = array<i32>} : memref<128x256xf32, #tpu.memory_space<vmem>>, vector<16xf32>,
        %add3A_936 = arith.addf %add3A_883, %get3A_935 : vector<16xf32>
        %get3A_937 = arith.index_cast %add3A_892 : i32 to index
        %get3A_938 = arith.constant 176 : index
        %get3A_939 = tpu.vector_load %arg16[%get3A_937, %get3A_938] {strides = array<i32>} : memref<128x256xf32, #tpu.memory_space<vmem>>, vector<16xf32>,
        %add3A_940 = arith.addf %add3A_887, %get3A_939 : vector<16xf32>
        %mul3A_941 = arith.constant 16 : i32
        %mul3A_942 = arith.muli %scan3A_71, %mul3A_941 : i32
        %slice3A_943 = vector.extract_strided_slice %masked_sort3A_834 {offsets = [2], sizes = [1], strides = [1]} : vector<16xi32> to vector<1xi32>
        %squeeze3A_944 = vector.extract %slice3A_943[0] : i32 from vector<1xi32>
        %add3A_945 = arith.addi %mul3A_942, %squeeze3A_944 : i32
        %get3A_946 = arith.index_cast %add3A_945 : i32 to index
        %get3A_947 = arith.constant 0 : index
        %get3A_948 = tpu.vector_load %arg16[%get3A_946, %get3A_947] {strides = array<i32>} : memref<128x256xf32, #tpu.memory_space<vmem>>, vector<16xf32>,
        %add3A_949 = arith.addf %add3A_896, %get3A_948 : vector<16xf32>
        %get3A_950 = arith.index_cast %add3A_945 : i32 to index
        %get3A_951 = arith.constant 16 : index
        %get3A_952 = tpu.vector_load %arg16[%get3A_950, %get3A_951] {strides = array<i32>} : memref<128x256xf32, #tpu.memory_space<vmem>>, vector<16xf32>,
        %add3A_953 = arith.addf %add3A_900, %get3A_952 : vector<16xf32>
        %get3A_954 = arith.index_cast %add3A_945 : i32 to index
        %get3A_955 = arith.constant 32 : index
        %get3A_956 = tpu.vector_load %arg16[%get3A_954, %get3A_955] {strides = array<i32>} : memref<128x256xf32, #tpu.memory_space<vmem>>, vector<16xf32>,
        %add3A_957 = arith.addf %add3A_904, %get3A_956 : vector<16xf32>
        %get3A_958 = arith.index_cast %add3A_945 : i32 to index
        %get3A_959 = arith.constant 48 : index
        %get3A_960 = tpu.vector_load %arg16[%get3A_958, %get3A_959] {strides = array<i32>} : memref<128x256xf32, #tpu.memory_space<vmem>>, vector<16xf32>,
        %add3A_961 = arith.addf %add3A_908, %get3A_960 : vector<16xf32>
        %get3A_962 = arith.index_cast %add3A_945 : i32 to index
        %get3A_963 = arith.constant 64 : index
        %get3A_964 = tpu.vector_load %arg16[%get3A_962, %get3A_963] {strides = array<i32>} : memref<128x256xf32, #tpu.memory_space<vmem>>, vector<16xf32>,
        %add3A_965 = arith.addf %add3A_912, %get3A_964 : vector<16xf32>
        %get3A_966 = arith.index_cast %add3A_945 : i32 to index
        %get3A_967 = arith.constant 80 : index
        %get3A_968 = tpu.vector_load %arg16[%get3A_966, %get3A_967] {strides = array<i32>} : memref<128x256xf32, #tpu.memory_space<vmem>>, vector<16xf32>,
        %add3A_969 = arith.addf %add3A_916, %get3A_968 : vector<16xf32>
        %get3A_970 = arith.index_cast %add3A_945 : i32 to index
        %get3A_971 = arith.constant 96 : index
        %get3A_972 = tpu.vector_load %arg16[%get3A_970, %get3A_971] {strides = array<i32>} : memref<128x256xf32, #tpu.memory_space<vmem>>, vector<16xf32>,
        %add3A_973 = arith.addf %add3A_920, %get3A_972 : vector<16xf32>
        %get3A_974 = arith.index_cast %add3A_945 : i32 to index
        %get3A_975 = arith.constant 112 : index
        %get3A_976 = tpu.vector_load %arg16[%get3A_974, %get3A_975] {strides = array<i32>} : memref<128x256xf32, #tpu.memory_space<vmem>>, vector<16xf32>,
        %add3A_977 = arith.addf %add3A_924, %get3A_976 : vector<16xf32>
        %get3A_978 = arith.index_cast %add3A_945 : i32 to index
        %get3A_979 = arith.constant 128 : index
        %get3A_980 = tpu.vector_load %arg16[%get3A_978, %get3A_979] {strides = array<i32>} : memref<128x256xf32, #tpu.memory_space<vmem>>, vector<16xf32>,
        %add3A_981 = arith.addf %add3A_928, %get3A_980 : vector<16xf32>
        %get3A_982 = arith.index_cast %add3A_945 : i32 to index
        %get3A_983 = arith.constant 144 : index
        %get3A_984 = tpu.vector_load %arg16[%get3A_982, %get3A_983] {strides = array<i32>} : memref<128x256xf32, #tpu.memory_space<vmem>>, vector<16xf32>,
        %add3A_985 = arith.addf %add3A_932, %get3A_984 : vector<16xf32>
        %get3A_986 = arith.index_cast %add3A_945 : i32 to index
        %get3A_987 = arith.constant 160 : index
        %get3A_988 = tpu.vector_load %arg16[%get3A_986, %get3A_987] {strides = array<i32>} : memref<128x256xf32, #tpu.memory_space<vmem>>, vector<16xf32>,
        %add3A_989 = arith.addf %add3A_936, %get3A_988 : vector<16xf32>
        %get3A_990 = arith.index_cast %add3A_945 : i32 to index
        %get3A_991 = arith.constant 176 : index
        %get3A_992 = tpu.vector_load %arg16[%get3A_990, %get3A_991] {strides = array<i32>} : memref<128x256xf32, #tpu.memory_space<vmem>>, vector<16xf32>,
        %add3A_993 = arith.addf %add3A_940, %get3A_992 : vector<16xf32>
        %mul3A_994 = arith.constant 16 : i32
        %mul3A_995 = arith.muli %scan3A_71, %mul3A_994 : i32
        %slice3A_996 = vector.extract_strided_slice %masked_sort3A_834 {offsets = [3], sizes = [1], strides = [1]} : vector<16xi32> to vector<1xi32>
        %squeeze3A_997 = vector.extract %slice3A_996[0] : i32 from vector<1xi32>
        %add3A_998 = arith.addi %mul3A_995, %squeeze3A_997 : i32
        %get3A_999 = arith.index_cast %add3A_998 : i32 to index
        %get3A_1000 = arith.constant 0 : index
        %get3A_1001 = tpu.vector_load %arg16[%get3A_999, %get3A_1000] {strides = array<i32>} : memref<128x256xf32, #tpu.memory_space<vmem>>, vector<16xf32>,
        %add3A_1002 = arith.addf %add3A_949, %get3A_1001 : vector<16xf32>
        %get3A_1003 = arith.index_cast %add3A_998 : i32 to index
        %get3A_1004 = arith.constant 16 : index
        %get3A_1005 = tpu.vector_load %arg16[%get3A_1003, %get3A_1004] {strides = array<i32>} : memref<128x256xf32, #tpu.memory_space<vmem>>, vector<16xf32>,
        %add3A_1006 = arith.addf %add3A_953, %get3A_1005 : vector<16xf32>
        %get3A_1007 = arith.index_cast %add3A_998 : i32 to index
        %get3A_1008 = arith.constant 32 : index
        %get3A_1009 = tpu.vector_load %arg16[%get3A_1007, %get3A_1008] {strides = array<i32>} : memref<128x256xf32, #tpu.memory_space<vmem>>, vector<16xf32>,
        %add3A_1010 = arith.addf %add3A_957, %get3A_1009 : vector<16xf32>
        %get3A_1011 = arith.index_cast %add3A_998 : i32 to index
        %get3A_1012 = arith.constant 48 : index
        %get3A_1013 = tpu.vector_load %arg16[%get3A_1011, %get3A_1012] {strides = array<i32>} : memref<128x256xf32, #tpu.memory_space<vmem>>, vector<16xf32>,
        %add3A_1014 = arith.addf %add3A_961, %get3A_1013 : vector<16xf32>
        %get3A_1015 = arith.index_cast %add3A_998 : i32 to index
        %get3A_1016 = arith.constant 64 : index
        %get3A_1017 = tpu.vector_load %arg16[%get3A_1015, %get3A_1016] {strides = array<i32>} : memref<128x256xf32, #tpu.memory_space<vmem>>, vector<16xf32>,
        %add3A_1018 = arith.addf %add3A_965, %get3A_1017 : vector<16xf32>
        %get3A_1019 = arith.index_cast %add3A_998 : i32 to index
        %get3A_1020 = arith.constant 80 : index
        %get3A_1021 = tpu.vector_load %arg16[%get3A_1019, %get3A_1020] {strides = array<i32>} : memref<128x256xf32, #tpu.memory_space<vmem>>, vector<16xf32>,
        %add3A_1022 = arith.addf %add3A_969, %get3A_1021 : vector<16xf32>
        %get3A_1023 = arith.index_cast %add3A_998 : i32 to index
        %get3A_1024 = arith.constant 96 : index
        %get3A_1025 = tpu.vector_load %arg16[%get3A_1023, %get3A_1024] {strides = array<i32>} : memref<128x256xf32, #tpu.memory_space<vmem>>, vector<16xf32>,
        %add3A_1026 = arith.addf %add3A_973, %get3A_1025 : vector<16xf32>
        %get3A_1027 = arith.index_cast %add3A_998 : i32 to index
        %get3A_1028 = arith.constant 112 : index
        %get3A_1029 = tpu.vector_load %arg16[%get3A_1027, %get3A_1028] {strides = array<i32>} : memref<128x256xf32, #tpu.memory_space<vmem>>, vector<16xf32>,
        %add3A_1030 = arith.addf %add3A_977, %get3A_1029 : vector<16xf32>
        %get3A_1031 = arith.index_cast %add3A_998 : i32 to index
        %get3A_1032 = arith.constant 128 : index
        %get3A_1033 = tpu.vector_load %arg16[%get3A_1031, %get3A_1032] {strides = array<i32>} : memref<128x256xf32, #tpu.memory_space<vmem>>, vector<16xf32>,
        %add3A_1034 = arith.addf %add3A_981, %get3A_1033 : vector<16xf32>
        %get3A_1035 = arith.index_cast %add3A_998 : i32 to index
        %get3A_1036 = arith.constant 144 : index
        %get3A_1037 = tpu.vector_load %arg16[%get3A_1035, %get3A_1036] {strides = array<i32>} : memref<128x256xf32, #tpu.memory_space<vmem>>, vector<16xf32>,
        %add3A_1038 = arith.addf %add3A_985, %get3A_1037 : vector<16xf32>
        %get3A_1039 = arith.index_cast %add3A_998 : i32 to index
        %get3A_1040 = arith.constant 160 : index
        %get3A_1041 = tpu.vector_load %arg16[%get3A_1039, %get3A_1040] {strides = array<i32>} : memref<128x256xf32, #tpu.memory_space<vmem>>, vector<16xf32>,
        %add3A_1042 = arith.addf %add3A_989, %get3A_1041 : vector<16xf32>
        %get3A_1043 = arith.index_cast %add3A_998 : i32 to index
        %get3A_1044 = arith.constant 176 : index
        %get3A_1045 = tpu.vector_load %arg16[%get3A_1043, %get3A_1044] {strides = array<i32>} : memref<128x256xf32, #tpu.memory_space<vmem>>, vector<16xf32>,
        %add3A_1046 = arith.addf %add3A_993, %get3A_1045 : vector<16xf32>
        %mul3A_1047 = arith.constant 16 : i32
        %mul3A_1048 = arith.muli %scan3A_71, %mul3A_1047 : i32
        %slice3A_1049 = vector.extract_strided_slice %masked_sort3A_834 {offsets = [4], sizes = [1], strides = [1]} : vector<16xi32> to vector<1xi32>
        %squeeze3A_1050 = vector.extract %slice3A_1049[0] : i32 from vector<1xi32>
        %add3A_1051 = arith.addi %mul3A_1048, %squeeze3A_1050 : i32
        %get3A_1052 = arith.index_cast %add3A_1051 : i32 to index
        %get3A_1053 = arith.constant 0 : index
        %get3A_1054 = tpu.vector_load %arg16[%get3A_1052, %get3A_1053] {strides = array<i32>} : memref<128x256xf32, #tpu.memory_space<vmem>>, vector<16xf32>,
        %add3A_1055 = arith.addf %add3A_1002, %get3A_1054 : vector<16xf32>
        %get3A_1056 = arith.index_cast %add3A_1051 : i32 to index
        %get3A_1057 = arith.constant 16 : index
        %get3A_1058 = tpu.vector_load %arg16[%get3A_1056, %get3A_1057] {strides = array<i32>} : memref<128x256xf32, #tpu.memory_space<vmem>>, vector<16xf32>,
        %add3A_1059 = arith.addf %add3A_1006, %get3A_1058 : vector<16xf32>
        %get3A_1060 = arith.index_cast %add3A_1051 : i32 to index
        %get3A_1061 = arith.constant 32 : index
        %get3A_1062 = tpu.vector_load %arg16[%get3A_1060, %get3A_1061] {strides = array<i32>} : memref<128x256xf32, #tpu.memory_space<vmem>>, vector<16xf32>,
        %add3A_1063 = arith.addf %add3A_1010, %get3A_1062 : vector<16xf32>
        %get3A_1064 = arith.index_cast %add3A_1051 : i32 to index
        %get3A_1065 = arith.constant 48 : index
        %get3A_1066 = tpu.vector_load %arg16[%get3A_1064, %get3A_1065] {strides = array<i32>} : memref<128x256xf32, #tpu.memory_space<vmem>>, vector<16xf32>,
        %add3A_1067 = arith.addf %add3A_1014, %get3A_1066 : vector<16xf32>
        %get3A_1068 = arith.index_cast %add3A_1051 : i32 to index
        %get3A_1069 = arith.constant 64 : index
        %get3A_1070 = tpu.vector_load %arg16[%get3A_1068, %get3A_1069] {strides = array<i32>} : memref<128x256xf32, #tpu.memory_space<vmem>>, vector<16xf32>,
        %add3A_1071 = arith.addf %add3A_1018, %get3A_1070 : vector<16xf32>
        %get3A_1072 = arith.index_cast %add3A_1051 : i32 to index
        %get3A_1073 = arith.constant 80 : index
        %get3A_1074 = tpu.vector_load %arg16[%get3A_1072, %get3A_1073] {strides = array<i32>} : memref<128x256xf32, #tpu.memory_space<vmem>>, vector<16xf32>,
        %add3A_1075 = arith.addf %add3A_1022, %get3A_1074 : vector<16xf32>
        %get3A_1076 = arith.index_cast %add3A_1051 : i32 to index
        %get3A_1077 = arith.constant 96 : index
        %get3A_1078 = tpu.vector_load %arg16[%get3A_1076, %get3A_1077] {strides = array<i32>} : memref<128x256xf32, #tpu.memory_space<vmem>>, vector<16xf32>,
        %add3A_1079 = arith.addf %add3A_1026, %get3A_1078 : vector<16xf32>
        %get3A_1080 = arith.index_cast %add3A_1051 : i32 to index
        %get3A_1081 = arith.constant 112 : index
        %get3A_1082 = tpu.vector_load %arg16[%get3A_1080, %get3A_1081] {strides = array<i32>} : memref<128x256xf32, #tpu.memory_space<vmem>>, vector<16xf32>,
        %add3A_1083 = arith.addf %add3A_1030, %get3A_1082 : vector<16xf32>
        %get3A_1084 = arith.index_cast %add3A_1051 : i32 to index
        %get3A_1085 = arith.constant 128 : index
        %get3A_1086 = tpu.vector_load %arg16[%get3A_1084, %get3A_1085] {strides = array<i32>} : memref<128x256xf32, #tpu.memory_space<vmem>>, vector<16xf32>,
        %add3A_1087 = arith.addf %add3A_1034, %get3A_1086 : vector<16xf32>
        %get3A_1088 = arith.index_cast %add3A_1051 : i32 to index
        %get3A_1089 = arith.constant 144 : index
        %get3A_1090 = tpu.vector_load %arg16[%get3A_1088, %get3A_1089] {strides = array<i32>} : memref<128x256xf32, #tpu.memory_space<vmem>>, vector<16xf32>,
        %add3A_1091 = arith.addf %add3A_1038, %get3A_1090 : vector<16xf32>
        %get3A_1092 = arith.index_cast %add3A_1051 : i32 to index
        %get3A_1093 = arith.constant 160 : index
        %get3A_1094 = tpu.vector_load %arg16[%get3A_1092, %get3A_1093] {strides = array<i32>} : memref<128x256xf32, #tpu.memory_space<vmem>>, vector<16xf32>,
        %add3A_1095 = arith.addf %add3A_1042, %get3A_1094 : vector<16xf32>
        %get3A_1096 = arith.index_cast %add3A_1051 : i32 to index
        %get3A_1097 = arith.constant 176 : index
        %get3A_1098 = tpu.vector_load %arg16[%get3A_1096, %get3A_1097] {strides = array<i32>} : memref<128x256xf32, #tpu.memory_space<vmem>>, vector<16xf32>,
        %add3A_1099 = arith.addf %add3A_1046, %get3A_1098 : vector<16xf32>
        %mul3A_1100 = arith.constant 16 : i32
        %mul3A_1101 = arith.muli %scan3A_71, %mul3A_1100 : i32
        %slice3A_1102 = vector.extract_strided_slice %masked_sort3A_834 {offsets = [5], sizes = [1], strides = [1]} : vector<16xi32> to vector<1xi32>
        %squeeze3A_1103 = vector.extract %slice3A_1102[0] : i32 from vector<1xi32>
        %add3A_1104 = arith.addi %mul3A_1101, %squeeze3A_1103 : i32
        %get3A_1105 = arith.index_cast %add3A_1104 : i32 to index
        %get3A_1106 = arith.constant 0 : index
        %get3A_1107 = tpu.vector_load %arg16[%get3A_1105, %get3A_1106] {strides = array<i32>} : memref<128x256xf32, #tpu.memory_space<vmem>>, vector<16xf32>,
        %add3A_1108 = arith.addf %add3A_1055, %get3A_1107 : vector<16xf32>
        %get3A_1109 = arith.index_cast %add3A_1104 : i32 to index
        %get3A_1110 = arith.constant 16 : index
        %get3A_1111 = tpu.vector_load %arg16[%get3A_1109, %get3A_1110] {strides = array<i32>} : memref<128x256xf32, #tpu.memory_space<vmem>>, vector<16xf32>,
        %add3A_1112 = arith.addf %add3A_1059, %get3A_1111 : vector<16xf32>
        %get3A_1113 = arith.index_cast %add3A_1104 : i32 to index
        %get3A_1114 = arith.constant 32 : index
        %get3A_1115 = tpu.vector_load %arg16[%get3A_1113, %get3A_1114] {strides = array<i32>} : memref<128x256xf32, #tpu.memory_space<vmem>>, vector<16xf32>,
        %add3A_1116 = arith.addf %add3A_1063, %get3A_1115 : vector<16xf32>
        %get3A_1117 = arith.index_cast %add3A_1104 : i32 to index
        %get3A_1118 = arith.constant 48 : index
        %get3A_1119 = tpu.vector_load %arg16[%get3A_1117, %get3A_1118] {strides = array<i32>} : memref<128x256xf32, #tpu.memory_space<vmem>>, vector<16xf32>,
        %add3A_1120 = arith.addf %add3A_1067, %get3A_1119 : vector<16xf32>
        %get3A_1121 = arith.index_cast %add3A_1104 : i32 to index
        %get3A_1122 = arith.constant 64 : index
        %get3A_1123 = tpu.vector_load %arg16[%get3A_1121, %get3A_1122] {strides = array<i32>} : memref<128x256xf32, #tpu.memory_space<vmem>>, vector<16xf32>,
        %add3A_1124 = arith.addf %add3A_1071, %get3A_1123 : vector<16xf32>
        %get3A_1125 = arith.index_cast %add3A_1104 : i32 to index
        %get3A_1126 = arith.constant 80 : index
        %get3A_1127 = tpu.vector_load %arg16[%get3A_1125, %get3A_1126] {strides = array<i32>} : memref<128x256xf32, #tpu.memory_space<vmem>>, vector<16xf32>,
        %add3A_1128 = arith.addf %add3A_1075, %get3A_1127 : vector<16xf32>
        %get3A_1129 = arith.index_cast %add3A_1104 : i32 to index
        %get3A_1130 = arith.constant 96 : index
        %get3A_1131 = tpu.vector_load %arg16[%get3A_1129, %get3A_1130] {strides = array<i32>} : memref<128x256xf32, #tpu.memory_space<vmem>>, vector<16xf32>,
        %add3A_1132 = arith.addf %add3A_1079, %get3A_1131 : vector<16xf32>
        %get3A_1133 = arith.index_cast %add3A_1104 : i32 to index
        %get3A_1134 = arith.constant 112 : index
        %get3A_1135 = tpu.vector_load %arg16[%get3A_1133, %get3A_1134] {strides = array<i32>} : memref<128x256xf32, #tpu.memory_space<vmem>>, vector<16xf32>,
        %add3A_1136 = arith.addf %add3A_1083, %get3A_1135 : vector<16xf32>
        %get3A_1137 = arith.index_cast %add3A_1104 : i32 to index
        %get3A_1138 = arith.constant 128 : index
        %get3A_1139 = tpu.vector_load %arg16[%get3A_1137, %get3A_1138] {strides = array<i32>} : memref<128x256xf32, #tpu.memory_space<vmem>>, vector<16xf32>,
        %add3A_1140 = arith.addf %add3A_1087, %get3A_1139 : vector<16xf32>
        %get3A_1141 = arith.index_cast %add3A_1104 : i32 to index
        %get3A_1142 = arith.constant 144 : index
        %get3A_1143 = tpu.vector_load %arg16[%get3A_1141, %get3A_1142] {strides = array<i32>} : memref<128x256xf32, #tpu.memory_space<vmem>>, vector<16xf32>,
        %add3A_1144 = arith.addf %add3A_1091, %get3A_1143 : vector<16xf32>
        %get3A_1145 = arith.index_cast %add3A_1104 : i32 to index
        %get3A_1146 = arith.constant 160 : index
        %get3A_1147 = tpu.vector_load %arg16[%get3A_1145, %get3A_1146] {strides = array<i32>} : memref<128x256xf32, #tpu.memory_space<vmem>>, vector<16xf32>,
        %add3A_1148 = arith.addf %add3A_1095, %get3A_1147 : vector<16xf32>
        %get3A_1149 = arith.index_cast %add3A_1104 : i32 to index
        %get3A_1150 = arith.constant 176 : index
        %get3A_1151 = tpu.vector_load %arg16[%get3A_1149, %get3A_1150] {strides = array<i32>} : memref<128x256xf32, #tpu.memory_space<vmem>>, vector<16xf32>,
        %add3A_1152 = arith.addf %add3A_1099, %get3A_1151 : vector<16xf32>
        %mul3A_1153 = arith.constant 16 : i32
        %mul3A_1154 = arith.muli %scan3A_71, %mul3A_1153 : i32
        %slice3A_1155 = vector.extract_strided_slice %masked_sort3A_834 {offsets = [6], sizes = [1], strides = [1]} : vector<16xi32> to vector<1xi32>
        %squeeze3A_1156 = vector.extract %slice3A_1155[0] : i32 from vector<1xi32>
        %add3A_1157 = arith.addi %mul3A_1154, %squeeze3A_1156 : i32
        %get3A_1158 = arith.index_cast %add3A_1157 : i32 to index
        %get3A_1159 = arith.constant 0 : index
        %get3A_1160 = tpu.vector_load %arg16[%get3A_1158, %get3A_1159] {strides = array<i32>} : memref<128x256xf32, #tpu.memory_space<vmem>>, vector<16xf32>,
        %add3A_1161 = arith.addf %add3A_1108, %get3A_1160 : vector<16xf32>
        %get3A_1162 = arith.index_cast %add3A_1157 : i32 to index
        %get3A_1163 = arith.constant 16 : index
        %get3A_1164 = tpu.vector_load %arg16[%get3A_1162, %get3A_1163] {strides = array<i32>} : memref<128x256xf32, #tpu.memory_space<vmem>>, vector<16xf32>,
        %add3A_1165 = arith.addf %add3A_1112, %get3A_1164 : vector<16xf32>
        %get3A_1166 = arith.index_cast %add3A_1157 : i32 to index
        %get3A_1167 = arith.constant 32 : index
        %get3A_1168 = tpu.vector_load %arg16[%get3A_1166, %get3A_1167] {strides = array<i32>} : memref<128x256xf32, #tpu.memory_space<vmem>>, vector<16xf32>,
        %add3A_1169 = arith.addf %add3A_1116, %get3A_1168 : vector<16xf32>
        %get3A_1170 = arith.index_cast %add3A_1157 : i32 to index
        %get3A_1171 = arith.constant 48 : index
        %get3A_1172 = tpu.vector_load %arg16[%get3A_1170, %get3A_1171] {strides = array<i32>} : memref<128x256xf32, #tpu.memory_space<vmem>>, vector<16xf32>,
        %add3A_1173 = arith.addf %add3A_1120, %get3A_1172 : vector<16xf32>
        %get3A_1174 = arith.index_cast %add3A_1157 : i32 to index
        %get3A_1175 = arith.constant 64 : index
        %get3A_1176 = tpu.vector_load %arg16[%get3A_1174, %get3A_1175] {strides = array<i32>} : memref<128x256xf32, #tpu.memory_space<vmem>>, vector<16xf32>,
        %add3A_1177 = arith.addf %add3A_1124, %get3A_1176 : vector<16xf32>
        %get3A_1178 = arith.index_cast %add3A_1157 : i32 to index
        %get3A_1179 = arith.constant 80 : index
        %get3A_1180 = tpu.vector_load %arg16[%get3A_1178, %get3A_1179] {strides = array<i32>} : memref<128x256xf32, #tpu.memory_space<vmem>>, vector<16xf32>,
        %add3A_1181 = arith.addf %add3A_1128, %get3A_1180 : vector<16xf32>
        %get3A_1182 = arith.index_cast %add3A_1157 : i32 to index
        %get3A_1183 = arith.constant 96 : index
        %get3A_1184 = tpu.vector_load %arg16[%get3A_1182, %get3A_1183] {strides = array<i32>} : memref<128x256xf32, #tpu.memory_space<vmem>>, vector<16xf32>,
        %add3A_1185 = arith.addf %add3A_1132, %get3A_1184 : vector<16xf32>
        %get3A_1186 = arith.index_cast %add3A_1157 : i32 to index
        %get3A_1187 = arith.constant 112 : index
        %get3A_1188 = tpu.vector_load %arg16[%get3A_1186, %get3A_1187] {strides = array<i32>} : memref<128x256xf32, #tpu.memory_space<vmem>>, vector<16xf32>,
        %add3A_1189 = arith.addf %add3A_1136, %get3A_1188 : vector<16xf32>
        %get3A_1190 = arith.index_cast %add3A_1157 : i32 to index
        %get3A_1191 = arith.constant 128 : index
        %get3A_1192 = tpu.vector_load %arg16[%get3A_1190, %get3A_1191] {strides = array<i32>} : memref<128x256xf32, #tpu.memory_space<vmem>>, vector<16xf32>,
        %add3A_1193 = arith.addf %add3A_1140, %get3A_1192 : vector<16xf32>
        %get3A_1194 = arith.index_cast %add3A_1157 : i32 to index
        %get3A_1195 = arith.constant 144 : index
        %get3A_1196 = tpu.vector_load %arg16[%get3A_1194, %get3A_1195] {strides = array<i32>} : memref<128x256xf32, #tpu.memory_space<vmem>>, vector<16xf32>,
        %add3A_1197 = arith.addf %add3A_1144, %get3A_1196 : vector<16xf32>
        %get3A_1198 = arith.index_cast %add3A_1157 : i32 to index
        %get3A_1199 = arith.constant 160 : index
        %get3A_1200 = tpu.vector_load %arg16[%get3A_1198, %get3A_1199] {strides = array<i32>} : memref<128x256xf32, #tpu.memory_space<vmem>>, vector<16xf32>,
        %add3A_1201 = arith.addf %add3A_1148, %get3A_1200 : vector<16xf32>
        %get3A_1202 = arith.index_cast %add3A_1157 : i32 to index
        %get3A_1203 = arith.constant 176 : index
        %get3A_1204 = tpu.vector_load %arg16[%get3A_1202, %get3A_1203] {strides = array<i32>} : memref<128x256xf32, #tpu.memory_space<vmem>>, vector<16xf32>,
        %add3A_1205 = arith.addf %add3A_1152, %get3A_1204 : vector<16xf32>
        %mul3A_1206 = arith.constant 16 : i32
        %mul3A_1207 = arith.muli %scan3A_71, %mul3A_1206 : i32
        %slice3A_1208 = vector.extract_strided_slice %masked_sort3A_834 {offsets = [7], sizes = [1], strides = [1]} : vector<16xi32> to vector<1xi32>
        %squeeze3A_1209 = vector.extract %slice3A_1208[0] : i32 from vector<1xi32>
        %add3A_1210 = arith.addi %mul3A_1207, %squeeze3A_1209 : i32
        %get3A_1211 = arith.index_cast %add3A_1210 : i32 to index
        %get3A_1212 = arith.constant 0 : index
        %get3A_1213 = tpu.vector_load %arg16[%get3A_1211, %get3A_1212] {strides = array<i32>} : memref<128x256xf32, #tpu.memory_space<vmem>>, vector<16xf32>,
        %add3A_1214 = arith.addf %add3A_1161, %get3A_1213 : vector<16xf32>
        %get3A_1215 = arith.index_cast %add3A_1210 : i32 to index
        %get3A_1216 = arith.constant 16 : index
        %get3A_1217 = tpu.vector_load %arg16[%get3A_1215, %get3A_1216] {strides = array<i32>} : memref<128x256xf32, #tpu.memory_space<vmem>>, vector<16xf32>,
        %add3A_1218 = arith.addf %add3A_1165, %get3A_1217 : vector<16xf32>
        %get3A_1219 = arith.index_cast %add3A_1210 : i32 to index
        %get3A_1220 = arith.constant 32 : index
        %get3A_1221 = tpu.vector_load %arg16[%get3A_1219, %get3A_1220] {strides = array<i32>} : memref<128x256xf32, #tpu.memory_space<vmem>>, vector<16xf32>,
        %add3A_1222 = arith.addf %add3A_1169, %get3A_1221 : vector<16xf32>
        %get3A_1223 = arith.index_cast %add3A_1210 : i32 to index
        %get3A_1224 = arith.constant 48 : index
        %get3A_1225 = tpu.vector_load %arg16[%get3A_1223, %get3A_1224] {strides = array<i32>} : memref<128x256xf32, #tpu.memory_space<vmem>>, vector<16xf32>,
        %add3A_1226 = arith.addf %add3A_1173, %get3A_1225 : vector<16xf32>
        %get3A_1227 = arith.index_cast %add3A_1210 : i32 to index
        %get3A_1228 = arith.constant 64 : index
        %get3A_1229 = tpu.vector_load %arg16[%get3A_1227, %get3A_1228] {strides = array<i32>} : memref<128x256xf32, #tpu.memory_space<vmem>>, vector<16xf32>,
        %add3A_1230 = arith.addf %add3A_1177, %get3A_1229 : vector<16xf32>
        %get3A_1231 = arith.index_cast %add3A_1210 : i32 to index
        %get3A_1232 = arith.constant 80 : index
        %get3A_1233 = tpu.vector_load %arg16[%get3A_1231, %get3A_1232] {strides = array<i32>} : memref<128x256xf32, #tpu.memory_space<vmem>>, vector<16xf32>,
        %add3A_1234 = arith.addf %add3A_1181, %get3A_1233 : vector<16xf32>
        %get3A_1235 = arith.index_cast %add3A_1210 : i32 to index
        %get3A_1236 = arith.constant 96 : index
        %get3A_1237 = tpu.vector_load %arg16[%get3A_1235, %get3A_1236] {strides = array<i32>} : memref<128x256xf32, #tpu.memory_space<vmem>>, vector<16xf32>,
        %add3A_1238 = arith.addf %add3A_1185, %get3A_1237 : vector<16xf32>
        %get3A_1239 = arith.index_cast %add3A_1210 : i32 to index
        %get3A_1240 = arith.constant 112 : index
        %get3A_1241 = tpu.vector_load %arg16[%get3A_1239, %get3A_1240] {strides = array<i32>} : memref<128x256xf32, #tpu.memory_space<vmem>>, vector<16xf32>,
        %add3A_1242 = arith.addf %add3A_1189, %get3A_1241 : vector<16xf32>
        %get3A_1243 = arith.index_cast %add3A_1210 : i32 to index
        %get3A_1244 = arith.constant 128 : index
        %get3A_1245 = tpu.vector_load %arg16[%get3A_1243, %get3A_1244] {strides = array<i32>} : memref<128x256xf32, #tpu.memory_space<vmem>>, vector<16xf32>,
        %add3A_1246 = arith.addf %add3A_1193, %get3A_1245 : vector<16xf32>
        %get3A_1247 = arith.index_cast %add3A_1210 : i32 to index
        %get3A_1248 = arith.constant 144 : index
        %get3A_1249 = tpu.vector_load %arg16[%get3A_1247, %get3A_1248] {strides = array<i32>} : memref<128x256xf32, #tpu.memory_space<vmem>>, vector<16xf32>,
        %add3A_1250 = arith.addf %add3A_1197, %get3A_1249 : vector<16xf32>
        %get3A_1251 = arith.index_cast %add3A_1210 : i32 to index
        %get3A_1252 = arith.constant 160 : index
        %get3A_1253 = tpu.vector_load %arg16[%get3A_1251, %get3A_1252] {strides = array<i32>} : memref<128x256xf32, #tpu.memory_space<vmem>>, vector<16xf32>,
        %add3A_1254 = arith.addf %add3A_1201, %get3A_1253 : vector<16xf32>
        %get3A_1255 = arith.index_cast %add3A_1210 : i32 to index
        %get3A_1256 = arith.constant 176 : index
        %get3A_1257 = tpu.vector_load %arg16[%get3A_1255, %get3A_1256] {strides = array<i32>} : memref<128x256xf32, #tpu.memory_space<vmem>>, vector<16xf32>,
        %add3A_1258 = arith.addf %add3A_1205, %get3A_1257 : vector<16xf32>
        %mul3A_1259 = arith.constant 1.250000e-01 : f32
        %mul3A_1260 = vector.broadcast %mul3A_1259 : f32 to vector<16xf32>
        %mul3A_1261 = arith.mulf %add3A_1214, %mul3A_1260 : vector<16xf32>
        %max3A_1262 = arith.constant 0.000000e+00 : f32
        %max3A_1263 = vector.broadcast %max3A_1262 : f32 to vector<16xf32>
        %max3A_1264 = arith.maximumf %mul3A_1261, %max3A_1263 : vector<16xf32>
        %swap3A_1265 = arith.index_cast %scan3A_71 : i32 to index
        %swap3A_1266 = arith.constant 0 : index
        %swap3A_1267 = tpu.vector_load %arg20[%swap3A_1265, %swap3A_1266] {strides = array<i32>} : memref<8x256xf32, #tpu.memory_space<vmem>>, vector<16xf32>,
        tpu.vector_store %arg20[%swap3A_1265, %swap3A_1266], %max3A_1264 {strides = array<i32>} : memref<8x256xf32, #tpu.memory_space<vmem>>, vector<16xf32>,
        %mul3A_1268 = arith.constant 1.250000e-01 : f32
        %mul3A_1269 = vector.broadcast %mul3A_1268 : f32 to vector<16xf32>
        %mul3A_1270 = arith.mulf %add3A_1218, %mul3A_1269 : vector<16xf32>
        %max3A_1271 = arith.constant 0.000000e+00 : f32
        %max3A_1272 = vector.broadcast %max3A_1271 : f32 to vector<16xf32>
        %max3A_1273 = arith.maximumf %mul3A_1270, %max3A_1272 : vector<16xf32>
        %swap3A_1274 = arith.index_cast %scan3A_71 : i32 to index
        %swap3A_1275 = arith.constant 16 : index
        %swap3A_1276 = tpu.vector_load %arg20[%swap3A_1274, %swap3A_1275] {strides = array<i32>} : memref<8x256xf32, #tpu.memory_space<vmem>>, vector<16xf32>,
        tpu.vector_store %arg20[%swap3A_1274, %swap3A_1275], %max3A_1273 {strides = array<i32>} : memref<8x256xf32, #tpu.memory_space<vmem>>, vector<16xf32>,
        %mul3A_1277 = arith.constant 1.250000e-01 : f32
        %mul3A_1278 = vector.broadcast %mul3A_1277 : f32 to vector<16xf32>
        %mul3A_1279 = arith.mulf %add3A_1222, %mul3A_1278 : vector<16xf32>
        %max3A_1280 = arith.constant 0.000000e+00 : f32
        %max3A_1281 = vector.broadcast %max3A_1280 : f32 to vector<16xf32>
        %max3A_1282 = arith.maximumf %mul3A_1279, %max3A_1281 : vector<16xf32>
        %swap3A_1283 = arith.index_cast %scan3A_71 : i32 to index
        %swap3A_1284 = arith.constant 32 : index
        %swap3A_1285 = tpu.vector_load %arg20[%swap3A_1283, %swap3A_1284] {strides = array<i32>} : memref<8x256xf32, #tpu.memory_space<vmem>>, vector<16xf32>,
        tpu.vector_store %arg20[%swap3A_1283, %swap3A_1284], %max3A_1282 {strides = array<i32>} : memref<8x256xf32, #tpu.memory_space<vmem>>, vector<16xf32>,
        %mul3A_1286 = arith.constant 1.250000e-01 : f32
        %mul3A_1287 = vector.broadcast %mul3A_1286 : f32 to vector<16xf32>
        %mul3A_1288 = arith.mulf %add3A_1226, %mul3A_1287 : vector<16xf32>
        %max3A_1289 = arith.constant 0.000000e+00 : f32
        %max3A_1290 = vector.broadcast %max3A_1289 : f32 to vector<16xf32>
        %max3A_1291 = arith.maximumf %mul3A_1288, %max3A_1290 : vector<16xf32>
        %swap3A_1292 = arith.index_cast %scan3A_71 : i32 to index
        %swap3A_1293 = arith.constant 48 : index
        %swap3A_1294 = tpu.vector_load %arg20[%swap3A_1292, %swap3A_1293] {strides = array<i32>} : memref<8x256xf32, #tpu.memory_space<vmem>>, vector<16xf32>,
        tpu.vector_store %arg20[%swap3A_1292, %swap3A_1293], %max3A_1291 {strides = array<i32>} : memref<8x256xf32, #tpu.memory_space<vmem>>, vector<16xf32>,
        %mul3A_1295 = arith.constant 1.250000e-01 : f32
        %mul3A_1296 = vector.broadcast %mul3A_1295 : f32 to vector<16xf32>
        %mul3A_1297 = arith.mulf %add3A_1230, %mul3A_1296 : vector<16xf32>
        %max3A_1298 = arith.constant 0.000000e+00 : f32
        %max3A_1299 = vector.broadcast %max3A_1298 : f32 to vector<16xf32>
        %max3A_1300 = arith.maximumf %mul3A_1297, %max3A_1299 : vector<16xf32>
        %swap3A_1301 = arith.index_cast %scan3A_71 : i32 to index
        %swap3A_1302 = arith.constant 64 : index
        %swap3A_1303 = tpu.vector_load %arg20[%swap3A_1301, %swap3A_1302] {strides = array<i32>} : memref<8x256xf32, #tpu.memory_space<vmem>>, vector<16xf32>,
        tpu.vector_store %arg20[%swap3A_1301, %swap3A_1302], %max3A_1300 {strides = array<i32>} : memref<8x256xf32, #tpu.memory_space<vmem>>, vector<16xf32>,
        %mul3A_1304 = arith.constant 1.250000e-01 : f32
        %mul3A_1305 = vector.broadcast %mul3A_1304 : f32 to vector<16xf32>
        %mul3A_1306 = arith.mulf %add3A_1234, %mul3A_1305 : vector<16xf32>
        %max3A_1307 = arith.constant 0.000000e+00 : f32
        %max3A_1308 = vector.broadcast %max3A_1307 : f32 to vector<16xf32>
        %max3A_1309 = arith.maximumf %mul3A_1306, %max3A_1308 : vector<16xf32>
        %swap3A_1310 = arith.index_cast %scan3A_71 : i32 to index
        %swap3A_1311 = arith.constant 80 : index
        %swap3A_1312 = tpu.vector_load %arg20[%swap3A_1310, %swap3A_1311] {strides = array<i32>} : memref<8x256xf32, #tpu.memory_space<vmem>>, vector<16xf32>,
        tpu.vector_store %arg20[%swap3A_1310, %swap3A_1311], %max3A_1309 {strides = array<i32>} : memref<8x256xf32, #tpu.memory_space<vmem>>, vector<16xf32>,
        %mul3A_1313 = arith.constant 1.250000e-01 : f32
        %mul3A_1314 = vector.broadcast %mul3A_1313 : f32 to vector<16xf32>
        %mul3A_1315 = arith.mulf %add3A_1238, %mul3A_1314 : vector<16xf32>
        %max3A_1316 = arith.constant 0.000000e+00 : f32
        %max3A_1317 = vector.broadcast %max3A_1316 : f32 to vector<16xf32>
        %max3A_1318 = arith.maximumf %mul3A_1315, %max3A_1317 : vector<16xf32>
        %swap3A_1319 = arith.index_cast %scan3A_71 : i32 to index
        %swap3A_1320 = arith.constant 96 : index
        %swap3A_1321 = tpu.vector_load %arg20[%swap3A_1319, %swap3A_1320] {strides = array<i32>} : memref<8x256xf32, #tpu.memory_space<vmem>>, vector<16xf32>,
        tpu.vector_store %arg20[%swap3A_1319, %swap3A_1320], %max3A_1318 {strides = array<i32>} : memref<8x256xf32, #tpu.memory_space<vmem>>, vector<16xf32>,
        %mul3A_1322 = arith.constant 1.250000e-01 : f32
        %mul3A_1323 = vector.broadcast %mul3A_1322 : f32 to vector<16xf32>
        %mul3A_1324 = arith.mulf %add3A_1242, %mul3A_1323 : vector<16xf32>
        %max3A_1325 = arith.constant 0.000000e+00 : f32
        %max3A_1326 = vector.broadcast %max3A_1325 : f32 to vector<16xf32>
        %max3A_1327 = arith.maximumf %mul3A_1324, %max3A_1326 : vector<16xf32>
        %swap3A_1328 = arith.index_cast %scan3A_71 : i32 to index
        %swap3A_1329 = arith.constant 112 : index
        %swap3A_1330 = tpu.vector_load %arg20[%swap3A_1328, %swap3A_1329] {strides = array<i32>} : memref<8x256xf32, #tpu.memory_space<vmem>>, vector<16xf32>,
        tpu.vector_store %arg20[%swap3A_1328, %swap3A_1329], %max3A_1327 {strides = array<i32>} : memref<8x256xf32, #tpu.memory_space<vmem>>, vector<16xf32>,
        %mul3A_1331 = arith.constant 1.250000e-01 : f32
        %mul3A_1332 = vector.broadcast %mul3A_1331 : f32 to vector<16xf32>
        %mul3A_1333 = arith.mulf %add3A_1246, %mul3A_1332 : vector<16xf32>
        %max3A_1334 = arith.constant 0.000000e+00 : f32
        %max3A_1335 = vector.broadcast %max3A_1334 : f32 to vector<16xf32>
        %max3A_1336 = arith.maximumf %mul3A_1333, %max3A_1335 : vector<16xf32>
        %swap3A_1337 = arith.index_cast %scan3A_71 : i32 to index
        %swap3A_1338 = arith.constant 128 : index
        %swap3A_1339 = tpu.vector_load %arg20[%swap3A_1337, %swap3A_1338] {strides = array<i32>} : memref<8x256xf32, #tpu.memory_space<vmem>>, vector<16xf32>,
        tpu.vector_store %arg20[%swap3A_1337, %swap3A_1338], %max3A_1336 {strides = array<i32>} : memref<8x256xf32, #tpu.memory_space<vmem>>, vector<16xf32>,
        %mul3A_1340 = arith.constant 1.250000e-01 : f32
        %mul3A_1341 = vector.broadcast %mul3A_1340 : f32 to vector<16xf32>
        %mul3A_1342 = arith.mulf %add3A_1250, %mul3A_1341 : vector<16xf32>
        %max3A_1343 = arith.constant 0.000000e+00 : f32
        %max3A_1344 = vector.broadcast %max3A_1343 : f32 to vector<16xf32>
        %max3A_1345 = arith.maximumf %mul3A_1342, %max3A_1344 : vector<16xf32>
        %swap3A_1346 = arith.index_cast %scan3A_71 : i32 to index
        %swap3A_1347 = arith.constant 144 : index
        %swap3A_1348 = tpu.vector_load %arg20[%swap3A_1346, %swap3A_1347] {strides = array<i32>} : memref<8x256xf32, #tpu.memory_space<vmem>>, vector<16xf32>,
        tpu.vector_store %arg20[%swap3A_1346, %swap3A_1347], %max3A_1345 {strides = array<i32>} : memref<8x256xf32, #tpu.memory_space<vmem>>, vector<16xf32>,
        %mul3A_1349 = arith.constant 1.250000e-01 : f32
        %mul3A_1350 = vector.broadcast %mul3A_1349 : f32 to vector<16xf32>
        %mul3A_1351 = arith.mulf %add3A_1254, %mul3A_1350 : vector<16xf32>
        %max3A_1352 = arith.constant 0.000000e+00 : f32
        %max3A_1353 = vector.broadcast %max3A_1352 : f32 to vector<16xf32>
        %max3A_1354 = arith.maximumf %mul3A_1351, %max3A_1353 : vector<16xf32>
        %swap3A_1355 = arith.index_cast %scan3A_71 : i32 to index
        %swap3A_1356 = arith.constant 160 : index
        %swap3A_1357 = tpu.vector_load %arg20[%swap3A_1355, %swap3A_1356] {strides = array<i32>} : memref<8x256xf32, #tpu.memory_space<vmem>>, vector<16xf32>,
        tpu.vector_store %arg20[%swap3A_1355, %swap3A_1356], %max3A_1354 {strides = array<i32>} : memref<8x256xf32, #tpu.memory_space<vmem>>, vector<16xf32>,
        %mul3A_1358 = arith.constant 1.250000e-01 : f32
        %mul3A_1359 = vector.broadcast %mul3A_1358 : f32 to vector<16xf32>
        %mul3A_1360 = arith.mulf %add3A_1258, %mul3A_1359 : vector<16xf32>
        %max3A_1361 = arith.constant 0.000000e+00 : f32
        %max3A_1362 = vector.broadcast %max3A_1361 : f32 to vector<16xf32>
        %max3A_1363 = arith.maximumf %mul3A_1360, %max3A_1362 : vector<16xf32>
        %swap3A_1364 = arith.index_cast %scan3A_71 : i32 to index
        %swap3A_1365 = arith.constant 176 : index
        %swap3A_1366 = tpu.vector_load %arg20[%swap3A_1364, %swap3A_1365] {strides = array<i32>} : memref<8x256xf32, #tpu.memory_space<vmem>>, vector<16xf32>,
        tpu.vector_store %arg20[%swap3A_1364, %swap3A_1365], %max3A_1363 {strides = array<i32>} : memref<8x256xf32, #tpu.memory_space<vmem>>, vector<16xf32>,
        %scan3A_1367 = arith.constant 0 : i32
        %scan3A_1368 = arith.constant 16 : i32
        %scan3A_1369 = arith.addi %scan3A_1367, %scan3A_1368 : i32
        %scan3A_1370 = arith.constant 1 : i32
        %scan3A_1371:2 = scf.for %scan3A_1912 = %scan3A_1367 to %scan3A_1369 step %scan3A_1370 iter_args(%scan3A_1913 = %broadcast_in_dim3A_9, %scan3A_1914 = %broadcast_in_dim3A_11) -> (vector<16xf32>, vector<16xf32>)  : i32 {
          %mul3A_1915 = arith.constant 16 : i32
          %mul3A_1916 = arith.muli %scan3A_71, %mul3A_1915 : i32
          %add3A_1917 = arith.addi %mul3A_1916, %scan3A_1912 : i32
          %get3A_1918 = arith.index_cast %add3A_1917 : i32 to index
          %get3A_1919 = arith.constant 0 : index
          %get3A_1920 = tpu.vector_load %arg17[%get3A_1918, %get3A_1919] {strides = array<i32>} : memref<128x256xf32, #tpu.memory_space<vmem>>, vector<16xf32>,
          %bitcast3A_1921 = vector.bitcast %get3A_1920 : vector<16xf32> to vector<16xi32>
          %add3A_1922 = arith.constant 32767 : i32
          %add3A_1923 = vector.broadcast %add3A_1922 : i32 to vector<16xi32>
          %add3A_1924 = arith.addi %bitcast3A_1921, %add3A_1923 : vector<16xi32>
          %shift_right_arithmetic3A_1925 = arith.constant 16 : i32
          %shift_right_arithmetic3A_1926 = vector.broadcast %shift_right_arithmetic3A_1925 : i32 to vector<16xi32>
          %shift_right_arithmetic3A_1927 = arith.shrsi %bitcast3A_1921, %shift_right_arithmetic3A_1926 : vector<16xi32>
          %and3A_1928 = arith.constant 1 : i32
          %and3A_1929 = vector.broadcast %and3A_1928 : i32 to vector<16xi32>
          %and3A_1930 = arith.andi %shift_right_arithmetic3A_1927, %and3A_1929 : vector<16xi32>
          %add3A_1931 = arith.addi %add3A_1924, %and3A_1930 : vector<16xi32>
          %and3A_1932 = arith.constant -65536 : i32
          %and3A_1933 = vector.broadcast %and3A_1932 : i32 to vector<16xi32>
          %and3A_1934 = arith.andi %add3A_1931, %and3A_1933 : vector<16xi32>
          %bitcast3A_1935 = vector.bitcast %and3A_1934 : vector<16xi32> to vector<16xf32>
          %mul3A_1936 = arith.mulf %bitcast3A_1935, %bitcast3A_85 : vector<16xf32>
          %add3A_1937 = arith.addf %broadcast_in_dim3A_9, %mul3A_1936 : vector<16xf32>
          %mul3A_1938 = arith.mulf %get3A_1920, %get3A_1920 : vector<16xf32>
          %add3A_1939 = arith.addf %broadcast_in_dim3A_9, %mul3A_1938 : vector<16xf32>
          %get3A_1940 = arith.index_cast %add3A_1917 : i32 to index
          %get3A_1941 = arith.constant 16 : index
          %get3A_1942 = tpu.vector_load %arg17[%get3A_1940, %get3A_1941] {strides = array<i32>} : memref<128x256xf32, #tpu.memory_space<vmem>>, vector<16xf32>,
          %bitcast3A_1943 = vector.bitcast %get3A_1942 : vector<16xf32> to vector<16xi32>
          %add3A_1944 = arith.constant 32767 : i32
          %add3A_1945 = vector.broadcast %add3A_1944 : i32 to vector<16xi32>
          %add3A_1946 = arith.addi %bitcast3A_1943, %add3A_1945 : vector<16xi32>
          %shift_right_arithmetic3A_1947 = arith.constant 16 : i32
          %shift_right_arithmetic3A_1948 = vector.broadcast %shift_right_arithmetic3A_1947 : i32 to vector<16xi32>
          %shift_right_arithmetic3A_1949 = arith.shrsi %bitcast3A_1943, %shift_right_arithmetic3A_1948 : vector<16xi32>
          %and3A_1950 = arith.constant 1 : i32
          %and3A_1951 = vector.broadcast %and3A_1950 : i32 to vector<16xi32>
          %and3A_1952 = arith.andi %shift_right_arithmetic3A_1949, %and3A_1951 : vector<16xi32>
          %add3A_1953 = arith.addi %add3A_1946, %and3A_1952 : vector<16xi32>
          %and3A_1954 = arith.constant -65536 : i32
          %and3A_1955 = vector.broadcast %and3A_1954 : i32 to vector<16xi32>
          %and3A_1956 = arith.andi %add3A_1953, %and3A_1955 : vector<16xi32>
          %bitcast3A_1957 = vector.bitcast %and3A_1956 : vector<16xi32> to vector<16xf32>
          %mul3A_1958 = arith.mulf %bitcast3A_1957, %bitcast3A_103 : vector<16xf32>
          %add3A_1959 = arith.addf %add3A_1937, %mul3A_1958 : vector<16xf32>
          %mul3A_1960 = arith.mulf %get3A_1942, %get3A_1942 : vector<16xf32>
          %add3A_1961 = arith.addf %add3A_1939, %mul3A_1960 : vector<16xf32>
          %get3A_1962 = arith.index_cast %add3A_1917 : i32 to index
          %get3A_1963 = arith.constant 32 : index
          %get3A_1964 = tpu.vector_load %arg17[%get3A_1962, %get3A_1963] {strides = array<i32>} : memref<128x256xf32, #tpu.memory_space<vmem>>, vector<16xf32>,
          %bitcast3A_1965 = vector.bitcast %get3A_1964 : vector<16xf32> to vector<16xi32>
          %add3A_1966 = arith.constant 32767 : i32
          %add3A_1967 = vector.broadcast %add3A_1966 : i32 to vector<16xi32>
          %add3A_1968 = arith.addi %bitcast3A_1965, %add3A_1967 : vector<16xi32>
          %shift_right_arithmetic3A_1969 = arith.constant 16 : i32
          %shift_right_arithmetic3A_1970 = vector.broadcast %shift_right_arithmetic3A_1969 : i32 to vector<16xi32>
          %shift_right_arithmetic3A_1971 = arith.shrsi %bitcast3A_1965, %shift_right_arithmetic3A_1970 : vector<16xi32>
          %and3A_1972 = arith.constant 1 : i32
          %and3A_1973 = vector.broadcast %and3A_1972 : i32 to vector<16xi32>
          %and3A_1974 = arith.andi %shift_right_arithmetic3A_1971, %and3A_1973 : vector<16xi32>
          %add3A_1975 = arith.addi %add3A_1968, %and3A_1974 : vector<16xi32>
          %and3A_1976 = arith.constant -65536 : i32
          %and3A_1977 = vector.broadcast %and3A_1976 : i32 to vector<16xi32>
          %and3A_1978 = arith.andi %add3A_1975, %and3A_1977 : vector<16xi32>
          %bitcast3A_1979 = vector.bitcast %and3A_1978 : vector<16xi32> to vector<16xf32>
          %mul3A_1980 = arith.mulf %bitcast3A_1979, %bitcast3A_121 : vector<16xf32>
          %add3A_1981 = arith.addf %add3A_1959, %mul3A_1980 : vector<16xf32>
          %mul3A_1982 = arith.mulf %get3A_1964, %get3A_1964 : vector<16xf32>
          %add3A_1983 = arith.addf %add3A_1961, %mul3A_1982 : vector<16xf32>
          %get3A_1984 = arith.index_cast %add3A_1917 : i32 to index
          %get3A_1985 = arith.constant 48 : index
          %get3A_1986 = tpu.vector_load %arg17[%get3A_1984, %get3A_1985] {strides = array<i32>} : memref<128x256xf32, #tpu.memory_space<vmem>>, vector<16xf32>,
          %bitcast3A_1987 = vector.bitcast %get3A_1986 : vector<16xf32> to vector<16xi32>
          %add3A_1988 = arith.constant 32767 : i32
          %add3A_1989 = vector.broadcast %add3A_1988 : i32 to vector<16xi32>
          %add3A_1990 = arith.addi %bitcast3A_1987, %add3A_1989 : vector<16xi32>
          %shift_right_arithmetic3A_1991 = arith.constant 16 : i32
          %shift_right_arithmetic3A_1992 = vector.broadcast %shift_right_arithmetic3A_1991 : i32 to vector<16xi32>
          %shift_right_arithmetic3A_1993 = arith.shrsi %bitcast3A_1987, %shift_right_arithmetic3A_1992 : vector<16xi32>
          %and3A_1994 = arith.constant 1 : i32
          %and3A_1995 = vector.broadcast %and3A_1994 : i32 to vector<16xi32>
          %and3A_1996 = arith.andi %shift_right_arithmetic3A_1993, %and3A_1995 : vector<16xi32>
          %add3A_1997 = arith.addi %add3A_1990, %and3A_1996 : vector<16xi32>
          %and3A_1998 = arith.constant -65536 : i32
          %and3A_1999 = vector.broadcast %and3A_1998 : i32 to vector<16xi32>
          %and3A_2000 = arith.andi %add3A_1997, %and3A_1999 : vector<16xi32>
          %bitcast3A_2001 = vector.bitcast %and3A_2000 : vector<16xi32> to vector<16xf32>
          %mul3A_2002 = arith.mulf %bitcast3A_2001, %bitcast3A_139 : vector<16xf32>
          %add3A_2003 = arith.addf %add3A_1981, %mul3A_2002 : vector<16xf32>
          %mul3A_2004 = arith.mulf %get3A_1986, %get3A_1986 : vector<16xf32>
          %add3A_2005 = arith.addf %add3A_1983, %mul3A_2004 : vector<16xf32>
          %get3A_2006 = arith.index_cast %add3A_1917 : i32 to index
          %get3A_2007 = arith.constant 64 : index
          %get3A_2008 = tpu.vector_load %arg17[%get3A_2006, %get3A_2007] {strides = array<i32>} : memref<128x256xf32, #tpu.memory_space<vmem>>, vector<16xf32>,
          %bitcast3A_2009 = vector.bitcast %get3A_2008 : vector<16xf32> to vector<16xi32>
          %add3A_2010 = arith.constant 32767 : i32
          %add3A_2011 = vector.broadcast %add3A_2010 : i32 to vector<16xi32>
          %add3A_2012 = arith.addi %bitcast3A_2009, %add3A_2011 : vector<16xi32>
          %shift_right_arithmetic3A_2013 = arith.constant 16 : i32
          %shift_right_arithmetic3A_2014 = vector.broadcast %shift_right_arithmetic3A_2013 : i32 to vector<16xi32>
          %shift_right_arithmetic3A_2015 = arith.shrsi %bitcast3A_2009, %shift_right_arithmetic3A_2014 : vector<16xi32>
          %and3A_2016 = arith.constant 1 : i32
          %and3A_2017 = vector.broadcast %and3A_2016 : i32 to vector<16xi32>
          %and3A_2018 = arith.andi %shift_right_arithmetic3A_2015, %and3A_2017 : vector<16xi32>
          %add3A_2019 = arith.addi %add3A_2012, %and3A_2018 : vector<16xi32>
          %and3A_2020 = arith.constant -65536 : i32
          %and3A_2021 = vector.broadcast %and3A_2020 : i32 to vector<16xi32>
          %and3A_2022 = arith.andi %add3A_2019, %and3A_2021 : vector<16xi32>
          %bitcast3A_2023 = vector.bitcast %and3A_2022 : vector<16xi32> to vector<16xf32>
          %mul3A_2024 = arith.mulf %bitcast3A_2023, %bitcast3A_157 : vector<16xf32>
          %add3A_2025 = arith.addf %add3A_2003, %mul3A_2024 : vector<16xf32>
          %mul3A_2026 = arith.mulf %get3A_2008, %get3A_2008 : vector<16xf32>
          %add3A_2027 = arith.addf %add3A_2005, %mul3A_2026 : vector<16xf32>
          %get3A_2028 = arith.index_cast %add3A_1917 : i32 to index
          %get3A_2029 = arith.constant 80 : index
          %get3A_2030 = tpu.vector_load %arg17[%get3A_2028, %get3A_2029] {strides = array<i32>} : memref<128x256xf32, #tpu.memory_space<vmem>>, vector<16xf32>,
          %bitcast3A_2031 = vector.bitcast %get3A_2030 : vector<16xf32> to vector<16xi32>
          %add3A_2032 = arith.constant 32767 : i32
          %add3A_2033 = vector.broadcast %add3A_2032 : i32 to vector<16xi32>
          %add3A_2034 = arith.addi %bitcast3A_2031, %add3A_2033 : vector<16xi32>
          %shift_right_arithmetic3A_2035 = arith.constant 16 : i32
          %shift_right_arithmetic3A_2036 = vector.broadcast %shift_right_arithmetic3A_2035 : i32 to vector<16xi32>
          %shift_right_arithmetic3A_2037 = arith.shrsi %bitcast3A_2031, %shift_right_arithmetic3A_2036 : vector<16xi32>
          %and3A_2038 = arith.constant 1 : i32
          %and3A_2039 = vector.broadcast %and3A_2038 : i32 to vector<16xi32>
          %and3A_2040 = arith.andi %shift_right_arithmetic3A_2037, %and3A_2039 : vector<16xi32>
          %add3A_2041 = arith.addi %add3A_2034, %and3A_2040 : vector<16xi32>
          %and3A_2042 = arith.constant -65536 : i32
          %and3A_2043 = vector.broadcast %and3A_2042 : i32 to vector<16xi32>
          %and3A_2044 = arith.andi %add3A_2041, %and3A_2043 : vector<16xi32>
          %bitcast3A_2045 = vector.bitcast %and3A_2044 : vector<16xi32> to vector<16xf32>
          %mul3A_2046 = arith.mulf %bitcast3A_2045, %bitcast3A_175 : vector<16xf32>
          %add3A_2047 = arith.addf %add3A_2025, %mul3A_2046 : vector<16xf32>
          %mul3A_2048 = arith.mulf %get3A_2030, %get3A_2030 : vector<16xf32>
          %add3A_2049 = arith.addf %add3A_2027, %mul3A_2048 : vector<16xf32>
          %get3A_2050 = arith.index_cast %add3A_1917 : i32 to index
          %get3A_2051 = arith.constant 96 : index
          %get3A_2052 = tpu.vector_load %arg17[%get3A_2050, %get3A_2051] {strides = array<i32>} : memref<128x256xf32, #tpu.memory_space<vmem>>, vector<16xf32>,
          %bitcast3A_2053 = vector.bitcast %get3A_2052 : vector<16xf32> to vector<16xi32>
          %add3A_2054 = arith.constant 32767 : i32
          %add3A_2055 = vector.broadcast %add3A_2054 : i32 to vector<16xi32>
          %add3A_2056 = arith.addi %bitcast3A_2053, %add3A_2055 : vector<16xi32>
          %shift_right_arithmetic3A_2057 = arith.constant 16 : i32
          %shift_right_arithmetic3A_2058 = vector.broadcast %shift_right_arithmetic3A_2057 : i32 to vector<16xi32>
          %shift_right_arithmetic3A_2059 = arith.shrsi %bitcast3A_2053, %shift_right_arithmetic3A_2058 : vector<16xi32>
          %and3A_2060 = arith.constant 1 : i32
          %and3A_2061 = vector.broadcast %and3A_2060 : i32 to vector<16xi32>
          %and3A_2062 = arith.andi %shift_right_arithmetic3A_2059, %and3A_2061 : vector<16xi32>
          %add3A_2063 = arith.addi %add3A_2056, %and3A_2062 : vector<16xi32>
          %and3A_2064 = arith.constant -65536 : i32
          %and3A_2065 = vector.broadcast %and3A_2064 : i32 to vector<16xi32>
          %and3A_2066 = arith.andi %add3A_2063, %and3A_2065 : vector<16xi32>
          %bitcast3A_2067 = vector.bitcast %and3A_2066 : vector<16xi32> to vector<16xf32>
          %mul3A_2068 = arith.mulf %bitcast3A_2067, %bitcast3A_193 : vector<16xf32>
          %add3A_2069 = arith.addf %add3A_2047, %mul3A_2068 : vector<16xf32>
          %mul3A_2070 = arith.mulf %get3A_2052, %get3A_2052 : vector<16xf32>
          %add3A_2071 = arith.addf %add3A_2049, %mul3A_2070 : vector<16xf32>
          %get3A_2072 = arith.index_cast %add3A_1917 : i32 to index
          %get3A_2073 = arith.constant 112 : index
          %get3A_2074 = tpu.vector_load %arg17[%get3A_2072, %get3A_2073] {strides = array<i32>} : memref<128x256xf32, #tpu.memory_space<vmem>>, vector<16xf32>,
          %bitcast3A_2075 = vector.bitcast %get3A_2074 : vector<16xf32> to vector<16xi32>
          %add3A_2076 = arith.constant 32767 : i32
          %add3A_2077 = vector.broadcast %add3A_2076 : i32 to vector<16xi32>
          %add3A_2078 = arith.addi %bitcast3A_2075, %add3A_2077 : vector<16xi32>
          %shift_right_arithmetic3A_2079 = arith.constant 16 : i32
          %shift_right_arithmetic3A_2080 = vector.broadcast %shift_right_arithmetic3A_2079 : i32 to vector<16xi32>
          %shift_right_arithmetic3A_2081 = arith.shrsi %bitcast3A_2075, %shift_right_arithmetic3A_2080 : vector<16xi32>
          %and3A_2082 = arith.constant 1 : i32
          %and3A_2083 = vector.broadcast %and3A_2082 : i32 to vector<16xi32>
          %and3A_2084 = arith.andi %shift_right_arithmetic3A_2081, %and3A_2083 : vector<16xi32>
          %add3A_2085 = arith.addi %add3A_2078, %and3A_2084 : vector<16xi32>
          %and3A_2086 = arith.constant -65536 : i32
          %and3A_2087 = vector.broadcast %and3A_2086 : i32 to vector<16xi32>
          %and3A_2088 = arith.andi %add3A_2085, %and3A_2087 : vector<16xi32>
          %bitcast3A_2089 = vector.bitcast %and3A_2088 : vector<16xi32> to vector<16xf32>
          %mul3A_2090 = arith.mulf %bitcast3A_2089, %bitcast3A_211 : vector<16xf32>
          %add3A_2091 = arith.addf %add3A_2069, %mul3A_2090 : vector<16xf32>
          %mul3A_2092 = arith.mulf %get3A_2074, %get3A_2074 : vector<16xf32>
          %add3A_2093 = arith.addf %add3A_2071, %mul3A_2092 : vector<16xf32>
          %get3A_2094 = arith.index_cast %add3A_1917 : i32 to index
          %get3A_2095 = arith.constant 128 : index
          %get3A_2096 = tpu.vector_load %arg17[%get3A_2094, %get3A_2095] {strides = array<i32>} : memref<128x256xf32, #tpu.memory_space<vmem>>, vector<16xf32>,
          %bitcast3A_2097 = vector.bitcast %get3A_2096 : vector<16xf32> to vector<16xi32>
          %add3A_2098 = arith.constant 32767 : i32
          %add3A_2099 = vector.broadcast %add3A_2098 : i32 to vector<16xi32>
          %add3A_2100 = arith.addi %bitcast3A_2097, %add3A_2099 : vector<16xi32>
          %shift_right_arithmetic3A_2101 = arith.constant 16 : i32
          %shift_right_arithmetic3A_2102 = vector.broadcast %shift_right_arithmetic3A_2101 : i32 to vector<16xi32>
          %shift_right_arithmetic3A_2103 = arith.shrsi %bitcast3A_2097, %shift_right_arithmetic3A_2102 : vector<16xi32>
          %and3A_2104 = arith.constant 1 : i32
          %and3A_2105 = vector.broadcast %and3A_2104 : i32 to vector<16xi32>
          %and3A_2106 = arith.andi %shift_right_arithmetic3A_2103, %and3A_2105 : vector<16xi32>
          %add3A_2107 = arith.addi %add3A_2100, %and3A_2106 : vector<16xi32>
          %and3A_2108 = arith.constant -65536 : i32
          %and3A_2109 = vector.broadcast %and3A_2108 : i32 to vector<16xi32>
          %and3A_2110 = arith.andi %add3A_2107, %and3A_2109 : vector<16xi32>
          %bitcast3A_2111 = vector.bitcast %and3A_2110 : vector<16xi32> to vector<16xf32>
          %mul3A_2112 = arith.mulf %bitcast3A_2111, %bitcast3A_229 : vector<16xf32>
          %add3A_2113 = arith.addf %add3A_2091, %mul3A_2112 : vector<16xf32>
          %mul3A_2114 = arith.mulf %get3A_2096, %get3A_2096 : vector<16xf32>
          %add3A_2115 = arith.addf %add3A_2093, %mul3A_2114 : vector<16xf32>
          %get3A_2116 = arith.index_cast %add3A_1917 : i32 to index
          %get3A_2117 = arith.constant 144 : index
          %get3A_2118 = tpu.vector_load %arg17[%get3A_2116, %get3A_2117] {strides = array<i32>} : memref<128x256xf32, #tpu.memory_space<vmem>>, vector<16xf32>,
          %bitcast3A_2119 = vector.bitcast %get3A_2118 : vector<16xf32> to vector<16xi32>
          %add3A_2120 = arith.constant 32767 : i32
          %add3A_2121 = vector.broadcast %add3A_2120 : i32 to vector<16xi32>
          %add3A_2122 = arith.addi %bitcast3A_2119, %add3A_2121 : vector<16xi32>
          %shift_right_arithmetic3A_2123 = arith.constant 16 : i32
          %shift_right_arithmetic3A_2124 = vector.broadcast %shift_right_arithmetic3A_2123 : i32 to vector<16xi32>
          %shift_right_arithmetic3A_2125 = arith.shrsi %bitcast3A_2119, %shift_right_arithmetic3A_2124 : vector<16xi32>
          %and3A_2126 = arith.constant 1 : i32
          %and3A_2127 = vector.broadcast %and3A_2126 : i32 to vector<16xi32>
          %and3A_2128 = arith.andi %shift_right_arithmetic3A_2125, %and3A_2127 : vector<16xi32>
          %add3A_2129 = arith.addi %add3A_2122, %and3A_2128 : vector<16xi32>
          %and3A_2130 = arith.constant -65536 : i32
          %and3A_2131 = vector.broadcast %and3A_2130 : i32 to vector<16xi32>
          %and3A_2132 = arith.andi %add3A_2129, %and3A_2131 : vector<16xi32>
          %bitcast3A_2133 = vector.bitcast %and3A_2132 : vector<16xi32> to vector<16xf32>
          %mul3A_2134 = arith.mulf %bitcast3A_2133, %bitcast3A_247 : vector<16xf32>
          %add3A_2135 = arith.addf %add3A_2113, %mul3A_2134 : vector<16xf32>
          %mul3A_2136 = arith.mulf %get3A_2118, %get3A_2118 : vector<16xf32>
          %add3A_2137 = arith.addf %add3A_2115, %mul3A_2136 : vector<16xf32>
          %get3A_2138 = arith.index_cast %add3A_1917 : i32 to index
          %get3A_2139 = arith.constant 160 : index
          %get3A_2140 = tpu.vector_load %arg17[%get3A_2138, %get3A_2139] {strides = array<i32>} : memref<128x256xf32, #tpu.memory_space<vmem>>, vector<16xf32>,
          %bitcast3A_2141 = vector.bitcast %get3A_2140 : vector<16xf32> to vector<16xi32>
          %add3A_2142 = arith.constant 32767 : i32
          %add3A_2143 = vector.broadcast %add3A_2142 : i32 to vector<16xi32>
          %add3A_2144 = arith.addi %bitcast3A_2141, %add3A_2143 : vector<16xi32>
          %shift_right_arithmetic3A_2145 = arith.constant 16 : i32
          %shift_right_arithmetic3A_2146 = vector.broadcast %shift_right_arithmetic3A_2145 : i32 to vector<16xi32>
          %shift_right_arithmetic3A_2147 = arith.shrsi %bitcast3A_2141, %shift_right_arithmetic3A_2146 : vector<16xi32>
          %and3A_2148 = arith.constant 1 : i32
          %and3A_2149 = vector.broadcast %and3A_2148 : i32 to vector<16xi32>
          %and3A_2150 = arith.andi %shift_right_arithmetic3A_2147, %and3A_2149 : vector<16xi32>
          %add3A_2151 = arith.addi %add3A_2144, %and3A_2150 : vector<16xi32>
          %and3A_2152 = arith.constant -65536 : i32
          %and3A_2153 = vector.broadcast %and3A_2152 : i32 to vector<16xi32>
          %and3A_2154 = arith.andi %add3A_2151, %and3A_2153 : vector<16xi32>
          %bitcast3A_2155 = vector.bitcast %and3A_2154 : vector<16xi32> to vector<16xf32>
          %mul3A_2156 = arith.mulf %bitcast3A_2155, %bitcast3A_265 : vector<16xf32>
          %add3A_2157 = arith.addf %add3A_2135, %mul3A_2156 : vector<16xf32>
          %mul3A_2158 = arith.mulf %get3A_2140, %get3A_2140 : vector<16xf32>
          %add3A_2159 = arith.addf %add3A_2137, %mul3A_2158 : vector<16xf32>
          %get3A_2160 = arith.index_cast %add3A_1917 : i32 to index
          %get3A_2161 = arith.constant 176 : index
          %get3A_2162 = tpu.vector_load %arg17[%get3A_2160, %get3A_2161] {strides = array<i32>} : memref<128x256xf32, #tpu.memory_space<vmem>>, vector<16xf32>,
          %bitcast3A_2163 = vector.bitcast %get3A_2162 : vector<16xf32> to vector<16xi32>
          %add3A_2164 = arith.constant 32767 : i32
          %add3A_2165 = vector.broadcast %add3A_2164 : i32 to vector<16xi32>
          %add3A_2166 = arith.addi %bitcast3A_2163, %add3A_2165 : vector<16xi32>
          %shift_right_arithmetic3A_2167 = arith.constant 16 : i32
          %shift_right_arithmetic3A_2168 = vector.broadcast %shift_right_arithmetic3A_2167 : i32 to vector<16xi32>
          %shift_right_arithmetic3A_2169 = arith.shrsi %bitcast3A_2163, %shift_right_arithmetic3A_2168 : vector<16xi32>
          %and3A_2170 = arith.constant 1 : i32
          %and3A_2171 = vector.broadcast %and3A_2170 : i32 to vector<16xi32>
          %and3A_2172 = arith.andi %shift_right_arithmetic3A_2169, %and3A_2171 : vector<16xi32>
          %add3A_2173 = arith.addi %add3A_2166, %and3A_2172 : vector<16xi32>
          %and3A_2174 = arith.constant -65536 : i32
          %and3A_2175 = vector.broadcast %and3A_2174 : i32 to vector<16xi32>
          %and3A_2176 = arith.andi %add3A_2173, %and3A_2175 : vector<16xi32>
          %bitcast3A_2177 = vector.bitcast %and3A_2176 : vector<16xi32> to vector<16xf32>
          %mul3A_2178 = arith.mulf %bitcast3A_2177, %bitcast3A_283 : vector<16xf32>
          %add3A_2179 = arith.addf %add3A_2157, %mul3A_2178 : vector<16xf32>
          %mul3A_2180 = arith.mulf %get3A_2162, %get3A_2162 : vector<16xf32>
          %add3A_2181 = arith.addf %add3A_2159, %mul3A_2180 : vector<16xf32>
          %eq3A = vector.broadcast %scan3A_1912 : i32 to vector<16xi32>
          %eq3A_2182 = arith.cmpi eq, %iota3A, %eq3A : vector<16xi32>
          %reduce_sum3A = arith.constant true
          %reduce_sum3A_2183 = vector.broadcast %reduce_sum3A : i1 to vector<16xi1>
          %reduce_sum3A_2184 = tpu.scan <sum>, %add3A_2179 masked %reduce_sum3A_2183 : vector<16xf32>, vector<16xi1> -> vector<16xf32>
          %reduce_sum3A_2185 = vector.extract %reduce_sum3A_2184[15] : f32 from vector<16xf32>
          %broadcast_in_dim3A_2186 = vector.broadcast %reduce_sum3A_2185 : f32 to vector<16xf32>
          %select_n3A = arith.select %eq3A_2182, %broadcast_in_dim3A_2186, %scan3A_1913 : vector<16xi1>, vector<16xf32>
          %reduce_sum3A_2187 = arith.constant true
          %reduce_sum3A_2188 = vector.broadcast %reduce_sum3A_2187 : i1 to vector<16xi1>
          %reduce_sum3A_2189 = tpu.scan <sum>, %add3A_2181 masked %reduce_sum3A_2188 : vector<16xf32>, vector<16xi1> -> vector<16xf32>
          %reduce_sum3A_2190 = vector.extract %reduce_sum3A_2189[15] : f32 from vector<16xf32>
          %broadcast_in_dim3A_2191 = vector.broadcast %reduce_sum3A_2190 : f32 to vector<16xf32>
          %select_n3A_2192 = arith.select %eq3A_2182, %broadcast_in_dim3A_2191, %scan3A_1914 : vector<16xi1>, vector<16xf32>
          scf.yield %select_n3A, %select_n3A_2192 : vector<16xf32>, vector<16xf32>
        }
        %scan3A_1372 = arith.constant 16 : i32
        %abs3A_1373 = math.absf %scan3A_1371#0 : vector<16xf32>
        %mul3A_1374 = arith.mulf %scan3A_1371#0, %abs3A_1373 : vector<16xf32>
        %div3A_1375 = arith.divf %mul3A_1374, %scan3A_1371#1 : vector<16xf32>
        %masked_sort3A_1376 = arith.constant dense<true> : vector<16xi1>
        %masked_sort3A_1377, %masked_sort3A_1378, %masked_sort3A_1379 = tpu.sort %div3A_1375, %iota3A masked %masked_sort3A_1376 {descending = true} : (vector<16xf32>, vector<16xi32>, vector<16xi1>) -> (vector<16xi1>, vector<16xf32>, vector<16xi32>)
        %mul3A_1380 = arith.constant 16 : i32
        %mul3A_1381 = arith.muli %scan3A_71, %mul3A_1380 : i32
        %slice3A_1382 = vector.extract_strided_slice %masked_sort3A_1379 {offsets = [0], sizes = [1], strides = [1]} : vector<16xi32> to vector<1xi32>
        %squeeze3A_1383 = vector.extract %slice3A_1382[0] : i32 from vector<1xi32>
        %add3A_1384 = arith.addi %mul3A_1381, %squeeze3A_1383 : i32
        %get3A_1385 = arith.index_cast %add3A_1384 : i32 to index
        %get3A_1386 = arith.constant 0 : index
        %get3A_1387 = tpu.vector_load %arg17[%get3A_1385, %get3A_1386] {strides = array<i32>} : memref<128x256xf32, #tpu.memory_space<vmem>>, vector<16xf32>,
        %add3A_1388 = arith.addf %broadcast_in_dim3A_9, %get3A_1387 : vector<16xf32>
        %get3A_1389 = arith.index_cast %add3A_1384 : i32 to index
        %get3A_1390 = arith.constant 16 : index
        %get3A_1391 = tpu.vector_load %arg17[%get3A_1389, %get3A_1390] {strides = array<i32>} : memref<128x256xf32, #tpu.memory_space<vmem>>, vector<16xf32>,
        %add3A_1392 = arith.addf %broadcast_in_dim3A_9, %get3A_1391 : vector<16xf32>
        %get3A_1393 = arith.index_cast %add3A_1384 : i32 to index
        %get3A_1394 = arith.constant 32 : index
        %get3A_1395 = tpu.vector_load %arg17[%get3A_1393, %get3A_1394] {strides = array<i32>} : memref<128x256xf32, #tpu.memory_space<vmem>>, vector<16xf32>,
        %add3A_1396 = arith.addf %broadcast_in_dim3A_9, %get3A_1395 : vector<16xf32>
        %get3A_1397 = arith.index_cast %add3A_1384 : i32 to index
        %get3A_1398 = arith.constant 48 : index
        %get3A_1399 = tpu.vector_load %arg17[%get3A_1397, %get3A_1398] {strides = array<i32>} : memref<128x256xf32, #tpu.memory_space<vmem>>, vector<16xf32>,
        %add3A_1400 = arith.addf %broadcast_in_dim3A_9, %get3A_1399 : vector<16xf32>
        %get3A_1401 = arith.index_cast %add3A_1384 : i32 to index
        %get3A_1402 = arith.constant 64 : index
        %get3A_1403 = tpu.vector_load %arg17[%get3A_1401, %get3A_1402] {strides = array<i32>} : memref<128x256xf32, #tpu.memory_space<vmem>>, vector<16xf32>,
        %add3A_1404 = arith.addf %broadcast_in_dim3A_9, %get3A_1403 : vector<16xf32>
        %get3A_1405 = arith.index_cast %add3A_1384 : i32 to index
        %get3A_1406 = arith.constant 80 : index
        %get3A_1407 = tpu.vector_load %arg17[%get3A_1405, %get3A_1406] {strides = array<i32>} : memref<128x256xf32, #tpu.memory_space<vmem>>, vector<16xf32>,
        %add3A_1408 = arith.addf %broadcast_in_dim3A_9, %get3A_1407 : vector<16xf32>
        %get3A_1409 = arith.index_cast %add3A_1384 : i32 to index
        %get3A_1410 = arith.constant 96 : index
        %get3A_1411 = tpu.vector_load %arg17[%get3A_1409, %get3A_1410] {strides = array<i32>} : memref<128x256xf32, #tpu.memory_space<vmem>>, vector<16xf32>,
        %add3A_1412 = arith.addf %broadcast_in_dim3A_9, %get3A_1411 : vector<16xf32>
        %get3A_1413 = arith.index_cast %add3A_1384 : i32 to index
        %get3A_1414 = arith.constant 112 : index
        %get3A_1415 = tpu.vector_load %arg17[%get3A_1413, %get3A_1414] {strides = array<i32>} : memref<128x256xf32, #tpu.memory_space<vmem>>, vector<16xf32>,
        %add3A_1416 = arith.addf %broadcast_in_dim3A_9, %get3A_1415 : vector<16xf32>
        %get3A_1417 = arith.index_cast %add3A_1384 : i32 to index
        %get3A_1418 = arith.constant 128 : index
        %get3A_1419 = tpu.vector_load %arg17[%get3A_1417, %get3A_1418] {strides = array<i32>} : memref<128x256xf32, #tpu.memory_space<vmem>>, vector<16xf32>,
        %add3A_1420 = arith.addf %broadcast_in_dim3A_9, %get3A_1419 : vector<16xf32>
        %get3A_1421 = arith.index_cast %add3A_1384 : i32 to index
        %get3A_1422 = arith.constant 144 : index
        %get3A_1423 = tpu.vector_load %arg17[%get3A_1421, %get3A_1422] {strides = array<i32>} : memref<128x256xf32, #tpu.memory_space<vmem>>, vector<16xf32>,
        %add3A_1424 = arith.addf %broadcast_in_dim3A_9, %get3A_1423 : vector<16xf32>
        %get3A_1425 = arith.index_cast %add3A_1384 : i32 to index
        %get3A_1426 = arith.constant 160 : index
        %get3A_1427 = tpu.vector_load %arg17[%get3A_1425, %get3A_1426] {strides = array<i32>} : memref<128x256xf32, #tpu.memory_space<vmem>>, vector<16xf32>,
        %add3A_1428 = arith.addf %broadcast_in_dim3A_9, %get3A_1427 : vector<16xf32>
        %get3A_1429 = arith.index_cast %add3A_1384 : i32 to index
        %get3A_1430 = arith.constant 176 : index
        %get3A_1431 = tpu.vector_load %arg17[%get3A_1429, %get3A_1430] {strides = array<i32>} : memref<128x256xf32, #tpu.memory_space<vmem>>, vector<16xf32>,
        %add3A_1432 = arith.addf %broadcast_in_dim3A_9, %get3A_1431 : vector<16xf32>
        %mul3A_1433 = arith.constant 16 : i32
        %mul3A_1434 = arith.muli %scan3A_71, %mul3A_1433 : i32
        %slice3A_1435 = vector.extract_strided_slice %masked_sort3A_1379 {offsets = [1], sizes = [1], strides = [1]} : vector<16xi32> to vector<1xi32>
        %squeeze3A_1436 = vector.extract %slice3A_1435[0] : i32 from vector<1xi32>
        %add3A_1437 = arith.addi %mul3A_1434, %squeeze3A_1436 : i32
        %get3A_1438 = arith.index_cast %add3A_1437 : i32 to index
        %get3A_1439 = arith.constant 0 : index
        %get3A_1440 = tpu.vector_load %arg17[%get3A_1438, %get3A_1439] {strides = array<i32>} : memref<128x256xf32, #tpu.memory_space<vmem>>, vector<16xf32>,
        %add3A_1441 = arith.addf %add3A_1388, %get3A_1440 : vector<16xf32>
        %get3A_1442 = arith.index_cast %add3A_1437 : i32 to index
        %get3A_1443 = arith.constant 16 : index
        %get3A_1444 = tpu.vector_load %arg17[%get3A_1442, %get3A_1443] {strides = array<i32>} : memref<128x256xf32, #tpu.memory_space<vmem>>, vector<16xf32>,
        %add3A_1445 = arith.addf %add3A_1392, %get3A_1444 : vector<16xf32>
        %get3A_1446 = arith.index_cast %add3A_1437 : i32 to index
        %get3A_1447 = arith.constant 32 : index
        %get3A_1448 = tpu.vector_load %arg17[%get3A_1446, %get3A_1447] {strides = array<i32>} : memref<128x256xf32, #tpu.memory_space<vmem>>, vector<16xf32>,
        %add3A_1449 = arith.addf %add3A_1396, %get3A_1448 : vector<16xf32>
        %get3A_1450 = arith.index_cast %add3A_1437 : i32 to index
        %get3A_1451 = arith.constant 48 : index
        %get3A_1452 = tpu.vector_load %arg17[%get3A_1450, %get3A_1451] {strides = array<i32>} : memref<128x256xf32, #tpu.memory_space<vmem>>, vector<16xf32>,
        %add3A_1453 = arith.addf %add3A_1400, %get3A_1452 : vector<16xf32>
        %get3A_1454 = arith.index_cast %add3A_1437 : i32 to index
        %get3A_1455 = arith.constant 64 : index
        %get3A_1456 = tpu.vector_load %arg17[%get3A_1454, %get3A_1455] {strides = array<i32>} : memref<128x256xf32, #tpu.memory_space<vmem>>, vector<16xf32>,
        %add3A_1457 = arith.addf %add3A_1404, %get3A_1456 : vector<16xf32>
        %get3A_1458 = arith.index_cast %add3A_1437 : i32 to index
        %get3A_1459 = arith.constant 80 : index
        %get3A_1460 = tpu.vector_load %arg17[%get3A_1458, %get3A_1459] {strides = array<i32>} : memref<128x256xf32, #tpu.memory_space<vmem>>, vector<16xf32>,
        %add3A_1461 = arith.addf %add3A_1408, %get3A_1460 : vector<16xf32>
        %get3A_1462 = arith.index_cast %add3A_1437 : i32 to index
        %get3A_1463 = arith.constant 96 : index
        %get3A_1464 = tpu.vector_load %arg17[%get3A_1462, %get3A_1463] {strides = array<i32>} : memref<128x256xf32, #tpu.memory_space<vmem>>, vector<16xf32>,
        %add3A_1465 = arith.addf %add3A_1412, %get3A_1464 : vector<16xf32>
        %get3A_1466 = arith.index_cast %add3A_1437 : i32 to index
        %get3A_1467 = arith.constant 112 : index
        %get3A_1468 = tpu.vector_load %arg17[%get3A_1466, %get3A_1467] {strides = array<i32>} : memref<128x256xf32, #tpu.memory_space<vmem>>, vector<16xf32>,
        %add3A_1469 = arith.addf %add3A_1416, %get3A_1468 : vector<16xf32>
        %get3A_1470 = arith.index_cast %add3A_1437 : i32 to index
        %get3A_1471 = arith.constant 128 : index
        %get3A_1472 = tpu.vector_load %arg17[%get3A_1470, %get3A_1471] {strides = array<i32>} : memref<128x256xf32, #tpu.memory_space<vmem>>, vector<16xf32>,
        %add3A_1473 = arith.addf %add3A_1420, %get3A_1472 : vector<16xf32>
        %get3A_1474 = arith.index_cast %add3A_1437 : i32 to index
        %get3A_1475 = arith.constant 144 : index
        %get3A_1476 = tpu.vector_load %arg17[%get3A_1474, %get3A_1475] {strides = array<i32>} : memref<128x256xf32, #tpu.memory_space<vmem>>, vector<16xf32>,
        %add3A_1477 = arith.addf %add3A_1424, %get3A_1476 : vector<16xf32>
        %get3A_1478 = arith.index_cast %add3A_1437 : i32 to index
        %get3A_1479 = arith.constant 160 : index
        %get3A_1480 = tpu.vector_load %arg17[%get3A_1478, %get3A_1479] {strides = array<i32>} : memref<128x256xf32, #tpu.memory_space<vmem>>, vector<16xf32>,
        %add3A_1481 = arith.addf %add3A_1428, %get3A_1480 : vector<16xf32>
        %get3A_1482 = arith.index_cast %add3A_1437 : i32 to index
        %get3A_1483 = arith.constant 176 : index
        %get3A_1484 = tpu.vector_load %arg17[%get3A_1482, %get3A_1483] {strides = array<i32>} : memref<128x256xf32, #tpu.memory_space<vmem>>, vector<16xf32>,
        %add3A_1485 = arith.addf %add3A_1432, %get3A_1484 : vector<16xf32>
        %mul3A_1486 = arith.constant 16 : i32
        %mul3A_1487 = arith.muli %scan3A_71, %mul3A_1486 : i32
        %slice3A_1488 = vector.extract_strided_slice %masked_sort3A_1379 {offsets = [2], sizes = [1], strides = [1]} : vector<16xi32> to vector<1xi32>
        %squeeze3A_1489 = vector.extract %slice3A_1488[0] : i32 from vector<1xi32>
        %add3A_1490 = arith.addi %mul3A_1487, %squeeze3A_1489 : i32
        %get3A_1491 = arith.index_cast %add3A_1490 : i32 to index
        %get3A_1492 = arith.constant 0 : index
        %get3A_1493 = tpu.vector_load %arg17[%get3A_1491, %get3A_1492] {strides = array<i32>} : memref<128x256xf32, #tpu.memory_space<vmem>>, vector<16xf32>,
        %add3A_1494 = arith.addf %add3A_1441, %get3A_1493 : vector<16xf32>
        %get3A_1495 = arith.index_cast %add3A_1490 : i32 to index
        %get3A_1496 = arith.constant 16 : index
        %get3A_1497 = tpu.vector_load %arg17[%get3A_1495, %get3A_1496] {strides = array<i32>} : memref<128x256xf32, #tpu.memory_space<vmem>>, vector<16xf32>,
        %add3A_1498 = arith.addf %add3A_1445, %get3A_1497 : vector<16xf32>
        %get3A_1499 = arith.index_cast %add3A_1490 : i32 to index
        %get3A_1500 = arith.constant 32 : index
        %get3A_1501 = tpu.vector_load %arg17[%get3A_1499, %get3A_1500] {strides = array<i32>} : memref<128x256xf32, #tpu.memory_space<vmem>>, vector<16xf32>,
        %add3A_1502 = arith.addf %add3A_1449, %get3A_1501 : vector<16xf32>
        %get3A_1503 = arith.index_cast %add3A_1490 : i32 to index
        %get3A_1504 = arith.constant 48 : index
        %get3A_1505 = tpu.vector_load %arg17[%get3A_1503, %get3A_1504] {strides = array<i32>} : memref<128x256xf32, #tpu.memory_space<vmem>>, vector<16xf32>,
        %add3A_1506 = arith.addf %add3A_1453, %get3A_1505 : vector<16xf32>
        %get3A_1507 = arith.index_cast %add3A_1490 : i32 to index
        %get3A_1508 = arith.constant 64 : index
        %get3A_1509 = tpu.vector_load %arg17[%get3A_1507, %get3A_1508] {strides = array<i32>} : memref<128x256xf32, #tpu.memory_space<vmem>>, vector<16xf32>,
        %add3A_1510 = arith.addf %add3A_1457, %get3A_1509 : vector<16xf32>
        %get3A_1511 = arith.index_cast %add3A_1490 : i32 to index
        %get3A_1512 = arith.constant 80 : index
        %get3A_1513 = tpu.vector_load %arg17[%get3A_1511, %get3A_1512] {strides = array<i32>} : memref<128x256xf32, #tpu.memory_space<vmem>>, vector<16xf32>,
        %add3A_1514 = arith.addf %add3A_1461, %get3A_1513 : vector<16xf32>
        %get3A_1515 = arith.index_cast %add3A_1490 : i32 to index
        %get3A_1516 = arith.constant 96 : index
        %get3A_1517 = tpu.vector_load %arg17[%get3A_1515, %get3A_1516] {strides = array<i32>} : memref<128x256xf32, #tpu.memory_space<vmem>>, vector<16xf32>,
        %add3A_1518 = arith.addf %add3A_1465, %get3A_1517 : vector<16xf32>
        %get3A_1519 = arith.index_cast %add3A_1490 : i32 to index
        %get3A_1520 = arith.constant 112 : index
        %get3A_1521 = tpu.vector_load %arg17[%get3A_1519, %get3A_1520] {strides = array<i32>} : memref<128x256xf32, #tpu.memory_space<vmem>>, vector<16xf32>,
        %add3A_1522 = arith.addf %add3A_1469, %get3A_1521 : vector<16xf32>
        %get3A_1523 = arith.index_cast %add3A_1490 : i32 to index
        %get3A_1524 = arith.constant 128 : index
        %get3A_1525 = tpu.vector_load %arg17[%get3A_1523, %get3A_1524] {strides = array<i32>} : memref<128x256xf32, #tpu.memory_space<vmem>>, vector<16xf32>,
        %add3A_1526 = arith.addf %add3A_1473, %get3A_1525 : vector<16xf32>
        %get3A_1527 = arith.index_cast %add3A_1490 : i32 to index
        %get3A_1528 = arith.constant 144 : index
        %get3A_1529 = tpu.vector_load %arg17[%get3A_1527, %get3A_1528] {strides = array<i32>} : memref<128x256xf32, #tpu.memory_space<vmem>>, vector<16xf32>,
        %add3A_1530 = arith.addf %add3A_1477, %get3A_1529 : vector<16xf32>
        %get3A_1531 = arith.index_cast %add3A_1490 : i32 to index
        %get3A_1532 = arith.constant 160 : index
        %get3A_1533 = tpu.vector_load %arg17[%get3A_1531, %get3A_1532] {strides = array<i32>} : memref<128x256xf32, #tpu.memory_space<vmem>>, vector<16xf32>,
        %add3A_1534 = arith.addf %add3A_1481, %get3A_1533 : vector<16xf32>
        %get3A_1535 = arith.index_cast %add3A_1490 : i32 to index
        %get3A_1536 = arith.constant 176 : index
        %get3A_1537 = tpu.vector_load %arg17[%get3A_1535, %get3A_1536] {strides = array<i32>} : memref<128x256xf32, #tpu.memory_space<vmem>>, vector<16xf32>,
        %add3A_1538 = arith.addf %add3A_1485, %get3A_1537 : vector<16xf32>
        %mul3A_1539 = arith.constant 16 : i32
        %mul3A_1540 = arith.muli %scan3A_71, %mul3A_1539 : i32
        %slice3A_1541 = vector.extract_strided_slice %masked_sort3A_1379 {offsets = [3], sizes = [1], strides = [1]} : vector<16xi32> to vector<1xi32>
        %squeeze3A_1542 = vector.extract %slice3A_1541[0] : i32 from vector<1xi32>
        %add3A_1543 = arith.addi %mul3A_1540, %squeeze3A_1542 : i32
        %get3A_1544 = arith.index_cast %add3A_1543 : i32 to index
        %get3A_1545 = arith.constant 0 : index
        %get3A_1546 = tpu.vector_load %arg17[%get3A_1544, %get3A_1545] {strides = array<i32>} : memref<128x256xf32, #tpu.memory_space<vmem>>, vector<16xf32>,
        %add3A_1547 = arith.addf %add3A_1494, %get3A_1546 : vector<16xf32>
        %get3A_1548 = arith.index_cast %add3A_1543 : i32 to index
        %get3A_1549 = arith.constant 16 : index
        %get3A_1550 = tpu.vector_load %arg17[%get3A_1548, %get3A_1549] {strides = array<i32>} : memref<128x256xf32, #tpu.memory_space<vmem>>, vector<16xf32>,
        %add3A_1551 = arith.addf %add3A_1498, %get3A_1550 : vector<16xf32>
        %get3A_1552 = arith.index_cast %add3A_1543 : i32 to index
        %get3A_1553 = arith.constant 32 : index
        %get3A_1554 = tpu.vector_load %arg17[%get3A_1552, %get3A_1553] {strides = array<i32>} : memref<128x256xf32, #tpu.memory_space<vmem>>, vector<16xf32>,
        %add3A_1555 = arith.addf %add3A_1502, %get3A_1554 : vector<16xf32>
        %get3A_1556 = arith.index_cast %add3A_1543 : i32 to index
        %get3A_1557 = arith.constant 48 : index
        %get3A_1558 = tpu.vector_load %arg17[%get3A_1556, %get3A_1557] {strides = array<i32>} : memref<128x256xf32, #tpu.memory_space<vmem>>, vector<16xf32>,
        %add3A_1559 = arith.addf %add3A_1506, %get3A_1558 : vector<16xf32>
        %get3A_1560 = arith.index_cast %add3A_1543 : i32 to index
        %get3A_1561 = arith.constant 64 : index
        %get3A_1562 = tpu.vector_load %arg17[%get3A_1560, %get3A_1561] {strides = array<i32>} : memref<128x256xf32, #tpu.memory_space<vmem>>, vector<16xf32>,
        %add3A_1563 = arith.addf %add3A_1510, %get3A_1562 : vector<16xf32>
        %get3A_1564 = arith.index_cast %add3A_1543 : i32 to index
        %get3A_1565 = arith.constant 80 : index
        %get3A_1566 = tpu.vector_load %arg17[%get3A_1564, %get3A_1565] {strides = array<i32>} : memref<128x256xf32, #tpu.memory_space<vmem>>, vector<16xf32>,
        %add3A_1567 = arith.addf %add3A_1514, %get3A_1566 : vector<16xf32>
        %get3A_1568 = arith.index_cast %add3A_1543 : i32 to index
        %get3A_1569 = arith.constant 96 : index
        %get3A_1570 = tpu.vector_load %arg17[%get3A_1568, %get3A_1569] {strides = array<i32>} : memref<128x256xf32, #tpu.memory_space<vmem>>, vector<16xf32>,
        %add3A_1571 = arith.addf %add3A_1518, %get3A_1570 : vector<16xf32>
        %get3A_1572 = arith.index_cast %add3A_1543 : i32 to index
        %get3A_1573 = arith.constant 112 : index
        %get3A_1574 = tpu.vector_load %arg17[%get3A_1572, %get3A_1573] {strides = array<i32>} : memref<128x256xf32, #tpu.memory_space<vmem>>, vector<16xf32>,
        %add3A_1575 = arith.addf %add3A_1522, %get3A_1574 : vector<16xf32>
        %get3A_1576 = arith.index_cast %add3A_1543 : i32 to index
        %get3A_1577 = arith.constant 128 : index
        %get3A_1578 = tpu.vector_load %arg17[%get3A_1576, %get3A_1577] {strides = array<i32>} : memref<128x256xf32, #tpu.memory_space<vmem>>, vector<16xf32>,
        %add3A_1579 = arith.addf %add3A_1526, %get3A_1578 : vector<16xf32>
        %get3A_1580 = arith.index_cast %add3A_1543 : i32 to index
        %get3A_1581 = arith.constant 144 : index
        %get3A_1582 = tpu.vector_load %arg17[%get3A_1580, %get3A_1581] {strides = array<i32>} : memref<128x256xf32, #tpu.memory_space<vmem>>, vector<16xf32>,
        %add3A_1583 = arith.addf %add3A_1530, %get3A_1582 : vector<16xf32>
        %get3A_1584 = arith.index_cast %add3A_1543 : i32 to index
        %get3A_1585 = arith.constant 160 : index
        %get3A_1586 = tpu.vector_load %arg17[%get3A_1584, %get3A_1585] {strides = array<i32>} : memref<128x256xf32, #tpu.memory_space<vmem>>, vector<16xf32>,
        %add3A_1587 = arith.addf %add3A_1534, %get3A_1586 : vector<16xf32>
        %get3A_1588 = arith.index_cast %add3A_1543 : i32 to index
        %get3A_1589 = arith.constant 176 : index
        %get3A_1590 = tpu.vector_load %arg17[%get3A_1588, %get3A_1589] {strides = array<i32>} : memref<128x256xf32, #tpu.memory_space<vmem>>, vector<16xf32>,
        %add3A_1591 = arith.addf %add3A_1538, %get3A_1590 : vector<16xf32>
        %mul3A_1592 = arith.constant 16 : i32
        %mul3A_1593 = arith.muli %scan3A_71, %mul3A_1592 : i32
        %slice3A_1594 = vector.extract_strided_slice %masked_sort3A_1379 {offsets = [4], sizes = [1], strides = [1]} : vector<16xi32> to vector<1xi32>
        %squeeze3A_1595 = vector.extract %slice3A_1594[0] : i32 from vector<1xi32>
        %add3A_1596 = arith.addi %mul3A_1593, %squeeze3A_1595 : i32
        %get3A_1597 = arith.index_cast %add3A_1596 : i32 to index
        %get3A_1598 = arith.constant 0 : index
        %get3A_1599 = tpu.vector_load %arg17[%get3A_1597, %get3A_1598] {strides = array<i32>} : memref<128x256xf32, #tpu.memory_space<vmem>>, vector<16xf32>,
        %add3A_1600 = arith.addf %add3A_1547, %get3A_1599 : vector<16xf32>
        %get3A_1601 = arith.index_cast %add3A_1596 : i32 to index
        %get3A_1602 = arith.constant 16 : index
        %get3A_1603 = tpu.vector_load %arg17[%get3A_1601, %get3A_1602] {strides = array<i32>} : memref<128x256xf32, #tpu.memory_space<vmem>>, vector<16xf32>,
        %add3A_1604 = arith.addf %add3A_1551, %get3A_1603 : vector<16xf32>
        %get3A_1605 = arith.index_cast %add3A_1596 : i32 to index
        %get3A_1606 = arith.constant 32 : index
        %get3A_1607 = tpu.vector_load %arg17[%get3A_1605, %get3A_1606] {strides = array<i32>} : memref<128x256xf32, #tpu.memory_space<vmem>>, vector<16xf32>,
        %add3A_1608 = arith.addf %add3A_1555, %get3A_1607 : vector<16xf32>
        %get3A_1609 = arith.index_cast %add3A_1596 : i32 to index
        %get3A_1610 = arith.constant 48 : index
        %get3A_1611 = tpu.vector_load %arg17[%get3A_1609, %get3A_1610] {strides = array<i32>} : memref<128x256xf32, #tpu.memory_space<vmem>>, vector<16xf32>,
        %add3A_1612 = arith.addf %add3A_1559, %get3A_1611 : vector<16xf32>
        %get3A_1613 = arith.index_cast %add3A_1596 : i32 to index
        %get3A_1614 = arith.constant 64 : index
        %get3A_1615 = tpu.vector_load %arg17[%get3A_1613, %get3A_1614] {strides = array<i32>} : memref<128x256xf32, #tpu.memory_space<vmem>>, vector<16xf32>,
        %add3A_1616 = arith.addf %add3A_1563, %get3A_1615 : vector<16xf32>
        %get3A_1617 = arith.index_cast %add3A_1596 : i32 to index
        %get3A_1618 = arith.constant 80 : index
        %get3A_1619 = tpu.vector_load %arg17[%get3A_1617, %get3A_1618] {strides = array<i32>} : memref<128x256xf32, #tpu.memory_space<vmem>>, vector<16xf32>,
        %add3A_1620 = arith.addf %add3A_1567, %get3A_1619 : vector<16xf32>
        %get3A_1621 = arith.index_cast %add3A_1596 : i32 to index
        %get3A_1622 = arith.constant 96 : index
        %get3A_1623 = tpu.vector_load %arg17[%get3A_1621, %get3A_1622] {strides = array<i32>} : memref<128x256xf32, #tpu.memory_space<vmem>>, vector<16xf32>,
        %add3A_1624 = arith.addf %add3A_1571, %get3A_1623 : vector<16xf32>
        %get3A_1625 = arith.index_cast %add3A_1596 : i32 to index
        %get3A_1626 = arith.constant 112 : index
        %get3A_1627 = tpu.vector_load %arg17[%get3A_1625, %get3A_1626] {strides = array<i32>} : memref<128x256xf32, #tpu.memory_space<vmem>>, vector<16xf32>,
        %add3A_1628 = arith.addf %add3A_1575, %get3A_1627 : vector<16xf32>
        %get3A_1629 = arith.index_cast %add3A_1596 : i32 to index
        %get3A_1630 = arith.constant 128 : index
        %get3A_1631 = tpu.vector_load %arg17[%get3A_1629, %get3A_1630] {strides = array<i32>} : memref<128x256xf32, #tpu.memory_space<vmem>>, vector<16xf32>,
        %add3A_1632 = arith.addf %add3A_1579, %get3A_1631 : vector<16xf32>
        %get3A_1633 = arith.index_cast %add3A_1596 : i32 to index
        %get3A_1634 = arith.constant 144 : index
        %get3A_1635 = tpu.vector_load %arg17[%get3A_1633, %get3A_1634] {strides = array<i32>} : memref<128x256xf32, #tpu.memory_space<vmem>>, vector<16xf32>,
        %add3A_1636 = arith.addf %add3A_1583, %get3A_1635 : vector<16xf32>
        %get3A_1637 = arith.index_cast %add3A_1596 : i32 to index
        %get3A_1638 = arith.constant 160 : index
        %get3A_1639 = tpu.vector_load %arg17[%get3A_1637, %get3A_1638] {strides = array<i32>} : memref<128x256xf32, #tpu.memory_space<vmem>>, vector<16xf32>,
        %add3A_1640 = arith.addf %add3A_1587, %get3A_1639 : vector<16xf32>
        %get3A_1641 = arith.index_cast %add3A_1596 : i32 to index
        %get3A_1642 = arith.constant 176 : index
        %get3A_1643 = tpu.vector_load %arg17[%get3A_1641, %get3A_1642] {strides = array<i32>} : memref<128x256xf32, #tpu.memory_space<vmem>>, vector<16xf32>,
        %add3A_1644 = arith.addf %add3A_1591, %get3A_1643 : vector<16xf32>
        %mul3A_1645 = arith.constant 16 : i32
        %mul3A_1646 = arith.muli %scan3A_71, %mul3A_1645 : i32
        %slice3A_1647 = vector.extract_strided_slice %masked_sort3A_1379 {offsets = [5], sizes = [1], strides = [1]} : vector<16xi32> to vector<1xi32>
        %squeeze3A_1648 = vector.extract %slice3A_1647[0] : i32 from vector<1xi32>
        %add3A_1649 = arith.addi %mul3A_1646, %squeeze3A_1648 : i32
        %get3A_1650 = arith.index_cast %add3A_1649 : i32 to index
        %get3A_1651 = arith.constant 0 : index
        %get3A_1652 = tpu.vector_load %arg17[%get3A_1650, %get3A_1651] {strides = array<i32>} : memref<128x256xf32, #tpu.memory_space<vmem>>, vector<16xf32>,
        %add3A_1653 = arith.addf %add3A_1600, %get3A_1652 : vector<16xf32>
        %get3A_1654 = arith.index_cast %add3A_1649 : i32 to index
        %get3A_1655 = arith.constant 16 : index
        %get3A_1656 = tpu.vector_load %arg17[%get3A_1654, %get3A_1655] {strides = array<i32>} : memref<128x256xf32, #tpu.memory_space<vmem>>, vector<16xf32>,
        %add3A_1657 = arith.addf %add3A_1604, %get3A_1656 : vector<16xf32>
        %get3A_1658 = arith.index_cast %add3A_1649 : i32 to index
        %get3A_1659 = arith.constant 32 : index
        %get3A_1660 = tpu.vector_load %arg17[%get3A_1658, %get3A_1659] {strides = array<i32>} : memref<128x256xf32, #tpu.memory_space<vmem>>, vector<16xf32>,
        %add3A_1661 = arith.addf %add3A_1608, %get3A_1660 : vector<16xf32>
        %get3A_1662 = arith.index_cast %add3A_1649 : i32 to index
        %get3A_1663 = arith.constant 48 : index
        %get3A_1664 = tpu.vector_load %arg17[%get3A_1662, %get3A_1663] {strides = array<i32>} : memref<128x256xf32, #tpu.memory_space<vmem>>, vector<16xf32>,
        %add3A_1665 = arith.addf %add3A_1612, %get3A_1664 : vector<16xf32>
        %get3A_1666 = arith.index_cast %add3A_1649 : i32 to index
        %get3A_1667 = arith.constant 64 : index
        %get3A_1668 = tpu.vector_load %arg17[%get3A_1666, %get3A_1667] {strides = array<i32>} : memref<128x256xf32, #tpu.memory_space<vmem>>, vector<16xf32>,
        %add3A_1669 = arith.addf %add3A_1616, %get3A_1668 : vector<16xf32>
        %get3A_1670 = arith.index_cast %add3A_1649 : i32 to index
        %get3A_1671 = arith.constant 80 : index
        %get3A_1672 = tpu.vector_load %arg17[%get3A_1670, %get3A_1671] {strides = array<i32>} : memref<128x256xf32, #tpu.memory_space<vmem>>, vector<16xf32>,
        %add3A_1673 = arith.addf %add3A_1620, %get3A_1672 : vector<16xf32>
        %get3A_1674 = arith.index_cast %add3A_1649 : i32 to index
        %get3A_1675 = arith.constant 96 : index
        %get3A_1676 = tpu.vector_load %arg17[%get3A_1674, %get3A_1675] {strides = array<i32>} : memref<128x256xf32, #tpu.memory_space<vmem>>, vector<16xf32>,
        %add3A_1677 = arith.addf %add3A_1624, %get3A_1676 : vector<16xf32>
        %get3A_1678 = arith.index_cast %add3A_1649 : i32 to index
        %get3A_1679 = arith.constant 112 : index
        %get3A_1680 = tpu.vector_load %arg17[%get3A_1678, %get3A_1679] {strides = array<i32>} : memref<128x256xf32, #tpu.memory_space<vmem>>, vector<16xf32>,
        %add3A_1681 = arith.addf %add3A_1628, %get3A_1680 : vector<16xf32>
        %get3A_1682 = arith.index_cast %add3A_1649 : i32 to index
        %get3A_1683 = arith.constant 128 : index
        %get3A_1684 = tpu.vector_load %arg17[%get3A_1682, %get3A_1683] {strides = array<i32>} : memref<128x256xf32, #tpu.memory_space<vmem>>, vector<16xf32>,
        %add3A_1685 = arith.addf %add3A_1632, %get3A_1684 : vector<16xf32>
        %get3A_1686 = arith.index_cast %add3A_1649 : i32 to index
        %get3A_1687 = arith.constant 144 : index
        %get3A_1688 = tpu.vector_load %arg17[%get3A_1686, %get3A_1687] {strides = array<i32>} : memref<128x256xf32, #tpu.memory_space<vmem>>, vector<16xf32>,
        %add3A_1689 = arith.addf %add3A_1636, %get3A_1688 : vector<16xf32>
        %get3A_1690 = arith.index_cast %add3A_1649 : i32 to index
        %get3A_1691 = arith.constant 160 : index
        %get3A_1692 = tpu.vector_load %arg17[%get3A_1690, %get3A_1691] {strides = array<i32>} : memref<128x256xf32, #tpu.memory_space<vmem>>, vector<16xf32>,
        %add3A_1693 = arith.addf %add3A_1640, %get3A_1692 : vector<16xf32>
        %get3A_1694 = arith.index_cast %add3A_1649 : i32 to index
        %get3A_1695 = arith.constant 176 : index
        %get3A_1696 = tpu.vector_load %arg17[%get3A_1694, %get3A_1695] {strides = array<i32>} : memref<128x256xf32, #tpu.memory_space<vmem>>, vector<16xf32>,
        %add3A_1697 = arith.addf %add3A_1644, %get3A_1696 : vector<16xf32>
        %mul3A_1698 = arith.constant 16 : i32
        %mul3A_1699 = arith.muli %scan3A_71, %mul3A_1698 : i32
        %slice3A_1700 = vector.extract_strided_slice %masked_sort3A_1379 {offsets = [6], sizes = [1], strides = [1]} : vector<16xi32> to vector<1xi32>
        %squeeze3A_1701 = vector.extract %slice3A_1700[0] : i32 from vector<1xi32>
        %add3A_1702 = arith.addi %mul3A_1699, %squeeze3A_1701 : i32
        %get3A_1703 = arith.index_cast %add3A_1702 : i32 to index
        %get3A_1704 = arith.constant 0 : index
        %get3A_1705 = tpu.vector_load %arg17[%get3A_1703, %get3A_1704] {strides = array<i32>} : memref<128x256xf32, #tpu.memory_space<vmem>>, vector<16xf32>,
        %add3A_1706 = arith.addf %add3A_1653, %get3A_1705 : vector<16xf32>
        %get3A_1707 = arith.index_cast %add3A_1702 : i32 to index
        %get3A_1708 = arith.constant 16 : index
        %get3A_1709 = tpu.vector_load %arg17[%get3A_1707, %get3A_1708] {strides = array<i32>} : memref<128x256xf32, #tpu.memory_space<vmem>>, vector<16xf32>,
        %add3A_1710 = arith.addf %add3A_1657, %get3A_1709 : vector<16xf32>
        %get3A_1711 = arith.index_cast %add3A_1702 : i32 to index
        %get3A_1712 = arith.constant 32 : index
        %get3A_1713 = tpu.vector_load %arg17[%get3A_1711, %get3A_1712] {strides = array<i32>} : memref<128x256xf32, #tpu.memory_space<vmem>>, vector<16xf32>,
        %add3A_1714 = arith.addf %add3A_1661, %get3A_1713 : vector<16xf32>
        %get3A_1715 = arith.index_cast %add3A_1702 : i32 to index
        %get3A_1716 = arith.constant 48 : index
        %get3A_1717 = tpu.vector_load %arg17[%get3A_1715, %get3A_1716] {strides = array<i32>} : memref<128x256xf32, #tpu.memory_space<vmem>>, vector<16xf32>,
        %add3A_1718 = arith.addf %add3A_1665, %get3A_1717 : vector<16xf32>
        %get3A_1719 = arith.index_cast %add3A_1702 : i32 to index
        %get3A_1720 = arith.constant 64 : index
        %get3A_1721 = tpu.vector_load %arg17[%get3A_1719, %get3A_1720] {strides = array<i32>} : memref<128x256xf32, #tpu.memory_space<vmem>>, vector<16xf32>,
        %add3A_1722 = arith.addf %add3A_1669, %get3A_1721 : vector<16xf32>
        %get3A_1723 = arith.index_cast %add3A_1702 : i32 to index
        %get3A_1724 = arith.constant 80 : index
        %get3A_1725 = tpu.vector_load %arg17[%get3A_1723, %get3A_1724] {strides = array<i32>} : memref<128x256xf32, #tpu.memory_space<vmem>>, vector<16xf32>,
        %add3A_1726 = arith.addf %add3A_1673, %get3A_1725 : vector<16xf32>
        %get3A_1727 = arith.index_cast %add3A_1702 : i32 to index
        %get3A_1728 = arith.constant 96 : index
        %get3A_1729 = tpu.vector_load %arg17[%get3A_1727, %get3A_1728] {strides = array<i32>} : memref<128x256xf32, #tpu.memory_space<vmem>>, vector<16xf32>,
        %add3A_1730 = arith.addf %add3A_1677, %get3A_1729 : vector<16xf32>
        %get3A_1731 = arith.index_cast %add3A_1702 : i32 to index
        %get3A_1732 = arith.constant 112 : index
        %get3A_1733 = tpu.vector_load %arg17[%get3A_1731, %get3A_1732] {strides = array<i32>} : memref<128x256xf32, #tpu.memory_space<vmem>>, vector<16xf32>,
        %add3A_1734 = arith.addf %add3A_1681, %get3A_1733 : vector<16xf32>
        %get3A_1735 = arith.index_cast %add3A_1702 : i32 to index
        %get3A_1736 = arith.constant 128 : index
        %get3A_1737 = tpu.vector_load %arg17[%get3A_1735, %get3A_1736] {strides = array<i32>} : memref<128x256xf32, #tpu.memory_space<vmem>>, vector<16xf32>,
        %add3A_1738 = arith.addf %add3A_1685, %get3A_1737 : vector<16xf32>
        %get3A_1739 = arith.index_cast %add3A_1702 : i32 to index
        %get3A_1740 = arith.constant 144 : index
        %get3A_1741 = tpu.vector_load %arg17[%get3A_1739, %get3A_1740] {strides = array<i32>} : memref<128x256xf32, #tpu.memory_space<vmem>>, vector<16xf32>,
        %add3A_1742 = arith.addf %add3A_1689, %get3A_1741 : vector<16xf32>
        %get3A_1743 = arith.index_cast %add3A_1702 : i32 to index
        %get3A_1744 = arith.constant 160 : index
        %get3A_1745 = tpu.vector_load %arg17[%get3A_1743, %get3A_1744] {strides = array<i32>} : memref<128x256xf32, #tpu.memory_space<vmem>>, vector<16xf32>,
        %add3A_1746 = arith.addf %add3A_1693, %get3A_1745 : vector<16xf32>
        %get3A_1747 = arith.index_cast %add3A_1702 : i32 to index
        %get3A_1748 = arith.constant 176 : index
        %get3A_1749 = tpu.vector_load %arg17[%get3A_1747, %get3A_1748] {strides = array<i32>} : memref<128x256xf32, #tpu.memory_space<vmem>>, vector<16xf32>,
        %add3A_1750 = arith.addf %add3A_1697, %get3A_1749 : vector<16xf32>
        %mul3A_1751 = arith.constant 16 : i32
        %mul3A_1752 = arith.muli %scan3A_71, %mul3A_1751 : i32
        %slice3A_1753 = vector.extract_strided_slice %masked_sort3A_1379 {offsets = [7], sizes = [1], strides = [1]} : vector<16xi32> to vector<1xi32>
        %squeeze3A_1754 = vector.extract %slice3A_1753[0] : i32 from vector<1xi32>
        %add3A_1755 = arith.addi %mul3A_1752, %squeeze3A_1754 : i32
        %get3A_1756 = arith.index_cast %add3A_1755 : i32 to index
        %get3A_1757 = arith.constant 0 : index
        %get3A_1758 = tpu.vector_load %arg17[%get3A_1756, %get3A_1757] {strides = array<i32>} : memref<128x256xf32, #tpu.memory_space<vmem>>, vector<16xf32>,
        %add3A_1759 = arith.addf %add3A_1706, %get3A_1758 : vector<16xf32>
        %get3A_1760 = arith.index_cast %add3A_1755 : i32 to index
        %get3A_1761 = arith.constant 16 : index
        %get3A_1762 = tpu.vector_load %arg17[%get3A_1760, %get3A_1761] {strides = array<i32>} : memref<128x256xf32, #tpu.memory_space<vmem>>, vector<16xf32>,
        %add3A_1763 = arith.addf %add3A_1710, %get3A_1762 : vector<16xf32>
        %get3A_1764 = arith.index_cast %add3A_1755 : i32 to index
        %get3A_1765 = arith.constant 32 : index
        %get3A_1766 = tpu.vector_load %arg17[%get3A_1764, %get3A_1765] {strides = array<i32>} : memref<128x256xf32, #tpu.memory_space<vmem>>, vector<16xf32>,
        %add3A_1767 = arith.addf %add3A_1714, %get3A_1766 : vector<16xf32>
        %get3A_1768 = arith.index_cast %add3A_1755 : i32 to index
        %get3A_1769 = arith.constant 48 : index
        %get3A_1770 = tpu.vector_load %arg17[%get3A_1768, %get3A_1769] {strides = array<i32>} : memref<128x256xf32, #tpu.memory_space<vmem>>, vector<16xf32>,
        %add3A_1771 = arith.addf %add3A_1718, %get3A_1770 : vector<16xf32>
        %get3A_1772 = arith.index_cast %add3A_1755 : i32 to index
        %get3A_1773 = arith.constant 64 : index
        %get3A_1774 = tpu.vector_load %arg17[%get3A_1772, %get3A_1773] {strides = array<i32>} : memref<128x256xf32, #tpu.memory_space<vmem>>, vector<16xf32>,
        %add3A_1775 = arith.addf %add3A_1722, %get3A_1774 : vector<16xf32>
        %get3A_1776 = arith.index_cast %add3A_1755 : i32 to index
        %get3A_1777 = arith.constant 80 : index
        %get3A_1778 = tpu.vector_load %arg17[%get3A_1776, %get3A_1777] {strides = array<i32>} : memref<128x256xf32, #tpu.memory_space<vmem>>, vector<16xf32>,
        %add3A_1779 = arith.addf %add3A_1726, %get3A_1778 : vector<16xf32>
        %get3A_1780 = arith.index_cast %add3A_1755 : i32 to index
        %get3A_1781 = arith.constant 96 : index
        %get3A_1782 = tpu.vector_load %arg17[%get3A_1780, %get3A_1781] {strides = array<i32>} : memref<128x256xf32, #tpu.memory_space<vmem>>, vector<16xf32>,
        %add3A_1783 = arith.addf %add3A_1730, %get3A_1782 : vector<16xf32>
        %get3A_1784 = arith.index_cast %add3A_1755 : i32 to index
        %get3A_1785 = arith.constant 112 : index
        %get3A_1786 = tpu.vector_load %arg17[%get3A_1784, %get3A_1785] {strides = array<i32>} : memref<128x256xf32, #tpu.memory_space<vmem>>, vector<16xf32>,
        %add3A_1787 = arith.addf %add3A_1734, %get3A_1786 : vector<16xf32>
        %get3A_1788 = arith.index_cast %add3A_1755 : i32 to index
        %get3A_1789 = arith.constant 128 : index
        %get3A_1790 = tpu.vector_load %arg17[%get3A_1788, %get3A_1789] {strides = array<i32>} : memref<128x256xf32, #tpu.memory_space<vmem>>, vector<16xf32>,
        %add3A_1791 = arith.addf %add3A_1738, %get3A_1790 : vector<16xf32>
        %get3A_1792 = arith.index_cast %add3A_1755 : i32 to index
        %get3A_1793 = arith.constant 144 : index
        %get3A_1794 = tpu.vector_load %arg17[%get3A_1792, %get3A_1793] {strides = array<i32>} : memref<128x256xf32, #tpu.memory_space<vmem>>, vector<16xf32>,
        %add3A_1795 = arith.addf %add3A_1742, %get3A_1794 : vector<16xf32>
        %get3A_1796 = arith.index_cast %add3A_1755 : i32 to index
        %get3A_1797 = arith.constant 160 : index
        %get3A_1798 = tpu.vector_load %arg17[%get3A_1796, %get3A_1797] {strides = array<i32>} : memref<128x256xf32, #tpu.memory_space<vmem>>, vector<16xf32>,
        %add3A_1799 = arith.addf %add3A_1746, %get3A_1798 : vector<16xf32>
        %get3A_1800 = arith.index_cast %add3A_1755 : i32 to index
        %get3A_1801 = arith.constant 176 : index
        %get3A_1802 = tpu.vector_load %arg17[%get3A_1800, %get3A_1801] {strides = array<i32>} : memref<128x256xf32, #tpu.memory_space<vmem>>, vector<16xf32>,
        %add3A_1803 = arith.addf %add3A_1750, %get3A_1802 : vector<16xf32>
        %mul3A_1804 = arith.constant 1.250000e-01 : f32
        %mul3A_1805 = vector.broadcast %mul3A_1804 : f32 to vector<16xf32>
        %mul3A_1806 = arith.mulf %add3A_1759, %mul3A_1805 : vector<16xf32>
        %max3A_1807 = arith.constant 0.000000e+00 : f32
        %max3A_1808 = vector.broadcast %max3A_1807 : f32 to vector<16xf32>
        %max3A_1809 = arith.maximumf %mul3A_1806, %max3A_1808 : vector<16xf32>
        %swap3A_1810 = arith.index_cast %scan3A_71 : i32 to index
        %swap3A_1811 = arith.constant 0 : index
        %swap3A_1812 = tpu.vector_load %arg21[%swap3A_1810, %swap3A_1811] {strides = array<i32>} : memref<8x256xf32, #tpu.memory_space<vmem>>, vector<16xf32>,
        tpu.vector_store %arg21[%swap3A_1810, %swap3A_1811], %max3A_1809 {strides = array<i32>} : memref<8x256xf32, #tpu.memory_space<vmem>>, vector<16xf32>,
        %mul3A_1813 = arith.constant 1.250000e-01 : f32
        %mul3A_1814 = vector.broadcast %mul3A_1813 : f32 to vector<16xf32>
        %mul3A_1815 = arith.mulf %add3A_1763, %mul3A_1814 : vector<16xf32>
        %max3A_1816 = arith.constant 0.000000e+00 : f32
        %max3A_1817 = vector.broadcast %max3A_1816 : f32 to vector<16xf32>
        %max3A_1818 = arith.maximumf %mul3A_1815, %max3A_1817 : vector<16xf32>
        %swap3A_1819 = arith.index_cast %scan3A_71 : i32 to index
        %swap3A_1820 = arith.constant 16 : index
        %swap3A_1821 = tpu.vector_load %arg21[%swap3A_1819, %swap3A_1820] {strides = array<i32>} : memref<8x256xf32, #tpu.memory_space<vmem>>, vector<16xf32>,
        tpu.vector_store %arg21[%swap3A_1819, %swap3A_1820], %max3A_1818 {strides = array<i32>} : memref<8x256xf32, #tpu.memory_space<vmem>>, vector<16xf32>,
        %mul3A_1822 = arith.constant 1.250000e-01 : f32
        %mul3A_1823 = vector.broadcast %mul3A_1822 : f32 to vector<16xf32>
        %mul3A_1824 = arith.mulf %add3A_1767, %mul3A_1823 : vector<16xf32>
        %max3A_1825 = arith.constant 0.000000e+00 : f32
        %max3A_1826 = vector.broadcast %max3A_1825 : f32 to vector<16xf32>
        %max3A_1827 = arith.maximumf %mul3A_1824, %max3A_1826 : vector<16xf32>
        %swap3A_1828 = arith.index_cast %scan3A_71 : i32 to index
        %swap3A_1829 = arith.constant 32 : index
        %swap3A_1830 = tpu.vector_load %arg21[%swap3A_1828, %swap3A_1829] {strides = array<i32>} : memref<8x256xf32, #tpu.memory_space<vmem>>, vector<16xf32>,
        tpu.vector_store %arg21[%swap3A_1828, %swap3A_1829], %max3A_1827 {strides = array<i32>} : memref<8x256xf32, #tpu.memory_space<vmem>>, vector<16xf32>,
        %mul3A_1831 = arith.constant 1.250000e-01 : f32
        %mul3A_1832 = vector.broadcast %mul3A_1831 : f32 to vector<16xf32>
        %mul3A_1833 = arith.mulf %add3A_1771, %mul3A_1832 : vector<16xf32>
        %max3A_1834 = arith.constant 0.000000e+00 : f32
        %max3A_1835 = vector.broadcast %max3A_1834 : f32 to vector<16xf32>
        %max3A_1836 = arith.maximumf %mul3A_1833, %max3A_1835 : vector<16xf32>
        %swap3A_1837 = arith.index_cast %scan3A_71 : i32 to index
        %swap3A_1838 = arith.constant 48 : index
        %swap3A_1839 = tpu.vector_load %arg21[%swap3A_1837, %swap3A_1838] {strides = array<i32>} : memref<8x256xf32, #tpu.memory_space<vmem>>, vector<16xf32>,
        tpu.vector_store %arg21[%swap3A_1837, %swap3A_1838], %max3A_1836 {strides = array<i32>} : memref<8x256xf32, #tpu.memory_space<vmem>>, vector<16xf32>,
        %mul3A_1840 = arith.constant 1.250000e-01 : f32
        %mul3A_1841 = vector.broadcast %mul3A_1840 : f32 to vector<16xf32>
        %mul3A_1842 = arith.mulf %add3A_1775, %mul3A_1841 : vector<16xf32>
        %max3A_1843 = arith.constant 0.000000e+00 : f32
        %max3A_1844 = vector.broadcast %max3A_1843 : f32 to vector<16xf32>
        %max3A_1845 = arith.maximumf %mul3A_1842, %max3A_1844 : vector<16xf32>
        %swap3A_1846 = arith.index_cast %scan3A_71 : i32 to index
        %swap3A_1847 = arith.constant 64 : index
        %swap3A_1848 = tpu.vector_load %arg21[%swap3A_1846, %swap3A_1847] {strides = array<i32>} : memref<8x256xf32, #tpu.memory_space<vmem>>, vector<16xf32>,
        tpu.vector_store %arg21[%swap3A_1846, %swap3A_1847], %max3A_1845 {strides = array<i32>} : memref<8x256xf32, #tpu.memory_space<vmem>>, vector<16xf32>,
        %mul3A_1849 = arith.constant 1.250000e-01 : f32
        %mul3A_1850 = vector.broadcast %mul3A_1849 : f32 to vector<16xf32>
        %mul3A_1851 = arith.mulf %add3A_1779, %mul3A_1850 : vector<16xf32>
        %max3A_1852 = arith.constant 0.000000e+00 : f32
        %max3A_1853 = vector.broadcast %max3A_1852 : f32 to vector<16xf32>
        %max3A_1854 = arith.maximumf %mul3A_1851, %max3A_1853 : vector<16xf32>
        %swap3A_1855 = arith.index_cast %scan3A_71 : i32 to index
        %swap3A_1856 = arith.constant 80 : index
        %swap3A_1857 = tpu.vector_load %arg21[%swap3A_1855, %swap3A_1856] {strides = array<i32>} : memref<8x256xf32, #tpu.memory_space<vmem>>, vector<16xf32>,
        tpu.vector_store %arg21[%swap3A_1855, %swap3A_1856], %max3A_1854 {strides = array<i32>} : memref<8x256xf32, #tpu.memory_space<vmem>>, vector<16xf32>,
        %mul3A_1858 = arith.constant 1.250000e-01 : f32
        %mul3A_1859 = vector.broadcast %mul3A_1858 : f32 to vector<16xf32>
        %mul3A_1860 = arith.mulf %add3A_1783, %mul3A_1859 : vector<16xf32>
        %max3A_1861 = arith.constant 0.000000e+00 : f32
        %max3A_1862 = vector.broadcast %max3A_1861 : f32 to vector<16xf32>
        %max3A_1863 = arith.maximumf %mul3A_1860, %max3A_1862 : vector<16xf32>
        %swap3A_1864 = arith.index_cast %scan3A_71 : i32 to index
        %swap3A_1865 = arith.constant 96 : index
        %swap3A_1866 = tpu.vector_load %arg21[%swap3A_1864, %swap3A_1865] {strides = array<i32>} : memref<8x256xf32, #tpu.memory_space<vmem>>, vector<16xf32>,
        tpu.vector_store %arg21[%swap3A_1864, %swap3A_1865], %max3A_1863 {strides = array<i32>} : memref<8x256xf32, #tpu.memory_space<vmem>>, vector<16xf32>,
        %mul3A_1867 = arith.constant 1.250000e-01 : f32
        %mul3A_1868 = vector.broadcast %mul3A_1867 : f32 to vector<16xf32>
        %mul3A_1869 = arith.mulf %add3A_1787, %mul3A_1868 : vector<16xf32>
        %max3A_1870 = arith.constant 0.000000e+00 : f32
        %max3A_1871 = vector.broadcast %max3A_1870 : f32 to vector<16xf32>
        %max3A_1872 = arith.maximumf %mul3A_1869, %max3A_1871 : vector<16xf32>
        %swap3A_1873 = arith.index_cast %scan3A_71 : i32 to index
        %swap3A_1874 = arith.constant 112 : index
        %swap3A_1875 = tpu.vector_load %arg21[%swap3A_1873, %swap3A_1874] {strides = array<i32>} : memref<8x256xf32, #tpu.memory_space<vmem>>, vector<16xf32>,
        tpu.vector_store %arg21[%swap3A_1873, %swap3A_1874], %max3A_1872 {strides = array<i32>} : memref<8x256xf32, #tpu.memory_space<vmem>>, vector<16xf32>,
        %mul3A_1876 = arith.constant 1.250000e-01 : f32
        %mul3A_1877 = vector.broadcast %mul3A_1876 : f32 to vector<16xf32>
        %mul3A_1878 = arith.mulf %add3A_1791, %mul3A_1877 : vector<16xf32>
        %max3A_1879 = arith.constant 0.000000e+00 : f32
        %max3A_1880 = vector.broadcast %max3A_1879 : f32 to vector<16xf32>
        %max3A_1881 = arith.maximumf %mul3A_1878, %max3A_1880 : vector<16xf32>
        %swap3A_1882 = arith.index_cast %scan3A_71 : i32 to index
        %swap3A_1883 = arith.constant 128 : index
        %swap3A_1884 = tpu.vector_load %arg21[%swap3A_1882, %swap3A_1883] {strides = array<i32>} : memref<8x256xf32, #tpu.memory_space<vmem>>, vector<16xf32>,
        tpu.vector_store %arg21[%swap3A_1882, %swap3A_1883], %max3A_1881 {strides = array<i32>} : memref<8x256xf32, #tpu.memory_space<vmem>>, vector<16xf32>,
        %mul3A_1885 = arith.constant 1.250000e-01 : f32
        %mul3A_1886 = vector.broadcast %mul3A_1885 : f32 to vector<16xf32>
        %mul3A_1887 = arith.mulf %add3A_1795, %mul3A_1886 : vector<16xf32>
        %max3A_1888 = arith.constant 0.000000e+00 : f32
        %max3A_1889 = vector.broadcast %max3A_1888 : f32 to vector<16xf32>
        %max3A_1890 = arith.maximumf %mul3A_1887, %max3A_1889 : vector<16xf32>
        %swap3A_1891 = arith.index_cast %scan3A_71 : i32 to index
        %swap3A_1892 = arith.constant 144 : index
        %swap3A_1893 = tpu.vector_load %arg21[%swap3A_1891, %swap3A_1892] {strides = array<i32>} : memref<8x256xf32, #tpu.memory_space<vmem>>, vector<16xf32>,
        tpu.vector_store %arg21[%swap3A_1891, %swap3A_1892], %max3A_1890 {strides = array<i32>} : memref<8x256xf32, #tpu.memory_space<vmem>>, vector<16xf32>,
        %mul3A_1894 = arith.constant 1.250000e-01 : f32
        %mul3A_1895 = vector.broadcast %mul3A_1894 : f32 to vector<16xf32>
        %mul3A_1896 = arith.mulf %add3A_1799, %mul3A_1895 : vector<16xf32>
        %max3A_1897 = arith.constant 0.000000e+00 : f32
        %max3A_1898 = vector.broadcast %max3A_1897 : f32 to vector<16xf32>
        %max3A_1899 = arith.maximumf %mul3A_1896, %max3A_1898 : vector<16xf32>
        %swap3A_1900 = arith.index_cast %scan3A_71 : i32 to index
        %swap3A_1901 = arith.constant 160 : index
        %swap3A_1902 = tpu.vector_load %arg21[%swap3A_1900, %swap3A_1901] {strides = array<i32>} : memref<8x256xf32, #tpu.memory_space<vmem>>, vector<16xf32>,
        tpu.vector_store %arg21[%swap3A_1900, %swap3A_1901], %max3A_1899 {strides = array<i32>} : memref<8x256xf32, #tpu.memory_space<vmem>>, vector<16xf32>,
        %mul3A_1903 = arith.constant 1.250000e-01 : f32
        %mul3A_1904 = vector.broadcast %mul3A_1903 : f32 to vector<16xf32>
        %mul3A_1905 = arith.mulf %add3A_1803, %mul3A_1904 : vector<16xf32>
        %max3A_1906 = arith.constant 0.000000e+00 : f32
        %max3A_1907 = vector.broadcast %max3A_1906 : f32 to vector<16xf32>
        %max3A_1908 = arith.maximumf %mul3A_1905, %max3A_1907 : vector<16xf32>
        %swap3A_1909 = arith.index_cast %scan3A_71 : i32 to index
        %swap3A_1910 = arith.constant 176 : index
        %swap3A_1911 = tpu.vector_load %arg21[%swap3A_1909, %swap3A_1910] {strides = array<i32>} : memref<8x256xf32, #tpu.memory_space<vmem>>, vector<16xf32>,
        tpu.vector_store %arg21[%swap3A_1909, %swap3A_1910], %max3A_1908 {strides = array<i32>} : memref<8x256xf32, #tpu.memory_space<vmem>>, vector<16xf32>,
      }
      %scan3A_67 = arith.constant 8 : i32
      %mul3A_68 = arith.constant 8 : i32
      %mul3A_69 = arith.muli %scan3A_17, %mul3A_68 : i32
      %add3A_70 = arith.addi %mul3A_2, %mul3A_69 : i32
      "tpu.region"() ({
        %run_scoped3A = tpu.sem_alloc : memref<!tpu.dma_semaphore, #tpu.memory_space<semaphore_mem>>
        %dma_start3A_71 = arith.constant 0 : i32
        %dma_start3A_72 = tpu.memref_slice %arg10[%add3A_70, %dma_start3A_71] : memref<8192x256xf32, #tpu.memory_space<hbm>> -> memref<8x256xf32, #tpu.memory_space<hbm>>
        %dma_start3A_73 = arith.constant 0 : i32
        %dma_start3A_74 = tpu.memref_slice %arg10[%add3A_70, %dma_start3A_73] : memref<8192x256xf32, #tpu.memory_space<hbm>> -> memref<8x256xf32, #tpu.memory_space<hbm>>
        tpu.enqueue_dma source(%arg18 : memref<8x256xf32, #tpu.memory_space<vmem>>) target(%dma_start3A_74 : memref<8x256xf32, #tpu.memory_space<hbm>>) target_semaphore(%run_scoped3A : memref<!tpu.dma_semaphore, #tpu.memory_space<semaphore_mem>>)
        %dma_wait3A_75 = arith.constant 0 : i32
        %dma_wait3A_76 = tpu.memref_slice %arg10[%add3A_70, %dma_wait3A_75] : memref<8192x256xf32, #tpu.memory_space<hbm>> -> memref<8x256xf32, #tpu.memory_space<hbm>>
        %dma_wait3A_77 = arith.constant 0 : i32
        %dma_wait3A_78 = tpu.memref_slice %arg10[%add3A_70, %dma_wait3A_77] : memref<8192x256xf32, #tpu.memory_space<hbm>> -> memref<8x256xf32, #tpu.memory_space<hbm>>
        tpu.wait_dma2 semaphore(%run_scoped3A : memref<!tpu.dma_semaphore, #tpu.memory_space<semaphore_mem>>) src(%arg18 : memref<8x256xf32, #tpu.memory_space<vmem>>) dst(%dma_wait3A_78 : memref<8x256xf32, #tpu.memory_space<hbm>>)
        tpu.yield
      }) : () -> ()
      "tpu.region"() ({
        %run_scoped3A = tpu.sem_alloc : memref<!tpu.dma_semaphore, #tpu.memory_space<semaphore_mem>>
        %dma_start3A_71 = arith.constant 0 : i32
        %dma_start3A_72 = tpu.memref_slice %arg7[%add3A_70, %dma_start3A_71] : memref<8192x256xf32, #tpu.memory_space<hbm>> -> memref<8x256xf32, #tpu.memory_space<hbm>>
        %dma_start3A_73 = arith.constant 0 : i32
        %dma_start3A_74 = tpu.memref_slice %arg7[%add3A_70, %dma_start3A_73] : memref<8192x256xf32, #tpu.memory_space<hbm>> -> memref<8x256xf32, #tpu.memory_space<hbm>>
        tpu.enqueue_dma source(%arg19 : memref<8x256xf32, #tpu.memory_space<vmem>>) target(%dma_start3A_74 : memref<8x256xf32, #tpu.memory_space<hbm>>) target_semaphore(%run_scoped3A : memref<!tpu.dma_semaphore, #tpu.memory_space<semaphore_mem>>)
        %dma_wait3A_75 = arith.constant 0 : i32
        %dma_wait3A_76 = tpu.memref_slice %arg7[%add3A_70, %dma_wait3A_75] : memref<8192x256xf32, #tpu.memory_space<hbm>> -> memref<8x256xf32, #tpu.memory_space<hbm>>
        %dma_wait3A_77 = arith.constant 0 : i32
        %dma_wait3A_78 = tpu.memref_slice %arg7[%add3A_70, %dma_wait3A_77] : memref<8192x256xf32, #tpu.memory_space<hbm>> -> memref<8x256xf32, #tpu.memory_space<hbm>>
        tpu.wait_dma2 semaphore(%run_scoped3A : memref<!tpu.dma_semaphore, #tpu.memory_space<semaphore_mem>>) src(%arg19 : memref<8x256xf32, #tpu.memory_space<vmem>>) dst(%dma_wait3A_78 : memref<8x256xf32, #tpu.memory_space<hbm>>)
        tpu.yield
      }) : () -> ()
      "tpu.region"() ({
        %run_scoped3A = tpu.sem_alloc : memref<!tpu.dma_semaphore, #tpu.memory_space<semaphore_mem>>
        %dma_start3A_71 = arith.constant 0 : i32
        %dma_start3A_72 = tpu.memref_slice %arg8[%add3A_70, %dma_start3A_71] : memref<8192x256xf32, #tpu.memory_space<hbm>> -> memref<8x256xf32, #tpu.memory_space<hbm>>
        %dma_start3A_73 = arith.constant 0 : i32
        %dma_start3A_74 = tpu.memref_slice %arg8[%add3A_70, %dma_start3A_73] : memref<8192x256xf32, #tpu.memory_space<hbm>> -> memref<8x256xf32, #tpu.memory_space<hbm>>
        tpu.enqueue_dma source(%arg20 : memref<8x256xf32, #tpu.memory_space<vmem>>) target(%dma_start3A_74 : memref<8x256xf32, #tpu.memory_space<hbm>>) target_semaphore(%run_scoped3A : memref<!tpu.dma_semaphore, #tpu.memory_space<semaphore_mem>>)
        %dma_wait3A_75 = arith.constant 0 : i32
        %dma_wait3A_76 = tpu.memref_slice %arg8[%add3A_70, %dma_wait3A_75] : memref<8192x256xf32, #tpu.memory_space<hbm>> -> memref<8x256xf32, #tpu.memory_space<hbm>>
        %dma_wait3A_77 = arith.constant 0 : i32
        %dma_wait3A_78 = tpu.memref_slice %arg8[%add3A_70, %dma_wait3A_77] : memref<8192x256xf32, #tpu.memory_space<hbm>> -> memref<8x256xf32, #tpu.memory_space<hbm>>
        tpu.wait_dma2 semaphore(%run_scoped3A : memref<!tpu.dma_semaphore, #tpu.memory_space<semaphore_mem>>) src(%arg20 : memref<8x256xf32, #tpu.memory_space<vmem>>) dst(%dma_wait3A_78 : memref<8x256xf32, #tpu.memory_space<hbm>>)
        tpu.yield
      }) : () -> ()
      "tpu.region"() ({
        %run_scoped3A = tpu.sem_alloc : memref<!tpu.dma_semaphore, #tpu.memory_space<semaphore_mem>>
        %dma_start3A_71 = arith.constant 0 : i32
        %dma_start3A_72 = tpu.memref_slice %arg9[%add3A_70, %dma_start3A_71] : memref<8192x256xf32, #tpu.memory_space<hbm>> -> memref<8x256xf32, #tpu.memory_space<hbm>>
        %dma_start3A_73 = arith.constant 0 : i32
        %dma_start3A_74 = tpu.memref_slice %arg9[%add3A_70, %dma_start3A_73] : memref<8192x256xf32, #tpu.memory_space<hbm>> -> memref<8x256xf32, #tpu.memory_space<hbm>>
        tpu.enqueue_dma source(%arg21 : memref<8x256xf32, #tpu.memory_space<vmem>>) target(%dma_start3A_74 : memref<8x256xf32, #tpu.memory_space<hbm>>) target_semaphore(%run_scoped3A : memref<!tpu.dma_semaphore, #tpu.memory_space<semaphore_mem>>)
        %dma_wait3A_75 = arith.constant 0 : i32
        %dma_wait3A_76 = tpu.memref_slice %arg9[%add3A_70, %dma_wait3A_75] : memref<8192x256xf32, #tpu.memory_space<hbm>> -> memref<8x256xf32, #tpu.memory_space<hbm>>
        %dma_wait3A_77 = arith.constant 0 : i32
        %dma_wait3A_78 = tpu.memref_slice %arg9[%add3A_70, %dma_wait3A_77] : memref<8192x256xf32, #tpu.memory_space<hbm>> -> memref<8x256xf32, #tpu.memory_space<hbm>>
        tpu.wait_dma2 semaphore(%run_scoped3A : memref<!tpu.dma_semaphore, #tpu.memory_space<semaphore_mem>>) src(%arg21 : memref<8x256xf32, #tpu.memory_space<vmem>>) dst(%dma_wait3A_78 : memref<8x256xf32, #tpu.memory_space<hbm>>)
        tpu.yield
      }) : () -> ()
    }
    %scan3A_16 = arith.constant 32 : i32
    return
  }
}

module attributes {stable_mosaic.version = 14 : i64} {
  func.func @_tc_body(%arg0: i32, %arg1: memref<1024x256xf32, #tpu.memory_space<vmem>>, %arg2: memref<1024x256xf32, #tpu.memory_space<vmem>>, %arg3: memref<1024x256xf32, #tpu.memory_space<vmem>>, %arg4: memref<1024x256xf32, #tpu.memory_space<vmem>>, %arg5: memref<256x64xf32, #tpu.memory_space<vmem>>, %arg6: memref<128x1xf32, #tpu.memory_space<vmem>>, %arg7: memref<1024x64xf32, #tpu.memory_space<vmem>>, %arg8: memref<1x128xf32, #tpu.memory_space<vmem>>, %arg9: memref<3xf32, #tpu.memory_space<smem>>) attributes {dimension_semantics = [#tpu.dimension_semantics<arbitrary>], iteration_bounds = array<i64: 8>, scalar_prefetch = 0 : i64, scratch_operands = 1 : i64, tpu.core_type = #tpu.core_type<tc>, window_params = [{transform_indices = @transform_0, window_bounds = array<i64: 1024, 256>}, {transform_indices = @transform_1, window_bounds = array<i64: 1024, 256>}, {transform_indices = @transform_2, window_bounds = array<i64: 1024, 256>}, {transform_indices = @transform_3, window_bounds = array<i64: 1024, 256>}, {pipeline_mode = #tpu.pipeline_mode<synchronous>, transform_indices = @transform_4, window_bounds = array<i64: 256, 64>}, {pipeline_mode = #tpu.pipeline_mode<synchronous>, transform_indices = @transform_5, window_bounds = array<i64: 128, 1>}, {transform_indices = @transform_6, window_bounds = array<i64: 1024, 64>}, {pipeline_mode = #tpu.pipeline_mode<synchronous>, transform_indices = @transform_7, window_bounds = array<i64: 1, 128>}]} {
    %eq3A = arith.constant 0 : i32
    %eq3A_0 = arith.cmpi eq, %arg0, %eq3A : i32
    %convert_element_type3A = arith.extui %eq3A_0 : i1 to i32
    %cond3A = arith.constant 0 : i32
    %cond3A_1 = arith.cmpi ne, %convert_element_type3A, %cond3A : i32
    scf.if %cond3A_1 {
      %swap3A_125 = arith.constant 0.000000e+00 : f32
      %swap3A_126 = arith.constant 0 : index
      %swap3A_127 = memref.load %arg9[%swap3A_126] : memref<3xf32, #tpu.memory_space<smem>>
      memref.store %swap3A_125, %arg9[%swap3A_126] : memref<3xf32, #tpu.memory_space<smem>>
      %swap3A_128 = arith.constant 0.000000e+00 : f32
      %swap3A_129 = arith.constant 1 : index
      %swap3A_130 = memref.load %arg9[%swap3A_129] : memref<3xf32, #tpu.memory_space<smem>>
      memref.store %swap3A_128, %arg9[%swap3A_129] : memref<3xf32, #tpu.memory_space<smem>>
      %swap3A_131 = arith.constant 0.000000e+00 : f32
      %swap3A_132 = arith.constant 2 : index
      %swap3A_133 = memref.load %arg9[%swap3A_132] : memref<3xf32, #tpu.memory_space<smem>>
      memref.store %swap3A_131, %arg9[%swap3A_132] : memref<3xf32, #tpu.memory_space<smem>>
    } else {
    }
    %get3A = arith.constant 0 : index
    %get3A_2 = arith.constant 0 : index
    %get3A_3 = vector.load %arg5[%get3A, %get3A_2] : memref<256x64xf32, #tpu.memory_space<vmem>>, vector<256x64xf32>
    %convert_element_type3A_4 = arith.truncf %get3A_3 : vector<256x64xf32> to vector<256x64xbf16>
    %get3A_5 = arith.constant 0 : index
    %get3A_6 = arith.constant 0 : index
    %get3A_7 = vector.load %arg1[%get3A_5, %get3A_6] : memref<1024x256xf32, #tpu.memory_space<vmem>>, vector<1024x256xf32>
    %convert_element_type3A_8 = arith.truncf %get3A_7 : vector<1024x256xf32> to vector<1024x256xbf16>
    %dot_general3A = arith.constant dense<0.000000e+00> : vector<1024x64xf32>
    %dot_general3A_9 = tpu.matmul %convert_element_type3A_8, %convert_element_type3A_4, %dot_general3A {dimension_numbers = #tpu.dot_dimension_numbers<[1], [0], [0], [1], [0, 0, 1, 1], [], []>, transpose_lhs_hint = false} : vector<1024x256xbf16>, vector<256x64xbf16>, vector<1024x64xf32> -> vector<1024x64xf32>
    %get3A_10 = arith.constant 0 : index
    %get3A_11 = arith.constant 0 : index
    %get3A_12 = vector.load %arg2[%get3A_10, %get3A_11] : memref<1024x256xf32, #tpu.memory_space<vmem>>, vector<1024x256xf32>
    %convert_element_type3A_13 = arith.truncf %get3A_12 : vector<1024x256xf32> to vector<1024x256xbf16>
    %dot_general3A_14 = arith.constant dense<0.000000e+00> : vector<1024x64xf32>
    %dot_general3A_15 = tpu.matmul %convert_element_type3A_13, %convert_element_type3A_4, %dot_general3A_14 {dimension_numbers = #tpu.dot_dimension_numbers<[1], [0], [0], [1], [0, 0, 1, 1], [], []>, transpose_lhs_hint = false} : vector<1024x256xbf16>, vector<256x64xbf16>, vector<1024x64xf32> -> vector<1024x64xf32>
    %get3A_16 = arith.constant 0 : index
    %get3A_17 = arith.constant 0 : index
    %get3A_18 = vector.load %arg3[%get3A_16, %get3A_17] : memref<1024x256xf32, #tpu.memory_space<vmem>>, vector<1024x256xf32>
    %convert_element_type3A_19 = arith.truncf %get3A_18 : vector<1024x256xf32> to vector<1024x256xbf16>
    %dot_general3A_20 = arith.constant dense<0.000000e+00> : vector<1024x64xf32>
    %dot_general3A_21 = tpu.matmul %convert_element_type3A_19, %convert_element_type3A_4, %dot_general3A_20 {dimension_numbers = #tpu.dot_dimension_numbers<[1], [0], [0], [1], [0, 0, 1, 1], [], []>, transpose_lhs_hint = false} : vector<1024x256xbf16>, vector<256x64xbf16>, vector<1024x64xf32> -> vector<1024x64xf32>
    %get3A_22 = arith.constant 0 : index
    %get3A_23 = arith.constant 0 : index
    %get3A_24 = vector.load %arg4[%get3A_22, %get3A_23] : memref<1024x256xf32, #tpu.memory_space<vmem>>, vector<1024x256xf32>
    %convert_element_type3A_25 = arith.truncf %get3A_24 : vector<1024x256xf32> to vector<1024x256xbf16>
    %dot_general3A_26 = arith.constant dense<0.000000e+00> : vector<1024x64xf32>
    %dot_general3A_27 = tpu.matmul %convert_element_type3A_25, %convert_element_type3A_4, %dot_general3A_26 {dimension_numbers = #tpu.dot_dimension_numbers<[1], [0], [0], [1], [0, 0, 1, 1], [], []>, transpose_lhs_hint = false} : vector<1024x256xbf16>, vector<256x64xbf16>, vector<1024x64xf32> -> vector<1024x64xf32>
    %get3A_28 = arith.constant 0 : index
    %get3A_29 = arith.constant 0 : index
    %get3A_30 = vector.load %arg6[%get3A_28, %get3A_29] : memref<128x1xf32, #tpu.memory_space<vmem>>, vector<64x1xf32>
    %convert_element_type3A_31 = arith.truncf %get3A_30 : vector<64x1xf32> to vector<64x1xbf16>
    %get3A_32 = arith.constant 64 : index
    %get3A_33 = arith.constant 0 : index
    %get3A_34 = vector.load %arg6[%get3A_32, %get3A_33] : memref<128x1xf32, #tpu.memory_space<vmem>>, vector<64x1xf32>
    %convert_element_type3A_35 = arith.truncf %get3A_34 : vector<64x1xf32> to vector<64x1xbf16>
    %convert_element_type3A_36 = arith.truncf %dot_general3A_9 : vector<1024x64xf32> to vector<1024x64xbf16>
    %dot_general3A_37 = arith.constant dense<0.000000e+00> : vector<1024x1xf32>
    %dot_general3A_38 = tpu.matmul %convert_element_type3A_36, %convert_element_type3A_31, %dot_general3A_37 {dimension_numbers = #tpu.dot_dimension_numbers<[1], [0], [0], [1], [0, 0, 1, 1], [], []>, transpose_lhs_hint = false} : vector<1024x64xbf16>, vector<64x1xbf16>, vector<1024x1xf32> -> vector<1024x1xf32>
    %convert_element_type3A_39 = arith.truncf %dot_general3A_15 : vector<1024x64xf32> to vector<1024x64xbf16>
    %dot_general3A_40 = arith.constant dense<0.000000e+00> : vector<1024x1xf32>
    %dot_general3A_41 = tpu.matmul %convert_element_type3A_39, %convert_element_type3A_35, %dot_general3A_40 {dimension_numbers = #tpu.dot_dimension_numbers<[1], [0], [0], [1], [0, 0, 1, 1], [], []>, transpose_lhs_hint = false} : vector<1024x64xbf16>, vector<64x1xbf16>, vector<1024x1xf32> -> vector<1024x1xf32>
    %add3A = arith.addf %dot_general3A_38, %dot_general3A_41 : vector<1024x1xf32>
    %ge3A = arith.constant 0.000000e+00 : f32
    %ge3A_42 = vector.broadcast %ge3A : f32 to vector<1024x1xf32>
    %ge3A_43 = arith.cmpf oge, %add3A, %ge3A_42 : vector<1024x1xf32>
    %mul3A = arith.constant 2.000000e-01 : f32
    %mul3A_44 = vector.broadcast %mul3A : f32 to vector<1024x1xf32>
    %mul3A_45 = arith.mulf %mul3A_44, %add3A : vector<1024x1xf32>
    %select_n3A = arith.select %ge3A_43, %add3A, %mul3A_45 : vector<1024x1xi1>, vector<1024x1xf32>
    %convert_element_type3A_46 = arith.truncf %dot_general3A_21 : vector<1024x64xf32> to vector<1024x64xbf16>
    %dot_general3A_47 = arith.constant dense<0.000000e+00> : vector<1024x1xf32>
    %dot_general3A_48 = tpu.matmul %convert_element_type3A_46, %convert_element_type3A_35, %dot_general3A_47 {dimension_numbers = #tpu.dot_dimension_numbers<[1], [0], [0], [1], [0, 0, 1, 1], [], []>, transpose_lhs_hint = false} : vector<1024x64xbf16>, vector<64x1xbf16>, vector<1024x1xf32> -> vector<1024x1xf32>
    %add3A_49 = arith.addf %dot_general3A_38, %dot_general3A_48 : vector<1024x1xf32>
    %ge3A_50 = arith.constant 0.000000e+00 : f32
    %ge3A_51 = vector.broadcast %ge3A_50 : f32 to vector<1024x1xf32>
    %ge3A_52 = arith.cmpf oge, %add3A_49, %ge3A_51 : vector<1024x1xf32>
    %mul3A_53 = arith.constant 2.000000e-01 : f32
    %mul3A_54 = vector.broadcast %mul3A_53 : f32 to vector<1024x1xf32>
    %mul3A_55 = arith.mulf %mul3A_54, %add3A_49 : vector<1024x1xf32>
    %select_n3A_56 = arith.select %ge3A_52, %add3A_49, %mul3A_55 : vector<1024x1xi1>, vector<1024x1xf32>
    %convert_element_type3A_57 = arith.truncf %dot_general3A_27 : vector<1024x64xf32> to vector<1024x64xbf16>
    %dot_general3A_58 = arith.constant dense<0.000000e+00> : vector<1024x1xf32>
    %dot_general3A_59 = tpu.matmul %convert_element_type3A_57, %convert_element_type3A_35, %dot_general3A_58 {dimension_numbers = #tpu.dot_dimension_numbers<[1], [0], [0], [1], [0, 0, 1, 1], [], []>, transpose_lhs_hint = false} : vector<1024x64xbf16>, vector<64x1xbf16>, vector<1024x1xf32> -> vector<1024x1xf32>
    %add3A_60 = arith.addf %dot_general3A_38, %dot_general3A_59 : vector<1024x1xf32>
    %ge3A_61 = arith.constant 0.000000e+00 : f32
    %ge3A_62 = vector.broadcast %ge3A_61 : f32 to vector<1024x1xf32>
    %ge3A_63 = arith.cmpf oge, %add3A_60, %ge3A_62 : vector<1024x1xf32>
    %mul3A_64 = arith.constant 2.000000e-01 : f32
    %mul3A_65 = vector.broadcast %mul3A_64 : f32 to vector<1024x1xf32>
    %mul3A_66 = arith.mulf %mul3A_65, %add3A_60 : vector<1024x1xf32>
    %select_n3A_67 = arith.select %ge3A_63, %add3A_60, %mul3A_66 : vector<1024x1xi1>, vector<1024x1xf32>
    %max3A = arith.maximumf %select_n3A, %select_n3A_56 : vector<1024x1xf32>
    %max3A_68 = arith.maximumf %max3A, %select_n3A_67 : vector<1024x1xf32>
    %sub3A = arith.subf %select_n3A, %max3A_68 : vector<1024x1xf32>
    %exp3A = math.exp %sub3A : vector<1024x1xf32>
    %sub3A_69 = arith.subf %select_n3A_56, %max3A_68 : vector<1024x1xf32>
    %exp3A_70 = math.exp %sub3A_69 : vector<1024x1xf32>
    %sub3A_71 = arith.subf %select_n3A_67, %max3A_68 : vector<1024x1xf32>
    %exp3A_72 = math.exp %sub3A_71 : vector<1024x1xf32>
    %add3A_73 = arith.addf %exp3A, %exp3A_70 : vector<1024x1xf32>
    %add3A_74 = arith.addf %add3A_73, %exp3A_72 : vector<1024x1xf32>
    %div3A = arith.divf %exp3A, %add3A_74 : vector<1024x1xf32>
    %div3A_75 = arith.divf %exp3A_70, %add3A_74 : vector<1024x1xf32>
    %div3A_76 = arith.divf %exp3A_72, %add3A_74 : vector<1024x1xf32>
    %mul3A_77 = vector.broadcast %div3A : vector<1024x1xf32> to vector<1024x64xf32>
    %mul3A_78 = arith.mulf %mul3A_77, %dot_general3A_15 : vector<1024x64xf32>
    %add3A_79 = arith.addf %dot_general3A_9, %mul3A_78 : vector<1024x64xf32>
    %mul3A_80 = vector.broadcast %div3A_75 : vector<1024x1xf32> to vector<1024x64xf32>
    %mul3A_81 = arith.mulf %mul3A_80, %dot_general3A_21 : vector<1024x64xf32>
    %add3A_82 = arith.addf %add3A_79, %mul3A_81 : vector<1024x64xf32>
    %mul3A_83 = vector.broadcast %div3A_76 : vector<1024x1xf32> to vector<1024x64xf32>
    %mul3A_84 = arith.mulf %mul3A_83, %dot_general3A_27 : vector<1024x64xf32>
    %add3A_85 = arith.addf %add3A_82, %mul3A_84 : vector<1024x64xf32>
    %max3A_86 = arith.constant 0.000000e+00 : f32
    %max3A_87 = vector.broadcast %max3A_86 : f32 to vector<1024x64xf32>
    %max3A_88 = arith.maximumf %add3A_85, %max3A_87 : vector<1024x64xf32>
    %swap3A = arith.constant 0 : index
    %swap3A_89 = arith.constant 0 : index
    %swap3A_90 = vector.load %arg7[%swap3A, %swap3A_89] : memref<1024x64xf32, #tpu.memory_space<vmem>>, vector<1024x64xf32>
    tpu.vector_store %arg7[%swap3A, %swap3A_89], %max3A_88 {strides = array<i32>} : memref<1024x64xf32, #tpu.memory_space<vmem>>, vector<1024x64xf32>,
    %get3A_91 = arith.constant 0 : index
    %get3A_92 = memref.load %arg9[%get3A_91] : memref<3xf32, #tpu.memory_space<smem>>
    %reduce_sum3A = vector.shape_cast %div3A : vector<1024x1xf32> to vector<1x1024x1xf32>
    %reduce_sum3A_93 = arith.constant dense<0.000000e+00> : vector<1xf32>
    %reduce_sum3A_94 = vector.multi_reduction <add>, %reduce_sum3A, %reduce_sum3A_93 [1, 2] : vector<1x1024x1xf32> to vector<1xf32>
    %reduce_sum3A_95 = vector.shape_cast %reduce_sum3A_94 : vector<1xf32> to vector<1x1x1xf32>
    %reduce_sum3A_96 = vector.extract %reduce_sum3A_95[0, 0, 0] : f32 from vector<1x1x1xf32>
    %add3A_97 = arith.addf %get3A_92, %reduce_sum3A_96 : f32
    %swap3A_98 = arith.constant 0 : index
    %swap3A_99 = memref.load %arg9[%swap3A_98] : memref<3xf32, #tpu.memory_space<smem>>
    memref.store %add3A_97, %arg9[%swap3A_98] : memref<3xf32, #tpu.memory_space<smem>>
    %get3A_100 = arith.constant 1 : index
    %get3A_101 = memref.load %arg9[%get3A_100] : memref<3xf32, #tpu.memory_space<smem>>
    %reduce_sum3A_102 = vector.shape_cast %div3A_75 : vector<1024x1xf32> to vector<1x1024x1xf32>
    %reduce_sum3A_103 = arith.constant dense<0.000000e+00> : vector<1xf32>
    %reduce_sum3A_104 = vector.multi_reduction <add>, %reduce_sum3A_102, %reduce_sum3A_103 [1, 2] : vector<1x1024x1xf32> to vector<1xf32>
    %reduce_sum3A_105 = vector.shape_cast %reduce_sum3A_104 : vector<1xf32> to vector<1x1x1xf32>
    %reduce_sum3A_106 = vector.extract %reduce_sum3A_105[0, 0, 0] : f32 from vector<1x1x1xf32>
    %add3A_107 = arith.addf %get3A_101, %reduce_sum3A_106 : f32
    %swap3A_108 = arith.constant 1 : index
    %swap3A_109 = memref.load %arg9[%swap3A_108] : memref<3xf32, #tpu.memory_space<smem>>
    memref.store %add3A_107, %arg9[%swap3A_108] : memref<3xf32, #tpu.memory_space<smem>>
    %get3A_110 = arith.constant 2 : index
    %get3A_111 = memref.load %arg9[%get3A_110] : memref<3xf32, #tpu.memory_space<smem>>
    %reduce_sum3A_112 = vector.shape_cast %div3A_76 : vector<1024x1xf32> to vector<1x1024x1xf32>
    %reduce_sum3A_113 = arith.constant dense<0.000000e+00> : vector<1xf32>
    %reduce_sum3A_114 = vector.multi_reduction <add>, %reduce_sum3A_112, %reduce_sum3A_113 [1, 2] : vector<1x1024x1xf32> to vector<1xf32>
    %reduce_sum3A_115 = vector.shape_cast %reduce_sum3A_114 : vector<1xf32> to vector<1x1x1xf32>
    %reduce_sum3A_116 = vector.extract %reduce_sum3A_115[0, 0, 0] : f32 from vector<1x1x1xf32>
    %add3A_117 = arith.addf %get3A_111, %reduce_sum3A_116 : f32
    %swap3A_118 = arith.constant 2 : index
    %swap3A_119 = memref.load %arg9[%swap3A_118] : memref<3xf32, #tpu.memory_space<smem>>
    memref.store %add3A_117, %arg9[%swap3A_118] : memref<3xf32, #tpu.memory_space<smem>>
    %eq3A_120 = arith.constant 7 : i32
    %eq3A_121 = arith.cmpi eq, %arg0, %eq3A_120 : i32
    %convert_element_type3A_122 = arith.extui %eq3A_121 : i1 to i32
    %cond3A_123 = arith.constant 0 : i32
    %cond3A_124 = arith.cmpi ne, %convert_element_type3A_122, %cond3A_123 : i32
    scf.if %cond3A_124 {
      %get3A_125 = arith.constant 0 : index
      %get3A_126 = memref.load %arg9[%get3A_125] : memref<3xf32, #tpu.memory_space<smem>>
      %get3A_127 = arith.constant 1 : index
      %get3A_128 = memref.load %arg9[%get3A_127] : memref<3xf32, #tpu.memory_space<smem>>
      %get3A_129 = arith.constant 2 : index
      %get3A_130 = memref.load %arg9[%get3A_129] : memref<3xf32, #tpu.memory_space<smem>>
      %max3A_131 = arith.maximumf %get3A_128, %get3A_130 : f32
      %max3A_132 = arith.maximumf %get3A_126, %max3A_131 : f32
      %sub3A_133 = arith.subf %get3A_126, %max3A_132 : f32
      %exp3A_134 = math.exp %sub3A_133 : f32
      %sub3A_135 = arith.subf %get3A_128, %max3A_132 : f32
      %exp3A_136 = math.exp %sub3A_135 : f32
      %sub3A_137 = arith.subf %get3A_130, %max3A_132 : f32
      %exp3A_138 = math.exp %sub3A_137 : f32
      %add3A_139 = arith.addf %exp3A_134, %exp3A_136 : f32
      %add3A_140 = arith.addf %add3A_139, %exp3A_138 : f32
      %iota3A = tpu.iota {dimensions = array<i32: 1>} : vector<1x128xi32>
      %eq3A_141 = arith.constant 0 : i32
      %eq3A_142 = vector.broadcast %eq3A_141 : i32 to vector<1x128xi32>
      %eq3A_143 = arith.cmpi eq, %iota3A, %eq3A_142 : vector<1x128xi32>
      %div3A_144 = arith.divf %exp3A_134, %add3A_140 : f32
      %eq3A_145 = arith.constant 1 : i32
      %eq3A_146 = vector.broadcast %eq3A_145 : i32 to vector<1x128xi32>
      %eq3A_147 = arith.cmpi eq, %iota3A, %eq3A_146 : vector<1x128xi32>
      %div3A_148 = arith.divf %exp3A_136, %add3A_140 : f32
      %eq3A_149 = arith.constant 2 : i32
      %eq3A_150 = vector.broadcast %eq3A_149 : i32 to vector<1x128xi32>
      %eq3A_151 = arith.cmpi eq, %iota3A, %eq3A_150 : vector<1x128xi32>
      %div3A_152 = arith.divf %exp3A_138, %add3A_140 : f32
      %jit3A = arith.constant 0.000000e+00 : f32
      %broadcast_in_dim3A = vector.broadcast %div3A_152 : f32 to vector<1x128xf32>
      %broadcast_in_dim3A_153 = vector.broadcast %jit3A : f32 to vector<1x128xf32>
      %select_n3A_154 = arith.select %eq3A_151, %broadcast_in_dim3A, %broadcast_in_dim3A_153 : vector<1x128xi1>, vector<1x128xf32>
      %broadcast_in_dim3A_155 = vector.broadcast %div3A_148 : f32 to vector<1x128xf32>
      %select_n3A_156 = arith.select %eq3A_147, %broadcast_in_dim3A_155, %select_n3A_154 : vector<1x128xi1>, vector<1x128xf32>
      %broadcast_in_dim3A_157 = vector.broadcast %div3A_144 : f32 to vector<1x128xf32>
      %select_n3A_158 = arith.select %eq3A_143, %broadcast_in_dim3A_157, %select_n3A_156 : vector<1x128xi1>, vector<1x128xf32>
      %swap3A_159 = arith.constant 0 : index
      %swap3A_160 = arith.constant 0 : index
      %swap3A_161 = vector.load %arg8[%swap3A_159, %swap3A_160] : memref<1x128xf32, #tpu.memory_space<vmem>>, vector<1x128xf32>
      tpu.vector_store %arg8[%swap3A_159, %swap3A_160], %select_n3A_158 {strides = array<i32>} : memref<1x128xf32, #tpu.memory_space<vmem>>, vector<1x128xf32>,
    } else {
    }
    return
  }
  func.func @transform_0(%arg0: i32) -> (i32, i32) {
    %c0_i32 = arith.constant 0 : i32
    %c0_i32_0 = arith.constant 0 : i32
    return %arg0, %c0_i32 : i32, i32
  }
  func.func @transform_1(%arg0: i32) -> (i32, i32) {
    %c0_i32 = arith.constant 0 : i32
    %c0_i32_0 = arith.constant 0 : i32
    return %arg0, %c0_i32 : i32, i32
  }
  func.func @transform_2(%arg0: i32) -> (i32, i32) {
    %c0_i32 = arith.constant 0 : i32
    %c0_i32_0 = arith.constant 0 : i32
    return %arg0, %c0_i32 : i32, i32
  }
  func.func @transform_3(%arg0: i32) -> (i32, i32) {
    %c0_i32 = arith.constant 0 : i32
    %c0_i32_0 = arith.constant 0 : i32
    return %arg0, %c0_i32 : i32, i32
  }
  func.func @transform_4(%arg0: i32) -> (i32, i32) {
    %c0_i32 = arith.constant 0 : i32
    %c0_i32_0 = arith.constant 0 : i32
    %c0_i32_1 = arith.constant 0 : i32
    return %c0_i32, %c0_i32_0 : i32, i32
  }
  func.func @transform_5(%arg0: i32) -> (i32, i32) {
    %c0_i32 = arith.constant 0 : i32
    %c0_i32_0 = arith.constant 0 : i32
    %c0_i32_1 = arith.constant 0 : i32
    return %c0_i32, %c0_i32_0 : i32, i32
  }
  func.func @transform_6(%arg0: i32) -> (i32, i32) {
    %c0_i32 = arith.constant 0 : i32
    %c0_i32_0 = arith.constant 0 : i32
    return %arg0, %c0_i32 : i32, i32
  }
  func.func @transform_7(%arg0: i32) -> (i32, i32) {
    %c0_i32 = arith.constant 0 : i32
    %c0_i32_0 = arith.constant 0 : i32
    %c0_i32_1 = arith.constant 0 : i32
    return %c0_i32, %c0_i32_0 : i32, i32
  }
}

</mosaic_0001>

<sc_bundles>
// kernel: kernel.4.cloned.1.call-start
scs
__scs_entry_jumppad:
0x0: {  	(pc) =	sbr.rel $0x88, $3  }
0x1: {  	(tag) =	ssettag $0x0;
	lr =	simm.s32 $0x1  }
0x2: {  	[smem:$0x3F9A] =	sst lr;
	_ =	strace $0xD0000000  }
0x3: {  	_ = 	snop  }
0x4: {  	_ = 	snop  }
0x5: {  	_ = 	snop  }
0x6: {  	_ = 	snop  }
0x7: {  	_ = 	snop  }
__scs_overlays_trampoline_lowered:
0x8: {  	[smem:$0x3FA9] =	sst s0  }
0x9: {  	[smem:$0x3FAA] =	sst s1  }
0xa: {  	[smem:$0x3FAB] =	sst s2  }
0xb: {  	[smem:$0x3FAC] =	sst s3  }
0xc: {  	[smem:$0x3FAD] =	sst s4  }
0xd: {  	[smem:$0x3FAE] =	sst s5  }
0xe: {  	[smem:$0x3FAF] =	sst s6  }
0xf: {  	[smem:$0x3FB0] =	sst s7  }
0x10: {  	[smem:$0x3FB1] =	sst s8  }
0x11: {  	[smem:$0x3FB2] =	sst s9;
	s0 =	simm.s32 @!p0 $0x0  }
0x12: {  	s1 =	sld [smem:$0x3F98];
	s0 =	simm.s32 @p0 $0x1  }
0x13: {  	[smem:$0x3FB3] =	sst s0;
	s0 =	simm.s32 @!p1 $0x0  }
0x14: {  	s2 =	sld [smem:$0x3F97];
	s0 =	simm.s32 @p1 $0x1  }
0x15: {  	[smem:$0x3FB4] =	sst s0;
	s0 =	simm.s32 @!p2 $0x0  }
0x16: {  	s3 =	sld [smem:$0x3FDB];
	s0 =	simm.s32 @p2 $0x1  }
0x17: {  	s4 =	simm.s32 $0x1BF5;
	[smem:$0x3FB6] =	sst s0  }
0x18: {  	s0 =	sld [smem:$0x3F99];
	_ =	swait.ge [sflag:s4], $0x0  }
0x19: {  	s7 =	sld [smem:$0x3F9A]  }
0x1a: {  	s8 =	sadd.s32 $0xFFFFE003, lr  }
0x1b: {  	s9 =	sadd.s32 $0xFFFFFEF7, lr;
	s5 =	simm.s32 $0xFFFFFFFF;
	p2 =	slt.u32 s8, $0xFFFFF086  }
0x1c: {  	p1 =	slt.u32 s9, $0xF7A;
	s5 =	simm.s32 @!p2 $0x0  }
0x1d: {  	s5 =	simm.s32 @p1 $0x1;
	p0 =	seq.s32 s7, s2  }
0x1e: {  	s7 =	smul.u32 @!p0 $0xF7A, s2;
	p2 =	seq.s32 @!p0 s5, $0x0  }
0x1f: {  	s9 =	smul.u32 $0xF7A, s1;
	s8 =	simm.s32 @!p0 $0x1BF5;
	p2 =	por !p2, p0  }
0x20: {  	[sflag:s8] =	ssyncset.s32 @!p0 $0xFFFFF086;
	s6 =	sadd.s32 @!p0 s3, s7;
	s7 =	simm.s32 @!p0 $0x108  }
0x21: {  	s3 =	sadd.s32 s3, s9;
	s6 =	sadd.s32 @!p0 $0x88, s6;
	s7 =	simm.s32 @p2 $0x1082  }
0x22: {  	[simem:s7], [sflag:s8] =	dma.local @!p0 [hbm:s6], $0xF7A  }
0x23: {  	s9 =	sor.u32 $0xD0000000, s2;
	s6 =	simm.s32 $0x108;
	_ =	swait.ge @!p0 [sflag:s8], $0x0  }
0x24: {  	s3 =	sadd.s32 $0x88, s3;
	s6 =	simm.s32 @!p1 $0x1082;
	[sflag:s4] =	ssyncset.s32 $0xFFFFF086  }
0x25: {  	[simem:s6], [sflag:s4] =	dma.local [hbm:s3], $0xF7A  }
0x26: {  	[smem:$0x3F9A] =	sst s1;
	(tag) =	ssettag s2;
	_ =	strace s9  }
0x27: {  	s1 =	sld [smem:$0x3FAA]  }
0x28: {  	s2 =	sld [smem:$0x3FAB]  }
0x29: {  	s4 =	sld [smem:$0x3FAD]  }
0x2a: {  	p0 =	seq.s32 s5, $0x0;
	s5 =	sld [smem:$0x3FAE]  }
0x2b: {  	s6 =	sld [smem:$0x3FAF]  }
0x2c: {  	s7 =	sld [smem:$0x3FB0]  }
0x2d: {  	s3 =	simm.s32 $0x108;
	s8 =	sld [smem:$0x3FB1]  }
0x2e: {  	s3 =	simm.s32 @!p0 $0x1082;
	s9 =	sld [smem:$0x3FB2]  }
0x2f: {  	lr =	sadd.s32 s0, s3;
	s0 =	sld [smem:$0x3FA9]  }
0x30: {  	s3 =	sld [smem:$0x3FAC]  }
0x31: {  	[smem:$0x3FB5] =	sst s10  }
0x32: {  	s10 =	sld [smem:$0x3FB3];
	_ =	sdelay $0x3  }
0x33: {  	p0 =	seq.s32 s10, $0x1;
	s10 =	sld [smem:$0x3FB5];
	_ =	sdelay $0x3  }
0x34: {  	[smem:$0x3FB5] =	sst s10  }
0x35: {  	s10 =	sld [smem:$0x3FB4];
	_ =	sdelay $0x3  }
0x36: {  	p1 =	seq.s32 s10, $0x1;
	s10 =	sld [smem:$0x3FB5];
	_ =	sdelay $0x3  }
0x37: {  	[smem:$0x3FB5] =	sst s10  }
0x38: {  	s10 =	sld [smem:$0x3FB6]  }
0x39: {  	_ = 	snop;
	(pc) =	sbr.ind lr, $3  }
0x3a: {  	_ = 	snop  }
0x3b: {  	_ = 	snop  }
0x3c: {  	p2 =	seq.s32 s10, $0x1;
	s10 =	sld [smem:$0x3FB5]  }
0x3d: {  	_ =	shalt  }
0x3e: {  	_ =	shalt  }
0x3f: {  	_ =	shalt  }
0x40: {  	_ =	shalt  }
0x41: {  	_ =	shalt  }
0x42: {  	_ =	shalt  }
0x43: {  	_ =	shalt  }
0x44: {  	_ =	shalt  }
0x45: {  	_ =	shalt  }
0x46: {  	_ =	shalt  }
0x47: {  	_ =	shalt  }
0x48: {  	_ =	shalt  }
0x49: {  	_ =	shalt  }
0x4a: {  	_ =	shalt  }
0x4b: {  	_ =	shalt  }
0x4c: {  	_ =	shalt  }
0x4d: {  	_ =	shalt  }
0x4e: {  	_ =	shalt  }
0x4f: {  	_ =	shalt  }
0x50: {  	_ =	shalt  }
0x51: {  	_ =	shalt  }
0x52: {  	_ =	shalt  }
0x53: {  	_ =	shalt  }
0x54: {  	_ =	shalt  }
0x55: {  	_ =	shalt  }
0x56: {  	_ =	shalt  }
0x57: {  	_ =	shalt  }
0x58: {  	_ =	shalt  }
0x59: {  	_ =	shalt  }
0x5a: {  	_ =	shalt  }
0x5b: {  	_ =	shalt  }
0x5c: {  	_ =	shalt  }
0x5d: {  	_ =	shalt  }
0x5e: {  	_ =	shalt  }
0x5f: {  	_ =	shalt  }
0x60: {  	_ =	shalt  }
0x61: {  	_ =	shalt  }
0x62: {  	_ =	shalt  }
0x63: {  	_ =	shalt  }
0x64: {  	_ =	shalt  }
0x65: {  	_ =	shalt  }
0x66: {  	_ =	shalt  }
0x67: {  	_ =	shalt  }
0x68: {  	_ =	shalt  }
0x69: {  	_ =	shalt  }
0x6a: {  	_ =	shalt  }
0x6b: {  	_ =	shalt  }
0x6c: {  	_ =	shalt  }
0x6d: {  	_ =	shalt  }
0x6e: {  	_ =	shalt  }
0x6f: {  	_ =	shalt  }
0x70: {  	_ =	shalt  }
0x71: {  	_ =	shalt  }
0x72: {  	_ =	shalt  }
0x73: {  	_ =	shalt  }
0x74: {  	_ =	shalt  }
0x75: {  	_ =	shalt  }
0x76: {  	_ =	shalt  }
0x77: {  	_ =	shalt  }
0x78: {  	_ =	shalt  }
0x79: {  	_ =	shalt  }
0x7a: {  	_ =	shalt  }
0x7b: {  	_ =	shalt  }
0x7c: {  	_ =	shalt  }
0x7d: {  	_ =	shalt  }
0x7e: {  	_ =	shalt  }
0x7f: {  	_ =	shalt  }
0x80: {  	_ =	shalt  }
0x81: {  	_ =	shalt  }
0x82: {  	_ =	shalt  }
0x83: {  	_ =	shalt  }
0x84: {  	_ =	shalt  }
0x85: {  	_ =	shalt  }
0x86: {  	_ =	shalt  }
0x87: {  	_ =	shalt  }
.Lfunc_end0:
.L_simem_size_0:
called_computation_lowered:
.L_overlay_start_0:
0x88: {  	s2 =	sld [smem:$0x3FD9]  }
0x89: {  	s3 =	sld [smem:$0x3FFE];
	_ =	sdelay $0x1  }
0x8a: {  	s1 =	srdreg.scid  }
0x8b: {  	s0 =	sand.u32 $0x1, s1  }
0x8c: {  	s14 =	sshll.u32 s0, $0xA;
	s2 =	sadd.s32 s3, s2  }
0x8d: {  	s2 =	sadd.s32 s2, s14  }
0x8e: {  	[smem:$0x3FC1] =	sst s2  }
0x8f: {  	_ = 	snop  }
0x90: {  	s2 =	sld [smem:$0x3FD0];
	_ =	sdelay $0x2  }
0x91: {  	s4 =	simm.s32 $0xA;
	s5 =	simm.s32 $0x10;
	s15 =	sld [smem:$0x3FC9]  }
0x92: {  	[smem:s5], [sflag:s4] =	dma.local [hbm:s2], $0x1  }
0x93: {  	_ =	swait.eq [sflag:s4], $0x1  }
0x94: {  	s16 =	sld [smem:$0x10];
	[sflag:s4] =	ssyncset.done $0x0  }
0x95: {  	s17 =	sld [smem:$0x12];
	[sflag:s4] =	ssyncadd.s32 $0xFFFFFFFF  }
0x96: {  	s18 =	sld [smem:$0x13];
	(tm) =	ssettm $0x1  }
0x97: {  	s6 =	sld [smem:$0x3FFB];
	_ =	sdelay $0x3  }
0x98: {  	_ =	strace s6  }
0x99: {  	s6 =	sld [smem:$0x3FFC];
	_ =	sdelay $0x3  }
0x9a: {  	_ =	strace s6  }
0x9b: {  	s6 =	sld [smem:$0x3FFD];
	_ =	sdelay $0x3  }
0x9c: {  	_ =	strace s6  }
0x9d: {  	_ =	strace $0x8FFFFFFF  }
0x9e: {  	s19 =	sld [smem:$0x3FDB];
	_ =	sdelay $0x1  }
0x9f: {  	s7 =	simm.s32 $_scs_section_size  }
0xa0: {  	s8 =	simm.s32 $_size__tile_overlayer_lowered;
	s9 =	simm.s32 $_tile_overlayer_lowered  }
0xa1: {  	s22 =	simm.s32 $0x1BFF;
	s21 =	sshll.u32 s9, $0x1;
	s6 =	sadd.s32 s7, s19  }
0xa2: {  	s10 =	simm.s32 $0x0;
	s20 =	sshll.u32 s8, $0x1;
	s8 =	sadd.s32 s21, s6  }
0xa3: {  	[timem:s10], [sflag:s22] =	dma.local [hbm:s8], s20  }
0xa4: {  	_ =	swait.ge [sflag:s22], s20  }
0xa5: {  	s7 =	ssub.s32 $0x0, s20;
	[sflag:s22] =	ssyncset.done $0x0  }
0xa6: {  	[sflag:s22] =	ssyncadd.s32 s7;
	_ =	sdelay $0x1  }
0xa7: {  	s23 =	simm.s32 $0x1B8B  }
0xa8: {  	_ =	swait.ge [sflag:s23], $0x1  }
0xa9: {  	[sflag:s23] =	ssyncset.done $0x0  }
0xaa: {  	s25 =	simm.s32 $0x1B8E;
	s24 =	sld [smem:$0x3FFE];
	[sflag:s23] =	ssyncadd.s32 $0xFFFFFFFF  }
0xab: {  	s26 =	simm.s32 $execute0_lowered;
	[smem:$0x3FD2] =	sst s25  }
0xac: {  	s8 =	sshll.u32 s26, $0x1;
	_ =	strace $0x80000046;
	[dreg:$0x1] =	wrdreg $0xFFFFFFFF  }
0xad: {  	s28 =	simm.s32 $_size_execute0_lowered;
	s6 =	sadd.s32 s6, s8;
	[dreg:$0x0] =	wrdreg $0x0  }
0xae: {  	s8 =	sshll.u32 s28, $0x1;
	[dreg:$0x2] =	wrdreg s6  }
0xaf: {  	[dreg:$0x3] =	wrdreg s8  }
0xb0: {  	[dreg:$0x4] =	wrdreg $0xC0  }
0xb1: {  	_ =	task [dreg:s10], $0x5FFFF  }
0xb2: {  	[dreg:$0x1] =	wrdreg $0xFFFFFFFF  }
0xb3: {  	[dreg:$0x0] =	wrdreg $0x60  }
0xb4: {  	[dreg:$0x2] =	wrdreg s15  }
0xb5: {  	[dreg:$0x3] =	wrdreg s16  }
0xb6: {  	[dreg:$0x4] =	wrdreg s18  }
0xb7: {  	[dreg:$0x5] =	wrdreg s17  }
0xb8: {  	[dreg:$0x6] =	wrdreg s24  }
0xb9: {  	[dreg:$0x7] =	wrdreg $0x9  }
0xba: {  	_ =	task.clear_ibuf [dreg:s10], $0x8FFFF;
	_ =	strace $0x90000046  }
0xbb: {  	s29 =	simm.s32 $0x9;
	_ =	strace $0x80000048  }
0xbc: {  	_ =	swait.ge [sflag:s29], $0x1  }
0xbd: {  	[sflag:s29] =	ssyncadd.s32 $0xFFFFFFFF  }
0xbe: {  	_ =	strace $0x90000048  }
0xbf: {  	_ =	sfence  }
0xc0: {  	s30 =	sld [smem:$0x0];
	_ =	sdelay $0x2  }
0xc1: {  	s31 =	sshll.u32 s1, $0xD;
	s1 =	sshrl.u32 s1, $0x2  }
0xc2: {  	s3 =	sand.u32 $0x4000, s31;
	s1 =	sadd.s32 s1, s30  }
0xc3: {  	s0 =	sor.u32 s3, s0;
	s1 =	sshll.u32 s1, $0x11  }
0xc4: {  	s0 =	sor.u32 s1, s0  }
0xc5: {  	s0 =	sadd.s32 $0x8F2B, s0  }
0xc6: {  	[sflag:s0] =	ssyncadd.remote.s32 $0x1  }
0xc7: {  	_ =	sfence.sel $0xFFFF  }
0xc8: {  	[dreg:$0x0] =	wrdreg $0xFFFFFFFF;
	(pc) =	sbr.abs _section_cstart, $3  }
0xc9: {  	[dreg:$0x1] =	wrdreg $0xFFFFFFFF  }
0xca: {  	_ =	task.clear_ibuf [dreg:s10], $0x2FFFF;
	_ =	strace $0x9FFFFFFF  }
0xcb: {  	(tm) =	ssettm $0x7FFFFFFF  }
tec
execute0_lowered:
.L_overlay_start_1:
0x0: {  	(tag) =	ssettag $0x1  }
0x1: {  	s0 =	rddreg [dreg:$0x0]  }
0x2: {  	s2 =	rddreg [dreg:$0x1]  }
0x3: {  	s4 =	rddreg [dreg:$0x2]  }
0x4: {  	s5 =	rddreg [dreg:$0x3]  }
0x5: {  	s6 =	rddreg [dreg:$0x4]  }
0x6: {  	s1 =	simm.s32 $0x0;
	s23 =	srdreg.scid;
	s8 =	stileid.u32  }
0x7: {  	s14 =	simm.s32 $0x5;
	[smem:$0x7FF] =	sst s1;
	s3 =	sadd.s32 $0x30FC00, s6  }
0x8: {  	s7 =	sadd.s32 $0x2800, s6;
	s9 =	sadd.s32 $0x82800, s6;
	s8 =	sshll.u32 s8, $0x1  }
0x9: {  	s24 =	sadd.s32 $0xC2800, s6;
	_ =	strace $0x80000047;
	[dreg:$0x6] =	wrdreg s7  }
0xa: {  	s6 =	sadd.s32 $0x42800, s6;
	[dreg:$0x7] =	wrdreg s9;
	s7 =	sand.u32 $0x1, s23  }
0xb: {  	[dreg:$0x8] =	wrdreg s24;
	s25 =	ssub.s32 $0x2, s7;
	s7 =	sor.u32 s7, s8  }
0xc: {  	[dreg:$0x9] =	wrdreg s6;
	s8 =	sshll.u32 s7, $0x5;
	s30 =	sshll.u32 s7, $0xD  }
0xd: {  	v0 =	vlaneseq.u32;
	s28 =	sshll.u32 s7, $0x9;
	s0 =	sadd.s32 s0, s8;
	[dreg:$0xe] =	wrdreg s30  }
0xe: {  	v1 =	vand.u32 $0x7, v0;
	v2 =	vshrl.u32 v0, $0x3;
	s26 =	sshrl.u32 s25, $0x1;
	s2 =	sadd.s32 s2, s28;
	[dreg:$0xa] =	wrdreg s0  }
0xf: {  	[tilespmem:$0x1FFD0] =	vst v1;
	v1 =	vmul.u32 $0x8, v2;
	s6 =	ssub.s32 s25, s26;
	s29 =	sadd.s32 s4, s28;
	[dreg:$0xb] =	wrdreg s2  }
0x10: {  	s4 =	simm.s32 $0x1B100;
	[dreg:$0xc] =	wrdreg s29;
	s0 =	sadd.s32 s5, s28  }
0x11: {  	[tilespmem:$0x1FFE0] =	vst v1;
	v1 =	vor.u32 $0x8, v0;
	s25 =	simm.s32 $0x3;
	s31 =	smax.u32 s6, $0x1;
	[dreg:$0xd] =	wrdreg s0  }
0x12: {  	vm0 =	vmmov $0xffff;
	s26 =	simm.s32 $0x4;
	[tilespmem:$0x1FFF0] =	vst v1;
	s2 =	simm.s32 $0x0;
	[dreg:$0xf] =	wrdreg s31  }
.LBB2_1:
0x13: {  	[dreg:$0x10] =	wrdreg s2  }
0x14: {  	s0 =	rddreg [dreg:$0xa]  }
0x15: {  	[tilespmem:s1], [sflag:$0x5] =	stream.linear.gather [hbm4b:s0+s1], $0x100, $0x38;
	[tilespmem:$0x1D100] =	vst v63  }
0x16: {  	_ =	swait.ge [sflag:s14], $0x100  }
0x17: {  	[sflag:s14] =	ssyncset.done $0x0  }
0x18: {  	s23 =	simm.s32 $0x100;
	s22 =	rddreg [dreg:$0xb];
	[sflag:s14] =	ssyncadd.s32 $0xFFFFFF00  }
0x19: {  	[tilespmem:s23], [sflag:$0x5] =	stream.linear.gather [hbm4b:s22+s1], $0x1000, $0x38;
	[tilespmem:$0x1D100] =	vst v63  }
0x1a: {  	_ =	swait.ge [sflag:s14], $0x1000  }
0x1b: {  	[sflag:s14] =	ssyncset.done $0x0  }
0x1c: {  	s28 =	simm.s32 $0x1100;
	s24 =	rddreg [dreg:$0xc];
	[sflag:s14] =	ssyncadd.s32 $0xFFFFF000  }
0x1d: {  	[tilespmem:s28], [sflag:$0x5] =	stream.linear.gather [hbm4b:s24+s1], $0x1000, $0x38;
	[tilespmem:$0x1D100] =	vst v63  }
0x1e: {  	_ =	swait.ge [sflag:s14], $0x1000  }
0x1f: {  	[sflag:s14] =	ssyncset.done $0x0  }
0x20: {  	s30 =	simm.s32 $0x2100;
	s29 =	rddreg [dreg:$0xd];
	[sflag:s14] =	ssyncadd.s32 $0xFFFFF000  }
0x21: {  	[tilespmem:s30], [sflag:$0x5] =	stream.linear.gather [hbm4b:s29+s1], $0x1000, $0x38;
	[tilespmem:$0x1D100] =	vst v63  }
0x22: {  	_ =	swait.ge [sflag:s14], $0x1000  }
0x23: {  	[sflag:s14] =	ssyncset.done $0x0  }
0x24: {  	s31 =	simm.s32 $0x0;
	[sflag:s14] =	ssyncadd.s32 $0xFFFFF000  }
.LBB2_2:
0x25: {  	s0 =	sshll.u32 s31, $0x3  }
0x26: {  	s0 =	sand.u32 $0x3FFFFFF8, s0  }
0x27: {  	v4 =	vld.msk [tilespmem:s0+$0x0], $0xff;
	_ =	sdelay $0x2  }
0x28: {  	v1 =	vld [tilespmem:$0x1FFD0];
	_ =	sdelay $0x1  }
0x29: {  	v2 =	vld [tilespmem:$0x1FFE0];
	v5 =	vshll.u32 v4, $0x1  }
0x2a: {  	v4 =	vand.u32 $0x7, v4;
	v5 =	vand.u32 $0xFFFFFFF0, v5  }
0x2b: {  	v4 =	vor.u32 v4, v5  }
0x2c: {  	v4 =	vperm.xlane v4, v1;
	_ =	sdelay $0x1  }
0x2d: {  	v4 =	vadd.s32 v2, v4;
	_ =	sdelay $0x3  }
0x2e: {  	s2 =	sshll.u32 s31, $0x7;
	s0 =	simm.s32 $0x0  }
0x2f: {  	[tilespmem:s4], [sflag:$0x1] =	stream.indirect_vreg.gather [hbm4b:s3+s0], $0x80, v4, vm0, $0xb8;
	[tilespmem:$0x1D100] =	vst v63  }
0x30: {  	v4 =	vld [tilespmem:s2+$0x100];
	_ =	sdelay $0x4  }
0x31: {  	v3 =	vld [tilespmem:$0x1FFF0];
	v40 =	vshll.u32 v4, $0x1  }
0x32: {  	v4 =	vand.u32 $0x7, v4;
	v5 =	vand.u32 $0xFFFFFFF0, v40  }
0x33: {  	v4 =	vor.u32 v4, v5  }
0x34: {  	v5 =	vperm.xlane v4, v1;
	_ =	sdelay $0x1  }
0x35: {  	v4 =	vperm.xlane v4, v3;
	v5 =	vadd.s32 v2, v5;
	_ =	sdelay $0x1  }
0x36: {  	v4 =	vadd.s32 v2, v4;
	_ =	sdelay $0x1  }
0x37: {  	s22 =	simm.s32 $0x3100  }
0x38: {  	[tilespmem:s22], [sflag:$0x2] =	stream.indirect_vreg.gather [hbm4b:s3+s0], $0x80, v5, vm0, $0xb8;
	[tilespmem:$0x1D100] =	vst v63  }
0x39: {  	s23 =	simm.s32 $0x3900  }
0x3a: {  	[tilespmem:s23], [sflag:$0x2] =	stream.indirect_vreg.gather [hbm4b:s3+s0], $0x80, v4, vm0, $0xb8;
	[tilespmem:$0x1D100] =	vst v63  }
0x3b: {  	v4 =	vld [tilespmem:s2+$0x110];
	_ =	sdelay $0x4  }
0x3c: {  	v41 =	vshll.u32 v4, $0x1  }
0x3d: {  	v4 =	vand.u32 $0x7, v4;
	v5 =	vand.u32 $0xFFFFFFF0, v41  }
0x3e: {  	v4 =	vor.u32 v4, v5  }
0x3f: {  	v5 =	vperm.xlane v4, v1;
	_ =	sdelay $0x1  }
0x40: {  	v4 =	vperm.xlane v4, v3;
	v5 =	vadd.s32 v2, v5;
	_ =	sdelay $0x1  }
0x41: {  	v4 =	vadd.s32 v2, v4;
	_ =	sdelay $0x1  }
0x42: {  	s24 =	simm.s32 $0x4100  }
0x43: {  	[tilespmem:s24], [sflag:$0x2] =	stream.indirect_vreg.gather [hbm4b:s3+s0], $0x80, v5, vm0, $0xb8;
	[tilespmem:$0x1D100] =	vst v63  }
0x44: {  	s28 =	simm.s32 $0x4900  }
0x45: {  	[tilespmem:s28], [sflag:$0x2] =	stream.indirect_vreg.gather [hbm4b:s3+s0], $0x80, v4, vm0, $0xb8;
	[tilespmem:$0x1D100] =	vst v63  }
0x46: {  	v4 =	vld [tilespmem:s2+$0x120];
	_ =	sdelay $0x4  }
0x47: {  	v42 =	vshll.u32 v4, $0x1  }
0x48: {  	v4 =	vand.u32 $0x7, v4;
	v5 =	vand.u32 $0xFFFFFFF0, v42  }
0x49: {  	v4 =	vor.u32 v4, v5  }
0x4a: {  	v5 =	vperm.xlane v4, v1;
	_ =	sdelay $0x1  }
0x4b: {  	v4 =	vperm.xlane v4, v3;
	v5 =	vadd.s32 v2, v5;
	_ =	sdelay $0x1  }
0x4c: {  	v4 =	vadd.s32 v2, v4;
	_ =	sdelay $0x1  }
0x4d: {  	s29 =	simm.s32 $0x5100  }
0x4e: {  	[tilespmem:s29], [sflag:$0x2] =	stream.indirect_vreg.gather [hbm4b:s3+s0], $0x80, v5, vm0, $0xb8;
	[tilespmem:$0x1D100] =	vst v63  }
0x4f: {  	s30 =	simm.s32 $0x5900  }
0x50: {  	[tilespmem:s30], [sflag:$0x2] =	stream.indirect_vreg.gather [hbm4b:s3+s0], $0x80, v4, vm0, $0xb8;
	[tilespmem:$0x1D100] =	vst v63  }
0x51: {  	v4 =	vld [tilespmem:s2+$0x130];
	_ =	sdelay $0x4  }
0x52: {  	v43 =	vshll.u32 v4, $0x1  }
0x53: {  	v4 =	vand.u32 $0x7, v4;
	v5 =	vand.u32 $0xFFFFFFF0, v43  }
0x54: {  	v4 =	vor.u32 v4, v5  }
0x55: {  	v5 =	vperm.xlane v4, v1;
	_ =	sdelay $0x1  }
0x56: {  	v4 =	vperm.xlane v4, v3;
	v5 =	vadd.s32 v2, v5;
	_ =	sdelay $0x1  }
0x57: {  	v4 =	vadd.s32 v2, v4;
	_ =	sdelay $0x1  }
0x58: {  	s5 =	simm.s32 $0x6100  }
0x59: {  	[tilespmem:s5], [sflag:$0x2] =	stream.indirect_vreg.gather [hbm4b:s3+s0], $0x80, v5, vm0, $0xb8;
	[tilespmem:$0x1D100] =	vst v63  }
0x5a: {  	s6 =	simm.s32 $0x6900  }
0x5b: {  	[tilespmem:s6], [sflag:$0x2] =	stream.indirect_vreg.gather [hbm4b:s3+s0], $0x80, v4, vm0, $0xb8;
	[tilespmem:$0x1D100] =	vst v63  }
0x5c: {  	v4 =	vld [tilespmem:s2+$0x140];
	_ =	sdelay $0x4  }
0x5d: {  	v44 =	vshll.u32 v4, $0x1  }
0x5e: {  	v4 =	vand.u32 $0x7, v4;
	v5 =	vand.u32 $0xFFFFFFF0, v44  }
0x5f: {  	v4 =	vor.u32 v4, v5  }
0x60: {  	v5 =	vperm.xlane v4, v1;
	_ =	sdelay $0x1  }
0x61: {  	v4 =	vperm.xlane v4, v3;
	v5 =	vadd.s32 v2, v5;
	_ =	sdelay $0x1  }
0x62: {  	v4 =	vadd.s32 v2, v4;
	_ =	sdelay $0x1  }
0x63: {  	s7 =	simm.s32 $0x7100  }
0x64: {  	[tilespmem:s7], [sflag:$0x2] =	stream.indirect_vreg.gather [hbm4b:s3+s0], $0x80, v5, vm0, $0xb8;
	[tilespmem:$0x1D100] =	vst v63  }
0x65: {  	s8 =	simm.s32 $0x7900  }
0x66: {  	[tilespmem:s8], [sflag:$0x2] =	stream.indirect_vreg.gather [hbm4b:s3+s0], $0x80, v4, vm0, $0xb8;
	[tilespmem:$0x1D100] =	vst v63  }
0x67: {  	v4 =	vld [tilespmem:s2+$0x150];
	_ =	sdelay $0x4  }
0x68: {  	v45 =	vshll.u32 v4, $0x1  }
0x69: {  	v4 =	vand.u32 $0x7, v4;
	v5 =	vand.u32 $0xFFFFFFF0, v45  }
0x6a: {  	v4 =	vor.u32 v4, v5  }
0x6b: {  	v5 =	vperm.xlane v4, v1;
	_ =	sdelay $0x1  }
0x6c: {  	v4 =	vperm.xlane v4, v3;
	v5 =	vadd.s32 v2, v5;
	_ =	sdelay $0x1  }
0x6d: {  	v4 =	vadd.s32 v2, v4;
	_ =	sdelay $0x1  }
0x6e: {  	s9 =	simm.s32 $0x8100  }
0x6f: {  	[tilespmem:s9], [sflag:$0x2] =	stream.indirect_vreg.gather [hbm4b:s3+s0], $0x80, v5, vm0, $0xb8;
	[tilespmem:$0x1D100] =	vst v63  }
0x70: {  	s10 =	simm.s32 $0x8900  }
0x71: {  	[tilespmem:s10], [sflag:$0x2] =	stream.indirect_vreg.gather [hbm4b:s3+s0], $0x80, v4, vm0, $0xb8;
	[tilespmem:$0x1D100] =	vst v63  }
0x72: {  	v4 =	vld [tilespmem:s2+$0x160];
	_ =	sdelay $0x4  }
0x73: {  	v46 =	vshll.u32 v4, $0x1  }
0x74: {  	v4 =	vand.u32 $0x7, v4;
	v5 =	vand.u32 $0xFFFFFFF0, v46  }
0x75: {  	v4 =	vor.u32 v4, v5  }
0x76: {  	v5 =	vperm.xlane v4, v1;
	_ =	sdelay $0x1  }
0x77: {  	v4 =	vperm.xlane v4, v3;
	v5 =	vadd.s32 v2, v5;
	_ =	sdelay $0x1  }
0x78: {  	v4 =	vadd.s32 v2, v4;
	_ =	sdelay $0x1  }
0x79: {  	s11 =	simm.s32 $0x9100  }
0x7a: {  	[tilespmem:s11], [sflag:$0x2] =	stream.indirect_vreg.gather [hbm4b:s3+s0], $0x80, v5, vm0, $0xb8;
	[tilespmem:$0x1D100] =	vst v63  }
0x7b: {  	s12 =	simm.s32 $0x9900  }
0x7c: {  	[tilespmem:s12], [sflag:$0x2] =	stream.indirect_vreg.gather [hbm4b:s3+s0], $0x80, v4, vm0, $0xb8;
	[tilespmem:$0x1D100] =	vst v63  }
0x7d: {  	v4 =	vld [tilespmem:s2+$0x170];
	_ =	sdelay $0x4  }
0x7e: {  	v47 =	vshll.u32 v4, $0x1  }
0x7f: {  	v4 =	vand.u32 $0x7, v4;
	v5 =	vand.u32 $0xFFFFFFF0, v47  }
0x80: {  	v4 =	vor.u32 v4, v5  }
0x81: {  	v5 =	vperm.xlane v4, v1;
	_ =	sdelay $0x1  }
0x82: {  	v4 =	vperm.xlane v4, v3;
	v5 =	vadd.s32 v2, v5;
	_ =	sdelay $0x1  }
0x83: {  	v4 =	vadd.s32 v2, v4;
	_ =	sdelay $0x1  }
0x84: {  	s13 =	simm.s32 $0xA100  }
0x85: {  	[tilespmem:s13], [sflag:$0x2] =	stream.indirect_vreg.gather [hbm4b:s3+s0], $0x80, v5, vm0, $0xb8;
	[tilespmem:$0x1D100] =	vst v63  }
0x86: {  	s15 =	simm.s32 $0xA900  }
0x87: {  	[tilespmem:s15], [sflag:$0x2] =	stream.indirect_vreg.gather [hbm4b:s3+s0], $0x80, v4, vm0, $0xb8;
	[tilespmem:$0x1D100] =	vst v63  }
0x88: {  	v4 =	vld [tilespmem:s2+$0x1100];
	_ =	sdelay $0x4  }
0x89: {  	v48 =	vshll.u32 v4, $0x1  }
0x8a: {  	v4 =	vand.u32 $0x7, v4;
	v5 =	vand.u32 $0xFFFFFFF0, v48  }
0x8b: {  	v4 =	vor.u32 v4, v5  }
0x8c: {  	v5 =	vperm.xlane v4, v1;
	_ =	sdelay $0x1  }
0x8d: {  	v4 =	vperm.xlane v4, v3;
	v5 =	vadd.s32 v2, v5;
	_ =	sdelay $0x1  }
0x8e: {  	v4 =	vadd.s32 v2, v4;
	_ =	sdelay $0x1  }
0x8f: {  	s16 =	simm.s32 $0xB100  }
0x90: {  	[tilespmem:s16], [sflag:$0x3] =	stream.indirect_vreg.gather [hbm4b:s3+s0], $0x80, v5, vm0, $0xb8;
	[tilespmem:$0x1D100] =	vst v63  }
0x91: {  	s17 =	simm.s32 $0xB900  }
0x92: {  	[tilespmem:s17], [sflag:$0x3] =	stream.indirect_vreg.gather [hbm4b:s3+s0], $0x80, v4, vm0, $0xb8;
	[tilespmem:$0x1D100] =	vst v63  }
0x93: {  	v4 =	vld [tilespmem:s2+$0x1110];
	_ =	sdelay $0x4  }
0x94: {  	v49 =	vshll.u32 v4, $0x1  }
0x95: {  	v4 =	vand.u32 $0x7, v4;
	v5 =	vand.u32 $0xFFFFFFF0, v49  }
0x96: {  	v4 =	vor.u32 v4, v5  }
0x97: {  	v5 =	vperm.xlane v4, v1;
	_ =	sdelay $0x1  }
0x98: {  	v4 =	vperm.xlane v4, v3;
	v5 =	vadd.s32 v2, v5;
	_ =	sdelay $0x1  }
0x99: {  	v4 =	vadd.s32 v2, v4;
	_ =	sdelay $0x1  }
0x9a: {  	s18 =	simm.s32 $0xC100  }
0x9b: {  	[tilespmem:s18], [sflag:$0x3] =	stream.indirect_vreg.gather [hbm4b:s3+s0], $0x80, v5, vm0, $0xb8;
	[tilespmem:$0x1D100] =	vst v63  }
0x9c: {  	s19 =	simm.s32 $0xC900  }
0x9d: {  	[tilespmem:s19], [sflag:$0x3] =	stream.indirect_vreg.gather [hbm4b:s3+s0], $0x80, v4, vm0, $0xb8;
	[tilespmem:$0x1D100] =	vst v63  }
0x9e: {  	v4 =	vld [tilespmem:s2+$0x1120];
	_ =	sdelay $0x4  }
0x9f: {  	v50 =	vshll.u32 v4, $0x1  }
0xa0: {  	v4 =	vand.u32 $0x7, v4;
	v5 =	vand.u32 $0xFFFFFFF0, v50  }
0xa1: {  	v4 =	vor.u32 v4, v5  }
0xa2: {  	v5 =	vperm.xlane v4, v1;
	_ =	sdelay $0x1  }
0xa3: {  	v4 =	vperm.xlane v4, v3;
	v5 =	vadd.s32 v2, v5;
	_ =	sdelay $0x1  }
0xa4: {  	v4 =	vadd.s32 v2, v4;
	_ =	sdelay $0x1  }
0xa5: {  	s20 =	simm.s32 $0xD100  }
0xa6: {  	[tilespmem:s20], [sflag:$0x3] =	stream.indirect_vreg.gather [hbm4b:s3+s0], $0x80, v5, vm0, $0xb8;
	[tilespmem:$0x1D100] =	vst v63  }
0xa7: {  	s21 =	simm.s32 $0xD900  }
0xa8: {  	[tilespmem:s21], [sflag:$0x3] =	stream.indirect_vreg.gather [hbm4b:s3+s0], $0x80, v4, vm0, $0xb8;
	[tilespmem:$0x1D100] =	vst v63  }
0xa9: {  	v4 =	vld [tilespmem:s2+$0x1130];
	_ =	sdelay $0x4  }
0xaa: {  	v51 =	vshll.u32 v4, $0x1  }
0xab: {  	v4 =	vand.u32 $0x7, v4;
	v5 =	vand.u32 $0xFFFFFFF0, v51  }
0xac: {  	v4 =	vor.u32 v4, v5  }
0xad: {  	v5 =	vperm.xlane v4, v1;
	_ =	sdelay $0x1  }
0xae: {  	v4 =	vperm.xlane v4, v3;
	v5 =	vadd.s32 v2, v5;
	_ =	sdelay $0x1  }
0xaf: {  	v4 =	vadd.s32 v2, v4;
	_ =	sdelay $0x1  }
0xb0: {  	s22 =	simm.s32 $0xE100  }
0xb1: {  	[tilespmem:s22], [sflag:$0x3] =	stream.indirect_vreg.gather [hbm4b:s3+s0], $0x80, v5, vm0, $0xb8;
	[tilespmem:$0x1D100] =	vst v63  }
0xb2: {  	s23 =	simm.s32 $0xE900  }
0xb3: {  	[tilespmem:s23], [sflag:$0x3] =	stream.indirect_vreg.gather [hbm4b:s3+s0], $0x80, v4, vm0, $0xb8;
	[tilespmem:$0x1D100] =	vst v63  }
0xb4: {  	v4 =	vld [tilespmem:s2+$0x1140];
	_ =	sdelay $0x4  }
0xb5: {  	v52 =	vshll.u32 v4, $0x1  }
0xb6: {  	v4 =	vand.u32 $0x7, v4;
	v5 =	vand.u32 $0xFFFFFFF0, v52  }
0xb7: {  	v4 =	vor.u32 v4, v5  }
0xb8: {  	v5 =	vperm.xlane v4, v1;
	_ =	sdelay $0x1  }
0xb9: {  	v4 =	vperm.xlane v4, v3;
	v5 =	vadd.s32 v2, v5;
	_ =	sdelay $0x1  }
0xba: {  	v4 =	vadd.s32 v2, v4;
	_ =	sdelay $0x1  }
0xbb: {  	s24 =	simm.s32 $0xF100  }
0xbc: {  	[tilespmem:s24], [sflag:$0x3] =	stream.indirect_vreg.gather [hbm4b:s3+s0], $0x80, v5, vm0, $0xb8;
	[tilespmem:$0x1D100] =	vst v63  }
0xbd: {  	s28 =	simm.s32 $0xF900  }
0xbe: {  	[tilespmem:s28], [sflag:$0x3] =	stream.indirect_vreg.gather [hbm4b:s3+s0], $0x80, v4, vm0, $0xb8;
	[tilespmem:$0x1D100] =	vst v63  }
0xbf: {  	v4 =	vld [tilespmem:s2+$0x1150];
	_ =	sdelay $0x4  }
0xc0: {  	v53 =	vshll.u32 v4, $0x1  }
0xc1: {  	v4 =	vand.u32 $0x7, v4;
	v5 =	vand.u32 $0xFFFFFFF0, v53  }
0xc2: {  	v4 =	vor.u32 v4, v5  }
0xc3: {  	v5 =	vperm.xlane v4, v1;
	_ =	sdelay $0x1  }
0xc4: {  	v4 =	vperm.xlane v4, v3;
	v5 =	vadd.s32 v2, v5;
	_ =	sdelay $0x1  }
0xc5: {  	v4 =	vadd.s32 v2, v4;
	_ =	sdelay $0x1  }
0xc6: {  	s29 =	simm.s32 $0x10100  }
0xc7: {  	[tilespmem:s29], [sflag:$0x3] =	stream.indirect_vreg.gather [hbm4b:s3+s0], $0x80, v5, vm0, $0xb8;
	[tilespmem:$0x1D100] =	vst v63  }
0xc8: {  	s30 =	simm.s32 $0x10900  }
0xc9: {  	[tilespmem:s30], [sflag:$0x3] =	stream.indirect_vreg.gather [hbm4b:s3+s0], $0x80, v4, vm0, $0xb8;
	[tilespmem:$0x1D100] =	vst v63  }
0xca: {  	v4 =	vld [tilespmem:s2+$0x1160];
	_ =	sdelay $0x4  }
0xcb: {  	v54 =	vshll.u32 v4, $0x1  }
0xcc: {  	v4 =	vand.u32 $0x7, v4;
	v5 =	vand.u32 $0xFFFFFFF0, v54  }
0xcd: {  	v4 =	vor.u32 v4, v5  }
0xce: {  	v5 =	vperm.xlane v4, v1;
	_ =	sdelay $0x1  }
0xcf: {  	v4 =	vperm.xlane v4, v3;
	v5 =	vadd.s32 v2, v5;
	_ =	sdelay $0x1  }
0xd0: {  	v4 =	vadd.s32 v2, v4;
	_ =	sdelay $0x1  }
0xd1: {  	s5 =	simm.s32 $0x11100  }
0xd2: {  	[tilespmem:s5], [sflag:$0x3] =	stream.indirect_vreg.gather [hbm4b:s3+s0], $0x80, v5, vm0, $0xb8;
	[tilespmem:$0x1D100] =	vst v63  }
0xd3: {  	s6 =	simm.s32 $0x11900  }
0xd4: {  	[tilespmem:s6], [sflag:$0x3] =	stream.indirect_vreg.gather [hbm4b:s3+s0], $0x80, v4, vm0, $0xb8;
	[tilespmem:$0x1D100] =	vst v63  }
0xd5: {  	v4 =	vld [tilespmem:s2+$0x1170];
	_ =	sdelay $0x4  }
0xd6: {  	v55 =	vshll.u32 v4, $0x1  }
0xd7: {  	v4 =	vand.u32 $0x7, v4;
	v5 =	vand.u32 $0xFFFFFFF0, v55  }
0xd8: {  	v4 =	vor.u32 v4, v5  }
0xd9: {  	v5 =	vperm.xlane v4, v1;
	_ =	sdelay $0x1  }
0xda: {  	v4 =	vperm.xlane v4, v3;
	v5 =	vadd.s32 v2, v5;
	_ =	sdelay $0x1  }
0xdb: {  	v4 =	vadd.s32 v2, v4;
	_ =	sdelay $0x1  }
0xdc: {  	s7 =	simm.s32 $0x12100  }
0xdd: {  	[tilespmem:s7], [sflag:$0x3] =	stream.indirect_vreg.gather [hbm4b:s3+s0], $0x80, v5, vm0, $0xb8;
	[tilespmem:$0x1D100] =	vst v63  }
0xde: {  	s8 =	simm.s32 $0x12900  }
0xdf: {  	[tilespmem:s8], [sflag:$0x3] =	stream.indirect_vreg.gather [hbm4b:s3+s0], $0x80, v4, vm0, $0xb8;
	[tilespmem:$0x1D100] =	vst v63  }
0xe0: {  	v4 =	vld [tilespmem:s2+$0x2100];
	_ =	sdelay $0x4  }
0xe1: {  	v56 =	vshll.u32 v4, $0x1  }
0xe2: {  	v4 =	vand.u32 $0x7, v4;
	v5 =	vand.u32 $0xFFFFFFF0, v56  }
0xe3: {  	v4 =	vor.u32 v4, v5  }
0xe4: {  	v5 =	vperm.xlane v4, v1;
	_ =	sdelay $0x1  }
0xe5: {  	v4 =	vperm.xlane v4, v3;
	v5 =	vadd.s32 v2, v5;
	_ =	sdelay $0x1  }
0xe6: {  	v4 =	vadd.s32 v2, v4;
	_ =	sdelay $0x1  }
0xe7: {  	s9 =	simm.s32 $0x13100  }
0xe8: {  	[tilespmem:s9], [sflag:$0x4] =	stream.indirect_vreg.gather [hbm4b:s3+s0], $0x80, v5, vm0, $0xb8;
	[tilespmem:$0x1D100] =	vst v63  }
0xe9: {  	s10 =	simm.s32 $0x13900  }
0xea: {  	[tilespmem:s10], [sflag:$0x4] =	stream.indirect_vreg.gather [hbm4b:s3+s0], $0x80, v4, vm0, $0xb8;
	[tilespmem:$0x1D100] =	vst v63  }
0xeb: {  	v4 =	vld [tilespmem:s2+$0x2110];
	_ =	sdelay $0x4  }
0xec: {  	v57 =	vshll.u32 v4, $0x1  }
0xed: {  	v4 =	vand.u32 $0x7, v4;
	v5 =	vand.u32 $0xFFFFFFF0, v57  }
0xee: {  	v4 =	vor.u32 v4, v5  }
0xef: {  	v5 =	vperm.xlane v4, v1;
	_ =	sdelay $0x1  }
0xf0: {  	v4 =	vperm.xlane v4, v3;
	v5 =	vadd.s32 v2, v5;
	_ =	sdelay $0x1  }
0xf1: {  	v4 =	vadd.s32 v2, v4;
	_ =	sdelay $0x1  }
0xf2: {  	s11 =	simm.s32 $0x14100  }
0xf3: {  	[tilespmem:s11], [sflag:$0x4] =	stream.indirect_vreg.gather [hbm4b:s3+s0], $0x80, v5, vm0, $0xb8;
	[tilespmem:$0x1D100] =	vst v63  }
0xf4: {  	s12 =	simm.s32 $0x14900  }
0xf5: {  	[tilespmem:s12], [sflag:$0x4] =	stream.indirect_vreg.gather [hbm4b:s3+s0], $0x80, v4, vm0, $0xb8;
	[tilespmem:$0x1D100] =	vst v63  }
0xf6: {  	v4 =	vld [tilespmem:s2+$0x2120];
	_ =	sdelay $0x4  }
0xf7: {  	v58 =	vshll.u32 v4, $0x1  }
0xf8: {  	v4 =	vand.u32 $0x7, v4;
	v5 =	vand.u32 $0xFFFFFFF0, v58  }
0xf9: {  	v4 =	vor.u32 v4, v5  }
0xfa: {  	v5 =	vperm.xlane v4, v1;
	_ =	sdelay $0x1  }
0xfb: {  	v4 =	vperm.xlane v4, v3;
	v5 =	vadd.s32 v2, v5;
	_ =	sdelay $0x1  }
0xfc: {  	v4 =	vadd.s32 v2, v4;
	_ =	sdelay $0x1  }
0xfd: {  	s13 =	simm.s32 $0x15100  }
0xfe: {  	[tilespmem:s13], [sflag:$0x4] =	stream.indirect_vreg.gather [hbm4b:s3+s0], $0x80, v5, vm0, $0xb8;
	[tilespmem:$0x1D100] =	vst v63  }
0xff: {  	s15 =	simm.s32 $0x15900  }
0x100: {  	[tilespmem:s15], [sflag:$0x4] =	stream.indirect_vreg.gather [hbm4b:s3+s0], $0x80, v4, vm0, $0xb8;
	[tilespmem:$0x1D100] =	vst v63  }
0x101: {  	v4 =	vld [tilespmem:s2+$0x2130];
	_ =	sdelay $0x4  }
0x102: {  	v59 =	vshll.u32 v4, $0x1  }
0x103: {  	v4 =	vand.u32 $0x7, v4;
	v5 =	vand.u32 $0xFFFFFFF0, v59  }
0x104: {  	v4 =	vor.u32 v4, v5  }
0x105: {  	v5 =	vperm.xlane v4, v1;
	_ =	sdelay $0x1  }
0x106: {  	v4 =	vperm.xlane v4, v3;
	v5 =	vadd.s32 v2, v5;
	_ =	sdelay $0x1  }
0x107: {  	v4 =	vadd.s32 v2, v4;
	_ =	sdelay $0x1  }
0x108: {  	s16 =	simm.s32 $0x16100  }
0x109: {  	[tilespmem:s16], [sflag:$0x4] =	stream.indirect_vreg.gather [hbm4b:s3+s0], $0x80, v5, vm0, $0xb8;
	[tilespmem:$0x1D100] =	vst v63  }
0x10a: {  	s17 =	simm.s32 $0x16900  }
0x10b: {  	[tilespmem:s17], [sflag:$0x4] =	stream.indirect_vreg.gather [hbm4b:s3+s0], $0x80, v4, vm0, $0xb8;
	[tilespmem:$0x1D100] =	vst v63  }
0x10c: {  	v4 =	vld [tilespmem:s2+$0x2140];
	_ =	sdelay $0x4  }
0x10d: {  	v60 =	vshll.u32 v4, $0x1  }
0x10e: {  	v4 =	vand.u32 $0x7, v4;
	v5 =	vand.u32 $0xFFFFFFF0, v60  }
0x10f: {  	v4 =	vor.u32 v4, v5  }
0x110: {  	v5 =	vperm.xlane v4, v1;
	_ =	sdelay $0x1  }
0x111: {  	v4 =	vperm.xlane v4, v3;
	v5 =	vadd.s32 v2, v5;
	_ =	sdelay $0x1  }
0x112: {  	v4 =	vadd.s32 v2, v4;
	_ =	sdelay $0x1  }
0x113: {  	s18 =	simm.s32 $0x17100  }
0x114: {  	[tilespmem:s18], [sflag:$0x4] =	stream.indirect_vreg.gather [hbm4b:s3+s0], $0x80, v5, vm0, $0xb8;
	[tilespmem:$0x1D100] =	vst v63  }
0x115: {  	s19 =	simm.s32 $0x17900  }
0x116: {  	[tilespmem:s19], [sflag:$0x4] =	stream.indirect_vreg.gather [hbm4b:s3+s0], $0x80, v4, vm0, $0xb8;
	[tilespmem:$0x1D100] =	vst v63  }
0x117: {  	v4 =	vld [tilespmem:s2+$0x2150];
	_ =	sdelay $0x4  }
0x118: {  	v61 =	vshll.u32 v4, $0x1  }
0x119: {  	v4 =	vand.u32 $0x7, v4;
	v5 =	vand.u32 $0xFFFFFFF0, v61  }
0x11a: {  	v4 =	vor.u32 v4, v5  }
0x11b: {  	v5 =	vperm.xlane v4, v1;
	_ =	sdelay $0x1  }
0x11c: {  	v4 =	vperm.xlane v4, v3;
	v5 =	vadd.s32 v2, v5;
	_ =	sdelay $0x1  }
0x11d: {  	v4 =	vadd.s32 v2, v4;
	_ =	sdelay $0x1  }
0x11e: {  	s20 =	simm.s32 $0x18100  }
0x11f: {  	[tilespmem:s20], [sflag:$0x4] =	stream.indirect_vreg.gather [hbm4b:s3+s0], $0x80, v5, vm0, $0xb8;
	[tilespmem:$0x1D100] =	vst v63  }
0x120: {  	s21 =	simm.s32 $0x18900  }
0x121: {  	[tilespmem:s21], [sflag:$0x4] =	stream.indirect_vreg.gather [hbm4b:s3+s0], $0x80, v4, vm0, $0xb8;
	[tilespmem:$0x1D100] =	vst v63  }
0x122: {  	v4 =	vld [tilespmem:s2+$0x2160];
	_ =	sdelay $0x4  }
0x123: {  	v62 =	vshll.u32 v4, $0x1  }
0x124: {  	v4 =	vand.u32 $0x7, v4;
	v5 =	vand.u32 $0xFFFFFFF0, v62  }
0x125: {  	v4 =	vor.u32 v4, v5  }
0x126: {  	v5 =	vperm.xlane v4, v1;
	_ =	sdelay $0x1  }
0x127: {  	v4 =	vperm.xlane v4, v3;
	v5 =	vadd.s32 v2, v5;
	_ =	sdelay $0x1  }
0x128: {  	v4 =	vadd.s32 v2, v4;
	_ =	sdelay $0x1  }
0x129: {  	s22 =	simm.s32 $0x19100  }
0x12a: {  	[tilespmem:s22], [sflag:$0x4] =	stream.indirect_vreg.gather [hbm4b:s3+s0], $0x80, v5, vm0, $0xb8;
	[tilespmem:$0x1D100] =	vst v63  }
0x12b: {  	s23 =	simm.s32 $0x19900  }
0x12c: {  	[tilespmem:s23], [sflag:$0x4] =	stream.indirect_vreg.gather [hbm4b:s3+s0], $0x80, v4, vm0, $0xb8;
	[tilespmem:$0x1D100] =	vst v63  }
0x12d: {  	v4 =	vld [tilespmem:s2+$0x2170];
	_ =	sdelay $0x4  }
0x12e: {  	v63 =	vshll.u32 v4, $0x1  }
0x12f: {  	v4 =	vand.u32 $0x7, v4;
	v5 =	vand.u32 $0xFFFFFFF0, v63  }
0x130: {  	v4 =	vor.u32 v4, v5  }
0x131: {  	v5 =	vperm.xlane v4, v1;
	_ =	sdelay $0x1  }
0x132: {  	v4 =	vperm.xlane v4, v3;
	v5 =	vadd.s32 v2, v5;
	_ =	sdelay $0x1  }
0x133: {  	v4 =	vadd.s32 v2, v4;
	_ =	sdelay $0x1  }
0x134: {  	s24 =	simm.s32 $0x1A100  }
0x135: {  	[tilespmem:s24], [sflag:$0x4] =	stream.indirect_vreg.gather [hbm4b:s3+s0], $0x80, v5, vm0, $0xb8;
	[tilespmem:$0x1D100] =	vst v63  }
0x136: {  	s28 =	simm.s32 $0x1A900;
	s29 =	simm.s32 $0x1  }
0x137: {  	[tilespmem:s28], [sflag:$0x4] =	stream.indirect_vreg.gather [hbm4b:s3+s0], $0x80, v4, vm0, $0xb8;
	[tilespmem:$0x1D100] =	vst v63  }
0x138: {  	_ =	swait.ge [sflag:s29], $0x800  }
0x139: {  	[sflag:s29] =	ssyncset.done $0x0  }
0x13a: {  	s30 =	simm.s32 $0x2;
	[sflag:s29] =	ssyncadd.s32 $0xFFFFF800  }
0x13b: {  	_ =	swait.ge [sflag:s30], $0x8000  }
0x13c: {  	[sflag:s30] =	ssyncset.done $0x0  }
0x13d: {  	[sflag:s30] =	ssyncadd.s32 $0xFFFF8000  }
0x13e: {  	_ =	swait.ge [sflag:s25], $0x8000  }
0x13f: {  	[sflag:s25] =	ssyncset.done $0x0  }
0x140: {  	[sflag:s25] =	ssyncadd.s32 $0xFFFF8000  }
0x141: {  	_ =	swait.ge [sflag:s26], $0x8000  }
0x142: {  	[sflag:s26] =	ssyncset.done $0x0  }
0x143: {  	s15 =	simm.s32 $0x0;
	s2 =	simm.s32 $0x0;
	[sflag:s26] =	ssyncadd.s32 $0xFFFF8000  }
.LBB2_3:
0x144: {  	s16 =	sshll.u32 s15, $0x7  }
0x145: {  	v4 =	vld [tilespmem:s16+$0x1B100]  }
0x146: {  	v5 =	vld [tilespmem:s16+$0x1B110]  }
0x147: {  	v6 =	vld [tilespmem:s16+$0x1B120]  }
0x148: {  	s4 =	sshll.u32 s15, $0xC;
	v7 =	vld [tilespmem:s16+$0x1B130]  }
0x149: {  	v9 =	vld [tilespmem:s16+$0x1B140];
	s4 =	sand.u32 $0x3FFFF000, s4  }
0x14a: {  	s5 =	sand.u32 $0x800, s0;
	v12 =	vld [tilespmem:s16+$0x1B150];
	s4 =	sadd.s32 $0x3100, s4  }
0x14b: {  	s6 =	sand.u32 $0x380, s0;
	v15 =	vld [tilespmem:s16+$0x1B500];
	s5 =	sadd.s32 s5, s4  }
0x14c: {  	v18 =	vld [tilespmem:s16+$0x1B530];
	s5 =	sadd.s32 s6, s5  }
0x14d: {  	v19 =	vld [tilespmem:s5+$0x420]  }
0x14e: {  	v21 =	vld [tilespmem:s5+$0x430]  }
0x14f: {  	v22 =	vld [tilespmem:s5+$0x410]  }
0x150: {  	v47 =	vmov s0;
	v23 =	vld [tilespmem:s5+$0x60]  }
0x151: {  	vm1 =	veq.s32 v47, v0;
	v24 =	vld [tilespmem:s5+$0x40];
	v8 =	vshrl.u32 v4, $0x10;
	v10 =	vshrl.u32 v5, $0x10  }
0x152: {  	v26 =	vld [tilespmem:s5+$0x30];
	v11 =	vshrl.u32 v6, $0x10;
	v13 =	vshrl.u32 v9, $0x10;
	v14 =	vshrl.u32 v12, $0x10  }
0x153: {  	v27 =	vld [tilespmem:s5+$0x0];
	v17 =	vshrl.u32 v15, $0x10;
	v20 =	vshrl.u32 v18, $0x10;
	v8 =	vand.u32 $0x1, v8  }
0x154: {  	v29 =	vld [tilespmem:s5+$0x20];
	v4 =	vadd.s32 v8, v4;
	v8 =	vand.u32 $0x1, v10;
	v10 =	vand.u32 $0x1, v11  }
0x155: {  	v33 =	vld [tilespmem:s5+$0x10];
	v4 =	vadd.s32 $0x7FFF, v4;
	v5 =	vadd.s32 v8, v5;
	v6 =	vadd.s32 v10, v6  }
0x156: {  	v8 =	vshrl.u32 v7, $0x10;
	v4 =	vand.u32 $0xFFFF0000, v4;
	v5 =	vadd.s32 $0x7FFF, v5  }
0x157: {  	v6 =	vadd.s32 $0x7FFF, v6;
	v8 =	vand.u32 $0x1, v8;
	v25 =	vshrl.u32 v19, $0x10  }
0x158: {  	v28 =	vshrl.u32 v21, $0x10;
	v30 =	vshrl.u32 v23, $0x10;
	v31 =	vshrl.u32 v22, $0x10  }
0x159: {  	v34 =	vshrl.u32 v24, $0x10;
	v36 =	vshrl.u32 v26, $0x10;
	v37 =	vshrl.u32 v27, $0x10  }
0x15a: {  	v38 =	vshrl.u32 v29, $0x10;
	v39 =	vshrl.u32 v33, $0x10;
	v40 =	vmul.f32 v33, v33  }
0x15b: {  	v5 =	vand.u32 $0xFFFF0000, v5;
	v6 =	vand.u32 $0xFFFF0000, v6;
	v7 =	vadd.s32 v8, v7  }
0x15c: {  	v8 =	vand.u32 $0x1, v13;
	v13 =	vand.u32 $0x1, v14;
	v25 =	vand.u32 $0x1, v25  }
0x15d: {  	v30 =	vand.u32 $0x1, v30;
	v31 =	vand.u32 $0x1, v31;
	v34 =	vand.u32 $0x1, v34  }
0x15e: {  	v37 =	vand.u32 $0x1, v37;
	v38 =	vand.u32 $0x1, v38;
	v39 =	vand.u32 $0x1, v39  }
0x15f: {  	v36 =	vand.u32 $0x1, v36;
	v7 =	vadd.s32 $0x7FFF, v7;
	v8 =	vadd.s32 v8, v9  }
0x160: {  	v11 =	vld [tilespmem:s16+$0x1B170];
	v9 =	vadd.s32 v13, v12;
	v25 =	vadd.s32 v25, v19;
	v30 =	vadd.s32 v30, v23  }
0x161: {  	v37 =	vadd.s32 v37, v27;
	v27 =	vmul.f32 v27, v27;
	v38 =	vadd.s32 v38, v29  }
0x162: {  	v10 =	vld [tilespmem:s16+$0x1B160];
	v33 =	vadd.s32 v39, v33;
	v36 =	vadd.s32 v36, v26;
	v29 =	vmul.f32 v29, v29  }
0x163: {  	v34 =	vadd.s32 v34, v24;
	v26 =	vmul.f32 v26, v26;
	v24 =	vmul.f32 v24, v24  }
0x164: {  	v23 =	vmul.f32 v23, v23;
	v7 =	vand.u32 $0xFFFF0000, v7;
	v8 =	vadd.s32 $0x7FFF, v8  }
0x165: {  	v9 =	vadd.s32 $0x7FFF, v9;
	v16 =	vshrl.u32 v11, $0x10;
	v37 =	vadd.s32 $0x7FFF, v37  }
0x166: {  	v33 =	vadd.s32 $0x7FFF, v33;
	v38 =	vadd.s32 $0x7FFF, v38;
	v36 =	vadd.s32 $0x7FFF, v36  }
0x167: {  	v14 =	vld [tilespmem:s16+$0x1B520];
	v12 =	vshrl.u32 v10, $0x10;
	v37 =	vand.u32 $0xFFFF0000, v37;
	v33 =	vand.u32 $0xFFFF0000, v33  }
0x168: {  	v38 =	vand.u32 $0xFFFF0000, v38;
	v27 =	vadd.f32 v40, v27;
	v37 =	vmul.f32 v37, v4  }
0x169: {  	v13 =	vld [tilespmem:s16+$0x1B510];
	v12 =	vand.u32 $0x1, v12;
	v33 =	vmul.f32 v33, v5;
	v38 =	vmul.f32 v38, v6  }
0x16a: {  	v10 =	vadd.s32 v12, v10;
	v12 =	vand.u32 $0x1, v16;
	v16 =	vand.u32 $0x1, v17  }
0x16b: {  	v27 =	vadd.f32 v29, v27;
	v10 =	vadd.s32 $0x7FFF, v10;
	v12 =	vadd.s32 v12, v11  }
0x16c: {  	v15 =	vadd.s32 v16, v15;
	v16 =	vshrl.u32 v14, $0x10;
	v37 =	vadd.f32 $0.0e+00, v37  }
0x16d: {  	v17 =	vld [tilespmem:s5+$0x70];
	v11 =	vand.u32 $0xFFFF0000, v10;
	v10 =	vadd.s32 $0x7FFF, v12;
	v15 =	vadd.s32 $0x7FFF, v15  }
0x16e: {  	v12 =	vand.u32 $0xFFFF0000, v10;
	v10 =	vand.u32 $0xFFFF0000, v15;
	v15 =	vshrl.u32 v13, $0x10  }
0x16f: {  	v26 =	vadd.f32 v26, v27;
	v33 =	vadd.f32 v33, v37;
	v15 =	vand.u32 $0x1, v15  }
0x170: {  	s24 =	simm.s32 $0x100;
	v27 =	vld [tilespmem:s5+$0x400];
	v13 =	vadd.s32 v15, v13;
	v15 =	vand.u32 $0x1, v16;
	v16 =	vand.u32 $0x1, v20  }
0x171: {  	s30 =	sand.u32 $0x800, s24;
	v25 =	vadd.s32 $0x7FFF, v25;
	v36 =	vand.u32 $0xFFFF0000, v36;
	v16 =	vadd.s32 v16, v18;
	v18 =	vld [tilespmem:s5+$0x50];
	s5 =	simm.s32 $0x80  }
0x172: {  	s6 =	sadd.s32 s30, s4;
	v60 =	vmul.f32 v36, v7;
	v35 =	vshrl.u32 v17, $0x10;
	v33 =	vadd.f32 v38, v33;
	s7 =	sand.u32 $0x380, s5  }
0x173: {  	v8 =	vand.u32 $0xFFFF0000, v8;
	v29 =	vadd.s32 $0x7FFF, v34;
	v35 =	vand.u32 $0x1, v35;
	s7 =	sadd.s32 s7, s6  }
0x174: {  	v61 =	vmul.f32 v17, v17;
	v35 =	vadd.s32 v35, v17;
	v17 =	vadd.f32 v60, v33;
	v33 =	vld [tilespmem:s7+$0x60]  }
0x175: {  	v9 =	vand.u32 $0xFFFF0000, v9;
	v25 =	vand.u32 $0xFFFF0000, v25;
	v29 =	vand.u32 $0xFFFF0000, v29;
	v63 =	vld [tilespmem:s7+$0x50]  }
0x176: {  	v24 =	vadd.f32 v24, v26;
	v26 =	vmul.f32 v29, v8;
	v29 =	vadd.s32 $0x7FFF, v30;
	v48 =	vld [tilespmem:s7+$0x70]  }
0x177: {  	v20 =	vimm.f32 $1.000000000e+00;
	v13 =	vadd.s32 $0x7FFF, v13;
	v14 =	vadd.s32 v15, v14;
	v50 =	vld [tilespmem:s7+$0x30]  }
0x178: {  	v15 =	vand.u32 $0xFFFF0000, v13;
	v13 =	vadd.s32 $0x7FFF, v14;
	v16 =	vadd.s32 $0x7FFF, v16;
	v52 =	vld [tilespmem:s7+$0x20]  }
0x179: {  	v14 =	vand.u32 $0xFFFF0000, v13;
	v13 =	vand.u32 $0xFFFF0000, v16;
	v42 =	vld [tilespmem:s7+$0x10];
	v32 =	vshrl.u32 v18, $0x10  }
0x17a: {  	v16 =	vimm.f32 $0.0e+00;
	v35 =	vadd.s32 $0x7FFF, v35;
	v32 =	vand.u32 $0x1, v32  }
0x17b: {  	v30 =	vand.u32 $0xFFFF0000, v35;
	v25 =	vmul.f32 v25, v14;
	v32 =	vadd.s32 v32, v18  }
0x17c: {  	v18 =	vmul.f32 v18, v18;
	v32 =	vadd.s32 $0x7FFF, v32;
	v53 =	vshrl.u32 v33, $0x10  }
0x17d: {  	v41 =	vshrl.u32 v63, $0x10;
	v44 =	vshrl.u32 v48, $0x10;
	v55 =	vshrl.u32 v50, $0x10  }
0x17e: {  	v45 =	vshrl.u32 v52, $0x10;
	v56 =	vshrl.u32 v42, $0x10;
	v58 =	vmul.f32 v42, v42  }
0x17f: {  	v60 =	vmul.f32 v52, v52;
	v32 =	vand.u32 $0xFFFF0000, v32;
	v18 =	vadd.f32 v18, v24  }
0x180: {  	v24 =	vadd.f32 v26, v17;
	v26 =	vand.u32 $0xFFFF0000, v29;
	v29 =	vmul.f32 v30, v12  }
0x181: {  	v17 =	vshrl.u32 v27, $0x10;
	v30 =	vadd.s32 v31, v22;
	v18 =	vadd.f32 v23, v18  }
0x182: {  	v22 =	vmul.f32 v22, v22;
	v23 =	vand.u32 $0x1, v28;
	v28 =	vand.u32 $0x1, v17  }
0x183: {  	v31 =	vadd.f32 v61, v18;
	v18 =	vadd.s32 v28, v27;
	v27 =	vmul.f32 v27, v27  }
0x184: {  	v40 =	vand.u32 $0x1, v53;
	v41 =	vand.u32 $0x1, v41;
	v44 =	vand.u32 $0x1, v44  }
0x185: {  	v57 =	vand.u32 $0x1, v56;
	v30 =	vadd.s32 $0x7FFF, v30;
	v27 =	vadd.f32 v27, v31  }
0x186: {  	v32 =	vmul.f32 v32, v9;
	v40 =	vadd.s32 v40, v33;
	v26 =	vmul.f32 v26, v11  }
0x187: {  	v54 =	vld [tilespmem:s7+$0x0];
	v44 =	vadd.s32 v44, v48;
	v28 =	vmul.f32 v19, v19;
	v22 =	vadd.f32 v22, v27  }
0x188: {  	v59 =	vadd.s32 v57, v42;
	v30 =	vand.u32 $0xFFFF0000, v30;
	v44 =	vadd.s32 $0x7FFF, v44  }
0x189: {  	v23 =	vadd.s32 v23, v21;
	v27 =	vmul.f32 v21, v21;
	v22 =	vadd.f32 v28, v22  }
0x18a: {  	v30 =	vmul.f32 v30, v15;
	v24 =	vadd.f32 v32, v24;
	v23 =	vadd.s32 $0x7FFF, v23  }
0x18b: {  	v17 =	vld [tilespmem:s7+$0x420];
	v61 =	vadd.s32 v41, v63;
	v63 =	vmul.f32 v63, v63;
	v27 =	vadd.f32 v27, v22  }
0x18c: {  	v62 =	vadd.s32 $0x7FFF, v18;
	v24 =	vadd.f32 v26, v24;
	v26 =	vshrl.u32 v54, $0x10  }
0x18d: {  	v23 =	vand.u32 $0xFFFF0000, v23;
	v31 =	vand.u32 $0xFFFF0000, v62;
	v26 =	vand.u32 $0x1, v26;
	(xrf2) =	vadd.scan.msk.f32 $0xffff, v27  }
0x18e: {  	v31 =	vmul.f32 v31, v10;
	v24 =	vadd.f32 v29, v24;
	v26 =	vadd.s32 v26, v54  }
0x18f: {  	v23 =	vmul.f32 v23, v13;
	v29 =	vmul.f32 v54, v54;
	v26 =	vadd.s32 $0x7FFF, v26  }
0x190: {  	v21 =	vshrl.u32 v17, $0x10;
	v24 =	vadd.f32 v31, v24;
	v26 =	vand.u32 $0xFFFF0000, v26  }
0x191: {  	v62 =	vmul.f32 v50, v50;
	v21 =	vand.u32 $0x1, v21;
	v28 =	vld [tilespmem:s7+$0x40];
	v26 =	vmul.f32 v26, v4  }
0x192: {  	v31 =	vand.u32 $0x1, v55;
	v29 =	vadd.f32 v58, v29;
	v24 =	vadd.f32 v30, v24  }
0x193: {  	v31 =	vadd.s32 v31, v50;
	v30 =	vadd.s32 $0x7FFF, v59;
	v26 =	vadd.f32 $0.0e+00, v26  }
0x194: {  	v24 =	vadd.f32 v25, v24;
	v25 =	vand.u32 $0xFFFF0000, v30;
	v27 =	vand.u32 $0x1, v45  }
0x195: {  	v30 =	vadd.s32 $0x7FFF, v31;
	v25 =	vmul.f32 v25, v5;
	v27 =	vadd.s32 v27, v52  }
0x196: {  	v19 =	vld [tilespmem:s7+$0x410];
	v43 =	vshrl.u32 v28, $0x10;
	v24 =	vadd.f32 v23, v24;
	v27 =	vadd.s32 $0x7FFF, v27  }
0x197: {  	v43 =	vand.u32 $0x1, v43;
	v25 =	vadd.f32 v25, v26;
	v27 =	vand.u32 $0xFFFF0000, v27;
	v23, _, _ =	vpop (xrf2)  }
0x198: {  	v18 =	vld [tilespmem:s7+$0x430];
	v31 =	vadd.s32 v43, v28;
	v27 =	vmul.f32 v27, v6;
	v23 =	vbroadcast v23, $0xF  }
0x199: {  	v29 =	vadd.f32 v60, v29;
	v30 =	vand.u32 $0xFFFF0000, v30;
	v31 =	vadd.s32 $0x7FFF, v31  }
0x19a: {  	(xrf2) =	vadd.scan.msk.f32 $0xffff, v24;
	v20 =	vsel vm1, v23, v20;
	v23 =	vadd.f32 v27, v25;
	v25 =	vmul.f32 v30, v7  }
0x19b: {  	v51 =	vshrl.u32 v19, $0x10;
	v29 =	vadd.f32 v62, v29;
	v26 =	vand.u32 $0xFFFF0000, v31  }
0x19c: {  	v28 =	vmul.f32 v28, v28;
	v23 =	vadd.f32 v25, v23;
	v25 =	vmul.f32 v26, v8  }
0x19d: {  	s29 =	simm.s32 $0x1;
	s28 =	sor.u32 $0x10, s16;
	v49 =	vadd.s32 v21, v17;
	v21 =	vshrl.u32 v18, $0x10;
	v31 =	vadd.s32 $0x7FFF, v61  }
0x19e: {  	s21 =	sor.u32 $0x20, s16;
	s22 =	sor.u32 $0x30, s16;
	s20 =	sor.u32 $0x40, s16;
	v27 =	vand.u32 $0xFFFF0000, v31;
	v31 =	vadd.f32 v28, v29;
	v28 =	vadd.f32 v25, v23;
	v23 =	vld [tilespmem:s7+$0x400]  }
0x19f: {  	s13 =	sor.u32 $0x50, s16;
	s19 =	sor.u32 $0x60, s16;
	s11 =	sor.u32 $0x70, s16;
	v22 =	vand.u32 $0x1, v51;
	v24 =	vmul.f32 v33, v33;
	v29 =	vadd.s32 $0x7FFF, v40  }
0x1a0: {  	s9 =	sor.u32 $0x400, s16;
	s10 =	sor.u32 $0x410, s16;
	s8 =	sor.u32 $0x420, s16;
	v30 =	vmul.f32 v48, v48;
	v29 =	vand.u32 $0xFFFF0000, v29;
	v25 =	vand.u32 $0xFFFF0000, v44  }
0x1a1: {  	s17 =	sor.u32 $0x430, s16;
	s6 =	simm.s32 $0x2;
	v26 =	vadd.s32 $0x7FFF, v49;
	v31 =	vadd.f32 v63, v31;
	s7 =	simm.s32 $0x200;
	v25 =	vmul.f32 v25, v12  }
.LBB2_4:
0x1a2: {  	s12 =	sand.u32 $0x800, s7  }
0x1a3: {  	p0 =	sne.s32 s6, $0xF;
	v1 =	vshrl.u32 v23, $0x10;
	v22 =	vadd.s32 v22, v19;
	v21 =	vand.u32 $0x1, v21;
	s5 =	sadd.s32 $0x80, s5;
	s18 =	smov.u32 s6  }
0x1a4: {  	s6 =	sadd.s32 $0x1, s6;
	s23 =	sand.u32 $0x380, s5;
	s12 =	sadd.s32 s12, s4;
	v24 =	vadd.f32 v24, v31;
	v31 =	vand.u32 $0x1, v1;
	v22 =	vadd.s32 $0x7FFF, v22;
	v32, _, _ =	vpop (xrf2)  }
0x1a5: {  	v33 =	vand.u32 $0xFFFF0000, v26;
	v34 =	vmul.f32 v17, v17;
	s12 =	sadd.s32 s23, s12;
	v32 =	vbroadcast v32, $0xF  }
0x1a6: {  	v17 =	vld [tilespmem:s12+$0x420];
	v24 =	vadd.f32 v30, v24;
	v30 =	vadd.s32 v31, v23;
	v23 =	vmul.f32 v23, v23  }
0x1a7: {  	v22 =	vand.u32 $0xFFFF0000, v22;
	v26 =	vld [tilespmem:s12+$0x70];
	v30 =	vadd.s32 $0x7FFF, v30;
	v16 =	vsel vm1, v32, v16  }
0x1a8: {  	v33 =	vmul.f32 v33, v14;
	v32 =	vmul.f32 v19, v19;
	v31 =	vld [tilespmem:s12+$0x430];
	v23 =	vadd.f32 v23, v24  }
0x1a9: {  	v21 =	vadd.s32 v21, v18;
	v30 =	vand.u32 $0xFFFF0000, v30;
	v19 =	vld [tilespmem:s12+$0x410]  }
0x1aa: {  	v35 =	vmul.f32 v18, v18;
	v21 =	vadd.s32 $0x7FFF, v21;
	v24 =	vld [tilespmem:s12+$0x60];
	v32 =	vadd.f32 v32, v23  }
0x1ab: {  	v37 =	vand.u32 $0xFFFF0000, v21;
	v21 =	vmov s29;
	s29 =	smov.u32 s18;
	v36 =	vld [tilespmem:s12+$0x50];
	v2 =	vshrl.u32 v17, $0x10  }
0x1ac: {  	vm1 =	veq.s32 v21, v0;
	v23 =	vld [tilespmem:s12+$0x400];
	v1 =	vand.u32 $0x1, v2;
	v32 =	vadd.f32 v34, v32  }
0x1ad: {  	v37 =	vmul.f32 v37, v13;
	v34 =	vld [tilespmem:s12+$0x40];
	v38 =	vadd.s32 v1, v17;
	v21 =	vshrl.u32 v31, $0x10;
	v18 =	vmovc v31  }
0x1ae: {  	v40 =	vmul.f32 v22, v15;
	v31 =	vld [tilespmem:s12+$0x30];
	v39 =	vshrl.u32 v19, $0x10;
	v32 =	vadd.f32 v35, v32  }
0x1af: {  	v30 =	vmul.f32 v30, v10;
	v35 =	vld [tilespmem:s12+$0x20];
	v41 =	vshrl.u32 v24, $0x10;
	v22 =	vand.u32 $0x1, v39  }
0x1b0: {  	v27 =	vmul.f32 v27, v9;
	v39 =	vld [tilespmem:s12+$0x0];
	v42 =	vshrl.u32 v36, $0x10;
	v41 =	vand.u32 $0x1, v41;
	(xrf2) =	vadd.scan.msk.f32 $0xffff, v32  }
0x1b1: {  	v29 =	vmul.f32 v29, v11;
	v32 =	vld [tilespmem:s12+$0x10];
	v42 =	vand.u32 $0x1, v42;
	v41 =	vadd.s32 v41, v24  }
0x1b2: {  	v27 =	vadd.f32 v27, v28;
	v44 =	vshrl.u32 v26, $0x10;
	v43 =	vshrl.u32 v34, $0x10  }
0x1b3: {  	v44 =	vand.u32 $0x1, v44;
	v28 =	vshrl.u32 v31, $0x10;
	v43 =	vand.u32 $0x1, v43  }
0x1b4: {  	v27 =	vadd.f32 v29, v27;
	v44 =	vadd.s32 v44, v26;
	v45 =	vshrl.u32 v35, $0x10  }
0x1b5: {  	v44 =	vadd.s32 $0x7FFF, v44;
	v29 =	vshrl.u32 v39, $0x10;
	v45 =	vand.u32 $0x1, v45  }
0x1b6: {  	v25 =	vadd.f32 v25, v27;
	v29 =	vand.u32 $0x1, v29;
	v46 =	vshrl.u32 v32, $0x10  }
0x1b7: {  	v27 =	vadd.s32 v29, v39;
	v29 =	vmul.f32 v39, v39;
	v39 =	vand.u32 $0x1, v46  }
0x1b8: {  	v25 =	vadd.f32 v30, v25;
	v46 =	vmul.f32 v32, v32;
	v27 =	vadd.s32 $0x7FFF, v27  }
0x1b9: {  	v28 =	vand.u32 $0x1, v28;
	v30 =	vadd.s32 v45, v35;
	v27 =	vand.u32 $0xFFFF0000, v27  }
0x1ba: {  	v25 =	vadd.f32 v40, v25;
	v32 =	vadd.s32 v39, v32;
	v27 =	vmul.f32 v27, v4;
	v39, _, _ =	vpop (xrf2)  }
0x1bb: {  	v28 =	vadd.s32 v28, v31;
	v30 =	vadd.s32 $0x7FFF, v30;
	v32 =	vadd.s32 $0x7FFF, v32  }
0x1bc: {  	v25 =	vadd.f32 v33, v25;
	v35 =	vmul.f32 v35, v35;
	v27 =	vadd.f32 $0.0e+00, v27  }
0x1bd: {  	v28 =	vadd.s32 $0x7FFF, v28;
	v30 =	vand.u32 $0xFFFF0000, v30;
	v32 =	vand.u32 $0xFFFF0000, v32  }
0x1be: {  	v25 =	vadd.f32 v37, v25;
	v28 =	vand.u32 $0xFFFF0000, v28;
	v30 =	vmul.f32 v30, v6  }
0x1bf: {  	v33 =	vadd.s32 v43, v34;
	v29 =	vadd.f32 v46, v29;
	v32 =	vmul.f32 v32, v5  }
0x1c0: {  	v37 =	vadd.s32 v42, v36;
	v33 =	vadd.s32 $0x7FFF, v33;
	v39 =	vbroadcast v39, $0xF;
	(xrf2) =	vadd.scan.msk.f32 $0xffff, v25  }
0x1c1: {  	v25 =	vadd.f32 v32, v27;
	v32 =	vand.u32 $0xFFFF0000, v33;
	v27 =	vadd.s32 $0x7FFF, v37  }
0x1c2: {  	v31 =	vmul.f32 v31, v31;
	v29 =	vadd.f32 v35, v29;
	v20 =	vsel vm1, v39, v20  }
0x1c3: {  	v28 =	vmul.f32 v28, v7;
	v25 =	vadd.f32 v30, v25;
	v30 =	vmul.f32 v26, v26  }
.Ltmp0:
0x1c4: {  	v29 =	vadd.f32 v31, v29;
	v31 =	vmul.f32 v34, v34;
	v27 =	vand.u32 $0xFFFF0000, v27;
	(pc) =	sbr.rel @p0 .LBB2_4-.Ltmp0, $4  }
0x1c5: {  	v26 =	vadd.s32 $0x7FFF, v38;
	v25 =	vadd.f32 v28, v25;
	v28 =	vmul.f32 v32, v8  }
0x1c6: {  	v31 =	vadd.f32 v31, v29;
	v29 =	vadd.s32 $0x7FFF, v41;
	v32 =	vmul.f32 v36, v36  }
0x1c7: {  	v29 =	vand.u32 $0xFFFF0000, v29;
	v28 =	vadd.f32 v28, v25;
	v25 =	vand.u32 $0xFFFF0000, v44  }
0x1c8: {  	s7 =	sadd.s32 $0x100, s7;
	v24 =	vmul.f32 v24, v24;
	v31 =	vadd.f32 v32, v31;
	v25 =	vmul.f32 v25, v12  }
0x1c9: {  	_ = 	snop  }
0x1ca: {  	v24 =	vadd.f32 v24, v31;
	_ =	sdelay $0x1  }
0x1cb: {  	v50 =	vmul.f32 v23, v23;
	v27 =	vmul.f32 v27, v9;
	v24 =	vadd.f32 v30, v24  }
0x1cc: {  	v51 =	vshrl.u32 v23, $0x10;
	v52 =	vmul.f32 v19, v19;
	v29 =	vmul.f32 v29, v11  }
0x1cd: {  	v31 =	vand.u32 $0x1, v51;
	v27 =	vadd.f32 v27, v28;
	v24 =	vadd.f32 v50, v24  }
0x1ce: {  	v17 =	vmul.f32 v17, v17;
	v19 =	vadd.s32 v22, v19;
	v23 =	vadd.s32 v31, v23  }
0x1cf: {  	v22 =	vadd.s32 $0x7FFF, v23;
	v23 =	vadd.f32 v29, v27;
	v24 =	vadd.f32 v52, v24  }
0x1d0: {  	v19 =	vadd.s32 $0x7FFF, v19;
	v22 =	vand.u32 $0xFFFF0000, v22;
	v27 =	vmul.f32 v18, v18  }
0x1d1: {  	v22 =	vmul.f32 v22, v10;
	v23 =	vadd.f32 v25, v23;
	v17 =	vadd.f32 v17, v24  }
0x1d2: {  	v21 =	vand.u32 $0x1, v21;
	v19 =	vand.u32 $0xFFFF0000, v19  }
0x1d3: {  	v19 =	vmul.f32 v19, v15;
	v22 =	vadd.f32 v22, v23;
	v17 =	vadd.f32 v27, v17  }
0x1d4: {  	v18 =	vadd.s32 v21, v18;
	v23 =	vand.u32 $0xFFFF0000, v26  }
0x1d5: {  	v18 =	vadd.s32 $0x7FFF, v18;
	v19 =	vadd.f32 v19, v22;
	(xrf2) =	vadd.scan.msk.f32 $0xffff, v17;
	v17 =	vmul.f32 v23, v14  }
0x1d6: {  	v18 =	vand.u32 $0xFFFF0000, v18  }
0x1d7: {  	v18 =	vmul.f32 v18, v13;
	v17 =	vadd.f32 v17, v19;
	_ =	sdelay $0x1  }
0x1d8: {  	v17 =	vadd.f32 v18, v17;
	_ =	sdelay $0x1  }
0x1d9: {  	(xrf2) =	vadd.scan.msk.f32 $0xffff, v17;
	_ =	sdelay $0x2  }
0x1da: {  	v17, _, _ =	vpop (xrf2)  }
0x1db: {  	v18, _, _ =	vpop (xrf2)  }
0x1dc: {  	v19 =	vmov s29;
	v18 =	vbroadcast v18, $0xF  }
0x1dd: {  	vm2 =	veq.s32 v19, v0  }
0x1de: {  	v18 =	vsel vm2, v18, v20  }
0x1df: {  	(erf) = vrcp.f32 v18;
	_ =	sdelay $0x1  }
0x1e0: {  	v17 =	vbroadcast v17, $0xF;
	v18, _, _ =	vpop (xrf2)  }
0x1e1: {  	v18 =	vbroadcast v18, $0xF  }
0x1e2: {  	v16 =	vsel vm1, v17, v16  }
0x1e3: {  	v16 =	vsel vm2, v18, v16  }
0x1e4: {  	v17 =	vand.u32 $0x7FFFFFFF, v16;
	_ =	sdelay $0x1  }
0x1e5: {  	v16 =	vmul.f32 v17, v16  }
0x1e6: {  	v17 =	vpop (erf)  }
0x1e7: {  	v16 =	vmul.f32 v17, v16;
	_ =	sdelay $0x1  }
0x1e8: {  	(xrf1) =	vsort.dscd.msk.f32 $0xffff, v16, v0;
	_ =	sdelay $0xd  }
0x1e9: {  	_, v16, _ =	vpop (xrf1)  }
0x1ea: {  	(v2sf) =	vpush v16, $0x0;
	_ =	sdelay $0xb  }
0x1eb: {  	(v2sf) =	vpush v16, $0x1;
	_ =	sdelay $0x2  }
0x1ec: {  	s29 =	sshll.u32 s15, $0x4;
	s4 =	spop (v2sf)  }
0x1ed: {  	s5 =	sadd.s32 s29, s4  }
0x1ee: {  	s4 =	sshll.u32 s4, $0x7;
	s5 =	sshll.u32 s5, $0x8  }
0x1ef: {  	s4 =	sand.u32 $0x380, s4;
	s5 =	sand.u32 $0xFFFFF800, s5  }
0x1f0: {  	s4 =	sor.u32 s4, s5  }
0x1f1: {  	v17 =	vld [tilespmem:s4+$0x3100]  }
0x1f2: {  	v18 =	vld [tilespmem:s4+$0x3110]  }
0x1f3: {  	v19 =	vld [tilespmem:s4+$0x3120]  }
0x1f4: {  	v20 =	vld [tilespmem:s4+$0x3130]  }
0x1f5: {  	(v2sf) =	vpush v16, $0x2;
	v21 =	vld [tilespmem:s4+$0x3140]  }
0x1f6: {  	v22 =	vld [tilespmem:s4+$0x3150]  }
0x1f7: {  	v23 =	vld [tilespmem:s4+$0x3160]  }
0x1f8: {  	s23 =	spop (v2sf);
	v26 =	vld [tilespmem:s4+$0x3170]  }
0x1f9: {  	s6 =	sadd.s32 s29, s23;
	v27 =	vld [tilespmem:s4+$0x3500]  }
0x1fa: {  	s6 =	sshll.u32 s6, $0x8;
	s5 =	sshll.u32 s23, $0x7;
	v28 =	vld [tilespmem:s4+$0x3510]  }
0x1fb: {  	s6 =	sand.u32 $0xFFFFF800, s6;
	v2 =	vld [tilespmem:s4+$0x3520];
	s5 =	sand.u32 $0x380, s5  }
0x1fc: {  	v1 =	vld [tilespmem:s4+$0x3530];
	s24 =	sor.u32 s5, s6  }
0x1fd: {  	v29 =	vld [tilespmem:s24+$0x3100]  }
0x1fe: {  	v30 =	vld [tilespmem:s24+$0x3110]  }
0x1ff: {  	v31 =	vld [tilespmem:s24+$0x3120]  }
0x200: {  	v32 =	vld [tilespmem:s24+$0x3130]  }
0x201: {  	(v2sf) =	vpush v16, $0x3;
	v33 =	vld [tilespmem:s24+$0x3140]  }
0x202: {  	v34 =	vld [tilespmem:s24+$0x3150]  }
0x203: {  	v35 =	vld [tilespmem:s24+$0x3160]  }
0x204: {  	v36 =	vld [tilespmem:s24+$0x3170];
	s7 =	spop (v2sf)  }
0x205: {  	v37 =	vld [tilespmem:s24+$0x3500];
	s12 =	sadd.s32 s29, s7  }
0x206: {  	v38 =	vld [tilespmem:s24+$0x3510];
	s5 =	sshll.u32 s7, $0x7;
	s6 =	sshll.u32 s12, $0x8  }
0x207: {  	v39 =	vld [tilespmem:s24+$0x3520];
	s5 =	sand.u32 $0x380, s5;
	s6 =	sand.u32 $0xFFFFF800, s6  }
0x208: {  	v40 =	vld [tilespmem:s24+$0x3530];
	s18 =	sor.u32 s5, s6  }
0x209: {  	v41 =	vld [tilespmem:s18+$0x3100]  }
0x20a: {  	v42 =	vld [tilespmem:s18+$0x3110]  }
0x20b: {  	v43 =	vld [tilespmem:s18+$0x3120]  }
0x20c: {  	v44 =	vld [tilespmem:s18+$0x3130]  }
0x20d: {  	v45 =	vld [tilespmem:s18+$0x3140]  }
0x20e: {  	v46 =	vld [tilespmem:s18+$0x3150]  }
0x20f: {  	(v2sf) =	vpush v16, $0x4;
	v47 =	vld [tilespmem:s18+$0x3160]  }
0x210: {  	s23 =	spop (v2sf);
	v48 =	vld [tilespmem:s18+$0x3170]  }
0x211: {  	s24 =	sadd.s32 s29, s23;
	v49 =	vld [tilespmem:s18+$0x3500]  }
0x212: {  	s6 =	sshll.u32 s24, $0x8;
	s5 =	sshll.u32 s23, $0x7;
	v50 =	vld [tilespmem:s18+$0x3510]  }
0x213: {  	v51 =	vld [tilespmem:s18+$0x3520];
	s6 =	sand.u32 $0xFFFFF800, s6;
	s5 =	sand.u32 $0x380, s5  }
0x214: {  	v52 =	vld [tilespmem:s18+$0x3530];
	s7 =	sor.u32 s5, s6  }
0x215: {  	v53 =	vld [tilespmem:s7+$0x3100]  }
0x216: {  	v54 =	vld [tilespmem:s7+$0x3110]  }
0x217: {  	v3 =	vld [tilespmem:s7+$0x3160]  }
0x218: {  	v55 =	vld [tilespmem:s7+$0x3120]  }
0x219: {  	v56 =	vld [tilespmem:s7+$0x3130]  }
0x21a: {  	v60 =	vld [tilespmem:s7+$0x3140]  }
0x21b: {  	v18 =	vadd.f32 $0.0e+00, v18;
	(v2sf) =	vpush v16, $0x5;
	v59 =	vld [tilespmem:s7+$0x3150]  }
0x21c: {  	v19 =	vadd.f32 $0.0e+00, v19;
	[tilespmem:$0x1FFB0] =	vst v3;
	v3 =	vld [tilespmem:s7+$0x3170]  }
0x21d: {  	v18 =	vadd.f32 v30, v18;
	v61 =	vld [tilespmem:s7+$0x3500]  }
0x21e: {  	v19 =	vadd.f32 v31, v19;
	v62 =	vld [tilespmem:s7+$0x3510];
	s12 =	spop (v2sf)  }
0x21f: {  	v63 =	vld [tilespmem:s7+$0x3520];
	v18 =	vadd.f32 v42, v18;
	s18 =	sadd.s32 s29, s12  }
0x220: {  	v57 =	vld [tilespmem:s7+$0x3530];
	v19 =	vadd.f32 v43, v19;
	s5 =	sshll.u32 s12, $0x7;
	s6 =	sshll.u32 s18, $0x8  }
0x221: {  	v18 =	vadd.f32 v54, v18;
	v54 =	vld [tilespmem:$0x1FFB0];
	[tilespmem:$0x1FFC0] =	vst v3;
	s5 =	sand.u32 $0x380, s5;
	s6 =	sand.u32 $0xFFFFF800, s6  }
0x222: {  	v19 =	vadd.f32 v55, v19;
	v55 =	vld [tilespmem:$0x1FFC0];
	s23 =	sor.u32 s5, s6  }
0x223: {  	v58 =	vld [tilespmem:s23+$0x3100]  }
0x224: {  	v25 =	vld [tilespmem:s23+$0x3110]  }
0x225: {  	v17 =	vadd.f32 $0.0e+00, v17;
	v24 =	vld [tilespmem:s23+$0x3120]  }
0x226: {  	v3 =	vld [tilespmem:s23+$0x3130]  }
0x227: {  	v17 =	vadd.f32 v29, v17;
	(v2sf) =	vpush v16, $0x6;
	v29 =	vld [tilespmem:s23+$0x3140]  }
0x228: {  	v20 =	vadd.f32 $0.0e+00, v20;
	v30 =	vld [tilespmem:s23+$0x3150]  }
0x229: {  	v21 =	vadd.f32 $0.0e+00, v21;
	v31 =	vld [tilespmem:s23+$0x3160]  }
0x22a: {  	v22 =	vadd.f32 $0.0e+00, v22;
	v20 =	vadd.f32 v32, v20;
	s24 =	spop (v2sf);
	v32 =	vld [tilespmem:s23+$0x3170]  }
0x22b: {  	v23 =	vadd.f32 $0.0e+00, v23;
	v21 =	vadd.f32 v33, v21;
	s7 =	sadd.s32 s29, s24;
	v33 =	vld [tilespmem:s23+$0x3500]  }
0x22c: {  	v26 =	vadd.f32 $0.0e+00, v26;
	v22 =	vadd.f32 v34, v22;
	s6 =	sshll.u32 s7, $0x8;
	s5 =	sshll.u32 s24, $0x7;
	v34 =	vld [tilespmem:s23+$0x3510]  }
0x22d: {  	v27 =	vadd.f32 $0.0e+00, v27;
	v23 =	vadd.f32 v35, v23;
	v35 =	vld [tilespmem:s23+$0x3520];
	s6 =	sand.u32 $0xFFFFF800, s6;
	s5 =	sand.u32 $0x380, s5  }
0x22e: {  	v28 =	vadd.f32 $0.0e+00, v28;
	v26 =	vadd.f32 v36, v26;
	v36 =	vld [tilespmem:s23+$0x3530];
	s12 =	sor.u32 s5, s6  }
0x22f: {  	v2 =	vadd.f32 $0.0e+00, v2;
	v27 =	vadd.f32 v37, v27;
	v37 =	vld [tilespmem:s12+$0x3100]  }
0x230: {  	v1 =	vadd.f32 $0.0e+00, v1;
	v28 =	vadd.f32 v38, v28;
	v38 =	vld [tilespmem:s12+$0x3110]  }
0x231: {  	v2 =	vadd.f32 v39, v2;
	v39 =	vld [tilespmem:s12+$0x3120]  }
0x232: {  	v1 =	vadd.f32 v40, v1;
	v17 =	vadd.f32 v41, v17;
	v40 =	vld [tilespmem:s12+$0x3130]  }
0x233: {  	v20 =	vadd.f32 v44, v20;
	(v2sf) =	vpush v16, $0x7;
	v16 =	vld [tilespmem:s12+$0x3140]  }
0x234: {  	v21 =	vadd.f32 v45, v21;
	v22 =	vadd.f32 v46, v22;
	v41 =	vld [tilespmem:s12+$0x3150]  }
0x235: {  	v23 =	vadd.f32 v47, v23;
	v26 =	vadd.f32 v48, v26;
	v42 =	vld [tilespmem:s12+$0x3160]  }
0x236: {  	v27 =	vadd.f32 v49, v27;
	v28 =	vadd.f32 v50, v28;
	v43 =	vld [tilespmem:s12+$0x3170];
	s18 =	spop (v2sf)  }
0x237: {  	v2 =	vadd.f32 v51, v2;
	v1 =	vadd.f32 v52, v1;
	v44 =	vld [tilespmem:s12+$0x3500];
	s23 =	sadd.s32 s29, s18  }
0x238: {  	v17 =	vadd.f32 v53, v17;
	v20 =	vadd.f32 v56, v20;
	v53 =	vld [tilespmem:s12+$0x3510];
	s5 =	sshll.u32 s18, $0x7;
	s6 =	sshll.u32 s23, $0x8  }
0x239: {  	v21 =	vadd.f32 v60, v21;
	v22 =	vadd.f32 v59, v22;
	v46 =	vld [tilespmem:s12+$0x3520];
	s5 =	sand.u32 $0x380, s5;
	s6 =	sand.u32 $0xFFFFF800, s6  }
0x23a: {  	v27 =	vadd.f32 v61, v27;
	v28 =	vadd.f32 v62, v28;
	v47 =	vld [tilespmem:s12+$0x3530];
	s24 =	sor.u32 s5, s6  }
0x23b: {  	v2 =	vadd.f32 v63, v2;
	v1 =	vadd.f32 v57, v1;
	v56 =	vld [tilespmem:s24+$0x3100]  }
0x23c: {  	v23 =	vadd.f32 v54, v23;
	v26 =	vadd.f32 v55, v26;
	v59 =	vld [tilespmem:s24+$0x3110]  }
0x23d: {  	v17 =	vadd.f32 v58, v17;
	v18 =	vadd.f32 v25, v18;
	v60 =	vld [tilespmem:s24+$0x3120]  }
0x23e: {  	v19 =	vadd.f32 v24, v19;
	v3 =	vadd.f32 v3, v20;
	v25 =	vld [tilespmem:s24+$0x3130]  }
0x23f: {  	v21 =	vadd.f32 v29, v21;
	v22 =	vadd.f32 v30, v22;
	v20 =	vld [tilespmem:s24+$0x3140]  }
0x240: {  	v23 =	vadd.f32 v31, v23;
	v26 =	vadd.f32 v32, v26;
	v24 =	vld [tilespmem:s24+$0x3150]  }
0x241: {  	v27 =	vadd.f32 v33, v27;
	v28 =	vadd.f32 v34, v28;
	v29 =	vld [tilespmem:s24+$0x3160]  }
0x242: {  	v2 =	vadd.f32 v35, v2;
	v1 =	vadd.f32 v36, v1;
	s7 =	spop (v2sf);
	v61 =	vld [tilespmem:s24+$0x3170]  }
0x243: {  	v17 =	vadd.f32 v37, v17;
	v18 =	vadd.f32 v38, v18;
	s12 =	sadd.s32 s29, s7;
	v62 =	vld [tilespmem:s24+$0x3500]  }
0x244: {  	v19 =	vadd.f32 v39, v19;
	v3 =	vadd.f32 v40, v3;
	s6 =	sshll.u32 s12, $0x8;
	s5 =	sshll.u32 s7, $0x7;
	v63 =	vld [tilespmem:s24+$0x3510]  }
0x245: {  	v16 =	vadd.f32 v16, v21;
	v21 =	vadd.f32 v41, v22;
	v51 =	vld [tilespmem:s24+$0x3520];
	s6 =	sand.u32 $0xFFFFF800, s6;
	s5 =	sand.u32 $0x380, s5  }
0x246: {  	v23 =	vadd.f32 v42, v23;
	v26 =	vadd.f32 v43, v26;
	v22 =	vld [tilespmem:s24+$0x3530];
	s18 =	sor.u32 s5, s6  }
0x247: {  	v27 =	vadd.f32 v44, v27;
	v28 =	vadd.f32 v53, v28;
	v52 =	vld [tilespmem:s18+$0x3100]  }
0x248: {  	v2 =	vadd.f32 v46, v2;
	v1 =	vadd.f32 v47, v1;
	v53 =	vld [tilespmem:s18+$0x3110]  }
0x249: {  	v54 =	vld [tilespmem:s18+$0x3120];
	v17 =	vadd.f32 v56, v17;
	v18 =	vadd.f32 v59, v18  }
0x24a: {  	v55 =	vld [tilespmem:s18+$0x3130];
	v19 =	vadd.f32 v60, v19;
	v3 =	vadd.f32 v25, v3  }
0x24b: {  	v57 =	vld [tilespmem:s18+$0x3510];
	v16 =	vadd.f32 v20, v16;
	v20 =	vadd.f32 v24, v21  }
0x24c: {  	v25 =	vld [tilespmem:s18+$0x3140];
	v23 =	vadd.f32 v29, v23;
	v24 =	vadd.f32 v61, v26  }
0x24d: {  	v21 =	vld [tilespmem:s18+$0x3150];
	v27 =	vadd.f32 v62, v27;
	v17 =	vadd.f32 v52, v17  }
0x24e: {  	v26 =	vld [tilespmem:s18+$0x3160];
	v28 =	vadd.f32 v63, v28;
	v18 =	vadd.f32 v53, v18  }
0x24f: {  	v29 =	vld [tilespmem:s18+$0x3170];
	v2 =	vadd.f32 v51, v2;
	v19 =	vadd.f32 v54, v19;
	v17 =	vmul.f32 $1.250000000e-01, v17  }
0x250: {  	v56 =	vld [tilespmem:s18+$0x3500];
	v1 =	vadd.f32 v22, v1;
	v3 =	vadd.f32 v55, v3;
	v18 =	vmul.f32 $1.250000000e-01, v18  }
0x251: {  	v22 =	vld [tilespmem:s18+$0x3520];
	v19 =	vmul.f32 $1.250000000e-01, v19;
	v16 =	vadd.f32 v25, v16;
	v17 =	vmax.f32 v17, $0.0e+00  }
0x252: {  	v3 =	vmul.f32 $1.250000000e-01, v3;
	v25 =	vld [tilespmem:s18+$0x3530];
	v20 =	vadd.f32 v21, v20;
	[tilespmem:s16+$0x1B900] =	vst v17;
	v17 =	vmax.f32 v18, $0.0e+00  }
0x253: {  	v18 =	vadd.f32 v26, v23;
	v16 =	vmul.f32 $1.250000000e-01, v16;
	[tilespmem:s28+$0x1B900] =	vst v17;
	v17 =	vmax.f32 v19, $0.0e+00  }
0x254: {  	v3 =	vmax.f32 v3, $0.0e+00;
	v19 =	vadd.f32 v29, v24;
	[tilespmem:s21+$0x1B900] =	vst v17;
	v17 =	vmul.f32 $1.250000000e-01, v20  }
0x255: {  	v20 =	vadd.f32 v56, v27;
	[tilespmem:s22+$0x1B900] =	vst v3;
	v3 =	vmax.f32 v16, $0.0e+00;
	v16 =	vmul.f32 $1.250000000e-01, v18  }
0x256: {  	v18 =	vadd.f32 v57, v28;
	[tilespmem:s20+$0x1B900] =	vst v3;
	v3 =	vmax.f32 v17, $0.0e+00;
	v17 =	vmul.f32 $1.250000000e-01, v19  }
0x257: {  	v2 =	vadd.f32 v22, v2;
	[tilespmem:s13+$0x1B900] =	vst v3;
	v3 =	vmax.f32 v16, $0.0e+00;
	v16 =	vmul.f32 $1.250000000e-01, v20  }
0x258: {  	v1 =	vadd.f32 v25, v1;
	[tilespmem:s19+$0x1B900] =	vst v3;
	v3 =	vmax.f32 v17, $0.0e+00;
	v17 =	vmul.f32 $1.250000000e-01, v18  }
0x259: {  	v2 =	vmul.f32 $1.250000000e-01, v2;
	[tilespmem:s11+$0x1B900] =	vst v3;
	v3 =	vmax.f32 v16, $0.0e+00  }
0x25a: {  	v1 =	vmul.f32 $1.250000000e-01, v1;
	[tilespmem:s9+$0x1B900] =	vst v3;
	v3 =	vmax.f32 v17, $0.0e+00  }
0x25b: {  	s23 =	simm.s32 $0x0;
	v2 =	vmax.f32 v2, $0.0e+00;
	[tilespmem:s10+$0x1B900] =	vst v3  }
0x25c: {  	s4 =	sand.u32 $0x7800, s2;
	s24 =	sand.u32 $0x380, s23;
	v1 =	vmax.f32 v1, $0.0e+00;
	[tilespmem:s8+$0x1B900] =	vst v2  }
0x25d: {  	s5 =	sor.u32 s24, s4;
	[tilespmem:s17+$0x1B900] =	vst v1  }
0x25e: {  	v1 =	vld [tilespmem:s5+$0xB520]  }
0x25f: {  	v2 =	vld [tilespmem:s5+$0xB500]  }
0x260: {  	v3 =	vld [tilespmem:s5+$0xB510]  }
0x261: {  	v17 =	vld [tilespmem:s5+$0xB160]  }
0x262: {  	v18 =	vld [tilespmem:s5+$0xB140]  }
0x263: {  	v21 =	vld [tilespmem:s5+$0xB150]  }
0x264: {  	v23 =	vld [tilespmem:s5+$0xB100]  }
0x265: {  	v25 =	vld [tilespmem:s5+$0xB120]  }
0x266: {  	v28 =	vld [tilespmem:s5+$0xB110]  }
0x267: {  	v29 =	vld [tilespmem:s5+$0xB130]  }
0x268: {  	v19 =	vimm.f32 $1.000000000e+00;
	v16 =	vimm.f32 $0.0e+00  }
0x269: {  	v20 =	vshrl.u32 v1, $0x10;
	v22 =	vshrl.u32 v2, $0x10;
	v24 =	vshrl.u32 v3, $0x10  }
0x26a: {  	v26 =	vshrl.u32 v17, $0x10;
	v27 =	vshrl.u32 v18, $0x10;
	v58 =	vshrl.u32 v21, $0x10  }
0x26b: {  	v59 =	vshrl.u32 v23, $0x10;
	v60 =	vshrl.u32 v25, $0x10;
	v61 =	vmul.f32 v25, v25  }
0x26c: {  	v62 =	vshrl.u32 v28, $0x10;
	v63 =	vshrl.u32 v29, $0x10;
	v40 =	vmul.f32 v28, v28  }
0x26d: {  	v20 =	vand.u32 $0x1, v20;
	v24 =	vand.u32 $0x1, v24;
	v26 =	vand.u32 $0x1, v26  }
0x26e: {  	v27 =	vand.u32 $0x1, v27;
	v30 =	vand.u32 $0x1, v58;
	v31 =	vand.u32 $0x1, v59  }
0x26f: {  	v32 =	vand.u32 $0x1, v60;
	v34 =	vand.u32 $0x1, v62;
	v41 =	vand.u32 $0x1, v63  }
0x270: {  	v22 =	vand.u32 $0x1, v22;
	v20 =	vadd.s32 v20, v1;
	v24 =	vadd.s32 v24, v3  }
0x271: {  	v26 =	vadd.s32 v26, v17;
	v27 =	vadd.s32 v27, v18;
	v31 =	vadd.s32 v31, v23  }
0x272: {  	v28 =	vadd.s32 v34, v28;
	v25 =	vadd.s32 v32, v25;
	v23 =	vmul.f32 v23, v23  }
0x273: {  	v42 =	vadd.s32 v41, v29;
	v29 =	vmul.f32 v29, v29;
	v30 =	vadd.s32 v30, v21  }
0x274: {  	v18 =	vmul.f32 v18, v18;
	v21 =	vmul.f32 v21, v21;
	v31 =	vadd.s32 $0x7FFF, v31  }
0x275: {  	v22 =	vadd.s32 v22, v2;
	v17 =	vmul.f32 v17, v17;
	v31 =	vand.u32 $0xFFFF0000, v31  }
0x276: {  	v2 =	vmul.f32 v2, v2;
	v28 =	vadd.s32 $0x7FFF, v28;
	v31 =	vmul.f32 v31, v4  }
0x277: {  	v3 =	vmul.f32 v3, v3;
	v28 =	vand.u32 $0xFFFF0000, v28;
	v23 =	vadd.f32 v40, v23  }
0x278: {  	v25 =	vadd.s32 $0x7FFF, v25;
	v28 =	vmul.f32 v28, v5;
	v31 =	vadd.f32 $0.0e+00, v31  }
0x279: {  	v1 =	vmul.f32 v1, v1;
	v25 =	vand.u32 $0xFFFF0000, v25;
	v23 =	vadd.f32 v61, v23  }
0x27a: {  	v32 =	vadd.s32 $0x7FFF, v42;
	v25 =	vmul.f32 v25, v6;
	v28 =	vadd.f32 v28, v31  }
0x27b: {  	v26 =	vadd.s32 $0x7FFF, v26;
	v43 =	vand.u32 $0xFFFF0000, v32;
	v23 =	vadd.f32 v29, v23  }
0x27c: {  	v27 =	vadd.s32 $0x7FFF, v27;
	v31 =	vmul.f32 v43, v7;
	v25 =	vadd.f32 v25, v28;
	v28 =	vld [tilespmem:s5+$0xB170]  }
0x27d: {  	v22 =	vadd.s32 $0x7FFF, v22;
	v27 =	vand.u32 $0xFFFF0000, v27;
	v18 =	vadd.f32 v18, v23  }
0x27e: {  	v27 =	vmul.f32 v27, v8;
	v29 =	vadd.s32 $0x7FFF, v30;
	v25 =	vadd.f32 v31, v25  }
0x27f: {  	s30 =	sadd.s32 $0x100, s2;
	s7 =	simm.s32 $0x80;
	v20 =	vadd.s32 $0x7FFF, v20;
	v29 =	vand.u32 $0xFFFF0000, v29;
	v18 =	vadd.f32 v21, v18  }
0x280: {  	s7 =	sand.u32 $0x380, s7;
	v22 =	vand.u32 $0xFFFF0000, v22;
	v23 =	vmul.f32 v29, v9;
	v25 =	vadd.f32 v27, v25;
	v27 =	vld [tilespmem:s5+$0xB530];
	s5 =	sand.u32 $0x7800, s30  }
0x281: {  	v21 =	vand.u32 $0xFFFF0000, v26;
	v17 =	vadd.f32 v17, v18;
	v26 =	vshrl.u32 v28, $0x10;
	s12 =	sor.u32 s7, s5  }
0x282: {  	v18 =	vmul.f32 v28, v28;
	v23 =	vadd.f32 v23, v25;
	v25 =	vand.u32 $0x1, v26;
	v26 =	vld [tilespmem:s12+$0xB500]  }
0x283: {  	v22 =	vmul.f32 v22, v10;
	v21 =	vmul.f32 v21, v11;
	v45 =	vld [tilespmem:s12+$0xB120];
	v25 =	vadd.s32 v25, v28  }
0x284: {  	v48 =	vld [tilespmem:s12+$0xB130];
	v17 =	vadd.f32 v18, v17;
	v18 =	vadd.s32 $0x7FFF, v24;
	v28 =	vmov s23  }
0x285: {  	v50 =	vld [tilespmem:s12+$0xB110];
	v23 =	vadd.f32 v21, v23;
	v21 =	vadd.s32 $0x7FFF, v25;
	v25 =	vand.u32 $0xFFFF0000, v18  }
0x286: {  	vm1 =	veq.s32 v28, v0;
	v2 =	vadd.f32 v2, v17;
	v24 =	vshrl.u32 v27, $0x10  }
0x287: {  	v25 =	vmul.f32 v25, v15;
	v21 =	vand.u32 $0xFFFF0000, v21;
	v24 =	vand.u32 $0x1, v24  }
0x288: {  	v17 =	vld [tilespmem:s12+$0xB520];
	v47 =	vmul.f32 v21, v12;
	v2 =	vadd.f32 v3, v2;
	v3 =	vand.u32 $0xFFFF0000, v20  }
0x289: {  	v18 =	vld [tilespmem:s12+$0xB510];
	v20 =	vadd.s32 v24, v27;
	v30 =	vshrl.u32 v26, $0x10;
	v53 =	vshrl.u32 v45, $0x10  }
0x28a: {  	v28 =	vld [tilespmem:s12+$0xB150];
	v54 =	vmul.f32 v45, v45;
	v56 =	vshrl.u32 v48, $0x10;
	v58 =	vmul.f32 v50, v50  }
0x28b: {  	v57 =	vshrl.u32 v50, $0x10;
	v63 =	vmul.f32 v48, v48;
	v3 =	vmul.f32 v3, v14  }
0x28c: {  	v1 =	vadd.f32 v1, v2;
	v2 =	vadd.s32 $0x7FFF, v20;
	v20 =	vmul.f32 v27, v27  }
0x28d: {  	v24 =	vld [tilespmem:s12+$0xB160];
	v23 =	vadd.f32 v47, v23;
	v37 =	vand.u32 $0x1, v53;
	v29 =	vshrl.u32 v17, $0x10  }
0x28e: {  	v39 =	vand.u32 $0x1, v57;
	v1 =	vadd.f32 v20, v1;
	v20 =	vand.u32 $0x1, v29;
	v29 =	vld [tilespmem:s12+$0xB100]  }
0x28f: {  	v59 =	vand.u32 $0x1, v56;
	v44 =	vshrl.u32 v18, $0x10;
	v52 =	vshrl.u32 v28, $0x10  }
0x290: {  	v60 =	vadd.s32 v37, v45;
	v61 =	vadd.s32 v59, v48;
	v2 =	vand.u32 $0xFFFF0000, v2  }
0x291: {  	v27 =	vld [tilespmem:s12+$0xB140];
	v31 =	vand.u32 $0x1, v44;
	v22 =	vadd.f32 v22, v23;
	v62 =	vadd.s32 $0x7FFF, v61  }
0x292: {  	v2 =	vmul.f32 v2, v13;
	v21 =	vadd.s32 v31, v18;
	v31 =	vadd.s32 v39, v50  }
0x293: {  	v20 =	vadd.s32 v20, v17;
	v46 =	vshrl.u32 v24, $0x10;
	v55 =	vshrl.u32 v29, $0x10  }
0x294: {  	v23 =	vadd.s32 $0x7FFF, v31;
	v22 =	vadd.f32 v25, v22;
	(xrf2) =	vadd.scan.msk.f32 $0xffff, v1;
	v1 =	vand.u32 $0x1, v55  }
0x295: {  	v33 =	vand.u32 $0x1, v46;
	v23 =	vand.u32 $0xFFFF0000, v23;
	v1 =	vadd.s32 v1, v29  }
0x296: {  	v49 =	vshrl.u32 v27, $0x10;
	v33 =	vadd.s32 v33, v24;
	v1 =	vadd.s32 $0x7FFF, v1  }
0x297: {  	v23 =	vmul.f32 v23, v5;
	v3 =	vadd.f32 v3, v22;
	v1 =	vand.u32 $0xFFFF0000, v1  }
0x298: {  	v24 =	vmul.f32 v24, v24;
	v36 =	vand.u32 $0x1, v49;
	v1 =	vmul.f32 v1, v4  }
0x299: {  	v33 =	vadd.s32 $0x7FFF, v33;
	v51 =	vadd.s32 v36, v27;
	v36 =	vand.u32 $0x1, v52  }
0x29a: {  	v33 =	vand.u32 $0xFFFF0000, v33;
	v25 =	vmul.f32 v29, v29;
	v1 =	vadd.f32 $0.0e+00, v1  }
0x29b: {  	v2 =	vadd.f32 v2, v3;
	v27 =	vmul.f32 v27, v27;
	v29 =	vadd.s32 $0x7FFF, v60  }
0x29c: {  	v22 =	vadd.f32 v58, v25;
	v1 =	vadd.f32 v23, v1;
	v23 =	vand.u32 $0xFFFF0000, v29  }
0x29d: {  	v34 =	vadd.s32 $0x7FFF, v51;
	v36 =	vadd.s32 v36, v28;
	v23 =	vmul.f32 v23, v6  }
0x29e: {  	v28 =	vmul.f32 v28, v28;
	v25 =	vand.u32 $0xFFFF0000, v62;
	v22 =	vadd.f32 v54, v22  }
0x29f: {  	v36 =	vadd.s32 $0x7FFF, v36;
	v25 =	vmul.f32 v25, v7;
	v29, _, _ =	vpop (xrf2);
	(xrf2) =	vadd.scan.msk.f32 $0xffff, v2;
	v1 =	vadd.f32 v23, v1  }
0x2a0: {  	v3 =	vld [tilespmem:s12+$0xB170];
	v36 =	vand.u32 $0xFFFF0000, v36;
	v22 =	vadd.f32 v63, v22;
	v23 =	vand.u32 $0xFFFF0000, v34  }
0x2a1: {  	v23 =	vmul.f32 v23, v8;
	v1 =	vadd.f32 v25, v1;
	v25 =	vand.u32 $0x1, v30  }
0x2a2: {  	v22 =	vadd.f32 v27, v22;
	v29 =	vbroadcast v29, $0xF;
	v25 =	vadd.s32 v25, v26  }
0x2a3: {  	v27 =	vmul.f32 v36, v9;
	v1 =	vadd.f32 v23, v1;
	v25 =	vadd.s32 $0x7FFF, v25  }
0x2a4: {  	v22 =	vadd.f32 v28, v22;
	v19 =	vsel vm1, v29, v19;
	v28 =	vand.u32 $0xFFFF0000, v25;
	v25 =	vld [tilespmem:s12+$0xB530]  }
0x2a5: {  	v23 =	vshrl.u32 v3, $0x10;
	v1 =	vadd.f32 v27, v1;
	v27 =	vmul.f32 v33, v11  }
0x2a6: {  	v29 =	vadd.f32 v24, v22;
	v22 =	vand.u32 $0x1, v23;
	v23 =	vmul.f32 v3, v3  }
0x2a7: {  	s6 =	simm.s32 $0x1;
	v24 =	vadd.f32 v27, v1;
	v1 =	vadd.s32 v22, v3;
	v22 =	vmul.f32 v26, v26  }
0x2a8: {  	s18 =	sadd.s32 $0x100, s30;
	s7 =	simm.s32 $0x2;
	s12 =	simm.s32 $0x100;
	v27 =	vadd.f32 v23, v29;
	v23 =	vmul.f32 v28, v10;
	v26 =	vadd.s32 $0x7FFF, v1  }
.LBB2_6:
0x2a9: {  	s23 =	sand.u32 $0x7800, s18;
	s24 =	sand.u32 $0x380, s12;
	p0 =	sne.s32 s7, $0xF;
	v1 =	vadd.s32 $0x7FFF, v21;
	v2 =	vadd.s32 $0x7FFF, v20;
	v3 =	vshrl.u32 v25, $0x10;
	v20, _, _ =	vpop (xrf2)  }
0x2aa: {  	v18 =	vmul.f32 v18, v18;
	s23 =	sor.u32 s24, s23;
	v21 =	vadd.f32 v22, v27;
	v20 =	vbroadcast v20, $0xF;
	s24 =	smov.u32 s7;
	s7 =	sadd.s32 $0x1, s7  }
0x2ab: {  	v1 =	vand.u32 $0xFFFF0000, v1;
	v2 =	vand.u32 $0xFFFF0000, v2;
	v3 =	vand.u32 $0x1, v3;
	v27 =	vld [tilespmem:s23+$0xB520]  }
0x2ac: {  	v17 =	vmul.f32 v17, v17;
	v22 =	vld [tilespmem:s23+$0xB500];
	v21 =	vadd.f32 v18, v21;
	v16 =	vsel vm1, v20, v16  }
0x2ad: {  	v1 =	vmul.f32 v1, v15;
	v3 =	vadd.s32 v3, v25;
	v18 =	vld [tilespmem:s23+$0xB510]  }
0x2ae: {  	v3 =	vadd.s32 $0x7FFF, v3;
	v20 =	vmul.f32 v25, v25;
	v28 =	vld [tilespmem:s23+$0xB160];
	v32 =	vadd.f32 v17, v21  }
0x2af: {  	v2 =	vmul.f32 v2, v14;
	v3 =	vand.u32 $0xFFFF0000, v3;
	v21 =	vmov s6;
	s6 =	smov.u32 s24;
	v25 =	vld [tilespmem:s23+$0xB140]  }
0x2b0: {  	vm1 =	veq.s32 v21, v0;
	v29 =	vld [tilespmem:s23+$0xB170];
	v30 =	vshrl.u32 v27, $0x10;
	v31 =	vadd.f32 v20, v32;
	v17 =	vmovc v27  }
0x2b1: {  	v3 =	vmul.f32 v3, v13;
	v27 =	vld [tilespmem:s23+$0xB150];
	v32 =	vshrl.u32 v22, $0x10;
	v20 =	vand.u32 $0x1, v30  }
0x2b2: {  	v26 =	vand.u32 $0xFFFF0000, v26;
	v30 =	vld [tilespmem:s23+$0xB100];
	v21 =	vshrl.u32 v18, $0x10;
	v20 =	vadd.s32 v20, v17;
	(xrf2) =	vadd.scan.msk.f32 $0xffff, v31  }
0x2b3: {  	v26 =	vmul.f32 v26, v12;
	v31 =	vld [tilespmem:s23+$0xB120];
	v33 =	vshrl.u32 v28, $0x10;
	v21 =	vand.u32 $0x1, v21  }
0x2b4: {  	v34 =	vld [tilespmem:s23+$0xB130];
	v35 =	vshrl.u32 v25, $0x10;
	v33 =	vand.u32 $0x1, v33;
	v21 =	vadd.s32 v21, v18  }
0x2b5: {  	v24 =	vadd.f32 v26, v24;
	v36 =	vld [tilespmem:s23+$0xB110];
	v35 =	vand.u32 $0x1, v35;
	v33 =	vadd.s32 v33, v28  }
0x2b6: {  	v26 =	vadd.s32 v35, v25;
	v35 =	vshrl.u32 v27, $0x10;
	v33 =	vadd.s32 $0x7FFF, v33  }
0x2b7: {  	v26 =	vadd.s32 $0x7FFF, v26;
	v35 =	vand.u32 $0x1, v35;
	v33 =	vand.u32 $0xFFFF0000, v33  }
0x2b8: {  	v37 =	vshrl.u32 v31, $0x10;
	v38 =	vmul.f32 v31, v31;
	v35 =	vadd.s32 v35, v27  }
0x2b9: {  	v39 =	vshrl.u32 v30, $0x10;
	v37 =	vand.u32 $0x1, v37;
	v40 =	vshrl.u32 v34, $0x10  }
0x2ba: {  	v39 =	vand.u32 $0x1, v39;
	v44 =	vshrl.u32 v36, $0x10;
	v42 =	vmul.f32 v36, v36  }
0x2bb: {  	v39 =	vadd.s32 v39, v30;
	v35 =	vadd.s32 $0x7FFF, v35;
	v43 =	vand.u32 $0x1, v44  }
0x2bc: {  	v39 =	vadd.s32 $0x7FFF, v39;
	v35 =	vand.u32 $0xFFFF0000, v35;
	v36 =	vadd.s32 v43, v36;
	v41, _, _ =	vpop (xrf2)  }
0x2bd: {  	v23 =	vadd.f32 v23, v24;
	v40 =	vand.u32 $0x1, v40;
	v39 =	vand.u32 $0xFFFF0000, v39  }
0x2be: {  	v31 =	vadd.s32 v37, v31;
	v24 =	vmul.f32 v39, v4;
	v36 =	vadd.s32 $0x7FFF, v36  }
0x2bf: {  	v1 =	vadd.f32 v1, v23;
	v37 =	vadd.s32 v40, v34;
	v36 =	vand.u32 $0xFFFF0000, v36  }
0x2c0: {  	v23 =	vadd.f32 $0.0e+00, v24;
	v24 =	vmul.f32 v30, v30;
	v30 =	vmul.f32 v36, v5  }
0x2c1: {  	v1 =	vadd.f32 v2, v1;
	v31 =	vadd.s32 $0x7FFF, v31;
	v36 =	vadd.s32 $0x7FFF, v37  }
0x2c2: {  	v2 =	vadd.f32 v30, v23;
	v23 =	vadd.f32 v42, v24;
	v24 =	vand.u32 $0xFFFF0000, v31  }
0x2c3: {  	v1 =	vadd.f32 v3, v1;
	v30 =	vand.u32 $0xFFFF0000, v36;
	v24 =	vmul.f32 v24, v6  }
0x2c4: {  	v3 =	vadd.f32 v38, v23;
	v23 =	vmul.f32 v30, v7;
	v30 =	vmul.f32 v34, v34  }
0x2c5: {  	v2 =	vadd.f32 v24, v2;
	v24 =	vand.u32 $0xFFFF0000, v26;
	v26 =	vbroadcast v41, $0xF;
	(xrf2) =	vadd.scan.msk.f32 $0xffff, v1  }
0x2c6: {  	v1 =	vadd.f32 v30, v3;
	v3 =	vmul.f32 v24, v8;
	v24 =	vmul.f32 v25, v25  }
0x2c7: {  	v2 =	vadd.f32 v23, v2;
	v23 =	vand.u32 $0x1, v32;
	v19 =	vsel vm1, v26, v19  }
0x2c8: {  	v25 =	vmul.f32 v27, v27;
	v1 =	vadd.f32 v24, v1;
	v24 =	vmul.f32 v35, v9  }
0x2c9: {  	v23 =	vadd.s32 v23, v22;
	v2 =	vadd.f32 v3, v2;
	v3 =	vshrl.u32 v29, $0x10  }
.Ltmp1:
0x2ca: {  	v26 =	vmul.f32 v28, v28;
	v23 =	vadd.s32 $0x7FFF, v23;
	v1 =	vadd.f32 v25, v1;
	v25 =	vld [tilespmem:s23+$0xB530];
	(pc) =	sbr.rel @p0 .LBB2_6-.Ltmp1, $4  }
0x2cb: {  	v23 =	vand.u32 $0xFFFF0000, v23;
	v2 =	vadd.f32 v24, v2;
	v24 =	vmul.f32 v33, v11  }
0x2cc: {  	v27 =	vmul.f32 v29, v29;
	v3 =	vand.u32 $0x1, v3;
	v1 =	vadd.f32 v26, v1  }
0x2cd: {  	v22 =	vmul.f32 v22, v22;
	v24 =	vadd.f32 v24, v2;
	v2 =	vadd.s32 v3, v29  }
0x2ce: {  	s12 =	sadd.s32 $0x80, s12;
	s18 =	sadd.s32 $0x100, s18;
	v23 =	vmul.f32 v23, v10;
	v26 =	vadd.s32 $0x7FFF, v2;
	v27 =	vadd.f32 v27, v1  }
0x2cf: {  	_ = 	snop  }
0x2d0: {  	v2 =	vmul.f32 v18, v18;
	v3 =	vand.u32 $0xFFFF0000, v26;
	v1 =	vadd.f32 v22, v27  }
0x2d1: {  	v3 =	vmul.f32 v3, v12  }
0x2d2: {  	v1 =	vadd.f32 v2, v1;
	v2 =	vmul.f32 v17, v17  }
0x2d3: {  	v17 =	vadd.s32 $0x7FFF, v21;
	v3 =	vadd.f32 v3, v24  }
0x2d4: {  	v17 =	vand.u32 $0xFFFF0000, v17;
	v1 =	vadd.f32 v2, v1;
	v2 =	vmul.f32 v25, v25  }
0x2d5: {  	v18 =	vadd.s32 $0x7FFF, v20;
	v20 =	vshrl.u32 v25, $0x10;
	v17 =	vmul.f32 v17, v15  }
0x2d6: {  	v3 =	vadd.f32 v23, v3;
	v1 =	vadd.f32 v2, v1;
	v2 =	vand.u32 $0x1, v20  }
0x2d7: {  	v18 =	vand.u32 $0xFFFF0000, v18;
	v2 =	vadd.s32 v2, v25  }
0x2d8: {  	v3 =	vadd.f32 v17, v3;
	(xrf2) =	vadd.scan.msk.f32 $0xffff, v1;
	v1 =	vadd.s32 $0x7FFF, v2;
	v2 =	vmul.f32 v18, v14  }
0x2d9: {  	v1 =	vand.u32 $0xFFFF0000, v1  }
0x2da: {  	v1 =	vmul.f32 v1, v13;
	v2 =	vadd.f32 v2, v3;
	_ =	sdelay $0x1  }
0x2db: {  	v1 =	vadd.f32 v1, v2;
	_ =	sdelay $0x1  }
0x2dc: {  	(xrf2) =	vadd.scan.msk.f32 $0xffff, v1;
	_ =	sdelay $0x2  }
0x2dd: {  	v1, _, _ =	vpop (xrf2)  }
0x2de: {  	v2, _, _ =	vpop (xrf2)  }
0x2df: {  	v3 =	vmov s6;
	v2 =	vbroadcast v2, $0xF  }
0x2e0: {  	vm2 =	veq.s32 v3, v0  }
0x2e1: {  	v2 =	vsel vm2, v2, v19  }
0x2e2: {  	(erf) = vrcp.f32 v2;
	_ =	sdelay $0x1  }
0x2e3: {  	v1 =	vbroadcast v1, $0xF;
	v2, _, _ =	vpop (xrf2)  }
0x2e4: {  	v2 =	vbroadcast v2, $0xF  }
0x2e5: {  	v1 =	vsel vm1, v1, v16  }
0x2e6: {  	v1 =	vsel vm2, v2, v1  }
0x2e7: {  	v2 =	vand.u32 $0x7FFFFFFF, v1;
	_ =	sdelay $0x1  }
0x2e8: {  	v1 =	vmul.f32 v2, v1  }
0x2e9: {  	v2 =	vpop (erf)  }
0x2ea: {  	v1 =	vmul.f32 v2, v1;
	_ =	sdelay $0x1  }
0x2eb: {  	(xrf1) =	vsort.dscd.msk.f32 $0xffff, v1, v0;
	_ =	sdelay $0xd  }
0x2ec: {  	_, v16, _ =	vpop (xrf1)  }
0x2ed: {  	(v2sf) =	vpush v16, $0x0;
	_ =	sdelay $0xa  }
0x2ee: {  	(v2sf) =	vpush v16, $0x1;
	_ =	sdelay $0x3  }
0x2ef: {  	s23 =	spop (v2sf)  }
0x2f0: {  	s7 =	sadd.s32 s29, s23  }
0x2f1: {  	s6 =	sshll.u32 s23, $0x7;
	s7 =	sshll.u32 s7, $0x8  }
0x2f2: {  	s6 =	sand.u32 $0x380, s6;
	s7 =	sand.u32 $0xFFFFF800, s7  }
0x2f3: {  	s6 =	sor.u32 s6, s7  }
0x2f4: {  	v1 =	vld [tilespmem:s6+$0xB100]  }
0x2f5: {  	v2 =	vld [tilespmem:s6+$0xB110]  }
0x2f6: {  	v3 =	vld [tilespmem:s6+$0xB120]  }
0x2f7: {  	v17 =	vld [tilespmem:s6+$0xB130]  }
0x2f8: {  	v18 =	vld [tilespmem:s6+$0xB140]  }
0x2f9: {  	(v2sf) =	vpush v16, $0x2;
	v19 =	vld [tilespmem:s6+$0xB150]  }
0x2fa: {  	s24 =	spop (v2sf);
	v22 =	vld [tilespmem:s6+$0xB160]  }
0x2fb: {  	s12 =	sadd.s32 s29, s24;
	v23 =	vld [tilespmem:s6+$0xB170]  }
0x2fc: {  	s12 =	sshll.u32 s12, $0x8;
	s7 =	sshll.u32 s24, $0x7;
	v24 =	vld [tilespmem:s6+$0xB500]  }
0x2fd: {  	s12 =	sand.u32 $0xFFFFF800, s12;
	v25 =	vld [tilespmem:s6+$0xB510];
	s7 =	sand.u32 $0x380, s7  }
0x2fe: {  	v20 =	vld [tilespmem:s6+$0xB520];
	s18 =	sor.u32 s7, s12  }
0x2ff: {  	v26 =	vld [tilespmem:s18+$0xB100]  }
0x300: {  	v27 =	vld [tilespmem:s18+$0xB110]  }
0x301: {  	v28 =	vld [tilespmem:s18+$0xB120]  }
0x302: {  	v29 =	vld [tilespmem:s18+$0xB130]  }
0x303: {  	v30 =	vld [tilespmem:s18+$0xB140]  }
0x304: {  	v31 =	vld [tilespmem:s18+$0xB150]  }
0x305: {  	(v2sf) =	vpush v16, $0x3;
	v32 =	vld [tilespmem:s18+$0xB160]  }
0x306: {  	v33 =	vld [tilespmem:s18+$0xB170]  }
0x307: {  	v53 =	vld [tilespmem:s18+$0xB500]  }
0x308: {  	v35 =	vld [tilespmem:s18+$0xB510];
	s23 =	spop (v2sf)  }
0x309: {  	v36 =	vld [tilespmem:s18+$0xB520];
	s24 =	sadd.s32 s29, s23  }
0x30a: {  	v37 =	vld [tilespmem:s18+$0xB530];
	v1 =	vadd.f32 $0.0e+00, v1;
	s7 =	sshll.u32 s23, $0x7;
	s12 =	sshll.u32 s24, $0x8  }
0x30b: {  	[tilespmem:$0x1FF70] =	vst v20;
	v20 =	vld [tilespmem:s6+$0xB530];
	s7 =	sand.u32 $0x380, s7;
	s12 =	sand.u32 $0xFFFFF800, s12  }
0x30c: {  	v21 =	vadd.f32 v26, v1;
	v1 =	vld [tilespmem:$0x1FF70];
	s18 =	sor.u32 s7, s12  }
0x30d: {  	v38 =	vld [tilespmem:s18+$0xB100]  }
0x30e: {  	v39 =	vld [tilespmem:s18+$0xB110]  }
0x30f: {  	v40 =	vld [tilespmem:s18+$0xB120]  }
0x310: {  	v41 =	vld [tilespmem:s18+$0xB130]  }
0x311: {  	v42 =	vld [tilespmem:s18+$0xB140]  }
0x312: {  	v43 =	vld [tilespmem:s18+$0xB150]  }
0x313: {  	v44 =	vld [tilespmem:s18+$0xB160]  }
0x314: {  	(v2sf) =	vpush v16, $0x4;
	s23 =	spop (v2sf);
	v45 =	vld [tilespmem:s18+$0xB170]  }
0x315: {  	s24 =	sadd.s32 s29, s23;
	v46 =	vld [tilespmem:s18+$0xB500]  }
0x316: {  	s12 =	sshll.u32 s24, $0x8;
	s7 =	sshll.u32 s23, $0x7;
	v47 =	vld [tilespmem:s18+$0xB510]  }
0x317: {  	v48 =	vld [tilespmem:s18+$0xB520];
	s12 =	sand.u32 $0xFFFFF800, s12;
	s7 =	sand.u32 $0x380, s7  }
0x318: {  	v49 =	vld [tilespmem:s18+$0xB530];
	s18 =	sor.u32 s7, s12  }
0x319: {  	v50 =	vld [tilespmem:s18+$0xB100]  }
0x31a: {  	v51 =	vld [tilespmem:s18+$0xB110]  }
0x31b: {  	v54 =	vld [tilespmem:s18+$0xB120]  }
0x31c: {  	[tilespmem:$0x1FF80] =	vst v20;
	v20 =	vld [tilespmem:s18+$0xB160]  }
0x31d: {  	v55 =	vld [tilespmem:s18+$0xB130]  }
0x31e: {  	v57 =	vld [tilespmem:s18+$0xB140]  }
0x31f: {  	v17 =	vadd.f32 $0.0e+00, v17;
	v56 =	vld [tilespmem:s18+$0xB150]  }
0x320: {  	(v2sf) =	vpush v16, $0x5;
	v58 =	vld [tilespmem:s18+$0xB500]  }
0x321: {  	v19 =	vadd.f32 $0.0e+00, v19;
	v17 =	vadd.f32 v29, v17;
	[tilespmem:$0x1FF90] =	vst v20;
	v20 =	vld [tilespmem:s18+$0xB170]  }
0x322: {  	v59 =	vld [tilespmem:s18+$0xB510]  }
0x323: {  	v19 =	vadd.f32 v31, v19;
	v60 =	vld [tilespmem:s18+$0xB520];
	v17 =	vadd.f32 v41, v17;
	s23 =	spop (v2sf)  }
0x324: {  	v2 =	vadd.f32 $0.0e+00, v2;
	v61 =	vld [tilespmem:s18+$0xB530];
	s24 =	sadd.s32 s29, s23  }
0x325: {  	v19 =	vadd.f32 v43, v19;
	v17 =	vadd.f32 v55, v17;
	v55 =	vld [tilespmem:$0x1FF90];
	s7 =	sshll.u32 s23, $0x7;
	s12 =	sshll.u32 s24, $0x8  }
0x326: {  	[tilespmem:$0x1FFA0] =	vst v20;
	s7 =	sand.u32 $0x380, s7;
	v20 =	vadd.f32 v27, v2;
	v2 =	vadd.f32 $0.0e+00, v1;
	v1 =	vld [tilespmem:$0x1FF80];
	s12 =	sand.u32 $0xFFFFF800, s12  }
0x327: {  	v19 =	vadd.f32 v56, v19;
	v56 =	vld [tilespmem:$0x1FFA0];
	s18 =	sor.u32 s7, s12  }
0x328: {  	v62 =	vld [tilespmem:s18+$0xB100]  }
0x329: {  	v63 =	vld [tilespmem:s18+$0xB110]  }
0x32a: {  	v52 =	vld [tilespmem:s18+$0xB120]  }
0x32b: {  	v34 =	vld [tilespmem:s18+$0xB130]  }
0x32c: {  	v3 =	vadd.f32 $0.0e+00, v3;
	(v2sf) =	vpush v16, $0x6;
	v26 =	vld [tilespmem:s18+$0xB140]  }
0x32d: {  	v27 =	vld [tilespmem:s18+$0xB150]  }
0x32e: {  	v18 =	vadd.f32 $0.0e+00, v18;
	v3 =	vadd.f32 v28, v3;
	v28 =	vld [tilespmem:s18+$0xB160]  }
0x32f: {  	s23 =	spop (v2sf);
	v29 =	vld [tilespmem:s18+$0xB170]  }
0x330: {  	v22 =	vadd.f32 $0.0e+00, v22;
	v18 =	vadd.f32 v30, v18;
	s24 =	sadd.s32 s29, s23;
	v30 =	vld [tilespmem:s18+$0xB500]  }
0x331: {  	v23 =	vadd.f32 $0.0e+00, v23;
	s12 =	sshll.u32 s24, $0x8;
	s7 =	sshll.u32 s23, $0x7;
	v31 =	vld [tilespmem:s18+$0xB510]  }
0x332: {  	v24 =	vadd.f32 $0.0e+00, v24;
	v22 =	vadd.f32 v32, v22;
	v32 =	vld [tilespmem:s18+$0xB520];
	s12 =	sand.u32 $0xFFFFF800, s12;
	s7 =	sand.u32 $0x380, s7  }
0x333: {  	v25 =	vadd.f32 $0.0e+00, v25;
	v23 =	vadd.f32 v33, v23;
	v33 =	vld [tilespmem:s18+$0xB530];
	s18 =	sor.u32 s7, s12  }
0x334: {  	v24 =	vadd.f32 v53, v24;
	v53 =	vld [tilespmem:s18+$0xB100]  }
0x335: {  	v25 =	vadd.f32 v35, v25;
	v35 =	vld [tilespmem:s18+$0xB110]  }
0x336: {  	v21 =	vadd.f32 v38, v21;
	v2 =	vadd.f32 v36, v2;
	v36 =	vld [tilespmem:s18+$0xB120]  }
0x337: {  	v3 =	vadd.f32 v40, v3;
	(v2sf) =	vpush v16, $0x7;
	v16 =	vld [tilespmem:s18+$0xB140]  }
0x338: {  	v18 =	vadd.f32 v42, v18;
	v22 =	vadd.f32 v44, v22;
	v38 =	vld [tilespmem:s18+$0xB150]  }
0x339: {  	v23 =	vadd.f32 v45, v23;
	v20 =	vadd.f32 v39, v20;
	v39 =	vld [tilespmem:s18+$0xB160]  }
0x33a: {  	v24 =	vadd.f32 v46, v24;
	v25 =	vadd.f32 v47, v25;
	v40 =	vld [tilespmem:s18+$0xB170]  }
0x33b: {  	v21 =	vadd.f32 v50, v21;
	v3 =	vadd.f32 v54, v3;
	v41 =	vld [tilespmem:s18+$0xB500];
	s23 =	spop (v2sf)  }
0x33c: {  	v18 =	vadd.f32 v57, v18;
	v1 =	vadd.f32 $0.0e+00, v1;
	v42 =	vld [tilespmem:s18+$0xB510];
	s24 =	sadd.s32 s29, s23  }
0x33d: {  	v24 =	vadd.f32 v58, v24;
	v25 =	vadd.f32 v59, v25;
	v43 =	vld [tilespmem:s18+$0xB520];
	s7 =	sshll.u32 s23, $0x7;
	s12 =	sshll.u32 s24, $0x8  }
0x33e: {  	v22 =	vadd.f32 v55, v22;
	v54 =	vld [tilespmem:s18+$0xB530];
	v1 =	vadd.f32 v37, v1;
	s7 =	sand.u32 $0x380, s7;
	s12 =	sand.u32 $0xFFFFF800, s12  }
0x33f: {  	v2 =	vadd.f32 v48, v2;
	v20 =	vadd.f32 v51, v20;
	v37 =	vld [tilespmem:s18+$0xB130];
	s18 =	sor.u32 s7, s12  }
0x340: {  	v23 =	vadd.f32 v56, v23;
	v1 =	vadd.f32 v49, v1;
	v57 =	vld [tilespmem:s18+$0xB100]  }
0x341: {  	v2 =	vadd.f32 v60, v2;
	v21 =	vadd.f32 v62, v21;
	v59 =	vld [tilespmem:s18+$0xB110]  }
0x342: {  	v20 =	vadd.f32 v63, v20;
	v1 =	vadd.f32 v61, v1;
	v61 =	vld [tilespmem:s18+$0xB120]  }
0x343: {  	v3 =	vadd.f32 v52, v3;
	v17 =	vadd.f32 v34, v17;
	v62 =	vld [tilespmem:s18+$0xB130]  }
0x344: {  	v18 =	vadd.f32 v26, v18;
	v19 =	vadd.f32 v27, v19;
	v63 =	vld [tilespmem:s18+$0xB140]  }
0x345: {  	v22 =	vadd.f32 v28, v22;
	v23 =	vadd.f32 v29, v23;
	v26 =	vld [tilespmem:s18+$0xB150]  }
0x346: {  	v24 =	vadd.f32 v30, v24;
	v25 =	vadd.f32 v31, v25;
	v27 =	vld [tilespmem:s18+$0xB160]  }
0x347: {  	v2 =	vadd.f32 v32, v2;
	v21 =	vadd.f32 v53, v21;
	s23 =	spop (v2sf);
	v28 =	vld [tilespmem:s18+$0xB170]  }
0x348: {  	v20 =	vadd.f32 v35, v20;
	v3 =	vadd.f32 v36, v3;
	s24 =	sadd.s32 s29, s23;
	v29 =	vld [tilespmem:s18+$0xB500]  }
0x349: {  	v16 =	vadd.f32 v16, v18;
	v18 =	vadd.f32 v38, v19;
	s12 =	sshll.u32 s24, $0x8;
	s7 =	sshll.u32 s23, $0x7;
	v30 =	vld [tilespmem:s18+$0xB510]  }
0x34a: {  	v22 =	vadd.f32 v39, v22;
	v23 =	vadd.f32 v40, v23;
	v31 =	vld [tilespmem:s18+$0xB520];
	s12 =	sand.u32 $0xFFFFF800, s12;
	s7 =	sand.u32 $0x380, s7  }
0x34b: {  	v24 =	vadd.f32 v41, v24;
	v1 =	vadd.f32 v33, v1;
	v19 =	vld [tilespmem:s18+$0xB530];
	s7 =	sor.u32 s7, s12  }
0x34c: {  	v25 =	vadd.f32 v42, v25;
	v2 =	vadd.f32 v43, v2;
	v40 =	vld [tilespmem:s7+$0xB100]  }
0x34d: {  	v17 =	vadd.f32 v37, v17;
	v1 =	vadd.f32 v54, v1;
	v42 =	vld [tilespmem:s7+$0xB110]  }
0x34e: {  	v44 =	vld [tilespmem:s7+$0xB120];
	v21 =	vadd.f32 v57, v21;
	v20 =	vadd.f32 v59, v20  }
0x34f: {  	v46 =	vld [tilespmem:s7+$0xB130];
	v3 =	vadd.f32 v61, v3;
	v17 =	vadd.f32 v62, v17  }
0x350: {  	v48 =	vld [tilespmem:s7+$0xB140];
	v16 =	vadd.f32 v63, v16;
	v18 =	vadd.f32 v26, v18  }
0x351: {  	v26 =	vld [tilespmem:s7+$0xB150];
	v22 =	vadd.f32 v27, v22;
	v23 =	vadd.f32 v28, v23  }
0x352: {  	v27 =	vld [tilespmem:s7+$0xB160];
	v24 =	vadd.f32 v29, v24;
	v21 =	vadd.f32 v40, v21  }
0x353: {  	v28 =	vld [tilespmem:s7+$0xB170];
	v25 =	vadd.f32 v30, v25;
	v20 =	vadd.f32 v42, v20  }
0x354: {  	v29 =	vld [tilespmem:s7+$0xB500];
	v2 =	vadd.f32 v31, v2;
	v3 =	vadd.f32 v44, v3;
	v21 =	vmul.f32 $1.250000000e-01, v21  }
0x355: {  	v30 =	vld [tilespmem:s7+$0xB510];
	v1 =	vadd.f32 v19, v1;
	v17 =	vadd.f32 v46, v17;
	v20 =	vmul.f32 $1.250000000e-01, v20  }
0x356: {  	v19 =	vld [tilespmem:s7+$0xB520];
	v16 =	vadd.f32 v48, v16;
	v3 =	vmul.f32 $1.250000000e-01, v3;
	v21 =	vmax.f32 v21, $0.0e+00  }
0x357: {  	v31 =	vld [tilespmem:s7+$0xB530];
	v17 =	vmul.f32 $1.250000000e-01, v17;
	v18 =	vadd.f32 v26, v18;
	v20 =	vmax.f32 v20, $0.0e+00;
	[tilespmem:s16+$0x1C100] =	vst v21  }
0x358: {  	v16 =	vmul.f32 $1.250000000e-01, v16;
	v3 =	vmax.f32 v3, $0.0e+00;
	v21 =	vadd.f32 v27, v22;
	[tilespmem:s28+$0x1C100] =	vst v20  }
0x359: {  	v20 =	vadd.f32 v28, v23;
	[tilespmem:s21+$0x1C100] =	vst v3;
	v3 =	vmax.f32 v17, $0.0e+00;
	v17 =	vmul.f32 $1.250000000e-01, v18  }
0x35a: {  	v18 =	vadd.f32 v29, v24;
	[tilespmem:s22+$0x1C100] =	vst v3;
	v3 =	vmax.f32 v16, $0.0e+00;
	v16 =	vmul.f32 $1.250000000e-01, v21  }
0x35b: {  	v21 =	vadd.f32 v30, v25;
	[tilespmem:s20+$0x1C100] =	vst v3;
	v3 =	vmax.f32 v17, $0.0e+00;
	v17 =	vmul.f32 $1.250000000e-01, v20  }
0x35c: {  	v2 =	vadd.f32 v19, v2;
	[tilespmem:s13+$0x1C100] =	vst v3;
	v3 =	vmax.f32 v16, $0.0e+00;
	v16 =	vmul.f32 $1.250000000e-01, v18  }
0x35d: {  	v1 =	vadd.f32 v31, v1;
	[tilespmem:s19+$0x1C100] =	vst v3;
	v3 =	vmax.f32 v17, $0.0e+00;
	v17 =	vmul.f32 $1.250000000e-01, v21  }
0x35e: {  	v2 =	vmul.f32 $1.250000000e-01, v2;
	[tilespmem:s11+$0x1C100] =	vst v3;
	v3 =	vmax.f32 v16, $0.0e+00  }
0x35f: {  	v1 =	vmul.f32 $1.250000000e-01, v1;
	[tilespmem:s9+$0x1C100] =	vst v3;
	v3 =	vmax.f32 v17, $0.0e+00  }
0x360: {  	s12 =	simm.s32 $0x0;
	v2 =	vmax.f32 v2, $0.0e+00;
	[tilespmem:s10+$0x1C100] =	vst v3  }
0x361: {  	s18 =	sand.u32 $0x380, s12;
	v1 =	vmax.f32 v1, $0.0e+00;
	[tilespmem:s8+$0x1C100] =	vst v2  }
0x362: {  	s4 =	sor.u32 s18, s4;
	[tilespmem:s17+$0x1C100] =	vst v1  }
0x363: {  	v1 =	vld [tilespmem:s4+$0x13100];
	s4 =	sadd.s32 $0x13100, s4  }
0x364: {  	v2 =	vld [tilespmem:s4+$0x50]  }
0x365: {  	v3 =	vld [tilespmem:s4+$0x400]  }
0x366: {  	v17 =	vld [tilespmem:s4+$0x70]  }
0x367: {  	v18 =	vld [tilespmem:s4+$0x30]  }
0x368: {  	v20 =	vld [tilespmem:s4+$0x10]  }
0x369: {  	v21 =	vld [tilespmem:s4+$0x40]  }
0x36a: {  	v24 =	vld [tilespmem:s4+$0x20]  }
0x36b: {  	v30 =	vld [tilespmem:s4+$0x60]  }
0x36c: {  	v49 =	vld [tilespmem:s4+$0x410]  }
0x36d: {  	v16 =	vshrl.u32 v1, $0x10  }
0x36e: {  	v19 =	vimm.f32 $0.0e+00;
	v16 =	vand.u32 $0x1, v16  }
0x36f: {  	v22 =	vshrl.u32 v2, $0x10;
	v25 =	vshrl.u32 v3, $0x10;
	v26 =	vshrl.u32 v17, $0x10  }
0x370: {  	v27 =	vshrl.u32 v18, $0x10;
	v28 =	vshrl.u32 v20, $0x10;
	v29 =	vshrl.u32 v21, $0x10  }
0x371: {  	v31 =	vshrl.u32 v24, $0x10;
	v50 =	vshrl.u32 v30, $0x10;
	v51 =	vshrl.u32 v49, $0x10  }
0x372: {  	v16 =	vadd.s32 v16, v1;
	v22 =	vand.u32 $0x1, v22;
	v25 =	vand.u32 $0x1, v25  }
0x373: {  	v26 =	vand.u32 $0x1, v26;
	v28 =	vand.u32 $0x1, v28;
	v29 =	vand.u32 $0x1, v29  }
0x374: {  	v27 =	vand.u32 $0x1, v27;
	v1 =	vmul.f32 v1, v1;
	v33 =	vand.u32 $0x1, v50  }
0x375: {  	v31 =	vand.u32 $0x1, v31;
	v23 =	vadd.s32 $0x7FFF, v16;
	v22 =	vadd.s32 v22, v2  }
0x376: {  	v28 =	vadd.s32 v28, v20;
	v29 =	vadd.s32 v29, v21;
	v27 =	vadd.s32 v27, v18  }
0x377: {  	v20 =	vmul.f32 v20, v20;
	v25 =	vadd.s32 v25, v3;
	v18 =	vmul.f32 v18, v18  }
0x378: {  	v2 =	vmul.f32 v2, v2;
	v3 =	vmul.f32 v3, v3;
	v23 =	vand.u32 $0xFFFF0000, v23  }
0x379: {  	v22 =	vadd.s32 $0x7FFF, v22;
	v28 =	vadd.s32 $0x7FFF, v28;
	v29 =	vadd.s32 $0x7FFF, v29  }
0x37a: {  	v27 =	vadd.s32 $0x7FFF, v27;
	v25 =	vadd.s32 $0x7FFF, v25;
	v23 =	vmul.f32 v23, v4  }
0x37b: {  	v28 =	vand.u32 $0xFFFF0000, v28;
	v1 =	vadd.f32 v20, v1;
	v20 =	vmul.f32 v24, v24  }
0x37c: {  	v29 =	vand.u32 $0xFFFF0000, v29;
	v22 =	vand.u32 $0xFFFF0000, v22;
	v27 =	vand.u32 $0xFFFF0000, v27  }
0x37d: {  	v24 =	vadd.s32 v31, v24;
	v29 =	vmul.f32 v29, v8;
	v1 =	vadd.f32 v20, v1  }
0x37e: {  	v24 =	vadd.s32 $0x7FFF, v24;
	v22 =	vmul.f32 v22, v9;
	v23 =	vadd.f32 $0.0e+00, v23  }
0x37f: {  	v20 =	vadd.s32 v33, v30;
	v1 =	vadd.f32 v18, v1;
	v18 =	vmul.f32 v21, v21  }
0x380: {  	v24 =	vand.u32 $0xFFFF0000, v24;
	v20 =	vadd.s32 $0x7FFF, v20;
	v21 =	vmul.f32 v28, v5  }
0x381: {  	s23 =	simm.s32 $0x80;
	v20 =	vand.u32 $0xFFFF0000, v20;
	v1 =	vadd.f32 v18, v1;
	v18 =	vadd.s32 v26, v17;
	v26 =	vld [tilespmem:s4+$0x420]  }
0x382: {  	v20 =	vmul.f32 v20, v11;
	v21 =	vadd.f32 v21, v23;
	v23 =	vmul.f32 v24, v6;
	v24 =	vld [tilespmem:s4+$0x430];
	s4 =	sand.u32 $0x380, s23  }
0x383: {  	v18 =	vadd.s32 $0x7FFF, v18;
	s4 =	sor.u32 s4, s5;
	v1 =	vadd.f32 v2, v1;
	v2 =	vmul.f32 v30, v30  }
0x384: {  	v21 =	vadd.f32 v23, v21;
	v23 =	vmul.f32 v27, v7;
	v18 =	vand.u32 $0xFFFF0000, v18;
	s24 =	sadd.s32 $0x13100, s4;
	v27 =	vld [tilespmem:s4+$0x13100]  }
0x385: {  	v28 =	vld [tilespmem:s24+$0x50];
	v18 =	vmul.f32 v18, v12;
	v1 =	vadd.f32 v2, v1;
	v2 =	vmul.f32 v17, v17  }
0x386: {  	v30 =	vld [tilespmem:s24+$0x70];
	v17 =	vadd.f32 v23, v21;
	v21 =	vand.u32 $0xFFFF0000, v25;
	v23 =	vand.u32 $0x1, v51  }
0x387: {  	v53 =	vld [tilespmem:s24+$0x20];
	v25 =	vshrl.u32 v26, $0x10;
	v1 =	vadd.f32 v2, v1;
	v2 =	vadd.s32 v23, v49  }
0x388: {  	v59 =	vld [tilespmem:s24+$0x60];
	v17 =	vadd.f32 v29, v17;
	v23 =	vand.u32 $0x1, v25;
	v25 =	vshrl.u32 v24, $0x10  }
0x389: {  	v2 =	vadd.s32 $0x7FFF, v2;
	v23 =	vadd.s32 v23, v26;
	v29 =	vshrl.u32 v27, $0x10  }
0x38a: {  	v17 =	vadd.f32 v22, v17;
	v22 =	vand.u32 $0x1, v25;
	v25 =	vmul.f32 v24, v24  }
0x38b: {  	v23 =	vadd.s32 $0x7FFF, v23;
	v2 =	vand.u32 $0xFFFF0000, v2;
	v31 =	vshrl.u32 v28, $0x10  }
0x38c: {  	v55 =	vshrl.u32 v30, $0x10;
	v1 =	vadd.f32 v3, v1;
	v57 =	vshrl.u32 v53, $0x10  }
0x38d: {  	v61 =	vshrl.u32 v59, $0x10;
	v22 =	vadd.s32 v22, v24;
	v24 =	vmov s12  }
0x38e: {  	v2 =	vmul.f32 v2, v15;
	v31 =	vand.u32 $0x1, v31;
	v23 =	vand.u32 $0xFFFF0000, v23  }
0x38f: {  	v20 =	vadd.f32 v20, v17;
	v17 =	vadd.s32 $0x7FFF, v22;
	vm1 =	veq.s32 v24, v0;
	v24 =	vld [tilespmem:s24+$0x40]  }
0x390: {  	v62 =	vand.u32 $0x1, v61;
	v22 =	vmul.f32 v26, v26;
	v26 =	vand.u32 $0xFFFF0000, v17;
	v17 =	vld [tilespmem:s24+$0x400]  }
0x391: {  	v52 =	vld [tilespmem:s24+$0x10];
	v31 =	vadd.s32 v31, v28;
	v18 =	vadd.f32 v18, v20;
	v20 =	vmul.f32 v21, v10  }
0x392: {  	v23 =	vmul.f32 v23, v14;
	v31 =	vadd.s32 $0x7FFF, v31;
	v21 =	vmul.f32 v49, v49  }
0x393: {  	v26 =	vmul.f32 v26, v13;
	v18 =	vadd.f32 v20, v18;
	v20 =	vand.u32 $0x1, v29  }
0x394: {  	v1 =	vadd.f32 v21, v1;
	v20 =	vadd.s32 v20, v27;
	v58 =	vshrl.u32 v24, $0x10  }
0x395: {  	v27 =	vmul.f32 v27, v27;
	v20 =	vadd.s32 $0x7FFF, v20;
	v54 =	vshrl.u32 v17, $0x10  }
0x396: {  	v29 =	vld [tilespmem:s24+$0x30];
	v2 =	vadd.f32 v2, v18;
	v18 =	vshrl.u32 v52, $0x10;
	v37 =	vand.u32 $0x1, v58  }
0x397: {  	v1 =	vadd.f32 v22, v1;
	v22 =	vmul.f32 v53, v53;
	v20 =	vand.u32 $0xFFFF0000, v20  }
0x398: {  	v34 =	vand.u32 $0x1, v54;
	v18 =	vand.u32 $0x1, v18;
	v2 =	vadd.f32 v23, v2  }
0x399: {  	v37 =	vadd.s32 v37, v24;
	v24 =	vmul.f32 v24, v24;
	v20 =	vmul.f32 v20, v4  }
0x39a: {  	v60 =	vadd.s32 v18, v52;
	v34 =	vadd.s32 v34, v17;
	v2 =	vadd.f32 v26, v2  }
0x39b: {  	v1 =	vadd.f32 v25, v1;
	v56 =	vshrl.u32 v29, $0x10;
	v26 =	vmul.f32 v52, v52  }
0x39c: {  	v23 =	vadd.s32 $0x7FFF, v60;
	v3 =	vadd.f32 $0.0e+00, v20;
	v20 =	vand.u32 $0x1, v55;
	(xrf2) =	vadd.scan.msk.f32 $0xffff, v2  }
0x39d: {  	v36 =	vand.u32 $0x1, v56;
	v23 =	vand.u32 $0xFFFF0000, v23;
	v2 =	vadd.f32 v26, v27  }
0x39e: {  	v36 =	vadd.s32 v36, v29;
	v29 =	vmul.f32 v29, v29;
	v26 =	vadd.s32 v62, v59  }
0x39f: {  	v20 =	vadd.s32 v20, v30;
	v26 =	vadd.s32 $0x7FFF, v26;
	v2 =	vadd.f32 v22, v2  }
0x3a0: {  	v25 =	vand.u32 $0xFFFF0000, v26;
	v26 =	vmul.f32 v23, v5;
	v23 =	vand.u32 $0x1, v57  }
0x3a1: {  	v21 =	vadd.s32 $0x7FFF, v36;
	(xrf2) =	vadd.scan.msk.f32 $0xffff, v1;
	v1 =	vadd.s32 v23, v53;
	v2 =	vadd.f32 v29, v2  }
0x3a2: {  	v27 =	vadd.s32 $0x7FFF, v34;
	v21 =	vand.u32 $0xFFFF0000, v21;
	v1 =	vadd.s32 $0x7FFF, v1  }
0x3a3: {  	v1 =	vand.u32 $0xFFFF0000, v1;
	v2 =	vadd.f32 v24, v2;
	v24 =	vmul.f32 v28, v28  }
0x3a4: {  	v23 =	vmul.f32 v25, v11;
	v3 =	vadd.f32 v26, v3;
	v1 =	vmul.f32 v1, v6  }
0x3a5: {  	v18 =	vld [tilespmem:s24+$0x410];
	v25 =	vadd.s32 $0x7FFF, v20;
	v26 =	vmul.f32 v59, v59;
	v2 =	vadd.f32 v24, v2  }
0x3a6: {  	v20 =	vld [tilespmem:s24+$0x420];
	v24 =	vand.u32 $0xFFFF0000, v27;
	v1 =	vadd.f32 v1, v3;
	v3 =	vmul.f32 v21, v7;
	v27, _, _ =	vpop (xrf2)  }
0x3a7: {  	v2 =	vadd.f32 v26, v2;
	v26 =	vmul.f32 v30, v30;
	v21 =	vbroadcast v27, $0xF  }
0x3a8: {  	v16 =	vimm.f32 $1.000000000e+00;
	v31 =	vand.u32 $0xFFFF0000, v31;
	v37 =	vadd.s32 $0x7FFF, v37  }
0x3a9: {  	v37 =	vand.u32 $0xFFFF0000, v37;
	v19 =	vsel vm1, v21, v19;
	v21 =	vadd.f32 v26, v2;
	v26 =	vld [tilespmem:s24+$0x430]  }
0x3aa: {  	v37 =	vmul.f32 v37, v8;
	v63 =	vshrl.u32 v18, $0x10;
	v22 =	vmul.f32 v31, v9  }
0x3ab: {  	v1 =	vadd.f32 v3, v1;
	v3 =	vshrl.u32 v20, $0x10;
	v27 =	vand.u32 $0x1, v63  }
0x3ac: {  	s6 =	simm.s32 $0x100;
	v25 =	vand.u32 $0xFFFF0000, v25;
	v3 =	vand.u32 $0x1, v3;
	v2 =	vadd.s32 v27, v18  }
0x3ad: {  	s7 =	sadd.s32 $0x100, s30;
	s5 =	simm.s32 $0x2;
	s4 =	simm.s32 $0x1;
	v29, _, _ =	vpop (xrf2);
	v30 =	vadd.f32 v37, v1;
	v28 =	vadd.s32 v3, v20;
	v27 =	vadd.s32 $0x7FFF, v2  }
.LBB2_8:
0x3ae: {  	s12 =	sand.u32 $0x7800, s7;
	s18 =	sand.u32 $0x380, s6;
	p0 =	sne.s32 s5, $0xF;
	v1 =	vshrl.u32 v26, $0x10;
	v2 =	vbroadcast v29, $0xF  }
0x3af: {  	s23 =	smov.u32 s5;
	s5 =	sadd.s32 $0x1, s5;
	s18 =	sor.u32 s18, s12;
	v3 =	vadd.f32 v22, v30;
	v1 =	vand.u32 $0x1, v1;
	v22 =	vmul.f32 v26, v26  }
0x3b0: {  	s12 =	sadd.s32 $0x13100, s18;
	v29 =	vld [tilespmem:s18+$0x13100];
	v1 =	vadd.s32 v1, v26;
	v26 =	vmov s4;
	v16 =	vsel vm1, v2, v16;
	s4 =	smov.u32 s23  }
0x3b1: {  	v2 =	vld [tilespmem:s12+$0x50];
	v3 =	vadd.f32 v23, v3;
	v23 =	vmul.f32 v25, v12;
	v1 =	vadd.s32 $0x7FFF, v1  }
0x3b2: {  	v20 =	vmul.f32 v20, v20;
	vm1 =	veq.s32 v26, v0;
	v25 =	vld [tilespmem:s12+$0x400];
	v1 =	vand.u32 $0xFFFF0000, v1  }
0x3b3: {  	v26 =	vld [tilespmem:s12+$0x40];
	v3 =	vadd.f32 v23, v3;
	v23 =	vmul.f32 v24, v10;
	v24 =	vmul.f32 v18, v18  }
0x3b4: {  	v30 =	vmul.f32 v17, v17;
	v17 =	vadd.s32 $0x7FFF, v28;
	v1 =	vmul.f32 v1, v13;
	v18 =	vld [tilespmem:s12+$0x410]  }
0x3b5: {  	v28 =	vshrl.u32 v29, $0x10;
	v31 =	vld [tilespmem:s12+$0x70];
	v3 =	vadd.f32 v23, v3;
	v23 =	vand.u32 $0xFFFF0000, v27  }
0x3b6: {  	v27 =	vand.u32 $0x1, v28;
	v28 =	vld [tilespmem:s12+$0x30];
	v32 =	vshrl.u32 v2, $0x10;
	v23 =	vmul.f32 v23, v15  }
0x3b7: {  	v34 =	vand.u32 $0xFFFF0000, v17;
	v27 =	vadd.s32 v27, v29;
	v33 =	vld [tilespmem:s12+$0x10];
	v32 =	vand.u32 $0x1, v32;
	v17 =	vmovc v25  }
0x3b8: {  	v25 =	vadd.s32 $0x7FFF, v27;
	v27 =	vld [tilespmem:s12+$0x20];
	v32 =	vadd.s32 v32, v2;
	v35 =	vshrl.u32 v17, $0x10  }
0x3b9: {  	v34 =	vmul.f32 v34, v14;
	v25 =	vand.u32 $0xFFFF0000, v25;
	v32 =	vadd.s32 $0x7FFF, v32  }
0x3ba: {  	v35 =	vand.u32 $0x1, v35;
	v25 =	vmul.f32 v25, v4;
	v36 =	vshrl.u32 v31, $0x10  }
0x3bb: {  	v21 =	vadd.f32 v30, v21;
	v3 =	vadd.f32 v23, v3;
	v37 =	vshrl.u32 v28, $0x10  }
0x3bc: {  	v30 =	vand.u32 $0x1, v36;
	v25 =	vadd.f32 $0.0e+00, v25;
	v23 =	vshrl.u32 v33, $0x10  }
0x3bd: {  	v38 =	vshrl.u32 v26, $0x10;
	v23 =	vand.u32 $0x1, v23;
	v36 =	vshrl.u32 v27, $0x10;
	v39 =	vld [tilespmem:s12+$0x60]  }
0x3be: {  	v38 =	vand.u32 $0x1, v38;
	v3 =	vadd.f32 v34, v3;
	v23 =	vadd.s32 v23, v33  }
0x3bf: {  	v34 =	vand.u32 $0x1, v37;
	v37 =	vadd.s32 v38, v26;
	v23 =	vadd.s32 $0x7FFF, v23  }
0x3c0: {  	v29 =	vmul.f32 v29, v29;
	v34 =	vadd.s32 v34, v28;
	v37 =	vadd.s32 $0x7FFF, v37  }
0x3c1: {  	v32 =	vand.u32 $0xFFFF0000, v32;
	v37 =	vand.u32 $0xFFFF0000, v37;
	v23 =	vand.u32 $0xFFFF0000, v23  }
0x3c2: {  	v1 =	vadd.f32 v1, v3;
	v37 =	vmul.f32 v37, v8;
	v38 =	vshrl.u32 v39, $0x10  }
0x3c3: {  	v21 =	vadd.f32 v24, v21;
	v3 =	vmul.f32 v33, v33;
	v33 =	vand.u32 $0x1, v38  }
0x3c4: {  	v24 =	vadd.s32 $0x7FFF, v34;
	v34 =	vadd.s32 v35, v17;
	v35 =	vshrl.u32 v18, $0x10;
	(xrf2) =	vadd.scan.msk.f32 $0xffff, v1  }
0x3c5: {  	v20 =	vadd.f32 v20, v21;
	v1 =	vadd.f32 v3, v29;
	v3 =	vand.u32 $0xFFFF0000, v24  }
0x3c6: {  	v21 =	vmul.f32 v27, v27;
	v24 =	vadd.s32 v33, v39;
	v29 =	vadd.s32 $0x7FFF, v34  }
0x3c7: {  	v20 =	vadd.f32 v22, v20;
	v28 =	vmul.f32 v28, v28;
	v24 =	vadd.s32 $0x7FFF, v24  }
0x3c8: {  	v22 =	vmul.f32 v32, v9;
	v1 =	vadd.f32 v21, v1;
	v21 =	vand.u32 $0xFFFF0000, v24  }
0x3c9: {  	v30 =	vadd.s32 v30, v31;
	v24 =	vmul.f32 v23, v5;
	v23 =	vand.u32 $0x1, v36;
	(xrf2) =	vadd.scan.msk.f32 $0xffff, v20  }
0x3ca: {  	v26 =	vmul.f32 v26, v26;
	v1 =	vadd.f32 v28, v1;
	v20 =	vadd.s32 v23, v27  }
0x3cb: {  	v23 =	vmul.f32 v21, v11;
	v21 =	vadd.s32 $0x7FFF, v30;
	v20 =	vadd.s32 $0x7FFF, v20  }
0x3cc: {  	v2 =	vmul.f32 v2, v2;
	v1 =	vadd.f32 v26, v1;
	v27 =	vand.u32 $0xFFFF0000, v20;
	v20 =	vld [tilespmem:s12+$0x420]  }
0x3cd: {  	v26 =	vadd.f32 v24, v25;
	v25 =	vand.u32 $0xFFFF0000, v21;
	v27 =	vmul.f32 v27, v6  }
0x3ce: {  	v24 =	vand.u32 $0xFFFF0000, v29;
	v1 =	vadd.f32 v2, v1;
	v2 =	vmul.f32 v39, v39;
	v21, _, _ =	vpop (xrf2)  }
.Ltmp2:
0x3cf: {  	v3 =	vmul.f32 v3, v7;
	v27 =	vadd.f32 v27, v26;
	v26 =	vld [tilespmem:s12+$0x430];
	v21 =	vbroadcast v21, $0xF;
	(pc) =	sbr.rel @p0 .LBB2_8-.Ltmp2, $4  }
0x3d0: {  	v28 =	vand.u32 $0x1, v35;
	v1 =	vadd.f32 v2, v1;
	v2 =	vmul.f32 v31, v31  }
0x3d1: {  	v3 =	vadd.f32 v3, v27;
	v27 =	vshrl.u32 v20, $0x10;
	v19 =	vsel vm1, v21, v19  }
0x3d2: {  	v21 =	vadd.f32 v2, v1;
	v1 =	vadd.s32 v28, v18;
	v2 =	vand.u32 $0x1, v27  }
0x3d3: {  	s6 =	sadd.s32 $0x80, s6;
	s7 =	sadd.s32 $0x100, s7;
	v30 =	vadd.f32 v37, v3;
	v27 =	vadd.s32 $0x7FFF, v1;
	v28 =	vadd.s32 v2, v20;
	v29, _, _ =	vpop (xrf2)  }
0x3d4: {  	_ = 	snop  }
0x3d5: {  	v1 =	vadd.f32 v22, v30;
	_ =	sdelay $0x1  }
0x3d6: {  	v2 =	vmul.f32 v25, v12;
	v1 =	vadd.f32 v23, v1  }
0x3d7: {  	v3 =	vshrl.u32 v26, $0x10  }
0x3d8: {  	v4 =	vmul.f32 v17, v17;
	v1 =	vadd.f32 v2, v1;
	v2 =	vmul.f32 v24, v10  }
0x3d9: {  	v5 =	vand.u32 $0xFFFF0000, v27;
	v6 =	vadd.s32 $0x7FFF, v28;
	v53 =	vmul.f32 v18, v18  }
0x3da: {  	v3 =	vand.u32 $0x1, v3;
	v1 =	vadd.f32 v2, v1;
	v2 =	vmul.f32 v5, v15  }
0x3db: {  	v6 =	vand.u32 $0xFFFF0000, v6;
	v3 =	vadd.s32 v3, v26;
	v4 =	vadd.f32 v4, v21  }
0x3dc: {  	v6 =	vmul.f32 v6, v14;
	v3 =	vadd.s32 $0x7FFF, v3;
	v1 =	vadd.f32 v2, v1  }
0x3dd: {  	v3 =	vand.u32 $0xFFFF0000, v3;
	v4 =	vadd.f32 v53, v4;
	v2 =	vmul.f32 v20, v20  }
0x3de: {  	v3 =	vmul.f32 v3, v13;
	v1 =	vadd.f32 v6, v1  }
0x3df: {  	v54 =	vmul.f32 v26, v26;
	v2 =	vadd.f32 v2, v4  }
0x3e0: {  	v1 =	vadd.f32 v3, v1  }
0x3e1: {  	v2 =	vadd.f32 v54, v2  }
0x3e2: {  	(xrf2) =	vadd.scan.msk.f32 $0xffff, v1  }
0x3e3: {  	(xrf2) =	vadd.scan.msk.f32 $0xffff, v2;
	_ =	sdelay $0x8  }
0x3e4: {  	v1, _, _ =	vpop (xrf2)  }
0x3e5: {  	v2 =	vbroadcast v29, $0xF;
	v3, _, _ =	vpop (xrf2)  }
0x3e6: {  	v55 =	vmov s4;
	v3 =	vbroadcast v3, $0xF  }
0x3e7: {  	v2 =	vsel vm1, v2, v16;
	vm1 =	veq.s32 v55, v0  }
0x3e8: {  	v2 =	vsel vm1, v3, v2  }
0x3e9: {  	(erf) = vrcp.f32 v2;
	_ =	sdelay $0x2  }
0x3ea: {  	v1 =	vbroadcast v1, $0xF;
	_ =	sdelay $0x1  }
0x3eb: {  	v1 =	vsel vm1, v1, v19  }
0x3ec: {  	v2 =	vand.u32 $0x7FFFFFFF, v1;
	_ =	sdelay $0x1  }
0x3ed: {  	v1 =	vmul.f32 v2, v1  }
0x3ee: {  	v2 =	vpop (erf)  }
0x3ef: {  	v1 =	vmul.f32 v2, v1;
	_ =	sdelay $0x1  }
0x3f0: {  	(xrf1) =	vsort.dscd.msk.f32 $0xffff, v1, v0;
	_ =	sdelay $0xd  }
0x3f1: {  	_, v4, _ =	vpop (xrf1)  }
0x3f2: {  	(v2sf) =	vpush v4, $0x0;
	_ =	sdelay $0xb  }
0x3f3: {  	(v2sf) =	vpush v4, $0x1;
	_ =	sdelay $0x2  }
0x3f4: {  	s24 =	spop (v2sf)  }
0x3f5: {  	s5 =	sadd.s32 s29, s24  }
0x3f6: {  	s4 =	sshll.u32 s24, $0x7;
	s5 =	sshll.u32 s5, $0x8  }
0x3f7: {  	s4 =	sand.u32 $0x380, s4;
	s5 =	sand.u32 $0xFFFFF800, s5  }
0x3f8: {  	s4 =	sor.u32 s4, s5  }
0x3f9: {  	s5 =	sadd.s32 $0x13100, s4;
	v1 =	vld [tilespmem:s4+$0x13100]  }
0x3fa: {  	v2 =	vld [tilespmem:s5+$0x10]  }
0x3fb: {  	v3 =	vld [tilespmem:s5+$0x20]  }
0x3fc: {  	v5 =	vld [tilespmem:s5+$0x30]  }
0x3fd: {  	(v2sf) =	vpush v4, $0x2;
	v6 =	vld [tilespmem:s5+$0x40]  }
0x3fe: {  	v7 =	vld [tilespmem:s5+$0x50]  }
0x3ff: {  	v8 =	vld [tilespmem:s5+$0x60]  }
0x400: {  	s30 =	spop (v2sf);
	v9 =	vld [tilespmem:s5+$0x70]  }
0x401: {  	s6 =	sadd.s32 s29, s30;
	v10 =	vld [tilespmem:s5+$0x400]  }
0x402: {  	s6 =	sshll.u32 s6, $0x8;
	s4 =	sshll.u32 s30, $0x7;
	v11 =	vld [tilespmem:s5+$0x410]  }
0x403: {  	s6 =	sand.u32 $0xFFFFF800, s6;
	v12 =	vld [tilespmem:s5+$0x420];
	s4 =	sand.u32 $0x380, s4  }
0x404: {  	v13 =	vld [tilespmem:s5+$0x430];
	s4 =	sor.u32 s4, s6  }
0x405: {  	s7 =	sadd.s32 $0x13100, s4;
	v14 =	vld [tilespmem:s4+$0x13100]  }
0x406: {  	v15 =	vld [tilespmem:s7+$0x10]  }
0x407: {  	v16 =	vld [tilespmem:s7+$0x20]  }
0x408: {  	v17 =	vld [tilespmem:s7+$0x30]  }
0x409: {  	(v2sf) =	vpush v4, $0x3;
	v18 =	vld [tilespmem:s7+$0x40]  }
0x40a: {  	v19 =	vld [tilespmem:s7+$0x50]  }
0x40b: {  	v20 =	vld [tilespmem:s7+$0x60]  }
0x40c: {  	v21 =	vld [tilespmem:s7+$0x70];
	s12 =	spop (v2sf)  }
0x40d: {  	v22 =	vld [tilespmem:s7+$0x400];
	s18 =	sadd.s32 s29, s12  }
0x40e: {  	v56 =	vld [tilespmem:s7+$0x410];
	s4 =	sshll.u32 s12, $0x7;
	s6 =	sshll.u32 s18, $0x8  }
0x40f: {  	v57 =	vld [tilespmem:s7+$0x420];
	s4 =	sand.u32 $0x380, s4;
	s6 =	sand.u32 $0xFFFFF800, s6  }
0x410: {  	v58 =	vld [tilespmem:s7+$0x430];
	s4 =	sor.u32 s4, s6  }
0x411: {  	s23 =	sadd.s32 $0x13100, s4;
	v59 =	vld [tilespmem:s4+$0x13100]  }
0x412: {  	v60 =	vld [tilespmem:s23+$0x10]  }
0x413: {  	v61 =	vld [tilespmem:s23+$0x20]  }
0x414: {  	v62 =	vld [tilespmem:s23+$0x30]  }
0x415: {  	(v2sf) =	vpush v4, $0x4;
	v63 =	vld [tilespmem:s23+$0x40]  }
0x416: {  	v31 =	vld [tilespmem:s23+$0x50]  }
0x417: {  	v32 =	vld [tilespmem:s23+$0x60]  }
0x418: {  	s24 =	spop (v2sf);
	v33 =	vld [tilespmem:s23+$0x70]  }
0x419: {  	s30 =	sadd.s32 s29, s24;
	v34 =	vld [tilespmem:s23+$0x400]  }
0x41a: {  	s6 =	sshll.u32 s30, $0x8;
	s4 =	sshll.u32 s24, $0x7;
	v35 =	vld [tilespmem:s23+$0x410]  }
0x41b: {  	s6 =	sand.u32 $0xFFFFF800, s6;
	v36 =	vld [tilespmem:s23+$0x420];
	s4 =	sand.u32 $0x380, s4  }
0x41c: {  	v37 =	vld [tilespmem:s23+$0x430];
	s4 =	sor.u32 s4, s6  }
0x41d: {  	s7 =	sadd.s32 $0x13100, s4;
	v38 =	vld [tilespmem:s4+$0x13100]  }
0x41e: {  	v39 =	vld [tilespmem:s7+$0x10]  }
0x41f: {  	v40 =	vld [tilespmem:s7+$0x20]  }
0x420: {  	v41 =	vld [tilespmem:s7+$0x30]  }
0x421: {  	(v2sf) =	vpush v4, $0x5;
	v42 =	vld [tilespmem:s7+$0x40]  }
0x422: {  	v43 =	vld [tilespmem:s7+$0x50]  }
0x423: {  	v44 =	vld [tilespmem:s7+$0x60]  }
0x424: {  	v45 =	vld [tilespmem:s7+$0x70];
	s12 =	spop (v2sf)  }
0x425: {  	v46 =	vld [tilespmem:s7+$0x400];
	s18 =	sadd.s32 s29, s12  }
0x426: {  	v47 =	vld [tilespmem:s7+$0x410];
	s4 =	sshll.u32 s12, $0x7;
	s6 =	sshll.u32 s18, $0x8  }
0x427: {  	v48 =	vld [tilespmem:s7+$0x420];
	s4 =	sand.u32 $0x380, s4;
	s6 =	sand.u32 $0xFFFFF800, s6  }
0x428: {  	v49 =	vld [tilespmem:s7+$0x430];
	s4 =	sor.u32 s4, s6  }
0x429: {  	s23 =	sadd.s32 $0x13100, s4;
	v50 =	vld [tilespmem:s4+$0x13100]  }
0x42a: {  	v1 =	vadd.f32 $0.0e+00, v1;
	v2 =	vadd.f32 $0.0e+00, v2;
	v51 =	vld [tilespmem:s23+$0x10]  }
0x42b: {  	v3 =	vadd.f32 $0.0e+00, v3;
	v5 =	vadd.f32 $0.0e+00, v5;
	v52 =	vld [tilespmem:s23+$0x20]  }
0x42c: {  	v6 =	vadd.f32 $0.0e+00, v6;
	v7 =	vadd.f32 $0.0e+00, v7;
	v53 =	vld [tilespmem:s23+$0x30]  }
0x42d: {  	v1 =	vadd.f32 v14, v1;
	(v2sf) =	vpush v4, $0x6;
	v14 =	vld [tilespmem:s23+$0x40]  }
0x42e: {  	v8 =	vadd.f32 $0.0e+00, v8;
	v2 =	vadd.f32 v15, v2;
	v15 =	vld [tilespmem:s23+$0x50]  }
0x42f: {  	v9 =	vadd.f32 $0.0e+00, v9;
	v3 =	vadd.f32 v16, v3;
	v16 =	vld [tilespmem:s23+$0x60]  }
0x430: {  	v10 =	vadd.f32 $0.0e+00, v10;
	v5 =	vadd.f32 v17, v5;
	s24 =	spop (v2sf);
	v17 =	vld [tilespmem:s23+$0x70]  }
0x431: {  	v11 =	vadd.f32 $0.0e+00, v11;
	v6 =	vadd.f32 v18, v6;
	s30 =	sadd.s32 s29, s24;
	v18 =	vld [tilespmem:s23+$0x400]  }
0x432: {  	v12 =	vadd.f32 $0.0e+00, v12;
	v7 =	vadd.f32 v19, v7;
	s6 =	sshll.u32 s30, $0x8;
	s4 =	sshll.u32 s24, $0x7;
	v19 =	vld [tilespmem:s23+$0x410]  }
0x433: {  	v13 =	vadd.f32 $0.0e+00, v13;
	v8 =	vadd.f32 v20, v8;
	s6 =	sand.u32 $0xFFFFF800, s6;
	v20 =	vld [tilespmem:s23+$0x420];
	s4 =	sand.u32 $0x380, s4  }
0x434: {  	v9 =	vadd.f32 v21, v9;
	v10 =	vadd.f32 v22, v10;
	v21 =	vld [tilespmem:s23+$0x430];
	s4 =	sor.u32 s4, s6  }
0x435: {  	v11 =	vadd.f32 v56, v11;
	v12 =	vadd.f32 v57, v12;
	s7 =	sadd.s32 $0x13100, s4;
	v22 =	vld [tilespmem:s4+$0x13100]  }
0x436: {  	v13 =	vadd.f32 v58, v13;
	v1 =	vadd.f32 v59, v1;
	v23 =	vld [tilespmem:s7+$0x10]  }
0x437: {  	v2 =	vadd.f32 v60, v2;
	v3 =	vadd.f32 v61, v3;
	v24 =	vld [tilespmem:s7+$0x20]  }
0x438: {  	v5 =	vadd.f32 v62, v5;
	v6 =	vadd.f32 v63, v6;
	v25 =	vld [tilespmem:s7+$0x30]  }
0x439: {  	v7 =	vadd.f32 v31, v7;
	(v2sf) =	vpush v4, $0x7;
	v4 =	vld [tilespmem:s7+$0x40]  }
0x43a: {  	v8 =	vadd.f32 v32, v8;
	v9 =	vadd.f32 v33, v9;
	v26 =	vld [tilespmem:s7+$0x50]  }
0x43b: {  	v10 =	vadd.f32 v34, v10;
	v11 =	vadd.f32 v35, v11;
	v27 =	vld [tilespmem:s7+$0x60]  }
0x43c: {  	v12 =	vadd.f32 v36, v12;
	v13 =	vadd.f32 v37, v13;
	v54 =	vld [tilespmem:s7+$0x70];
	s12 =	spop (v2sf)  }
0x43d: {  	v1 =	vadd.f32 v38, v1;
	v2 =	vadd.f32 v39, v2;
	v55 =	vld [tilespmem:s7+$0x400];
	s18 =	sadd.s32 s29, s12  }
0x43e: {  	v3 =	vadd.f32 v40, v3;
	v5 =	vadd.f32 v41, v5;
	v56 =	vld [tilespmem:s7+$0x410];
	s4 =	sshll.u32 s12, $0x7;
	s6 =	sshll.u32 s18, $0x8  }
0x43f: {  	v6 =	vadd.f32 v42, v6;
	v7 =	vadd.f32 v43, v7;
	v57 =	vld [tilespmem:s7+$0x420];
	s4 =	sand.u32 $0x380, s4;
	s6 =	sand.u32 $0xFFFFF800, s6  }
0x440: {  	v8 =	vadd.f32 v44, v8;
	v9 =	vadd.f32 v45, v9;
	v58 =	vld [tilespmem:s7+$0x430];
	s4 =	sor.u32 s4, s6  }
0x441: {  	v10 =	vadd.f32 v46, v10;
	v11 =	vadd.f32 v47, v11;
	s23 =	sadd.s32 $0x13100, s4;
	v59 =	vld [tilespmem:s4+$0x13100]  }
0x442: {  	v12 =	vadd.f32 v48, v12;
	v13 =	vadd.f32 v49, v13;
	v60 =	vld [tilespmem:s23+$0x10]  }
0x443: {  	v1 =	vadd.f32 v50, v1;
	v2 =	vadd.f32 v51, v2;
	v61 =	vld [tilespmem:s23+$0x20]  }
0x444: {  	v3 =	vadd.f32 v52, v3;
	v5 =	vadd.f32 v53, v5;
	v62 =	vld [tilespmem:s23+$0x30]  }
0x445: {  	v6 =	vadd.f32 v14, v6;
	v7 =	vadd.f32 v15, v7;
	v63 =	vld [tilespmem:s23+$0x40]  }
0x446: {  	v8 =	vadd.f32 v16, v8;
	v9 =	vadd.f32 v17, v9;
	v38 =	vld [tilespmem:s23+$0x50]  }
0x447: {  	v10 =	vadd.f32 v18, v10;
	v11 =	vadd.f32 v19, v11;
	v39 =	vld [tilespmem:s23+$0x60]  }
0x448: {  	v12 =	vadd.f32 v20, v12;
	v13 =	vadd.f32 v21, v13;
	s24 =	spop (v2sf);
	v40 =	vld [tilespmem:s23+$0x70]  }
0x449: {  	v1 =	vadd.f32 v22, v1;
	v2 =	vadd.f32 v23, v2;
	s29 =	sadd.s32 s29, s24;
	v41 =	vld [tilespmem:s23+$0x400]  }
0x44a: {  	v3 =	vadd.f32 v24, v3;
	v5 =	vadd.f32 v25, v5;
	s6 =	sshll.u32 s29, $0x8;
	s4 =	sshll.u32 s24, $0x7;
	v42 =	vld [tilespmem:s23+$0x410]  }
0x44b: {  	v4 =	vadd.f32 v4, v6;
	v44 =	vadd.f32 v26, v7;
	s6 =	sand.u32 $0xFFFFF800, s6;
	v43 =	vld [tilespmem:s23+$0x420];
	s4 =	sand.u32 $0x380, s4  }
0x44c: {  	v8 =	vadd.f32 v27, v8;
	v9 =	vadd.f32 v54, v9;
	v45 =	vld [tilespmem:s23+$0x430];
	s4 =	sor.u32 s4, s6  }
0x44d: {  	v10 =	vadd.f32 v55, v10;
	v11 =	vadd.f32 v56, v11;
	s30 =	sadd.s32 $0x13100, s4;
	v46 =	vld [tilespmem:s4+$0x13100]  }
0x44e: {  	v12 =	vadd.f32 v57, v12;
	v13 =	vadd.f32 v58, v13;
	v47 =	vld [tilespmem:s30+$0x10]  }
0x44f: {  	v48 =	vld [tilespmem:s30+$0x20];
	v1 =	vadd.f32 v59, v1;
	v2 =	vadd.f32 v60, v2  }
0x450: {  	v49 =	vld [tilespmem:s30+$0x30];
	v3 =	vadd.f32 v61, v3;
	v5 =	vadd.f32 v62, v5  }
0x451: {  	v50 =	vld [tilespmem:s30+$0x40];
	v4 =	vadd.f32 v63, v4;
	v6 =	vadd.f32 v38, v44  }
0x452: {  	v51 =	vld [tilespmem:s30+$0x50];
	v8 =	vadd.f32 v39, v8;
	v9 =	vadd.f32 v40, v9  }
0x453: {  	v52 =	vld [tilespmem:s30+$0x60];
	v10 =	vadd.f32 v41, v10;
	v1 =	vadd.f32 v46, v1  }
0x454: {  	v53 =	vld [tilespmem:s30+$0x70];
	v11 =	vadd.f32 v42, v11;
	v2 =	vadd.f32 v47, v2  }
0x455: {  	v54 =	vld [tilespmem:s30+$0x400];
	v12 =	vadd.f32 v43, v12;
	v3 =	vadd.f32 v48, v3;
	v1 =	vmul.f32 $1.250000000e-01, v1  }
0x456: {  	v55 =	vld [tilespmem:s30+$0x410];
	v7 =	vadd.f32 v45, v13;
	v5 =	vadd.f32 v49, v5;
	v2 =	vmul.f32 $1.250000000e-01, v2  }
0x457: {  	v56 =	vld [tilespmem:s30+$0x420];
	v4 =	vadd.f32 v50, v4;
	v3 =	vmul.f32 $1.250000000e-01, v3;
	v1 =	vmax.f32 v1, $0.0e+00  }
0x458: {  	v57 =	vld [tilespmem:s30+$0x430];
	v6 =	vadd.f32 v51, v6;
	[tilespmem:s16+$0x1C900] =	vst v1;
	v1 =	vmax.f32 v2, $0.0e+00;
	v2 =	vmul.f32 $1.250000000e-01, v5  }
0x459: {  	v58 =	vadd.f32 v52, v8;
	[tilespmem:s28+$0x1C900] =	vst v1;
	v1 =	vmax.f32 v3, $0.0e+00;
	v3 =	vmul.f32 $1.250000000e-01, v4  }
0x45a: {  	v59 =	vadd.f32 v53, v9;
	[tilespmem:s21+$0x1C900] =	vst v1;
	v1 =	vmax.f32 v2, $0.0e+00;
	v2 =	vmul.f32 $1.250000000e-01, v6  }
0x45b: {  	v60 =	vadd.f32 v54, v10;
	[tilespmem:s22+$0x1C900] =	vst v1;
	v1 =	vmax.f32 v3, $0.0e+00;
	v3 =	vmul.f32 $1.250000000e-01, v58  }
0x45c: {  	v61 =	vadd.f32 v55, v11;
	[tilespmem:s20+$0x1C900] =	vst v1;
	v1 =	vmax.f32 v2, $0.0e+00;
	v2 =	vmul.f32 $1.250000000e-01, v59  }
0x45d: {  	s15 =	sadd.s32 $0x1, s15;
	v62 =	vadd.f32 v56, v12;
	[tilespmem:s13+$0x1C900] =	vst v1;
	v1 =	vmax.f32 v3, $0.0e+00;
	v3 =	vmul.f32 $1.250000000e-01, v60  }
0x45e: {  	p0 =	sne.s32 s15, $0x8;
	v63 =	vadd.f32 v57, v7;
	[tilespmem:s19+$0x1C900] =	vst v1;
	v1 =	vmax.f32 v2, $0.0e+00;
	v2 =	vmul.f32 $1.250000000e-01, v61  }
.Ltmp3:
0x45f: {  	[tilespmem:s11+$0x1C900] =	vst v1;
	v1 =	vmax.f32 v3, $0.0e+00;
	v3 =	vmul.f32 $1.250000000e-01, v62;
	(pc) =	sbr.rel @p0 .LBB2_3-.Ltmp3, $4  }
0x460: {  	[tilespmem:s9+$0x1C900] =	vst v1;
	v1 =	vmax.f32 v2, $0.0e+00;
	v2 =	vmul.f32 $1.250000000e-01, v63  }
0x461: {  	[tilespmem:s10+$0x1C900] =	vst v1;
	v1 =	vmax.f32 v3, $0.0e+00  }
0x462: {  	[tilespmem:s8+$0x1C900] =	vst v1;
	v1 =	vmax.f32 v2, $0.0e+00  }
0x463: {  	s2 =	sadd.s32 $0x1000, s2;
	[tilespmem:s17+$0x1C900] =	vst v1  }
0x464: {  	s0 =	sshll.u32 s31, $0x8;
	s2 =	rddreg [dreg:$0xe]  }
0x465: {  	s22 =	rddreg [dreg:$0x9];
	s0 =	sadd.s32 s2, s0  }
0x466: {  	s4 =	simm.s32 $0x1B100;
	s2 =	sadd.s32 s22, s0  }
0x467: {  	[hbm4b:s2+s1] =	stream.linear.scatter [tilespmem:s4], [sflag:$0x5], $0x800, $0x38;
	[tilespmem:$0x1D100] =	vst v63  }
0x468: {  	_ =	swait.ge [sflag:s14], $0x800  }
0x469: {  	[sflag:s14] =	ssyncset.done $0x0;
	s23 =	rddreg [dreg:$0x6]  }
0x46a: {  	s5 =	simm.s32 $0x1B900;
	[sflag:s14] =	ssyncadd.s32 $0xFFFFF800;
	s2 =	sadd.s32 s23, s0  }
0x46b: {  	[hbm4b:s2+s1] =	stream.linear.scatter [tilespmem:s5], [sflag:$0x5], $0x800, $0x38;
	[tilespmem:$0x1D100] =	vst v63  }
0x46c: {  	_ =	swait.ge [sflag:s14], $0x800  }
0x46d: {  	[sflag:s14] =	ssyncset.done $0x0;
	s24 =	rddreg [dreg:$0x7]  }
0x46e: {  	s28 =	simm.s32 $0x1C100;
	[sflag:s14] =	ssyncadd.s32 $0xFFFFF800;
	s2 =	sadd.s32 s24, s0  }
0x46f: {  	[hbm4b:s2+s1] =	stream.linear.scatter [tilespmem:s28], [sflag:$0x5], $0x800, $0x38;
	[tilespmem:$0x1D100] =	vst v63  }
0x470: {  	s30 =	simm.s32 $0x1C900;
	s31 =	sadd.s32 $0x1, s31;
	_ =	swait.ge [sflag:s14], $0x800  }
0x471: {  	p0 =	sne.s32 s31, $0x20;
	[sflag:s14] =	ssyncset.done $0x0;
	s29 =	rddreg [dreg:$0x8]  }
.Ltmp4:
0x472: {  	[sflag:s14] =	ssyncadd.s32 $0xFFFFF800;
	s0 =	sadd.s32 s29, s0;
	(pc) =	sbr.rel @p0 .LBB2_2-.Ltmp4, $4  }
0x473: {  	[hbm4b:s0+s1] =	stream.linear.scatter [tilespmem:s30], [sflag:$0x5], $0x800, $0x38;
	[tilespmem:$0x1D100] =	vst v63  }
0x474: {  	_ =	swait.ge [sflag:s14], $0x800  }
0x475: {  	[sflag:s14] =	ssyncset.done $0x0  }
0x476: {  	[sflag:s14] =	ssyncadd.s32 $0xFFFFF800  }
0x477: {  	s2 =	rddreg [dreg:$0x10]  }
0x478: {  	s0 =	rddreg [dreg:$0xf];
	s2 =	sadd.s32 $0x1, s2  }
0x479: {  	p0 =	sne.s32 s2, s0  }
.Ltmp5:
0x47a: {  	_ = 	snop;
	(pc) =	sbr.rel @p0 .LBB2_1-.Ltmp5, $1  }
0x47b: {  	_ =	sdelay $0x3  }
0x47c: {  	_ =	sfence.sel $0x180000  }
0x47d: {  	[bflag:$0x0] =	sbarrier.arrive $0xFFFF  }
0x47e: {  	_ =	strace $0x90000047  }
0x47f: {  	s0 =	stileid.u32;
	[bflag:$0x2] =	sbarrier.arrive $0xFFFF  }
0x480: {  	p0 =	sne.s32 s0, $0x0;
	s0 =	rddreg [dreg:$0x5]  }
0x481: {  	s0 =	sadd.s32 @!p0 $0x100000, s0  }
0x482: {  	[sflag:s0] =	ssyncadd.tile.s32 @!p0 $0x1;
	_ =	shalt  }
.Lfunc_end2:
_tile_overlayer_lowered:
.L_overlay_start_2:
0x483: {  	(tag) =	ssettag $0x2  }
0x484: {  	s0 =	rddreg [dreg:$0x0];
	s2 =	stileid.u32  }
0x485: {  	s1 =	rddreg [dreg:$0x1];
	p0 =	sne.s32 s2, $0x0  }
0x486: {  	s3 =	rddreg [dreg:$0x2];
	[bflag:$0x3] =	sbarrier.arrive $0xFFFF;
	s2 =	simm.s32 @!p0 $0x1C05  }
0x487: {  	[timem:s3], [sflag:s2] =	dma.local @!p0 [hbm:s0], s1  }
0x488: {  	s0 =	simm.s32 @!p0 $0x5  }
0x489: {  	_ =	swait.ge @!p0 [sflag:s0], s1  }
0x48a: {  	s1 =	ssub.s32 @!p0 $0x0, s1;
	[sflag:s0] =	ssyncset.done @!p0 $0x0  }
0x48b: {  	[sflag:s0] =	ssyncadd.s32 @!p0 s1  }
0x48c: {  	[bflag:$0x3] =	sbarrier.arrive $0xFFFF  }
0x48d: {  	_ =	shalt  }

</sc_bundles>
